<compile_context>
chip_gen: v7x
topology: tpu7x:2x2x1
jax: 0.10.2.dev20260603
libtpu: 0.0.44.dev20260713+nightly
codegen_flags: <defaults>
</compile_context>

<pallas_src>
import functools

import jax
import jax.numpy as jnp
from jax import lax
from jax.experimental import pallas as pl
from jax.experimental.pallas import tpu as pltpu
from jax.experimental.pallas import tpu_sc as plsc

N = 10000
E = 320000
D_IN = 128
D_HID = 128
D_OUT = 64
DT = jnp.bfloat16

NC = 2
NS = 16
L = 16
NW = NC * NS
EPW = E // NW
CH = 80
NCHUNK = EPW // CH
NB = 5
NG = NCHUNK // NB
N_PAD = 10240
RPS = N_PAD // NS
DR = N // L
DCH = 125

BLK = 1024
NBLK = N_PAD // BLK


def _make_sc_agg(D, with_deg):
    mesh = plsc.VectorSubcoreMesh(
        core_axis_name="c", subcore_axis_name="s", num_cores=NC, num_subcores=NS)
    if with_deg:
        out_type = [jax.ShapeDtypeStruct((NC, N_PAD, D), DT),
                    jax.ShapeDtypeStruct((NC, RPS, L), jnp.float32)]
    else:
        out_type = jax.ShapeDtypeStruct((NC, N_PAD, D), DT)
    scratch = (
        [pltpu.VMEM((NB * CH,), jnp.int32) for _ in range(2)]
        + [pltpu.VMEM((NB * CH,), jnp.int32) for _ in range(2)]
        + [pltpu.VMEM((CH, D), DT) for _ in range(NB)]
        + [pltpu.VMEM_SHARED((N_PAD, D), DT)]
        + [pltpu.SemaphoreType.DMA for _ in range(2 * NB + 2)]
    )
    if with_deg:
        scratch += [
            pltpu.VMEM_SHARED((RPS, L), jnp.float32),
            pltpu.VMEM((DR, L), jnp.float32),
            pltpu.VMEM((DR // DCH, DCH), jnp.int32),
        ]

    @functools.partial(
        pl.kernel, mesh=mesh, out_type=out_type, scratch_types=scratch,
        name=f"sage_sc_agg{D}",
        compiler_params=pltpu.CompilerParams(
            needs_layout_passes=False, use_tc_tiling_on_sc=False))
    def k(y_hbm, edge_hbm, zeros_hbm, agg_out, *rest):
        if with_deg:
            deg_out = rest[0]
            rest = rest[1:]
        sidx = rest[0:2]
        didx = rest[2:4]
        rows = rest[4:4 + NB]
        acc_sh = rest[4 + NB]
        gsem = rest[5 + NB:5 + 2 * NB]
        ssem = rest[5 + 2 * NB:5 + 3 * NB]
        isem = rest[5 + 3 * NB:7 + 3 * NB]
        if with_deg:
            deg_sh, deg_v, iota_v = rest[7 + 3 * NB:10 + 3 * NB]
        c = lax.axis_index("c")
        s = lax.axis_index("s")
        wid = s * NC + c

        zero16 = jnp.zeros((L,), jnp.float32)
        lane = lax.iota(jnp.int32, L)

        pltpu.sync_copy(zeros_hbm, acc_sh.at[pl.ds(s * RPS, RPS)])

        if with_deg:
            def zdeg(i, _):
                deg_v[i, pl.ds(0, L)] = zero16
                return 0
            lax.fori_loop(0, DR, zdeg, 0)
            for r in range(DR // DCH):
                for j in range(0, DCH - L + 1, L):
                    iota_v[r, pl.ds(j, L)] = lane + (r * DCH + j)
                tl = DCH - L
                iota_v[r, pl.ds(tl, L)] = lane + (r * DCH + tl)
            @pl.when(s == 0)
            def _():
                pltpu.sync_copy(deg_v.at[pl.ds(0, DR)], deg_sh.at[pl.ds(0, DR)])
                pltpu.sync_copy(deg_v.at[pl.ds(0, RPS - DR)],
                                deg_sh.at[pl.ds(DR, RPS - DR)])

        ones = jnp.ones((L,), jnp.float32)
        tail_ones = jnp.where(lane < (L - CH % L), 0.0, 1.0) if CH % L else ones

        base_e = wid * EPW

        def fetch_idx(g, buf):
            e0 = jnp.minimum(base_e + g * NB * CH, E - NB * CH)
            a = pltpu.async_copy(edge_hbm.at[0, pl.ds(e0, NB * CH)],
                                 sidx[buf], isem[buf])
            b = pltpu.async_copy(edge_hbm.at[1, pl.ds(e0, NB * CH)],
                                 didx[buf], isem[buf])
            return a, b

        def wait_idx(descs):
            descs[0].wait()
            descs[1].wait()

        def drain_scatter(b):
            pltpu.make_async_copy(y_hbm.at[pl.ds(0, CH)], rows[b],
                                  ssem[b]).wait()

        def run_group(g, pb):
            cps = []
            for b in range(NB):
                drain_scatter(b)
                cps.append(pltpu.async_copy(
                    y_hbm.at[sidx[pb].at[pl.ds(b * CH, CH)]], rows[b], gsem[b]))
            nxt = fetch_idx(g + 1, 1 - pb)
            if with_deg:
                for b in range(NB):
                    for j in range(CH // L):
                        d16 = didx[pb][pl.ds(b * CH + j * L, L)]
                        plsc.addupdate_scatter(
                            deg_v, [lax.shift_right_logical(d16, 4),
                                    lax.bitwise_and(d16, L - 1)], ones)
                    if CH % L:
                        d16 = didx[pb][pl.ds(b * CH + CH - L, L)]
                        plsc.addupdate_scatter(
                            deg_v, [lax.shift_right_logical(d16, 4),
                                    lax.bitwise_and(d16, L - 1)], tail_ones)
            for b in range(NB):
                cps[b].wait()
                pltpu.async_copy(rows[b],
                                 acc_sh.at[didx[pb].at[pl.ds(b * CH, CH)]],
                                 ssem[b], add=True)
            return nxt

        plsc.subcore_barrier()

        wait_idx(fetch_idx(0, 0))

        zrow_b = jnp.zeros((2 * L,), DT)
        def zrows(r, _):
            for b in range(NB):
                for j in range(D // (2 * L)):
                    rows[b][r, pl.ds(j * 2 * L, 2 * L)] = zrow_b
            return 0
        lax.fori_loop(0, CH, zrows, 0)
        for b in range(NB):
            pltpu.async_copy(rows[b],
                             acc_sh.at[didx[0].at[pl.ds(b * CH, CH)]],
                             ssem[b], add=True)

        def pair(p, _):
            wait_idx(run_group(2 * p, 0))
            wait_idx(run_group(2 * p + 1, 1))
            return 0
        lax.fori_loop(0, NG // 2, pair, 0)
        if NG % 2:
            wait_idx(run_group(NG - 1, 0))

        for b in range(NB):
            drain_scatter(b)

        plsc.subcore_barrier()

        pltpu.sync_copy(acc_sh.at[pl.ds(s * RPS, RPS)],
                        agg_out.at[c, pl.ds(s * RPS, RPS)])
        if with_deg:
            dps = [pltpu.async_copy(deg_v.at[pl.ds(r * DCH, DCH)],
                                    deg_sh.at[iota_v.at[r]], isem[0], add=True)
                   for r in range(DR // DCH)]
            for d in dps:
                d.wait()
            plsc.subcore_barrier()

            @pl.when(s == 0)
            def _():
                pltpu.sync_copy(deg_sh, deg_out.at[c])

    return k


_sc_agg_deg = _make_sc_agg(D_HID, with_deg=True)
_sc_agg = _make_sc_agg(D_OUT, with_deg=False)


def _mm_body(x_ref, w_ref, o_ref):
    o_ref[...] = jnp.dot(x_ref[...], w_ref[...],
                         preferred_element_type=jnp.float32).astype(o_ref.dtype)


def _tc_mm(x, w, out_dtype):
    n, d = x.shape
    dout = w.shape[1]
    return pl.pallas_call(
        _mm_body,
        grid=(NBLK,),
        in_specs=[pl.BlockSpec((BLK, d), lambda i: (i, 0)),
                  pl.BlockSpec((d, dout), lambda i: (0, 0))],
        out_specs=pl.BlockSpec((BLK, dout), lambda i: (i, 0)),
        out_shape=jax.ShapeDtypeStruct((n, dout), out_dtype),
    )(x, w)


def _tc2_body(x_ref, w1s_ref, b1_ref, agg_ref, deg_ref, w2n_ref, h1_ref, y2_ref):
    agg = agg_ref[0].astype(jnp.float32) + agg_ref[1].astype(jnp.float32)
    deg = deg_ref[0] + deg_ref[1]
    inv = 1.0 / jnp.maximum(deg, 1.0)
    h = jnp.dot(x_ref[...], w1s_ref[...], preferred_element_type=jnp.float32)
    h = h + agg * inv[:, None] + b1_ref[...]
    h1_ref[...] = h.astype(h1_ref.dtype)
    y2_ref[...] = jnp.dot(h, w2n_ref[...],
                          preferred_element_type=jnp.float32).astype(y2_ref.dtype)


def _tc2(x, w1s, b1r, aggp, degc, w2n):
    return pl.pallas_call(
        _tc2_body,
        grid=(NBLK,),
        in_specs=[pl.BlockSpec((BLK, D_IN), lambda i: (i, 0)),
                  pl.BlockSpec((D_IN, D_HID), lambda i: (0, 0)),
                  pl.BlockSpec((1, D_HID), lambda i: (0, 0)),
                  pl.BlockSpec((NC, BLK, D_HID), lambda i: (0, i, 0)),
                  pl.BlockSpec((NC, BLK), lambda i: (0, i)),
                  pl.BlockSpec((D_HID, D_OUT), lambda i: (0, 0))],
        out_specs=[pl.BlockSpec((BLK, D_HID), lambda i: (i, 0)),
                   pl.BlockSpec((BLK, D_OUT), lambda i: (i, 0))],
        out_shape=[jax.ShapeDtypeStruct((N, D_HID), DT),
                   jax.ShapeDtypeStruct((N, D_OUT), DT)],
    )(x, w1s, b1r, aggp, degc, w2n)


def _tc3_body(h_ref, w2s_ref, b2_ref, agg_ref, deg_ref, o_ref):
    agg = agg_ref[0].astype(jnp.float32) + agg_ref[1].astype(jnp.float32)
    deg = deg_ref[0] + deg_ref[1]
    inv = 1.0 / jnp.maximum(deg, 1.0)
    o = jnp.dot(h_ref[...], w2s_ref[...], preferred_element_type=jnp.float32)
    o_ref[...] = o + agg * inv[:, None] + b2_ref[...]


def _tc3(h1, w2s, b2r, aggp, degc):
    return pl.pallas_call(
        _tc3_body,
        grid=(NBLK,),
        in_specs=[pl.BlockSpec((BLK, D_HID), lambda i: (i, 0)),
                  pl.BlockSpec((D_HID, D_OUT), lambda i: (0, 0)),
                  pl.BlockSpec((1, D_OUT), lambda i: (0, 0)),
                  pl.BlockSpec((NC, BLK, D_OUT), lambda i: (0, i, 0)),
                  pl.BlockSpec((NC, BLK), lambda i: (0, i))],
        out_specs=pl.BlockSpec((BLK, D_OUT), lambda i: (i, 0)),
        out_shape=jax.ShapeDtypeStruct((N, D_OUT), jnp.float32),
    )(h1, w2s, b2r, aggp, degc)


def kernel(features, edge_index, order_attn, W1_self, W1_neigh, b1,
           W2_self, W2_neigh, b2):
    edges = edge_index.astype(jnp.int32)

    y1 = _tc_mm(features, W1_neigh, DT)
    z1 = jnp.zeros((RPS, D_HID), DT)
    z2 = jnp.zeros((RPS, D_OUT), DT)
    aggp1, degp = _sc_agg_deg(y1, edges, z1)
    degc = degp.reshape(NC, N_PAD)
    h1, y2 = _tc2(features, W1_self, b1.reshape(1, -1), aggp1, degc, W2_neigh)
    aggp2 = _sc_agg(y2, edges, z2)
    out = _tc3(h1, W2_self, b2.reshape(1, -1), aggp2, degc)
    return out

# --- scband reference (transcript-rebuilt; emitter-appended) ---
"""Pipeline reference for scband-dgl-sage-1099511628219 (READ-ONLY COPY).

The authoritative reference and input builder live on the scoring server;
editing this copy changes nothing except your own understanding.
"""

import jax, jax.numpy as jnp
import numpy as np

N_NODES = 10000
N_EDGES = 320000
D_IN = 128
D_HID = 128
D_OUT = 64


def sage_conv(x, src, dst, W_self, W_neigh, b, n_nodes):
    # DGL SAGEConv with aggregator_type='mean':
    # h_neigh = mean_{j in N(i)} x_j ; out = x @ W_self + h_neigh @ W_neigh + b
    msgs = jnp.take(x, src, axis=0)  # gather src features along edges
    agg = jax.ops.segment_sum(msgs, dst, num_segments=n_nodes)
    deg = jax.ops.segment_sum(jnp.ones((src.shape[0],), dtype=x.dtype), dst, num_segments=n_nodes)
    h_neigh = agg / jnp.clip(deg, 1.0, None)[:, None]
    return x @ W_self + h_neigh @ W_neigh + b


def setup_inputs(seed: int = 0) -> dict:
    key = jax.random.key(seed)
    k1, k2, k3, k4, k5, k6, k7, k8 = jax.random.split(key, 8)
    features = jax.random.normal(k1, (N_NODES, D_IN), dtype=jnp.float32)
    edge_index = jax.random.randint(k2, (2, N_EDGES), 0, N_NODES, dtype=jnp.int64)
    order_attn = jnp.ones((1,), dtype=jnp.float32)
    s1 = 1.0 / np.sqrt(D_IN)
    s2 = 1.0 / np.sqrt(D_HID)
    W1_self = jax.random.uniform(k3, (D_IN, D_HID), dtype=jnp.float32, minval=-s1, maxval=s1)
    W1_neigh = jax.random.uniform(k4, (D_IN, D_HID), dtype=jnp.float32, minval=-s1, maxval=s1)
    b1 = jnp.zeros((D_HID,), dtype=jnp.float32)
    W2_self = jax.random.uniform(k5, (D_HID, D_OUT), dtype=jnp.float32, minval=-s2, maxval=s2)
    W2_neigh = jax.random.uniform(k6, (D_HID, D_OUT), dtype=jnp.float32, minval=-s2, maxval=s2)
    b2 = jnp.zeros((D_OUT,), dtype=jnp.float32)
    return {"features": features, "edge_index": edge_index, "order_attn": order_attn,
            "W1_self": W1_self, "W1_neigh": W1_neigh, "b1": b1,
            "W2_self": W2_self, "W2_neigh": W2_neigh, "b2": b2}


def reference(features, edge_index, order_attn, W1_self, W1_neigh, b1, W2_self, W2_neigh, b2):
    # len(g_list) == 1 path: x = layer2(g, layer1(g, features)); order_attn unused
    src = edge_index[0]
    dst = edge_index[1]
    x = sage_conv(features, src, dst, W1_self, W1_neigh, b1, N_NODES)
    x = sage_conv(x, src, dst, W2_self, W2_neigh, b2, N_NODES)
    return x

if __name__ == "__main__":
    import jax
    _d = setup_inputs()
    print(jax.jit(kernel)(*tuple(_d.values())))

</pallas_src>

<mosaic_0001>
#map = affine_map<(d0, d1) -> (0, 0)>
#map1 = affine_map<(d0, d1) -> (0, 0, 0)>
module attributes {stable_mosaic.version = 14 : i64} {
  func.func @sage_sc_agg64(%arg0: i32, %arg1: i32, %arg2: memref<10000x64xbf16, #tpu.memory_space<hbm>>, %arg3: memref<2x320000xi32, #tpu.memory_space<hbm>>, %arg4: memref<640x64xbf16, #tpu.memory_space<hbm>>, %arg5: memref<2x10240x64xbf16, #tpu.memory_space<hbm>>, %arg6: memref<400xi32, #tpu.memory_space<vmem>>, %arg7: memref<400xi32, #tpu.memory_space<vmem>>, %arg8: memref<400xi32, #tpu.memory_space<vmem>>, %arg9: memref<400xi32, #tpu.memory_space<vmem>>, %arg10: memref<80x64xbf16, #tpu.memory_space<vmem>>, %arg11: memref<80x64xbf16, #tpu.memory_space<vmem>>, %arg12: memref<80x64xbf16, #tpu.memory_space<vmem>>, %arg13: memref<80x64xbf16, #tpu.memory_space<vmem>>, %arg14: memref<80x64xbf16, #tpu.memory_space<vmem>>, %arg15: memref<10240x64xbf16, #tpu.memory_space<vmem_shared>>, %arg16: memref<!tpu.dma_semaphore, #tpu.memory_space<semaphore_mem>>, %arg17: memref<!tpu.dma_semaphore, #tpu.memory_space<semaphore_mem>>, %arg18: memref<!tpu.dma_semaphore, #tpu.memory_space<semaphore_mem>>, %arg19: memref<!tpu.dma_semaphore, #tpu.memory_space<semaphore_mem>>, %arg20: memref<!tpu.dma_semaphore, #tpu.memory_space<semaphore_mem>>, %arg21: memref<!tpu.dma_semaphore, #tpu.memory_space<semaphore_mem>>, %arg22: memref<!tpu.dma_semaphore, #tpu.memory_space<semaphore_mem>>, %arg23: memref<!tpu.dma_semaphore, #tpu.memory_space<semaphore_mem>>, %arg24: memref<!tpu.dma_semaphore, #tpu.memory_space<semaphore_mem>>, %arg25: memref<!tpu.dma_semaphore, #tpu.memory_space<semaphore_mem>>, %arg26: memref<!tpu.dma_semaphore, #tpu.memory_space<semaphore_mem>>, %arg27: memref<!tpu.dma_semaphore, #tpu.memory_space<semaphore_mem>>) attributes {dimension_semantics = [#tpu.dimension_semantics<core_parallel>, #tpu.dimension_semantics<subcore_parallel>], iteration_bounds = array<i64: 2, 16>, scalar_prefetch = 0 : i64, scratch_operands = 22 : i64, tpu.core_type = #tpu.core_type<sc_vector_subcore>, window_params = [{transform_indices = #map}, {transform_indices = #map}, {transform_indices = #map}, {transform_indices = #map1}]} {
    %mul3A = arith.constant 2 : i32
    %mul3A_0 = arith.muli %arg1, %mul3A : i32
    %add3A = arith.addi %mul3A_0, %arg0 : i32
    %broadcast_in_dim3A = arith.constant 0.000000e+00 : f32
    %broadcast_in_dim3A_1 = vector.broadcast %broadcast_in_dim3A : f32 to vector<16xf32>
    %iota3A = tpu.iota {dimensions = array<i32: 0>} : vector<16xi32>
    %mul3A_2 = arith.constant 640 : i32
    %mul3A_3 = arith.muli %arg1, %mul3A_2 : i32
    "tpu.region"() ({
      %run_scoped3A = tpu.sem_alloc : memref<!tpu.dma_semaphore, #tpu.memory_space<semaphore_mem>>
      %dma_start3A_233 = arith.constant 0 : i32
      %dma_start3A_234 = tpu.memref_slice %arg15[%mul3A_3, %dma_start3A_233] : memref<10240x64xbf16, #tpu.memory_space<vmem_shared>> -> memref<640x64xbf16, #tpu.memory_space<vmem_shared>>
      tpu.enqueue_dma source(%arg4 : memref<640x64xbf16, #tpu.memory_space<hbm>>) target(%dma_start3A_234 : memref<640x64xbf16, #tpu.memory_space<vmem_shared>>) target_semaphore(%run_scoped3A : memref<!tpu.dma_semaphore, #tpu.memory_space<semaphore_mem>>)
      %dma_wait3A_235 = arith.constant 0 : i32
      %dma_wait3A_236 = tpu.memref_slice %arg15[%mul3A_3, %dma_wait3A_235] : memref<10240x64xbf16, #tpu.memory_space<vmem_shared>> -> memref<640x64xbf16, #tpu.memory_space<vmem_shared>>
      tpu.wait_dma2 semaphore(%run_scoped3A : memref<!tpu.dma_semaphore, #tpu.memory_space<semaphore_mem>>) src(%arg4 : memref<640x64xbf16, #tpu.memory_space<hbm>>) dst(%dma_wait3A_236 : memref<640x64xbf16, #tpu.memory_space<vmem_shared>>)
      tpu.yield
    }) : () -> ()
    %broadcast_in_dim3A_4 = arith.constant 1.000000e+00 : f32
    %broadcast_in_dim3A_5 = vector.broadcast %broadcast_in_dim3A_4 : f32 to vector<16xf32>
    %mul3A_6 = arith.constant 10000 : i32
    %mul3A_7 = arith.muli %add3A, %mul3A_6 : i32
    %barrier3A = arith.constant 0 : index
    tpu.barrier barrier_id(%barrier3A)
    %add3A_8 = arith.constant 0 : i32
    %add3A_9 = arith.addi %mul3A_7, %add3A_8 : i32
    %min3A = arith.constant 319600 : i32
    %min3A_10 = arith.minsi %add3A_9, %min3A : i32
    %dma_start3A = arith.constant 0 : i32
    %dma_start3A_11 = tpu.memref_slice %arg3[%dma_start3A, %min3A_10] : memref<2x320000xi32, #tpu.memory_space<hbm>> -> memref<1x400xi32, #tpu.memory_space<hbm>>
    %dma_start3A_12 = tpu.memref_squeeze %dma_start3A_11 : memref<1x400xi32, #tpu.memory_space<hbm>> -> memref<400xi32, #tpu.memory_space<hbm>>
    %dma_start3A_13 = tpu.memref_slice %arg3[%dma_start3A, %min3A_10] : memref<2x320000xi32, #tpu.memory_space<hbm>> -> memref<1x400xi32, #tpu.memory_space<hbm>>
    %dma_start3A_14 = tpu.memref_squeeze %dma_start3A_13 : memref<1x400xi32, #tpu.memory_space<hbm>> -> memref<400xi32, #tpu.memory_space<hbm>>
    tpu.enqueue_dma source(%dma_start3A_14 : memref<400xi32, #tpu.memory_space<hbm>>) target(%arg6 : memref<400xi32, #tpu.memory_space<vmem>>) target_semaphore(%arg26 : memref<!tpu.dma_semaphore, #tpu.memory_space<semaphore_mem>>)
    %dma_start3A_15 = arith.constant 1 : i32
    %dma_start3A_16 = tpu.memref_slice %arg3[%dma_start3A_15, %min3A_10] : memref<2x320000xi32, #tpu.memory_space<hbm>> -> memref<1x400xi32, #tpu.memory_space<hbm>>
    %dma_start3A_17 = tpu.memref_squeeze %dma_start3A_16 : memref<1x400xi32, #tpu.memory_space<hbm>> -> memref<400xi32, #tpu.memory_space<hbm>>
    %dma_start3A_18 = tpu.memref_slice %arg3[%dma_start3A_15, %min3A_10] : memref<2x320000xi32, #tpu.memory_space<hbm>> -> memref<1x400xi32, #tpu.memory_space<hbm>>
    %dma_start3A_19 = tpu.memref_squeeze %dma_start3A_18 : memref<1x400xi32, #tpu.memory_space<hbm>> -> memref<400xi32, #tpu.memory_space<hbm>>
    tpu.enqueue_dma source(%dma_start3A_19 : memref<400xi32, #tpu.memory_space<hbm>>) target(%arg8 : memref<400xi32, #tpu.memory_space<vmem>>) target_semaphore(%arg26 : memref<!tpu.dma_semaphore, #tpu.memory_space<semaphore_mem>>)
    %dma_wait3A = arith.constant 0 : i32
    %dma_wait3A_20 = tpu.memref_slice %arg3[%dma_wait3A, %min3A_10] : memref<2x320000xi32, #tpu.memory_space<hbm>> -> memref<1x400xi32, #tpu.memory_space<hbm>>
    %dma_wait3A_21 = tpu.memref_squeeze %dma_wait3A_20 : memref<1x400xi32, #tpu.memory_space<hbm>> -> memref<400xi32, #tpu.memory_space<hbm>>
    %dma_wait3A_22 = tpu.memref_slice %arg3[%dma_wait3A, %min3A_10] : memref<2x320000xi32, #tpu.memory_space<hbm>> -> memref<1x400xi32, #tpu.memory_space<hbm>>
    %dma_wait3A_23 = tpu.memref_squeeze %dma_wait3A_22 : memref<1x400xi32, #tpu.memory_space<hbm>> -> memref<400xi32, #tpu.memory_space<hbm>>
    tpu.wait_dma2 semaphore(%arg26 : memref<!tpu.dma_semaphore, #tpu.memory_space<semaphore_mem>>) src(%dma_wait3A_23 : memref<400xi32, #tpu.memory_space<hbm>>) dst(%arg6 : memref<400xi32, #tpu.memory_space<vmem>>)
    %dma_wait3A_24 = arith.constant 1 : i32
    %dma_wait3A_25 = tpu.memref_slice %arg3[%dma_wait3A_24, %min3A_10] : memref<2x320000xi32, #tpu.memory_space<hbm>> -> memref<1x400xi32, #tpu.memory_space<hbm>>
    %dma_wait3A_26 = tpu.memref_squeeze %dma_wait3A_25 : memref<1x400xi32, #tpu.memory_space<hbm>> -> memref<400xi32, #tpu.memory_space<hbm>>
    %dma_wait3A_27 = tpu.memref_slice %arg3[%dma_wait3A_24, %min3A_10] : memref<2x320000xi32, #tpu.memory_space<hbm>> -> memref<1x400xi32, #tpu.memory_space<hbm>>
    %dma_wait3A_28 = tpu.memref_squeeze %dma_wait3A_27 : memref<1x400xi32, #tpu.memory_space<hbm>> -> memref<400xi32, #tpu.memory_space<hbm>>
    tpu.wait_dma2 semaphore(%arg26 : memref<!tpu.dma_semaphore, #tpu.memory_space<semaphore_mem>>) src(%dma_wait3A_28 : memref<400xi32, #tpu.memory_space<hbm>>) dst(%arg8 : memref<400xi32, #tpu.memory_space<vmem>>)
    %broadcast_in_dim3A_29 = arith.constant 0.000000e+00 : bf16
    %broadcast_in_dim3A_30 = vector.broadcast %broadcast_in_dim3A_29 : bf16 to vector<32xbf16>
    %scan3A = arith.constant 0 : i32
    %scan3A_31 = arith.constant 0 : i32
    %scan3A_32 = arith.constant 80 : i32
    %scan3A_33 = arith.addi %scan3A_31, %scan3A_32 : i32
    %scan3A_34 = arith.constant 1 : i32
    %scan3A_35 = scf.for %scan3A_233 = %scan3A_31 to %scan3A_33 step %scan3A_34 iter_args(%scan3A_234 = %scan3A) -> (i32)  : i32 {
      %swap3A = arith.index_cast %scan3A_233 : i32 to index
      %swap3A_235 = arith.constant 0 : index
      %swap3A_236 = tpu.vector_load %arg10[%swap3A, %swap3A_235] {strides = array<i32>} : memref<80x64xbf16, #tpu.memory_space<vmem>>, vector<32xbf16>,
      tpu.vector_store %arg10[%swap3A, %swap3A_235], %broadcast_in_dim3A_30 {strides = array<i32>} : memref<80x64xbf16, #tpu.memory_space<vmem>>, vector<32xbf16>,
      %swap3A_237 = arith.index_cast %scan3A_233 : i32 to index
      %swap3A_238 = arith.constant 32 : index
      %swap3A_239 = tpu.vector_load %arg10[%swap3A_237, %swap3A_238] {strides = array<i32>} : memref<80x64xbf16, #tpu.memory_space<vmem>>, vector<32xbf16>,
      tpu.vector_store %arg10[%swap3A_237, %swap3A_238], %broadcast_in_dim3A_30 {strides = array<i32>} : memref<80x64xbf16, #tpu.memory_space<vmem>>, vector<32xbf16>,
      %swap3A_240 = arith.index_cast %scan3A_233 : i32 to index
      %swap3A_241 = arith.constant 0 : index
      %swap3A_242 = tpu.vector_load %arg11[%swap3A_240, %swap3A_241] {strides = array<i32>} : memref<80x64xbf16, #tpu.memory_space<vmem>>, vector<32xbf16>,
      tpu.vector_store %arg11[%swap3A_240, %swap3A_241], %broadcast_in_dim3A_30 {strides = array<i32>} : memref<80x64xbf16, #tpu.memory_space<vmem>>, vector<32xbf16>,
      %swap3A_243 = arith.index_cast %scan3A_233 : i32 to index
      %swap3A_244 = arith.constant 32 : index
      %swap3A_245 = tpu.vector_load %arg11[%swap3A_243, %swap3A_244] {strides = array<i32>} : memref<80x64xbf16, #tpu.memory_space<vmem>>, vector<32xbf16>,
      tpu.vector_store %arg11[%swap3A_243, %swap3A_244], %broadcast_in_dim3A_30 {strides = array<i32>} : memref<80x64xbf16, #tpu.memory_space<vmem>>, vector<32xbf16>,
      %swap3A_246 = arith.index_cast %scan3A_233 : i32 to index
      %swap3A_247 = arith.constant 0 : index
      %swap3A_248 = tpu.vector_load %arg12[%swap3A_246, %swap3A_247] {strides = array<i32>} : memref<80x64xbf16, #tpu.memory_space<vmem>>, vector<32xbf16>,
      tpu.vector_store %arg12[%swap3A_246, %swap3A_247], %broadcast_in_dim3A_30 {strides = array<i32>} : memref<80x64xbf16, #tpu.memory_space<vmem>>, vector<32xbf16>,
      %swap3A_249 = arith.index_cast %scan3A_233 : i32 to index
      %swap3A_250 = arith.constant 32 : index
      %swap3A_251 = tpu.vector_load %arg12[%swap3A_249, %swap3A_250] {strides = array<i32>} : memref<80x64xbf16, #tpu.memory_space<vmem>>, vector<32xbf16>,
      tpu.vector_store %arg12[%swap3A_249, %swap3A_250], %broadcast_in_dim3A_30 {strides = array<i32>} : memref<80x64xbf16, #tpu.memory_space<vmem>>, vector<32xbf16>,
      %swap3A_252 = arith.index_cast %scan3A_233 : i32 to index
      %swap3A_253 = arith.constant 0 : index
      %swap3A_254 = tpu.vector_load %arg13[%swap3A_252, %swap3A_253] {strides = array<i32>} : memref<80x64xbf16, #tpu.memory_space<vmem>>, vector<32xbf16>,
      tpu.vector_store %arg13[%swap3A_252, %swap3A_253], %broadcast_in_dim3A_30 {strides = array<i32>} : memref<80x64xbf16, #tpu.memory_space<vmem>>, vector<32xbf16>,
      %swap3A_255 = arith.index_cast %scan3A_233 : i32 to index
      %swap3A_256 = arith.constant 32 : index
      %swap3A_257 = tpu.vector_load %arg13[%swap3A_255, %swap3A_256] {strides = array<i32>} : memref<80x64xbf16, #tpu.memory_space<vmem>>, vector<32xbf16>,
      tpu.vector_store %arg13[%swap3A_255, %swap3A_256], %broadcast_in_dim3A_30 {strides = array<i32>} : memref<80x64xbf16, #tpu.memory_space<vmem>>, vector<32xbf16>,
      %swap3A_258 = arith.index_cast %scan3A_233 : i32 to index
      %swap3A_259 = arith.constant 0 : index
      %swap3A_260 = tpu.vector_load %arg14[%swap3A_258, %swap3A_259] {strides = array<i32>} : memref<80x64xbf16, #tpu.memory_space<vmem>>, vector<32xbf16>,
      tpu.vector_store %arg14[%swap3A_258, %swap3A_259], %broadcast_in_dim3A_30 {strides = array<i32>} : memref<80x64xbf16, #tpu.memory_space<vmem>>, vector<32xbf16>,
      %swap3A_261 = arith.index_cast %scan3A_233 : i32 to index
      %swap3A_262 = arith.constant 32 : index
      %swap3A_263 = tpu.vector_load %arg14[%swap3A_261, %swap3A_262] {strides = array<i32>} : memref<80x64xbf16, #tpu.memory_space<vmem>>, vector<32xbf16>,
      tpu.vector_store %arg14[%swap3A_261, %swap3A_262], %broadcast_in_dim3A_30 {strides = array<i32>} : memref<80x64xbf16, #tpu.memory_space<vmem>>, vector<32xbf16>,
      %scan3A_264 = arith.constant 0 : i32
      scf.yield %scan3A_264 : i32
    }
    %scan3A_36 = arith.constant 80 : i32
    %dma_start3A_37 = arith.constant 0 : i32
    %dma_start3A_38 = tpu.memref_slice %arg8[%dma_start3A_37] : memref<400xi32, #tpu.memory_space<vmem>> -> memref<80xi32, #tpu.memory_space<vmem>>
    %dma_start3A_39 = arith.constant 0 : i32
    %dma_start3A_40 = arith.constant 0 : i32
    %dma_start3A_41 = tpu.memref_slice %arg15[%dma_start3A_39, %dma_start3A_40] : memref<10240x64xbf16, #tpu.memory_space<vmem_shared>> -> memref<10240x64xbf16, #tpu.memory_space<vmem_shared>>
    tpu.enqueue_indirect_dma source(%arg10 : memref<80x64xbf16, #tpu.memory_space<vmem>>) target(%dma_start3A_41 : memref<10240x64xbf16, #tpu.memory_space<vmem_shared>>) offsets(%dma_start3A_38 : memref<80xi32, #tpu.memory_space<vmem>>) semaphore(%arg21 : memref<!tpu.dma_semaphore, #tpu.memory_space<semaphore_mem>>) {add = true}
    %dma_start3A_42 = arith.constant 80 : i32
    %dma_start3A_43 = tpu.memref_slice %arg8[%dma_start3A_42] : memref<400xi32, #tpu.memory_space<vmem>> -> memref<80xi32, #tpu.memory_space<vmem>>
    %dma_start3A_44 = arith.constant 0 : i32
    %dma_start3A_45 = arith.constant 0 : i32
    %dma_start3A_46 = tpu.memref_slice %arg15[%dma_start3A_44, %dma_start3A_45] : memref<10240x64xbf16, #tpu.memory_space<vmem_shared>> -> memref<10240x64xbf16, #tpu.memory_space<vmem_shared>>
    tpu.enqueue_indirect_dma source(%arg11 : memref<80x64xbf16, #tpu.memory_space<vmem>>) target(%dma_start3A_46 : memref<10240x64xbf16, #tpu.memory_space<vmem_shared>>) offsets(%dma_start3A_43 : memref<80xi32, #tpu.memory_space<vmem>>) semaphore(%arg22 : memref<!tpu.dma_semaphore, #tpu.memory_space<semaphore_mem>>) {add = true}
    %dma_start3A_47 = arith.constant 160 : i32
    %dma_start3A_48 = tpu.memref_slice %arg8[%dma_start3A_47] : memref<400xi32, #tpu.memory_space<vmem>> -> memref<80xi32, #tpu.memory_space<vmem>>
    %dma_start3A_49 = arith.constant 0 : i32
    %dma_start3A_50 = arith.constant 0 : i32
    %dma_start3A_51 = tpu.memref_slice %arg15[%dma_start3A_49, %dma_start3A_50] : memref<10240x64xbf16, #tpu.memory_space<vmem_shared>> -> memref<10240x64xbf16, #tpu.memory_space<vmem_shared>>
    tpu.enqueue_indirect_dma source(%arg12 : memref<80x64xbf16, #tpu.memory_space<vmem>>) target(%dma_start3A_51 : memref<10240x64xbf16, #tpu.memory_space<vmem_shared>>) offsets(%dma_start3A_48 : memref<80xi32, #tpu.memory_space<vmem>>) semaphore(%arg23 : memref<!tpu.dma_semaphore, #tpu.memory_space<semaphore_mem>>) {add = true}
    %dma_start3A_52 = arith.constant 240 : i32
    %dma_start3A_53 = tpu.memref_slice %arg8[%dma_start3A_52] : memref<400xi32, #tpu.memory_space<vmem>> -> memref<80xi32, #tpu.memory_space<vmem>>
    %dma_start3A_54 = arith.constant 0 : i32
    %dma_start3A_55 = arith.constant 0 : i32
    %dma_start3A_56 = tpu.memref_slice %arg15[%dma_start3A_54, %dma_start3A_55] : memref<10240x64xbf16, #tpu.memory_space<vmem_shared>> -> memref<10240x64xbf16, #tpu.memory_space<vmem_shared>>
    tpu.enqueue_indirect_dma source(%arg13 : memref<80x64xbf16, #tpu.memory_space<vmem>>) target(%dma_start3A_56 : memref<10240x64xbf16, #tpu.memory_space<vmem_shared>>) offsets(%dma_start3A_53 : memref<80xi32, #tpu.memory_space<vmem>>) semaphore(%arg24 : memref<!tpu.dma_semaphore, #tpu.memory_space<semaphore_mem>>) {add = true}
    %dma_start3A_57 = arith.constant 320 : i32
    %dma_start3A_58 = tpu.memref_slice %arg8[%dma_start3A_57] : memref<400xi32, #tpu.memory_space<vmem>> -> memref<80xi32, #tpu.memory_space<vmem>>
    %dma_start3A_59 = arith.constant 0 : i32
    %dma_start3A_60 = arith.constant 0 : i32
    %dma_start3A_61 = tpu.memref_slice %arg15[%dma_start3A_59, %dma_start3A_60] : memref<10240x64xbf16, #tpu.memory_space<vmem_shared>> -> memref<10240x64xbf16, #tpu.memory_space<vmem_shared>>
    tpu.enqueue_indirect_dma source(%arg14 : memref<80x64xbf16, #tpu.memory_space<vmem>>) target(%dma_start3A_61 : memref<10240x64xbf16, #tpu.memory_space<vmem_shared>>) offsets(%dma_start3A_58 : memref<80xi32, #tpu.memory_space<vmem>>) semaphore(%arg25 : memref<!tpu.dma_semaphore, #tpu.memory_space<semaphore_mem>>) {add = true}
    %scan3A_62 = arith.constant 0 : i32
    %scan3A_63 = arith.constant 0 : i32
    %scan3A_64 = arith.constant 12 : i32
    %scan3A_65 = arith.addi %scan3A_63, %scan3A_64 : i32
    %scan3A_66 = arith.constant 1 : i32
    %scan3A_67 = scf.for %scan3A_233 = %scan3A_63 to %scan3A_65 step %scan3A_66 iter_args(%scan3A_234 = %scan3A_62) -> (i32)  : i32 {
      %mul3A_235 = arith.constant 2 : i32
      %mul3A_236 = arith.muli %mul3A_235, %scan3A_233 : i32
      %dma_wait3A_237 = arith.constant 0 : i32
      %dma_wait3A_238 = arith.constant 0 : i32
      %dma_wait3A_239 = tpu.memref_slice %arg2[%dma_wait3A_237, %dma_wait3A_238] : memref<10000x64xbf16, #tpu.memory_space<hbm>> -> memref<80x64xbf16, #tpu.memory_space<hbm>>
      %dma_wait3A_240 = arith.constant 0 : i32
      %dma_wait3A_241 = arith.constant 0 : i32
      %dma_wait3A_242 = tpu.memref_slice %arg2[%dma_wait3A_240, %dma_wait3A_241] : memref<10000x64xbf16, #tpu.memory_space<hbm>> -> memref<80x64xbf16, #tpu.memory_space<hbm>>
      tpu.wait_dma2 semaphore(%arg21 : memref<!tpu.dma_semaphore, #tpu.memory_space<semaphore_mem>>) src(%dma_wait3A_242 : memref<80x64xbf16, #tpu.memory_space<hbm>>) dst(%arg10 : memref<80x64xbf16, #tpu.memory_space<vmem>>)
      %dma_start3A_243 = arith.constant 0 : i32
      %dma_start3A_244 = tpu.memref_slice %arg6[%dma_start3A_243] : memref<400xi32, #tpu.memory_space<vmem>> -> memref<80xi32, #tpu.memory_space<vmem>>
      %dma_start3A_245 = arith.constant 0 : i32
      %dma_start3A_246 = arith.constant 0 : i32
      %dma_start3A_247 = tpu.memref_slice %arg2[%dma_start3A_245, %dma_start3A_246] : memref<10000x64xbf16, #tpu.memory_space<hbm>> -> memref<10000x64xbf16, #tpu.memory_space<hbm>>
      tpu.enqueue_indirect_dma source(%dma_start3A_247 : memref<10000x64xbf16, #tpu.memory_space<hbm>>) target(%arg10 : memref<80x64xbf16, #tpu.memory_space<vmem>>) offsets(%dma_start3A_244 : memref<80xi32, #tpu.memory_space<vmem>>) semaphore(%arg16 : memref<!tpu.dma_semaphore, #tpu.memory_space<semaphore_mem>>)
      %dma_wait3A_248 = arith.constant 0 : i32
      %dma_wait3A_249 = arith.constant 0 : i32
      %dma_wait3A_250 = tpu.memref_slice %arg2[%dma_wait3A_248, %dma_wait3A_249] : memref<10000x64xbf16, #tpu.memory_space<hbm>> -> memref<80x64xbf16, #tpu.memory_space<hbm>>
      %dma_wait3A_251 = arith.constant 0 : i32
      %dma_wait3A_252 = arith.constant 0 : i32
      %dma_wait3A_253 = tpu.memref_slice %arg2[%dma_wait3A_251, %dma_wait3A_252] : memref<10000x64xbf16, #tpu.memory_space<hbm>> -> memref<80x64xbf16, #tpu.memory_space<hbm>>
      tpu.wait_dma2 semaphore(%arg22 : memref<!tpu.dma_semaphore, #tpu.memory_space<semaphore_mem>>) src(%dma_wait3A_253 : memref<80x64xbf16, #tpu.memory_space<hbm>>) dst(%arg11 : memref<80x64xbf16, #tpu.memory_space<vmem>>)
      %dma_start3A_254 = arith.constant 80 : i32
      %dma_start3A_255 = tpu.memref_slice %arg6[%dma_start3A_254] : memref<400xi32, #tpu.memory_space<vmem>> -> memref<80xi32, #tpu.memory_space<vmem>>
      %dma_start3A_256 = arith.constant 0 : i32
      %dma_start3A_257 = arith.constant 0 : i32
      %dma_start3A_258 = tpu.memref_slice %arg2[%dma_start3A_256, %dma_start3A_257] : memref<10000x64xbf16, #tpu.memory_space<hbm>> -> memref<10000x64xbf16, #tpu.memory_space<hbm>>
      tpu.enqueue_indirect_dma source(%dma_start3A_258 : memref<10000x64xbf16, #tpu.memory_space<hbm>>) target(%arg11 : memref<80x64xbf16, #tpu.memory_space<vmem>>) offsets(%dma_start3A_255 : memref<80xi32, #tpu.memory_space<vmem>>) semaphore(%arg17 : memref<!tpu.dma_semaphore, #tpu.memory_space<semaphore_mem>>)
      %dma_wait3A_259 = arith.constant 0 : i32
      %dma_wait3A_260 = arith.constant 0 : i32
      %dma_wait3A_261 = tpu.memref_slice %arg2[%dma_wait3A_259, %dma_wait3A_260] : memref<10000x64xbf16, #tpu.memory_space<hbm>> -> memref<80x64xbf16, #tpu.memory_space<hbm>>
      %dma_wait3A_262 = arith.constant 0 : i32
      %dma_wait3A_263 = arith.constant 0 : i32
      %dma_wait3A_264 = tpu.memref_slice %arg2[%dma_wait3A_262, %dma_wait3A_263] : memref<10000x64xbf16, #tpu.memory_space<hbm>> -> memref<80x64xbf16, #tpu.memory_space<hbm>>
      tpu.wait_dma2 semaphore(%arg23 : memref<!tpu.dma_semaphore, #tpu.memory_space<semaphore_mem>>) src(%dma_wait3A_264 : memref<80x64xbf16, #tpu.memory_space<hbm>>) dst(%arg12 : memref<80x64xbf16, #tpu.memory_space<vmem>>)
      %dma_start3A_265 = arith.constant 160 : i32
      %dma_start3A_266 = tpu.memref_slice %arg6[%dma_start3A_265] : memref<400xi32, #tpu.memory_space<vmem>> -> memref<80xi32, #tpu.memory_space<vmem>>
      %dma_start3A_267 = arith.constant 0 : i32
      %dma_start3A_268 = arith.constant 0 : i32
      %dma_start3A_269 = tpu.memref_slice %arg2[%dma_start3A_267, %dma_start3A_268] : memref<10000x64xbf16, #tpu.memory_space<hbm>> -> memref<10000x64xbf16, #tpu.memory_space<hbm>>
      tpu.enqueue_indirect_dma source(%dma_start3A_269 : memref<10000x64xbf16, #tpu.memory_space<hbm>>) target(%arg12 : memref<80x64xbf16, #tpu.memory_space<vmem>>) offsets(%dma_start3A_266 : memref<80xi32, #tpu.memory_space<vmem>>) semaphore(%arg18 : memref<!tpu.dma_semaphore, #tpu.memory_space<semaphore_mem>>)
      %dma_wait3A_270 = arith.constant 0 : i32
      %dma_wait3A_271 = arith.constant 0 : i32
      %dma_wait3A_272 = tpu.memref_slice %arg2[%dma_wait3A_270, %dma_wait3A_271] : memref<10000x64xbf16, #tpu.memory_space<hbm>> -> memref<80x64xbf16, #tpu.memory_space<hbm>>
      %dma_wait3A_273 = arith.constant 0 : i32
      %dma_wait3A_274 = arith.constant 0 : i32
      %dma_wait3A_275 = tpu.memref_slice %arg2[%dma_wait3A_273, %dma_wait3A_274] : memref<10000x64xbf16, #tpu.memory_space<hbm>> -> memref<80x64xbf16, #tpu.memory_space<hbm>>
      tpu.wait_dma2 semaphore(%arg24 : memref<!tpu.dma_semaphore, #tpu.memory_space<semaphore_mem>>) src(%dma_wait3A_275 : memref<80x64xbf16, #tpu.memory_space<hbm>>) dst(%arg13 : memref<80x64xbf16, #tpu.memory_space<vmem>>)
      %dma_start3A_276 = arith.constant 240 : i32
      %dma_start3A_277 = tpu.memref_slice %arg6[%dma_start3A_276] : memref<400xi32, #tpu.memory_space<vmem>> -> memref<80xi32, #tpu.memory_space<vmem>>
      %dma_start3A_278 = arith.constant 0 : i32
      %dma_start3A_279 = arith.constant 0 : i32
      %dma_start3A_280 = tpu.memref_slice %arg2[%dma_start3A_278, %dma_start3A_279] : memref<10000x64xbf16, #tpu.memory_space<hbm>> -> memref<10000x64xbf16, #tpu.memory_space<hbm>>
      tpu.enqueue_indirect_dma source(%dma_start3A_280 : memref<10000x64xbf16, #tpu.memory_space<hbm>>) target(%arg13 : memref<80x64xbf16, #tpu.memory_space<vmem>>) offsets(%dma_start3A_277 : memref<80xi32, #tpu.memory_space<vmem>>) semaphore(%arg19 : memref<!tpu.dma_semaphore, #tpu.memory_space<semaphore_mem>>)
      %dma_wait3A_281 = arith.constant 0 : i32
      %dma_wait3A_282 = arith.constant 0 : i32
      %dma_wait3A_283 = tpu.memref_slice %arg2[%dma_wait3A_281, %dma_wait3A_282] : memref<10000x64xbf16, #tpu.memory_space<hbm>> -> memref<80x64xbf16, #tpu.memory_space<hbm>>
      %dma_wait3A_284 = arith.constant 0 : i32
      %dma_wait3A_285 = arith.constant 0 : i32
      %dma_wait3A_286 = tpu.memref_slice %arg2[%dma_wait3A_284, %dma_wait3A_285] : memref<10000x64xbf16, #tpu.memory_space<hbm>> -> memref<80x64xbf16, #tpu.memory_space<hbm>>
      tpu.wait_dma2 semaphore(%arg25 : memref<!tpu.dma_semaphore, #tpu.memory_space<semaphore_mem>>) src(%dma_wait3A_286 : memref<80x64xbf16, #tpu.memory_space<hbm>>) dst(%arg14 : memref<80x64xbf16, #tpu.memory_space<vmem>>)
      %dma_start3A_287 = arith.constant 320 : i32
      %dma_start3A_288 = tpu.memref_slice %arg6[%dma_start3A_287] : memref<400xi32, #tpu.memory_space<vmem>> -> memref<80xi32, #tpu.memory_space<vmem>>
      %dma_start3A_289 = arith.constant 0 : i32
      %dma_start3A_290 = arith.constant 0 : i32
      %dma_start3A_291 = tpu.memref_slice %arg2[%dma_start3A_289, %dma_start3A_290] : memref<10000x64xbf16, #tpu.memory_space<hbm>> -> memref<10000x64xbf16, #tpu.memory_space<hbm>>
      tpu.enqueue_indirect_dma source(%dma_start3A_291 : memref<10000x64xbf16, #tpu.memory_space<hbm>>) target(%arg14 : memref<80x64xbf16, #tpu.memory_space<vmem>>) offsets(%dma_start3A_288 : memref<80xi32, #tpu.memory_space<vmem>>) semaphore(%arg20 : memref<!tpu.dma_semaphore, #tpu.memory_space<semaphore_mem>>)
      %add3A_292 = arith.constant 1 : i32
      %add3A_293 = arith.addi %mul3A_236, %add3A_292 : i32
      %mul3A_294 = arith.constant 5 : i32
      %mul3A_295 = arith.muli %add3A_293, %mul3A_294 : i32
      %mul3A_296 = arith.constant 80 : i32
      %mul3A_297 = arith.muli %mul3A_295, %mul3A_296 : i32
      %add3A_298 = arith.addi %mul3A_7, %mul3A_297 : i32
      %min3A_299 = arith.constant 319600 : i32
      %min3A_300 = arith.minsi %add3A_298, %min3A_299 : i32
      %dma_start3A_301 = arith.constant 0 : i32
      %dma_start3A_302 = tpu.memref_slice %arg3[%dma_start3A_301, %min3A_300] : memref<2x320000xi32, #tpu.memory_space<hbm>> -> memref<1x400xi32, #tpu.memory_space<hbm>>
      %dma_start3A_303 = tpu.memref_squeeze %dma_start3A_302 : memref<1x400xi32, #tpu.memory_space<hbm>> -> memref<400xi32, #tpu.memory_space<hbm>>
      %dma_start3A_304 = tpu.memref_slice %arg3[%dma_start3A_301, %min3A_300] : memref<2x320000xi32, #tpu.memory_space<hbm>> -> memref<1x400xi32, #tpu.memory_space<hbm>>
      %dma_start3A_305 = tpu.memref_squeeze %dma_start3A_304 : memref<1x400xi32, #tpu.memory_space<hbm>> -> memref<400xi32, #tpu.memory_space<hbm>>
      tpu.enqueue_dma source(%dma_start3A_305 : memref<400xi32, #tpu.memory_space<hbm>>) target(%arg7 : memref<400xi32, #tpu.memory_space<vmem>>) target_semaphore(%arg27 : memref<!tpu.dma_semaphore, #tpu.memory_space<semaphore_mem>>)
      %dma_start3A_306 = arith.constant 1 : i32
      %dma_start3A_307 = tpu.memref_slice %arg3[%dma_start3A_306, %min3A_300] : memref<2x320000xi32, #tpu.memory_space<hbm>> -> memref<1x400xi32, #tpu.memory_space<hbm>>
      %dma_start3A_308 = tpu.memref_squeeze %dma_start3A_307 : memref<1x400xi32, #tpu.memory_space<hbm>> -> memref<400xi32, #tpu.memory_space<hbm>>
      %dma_start3A_309 = tpu.memref_slice %arg3[%dma_start3A_306, %min3A_300] : memref<2x320000xi32, #tpu.memory_space<hbm>> -> memref<1x400xi32, #tpu.memory_space<hbm>>
      %dma_start3A_310 = tpu.memref_squeeze %dma_start3A_309 : memref<1x400xi32, #tpu.memory_space<hbm>> -> memref<400xi32, #tpu.memory_space<hbm>>
      tpu.enqueue_dma source(%dma_start3A_310 : memref<400xi32, #tpu.memory_space<hbm>>) target(%arg9 : memref<400xi32, #tpu.memory_space<vmem>>) target_semaphore(%arg27 : memref<!tpu.dma_semaphore, #tpu.memory_space<semaphore_mem>>)
      %dma_wait3A_311 = arith.constant 0 : i32
      %dma_wait3A_312 = tpu.memref_slice %arg6[%dma_wait3A_311] : memref<400xi32, #tpu.memory_space<vmem>> -> memref<80xi32, #tpu.memory_space<vmem>>
      %dma_wait3A_313 = arith.constant 0 : i32
      %dma_wait3A_314 = arith.constant 0 : i32
      %dma_wait3A_315 = tpu.memref_slice %arg2[%dma_wait3A_313, %dma_wait3A_314] : memref<10000x64xbf16, #tpu.memory_space<hbm>> -> memref<10000x64xbf16, #tpu.memory_space<hbm>>
      tpu.wait_indirect_dma semaphore(%arg16 : memref<!tpu.dma_semaphore, #tpu.memory_space<semaphore_mem>>) src(%dma_wait3A_315 : memref<10000x64xbf16, #tpu.memory_space<hbm>>) dst(%arg10 : memref<80x64xbf16, #tpu.memory_space<vmem>>)
      %dma_start3A_316 = arith.constant 0 : i32
      %dma_start3A_317 = tpu.memref_slice %arg8[%dma_start3A_316] : memref<400xi32, #tpu.memory_space<vmem>> -> memref<80xi32, #tpu.memory_space<vmem>>
      %dma_start3A_318 = arith.constant 0 : i32
      %dma_start3A_319 = arith.constant 0 : i32
      %dma_start3A_320 = tpu.memref_slice %arg15[%dma_start3A_318, %dma_start3A_319] : memref<10240x64xbf16, #tpu.memory_space<vmem_shared>> -> memref<10240x64xbf16, #tpu.memory_space<vmem_shared>>
      tpu.enqueue_indirect_dma source(%arg10 : memref<80x64xbf16, #tpu.memory_space<vmem>>) target(%dma_start3A_320 : memref<10240x64xbf16, #tpu.memory_space<vmem_shared>>) offsets(%dma_start3A_317 : memref<80xi32, #tpu.memory_space<vmem>>) semaphore(%arg21 : memref<!tpu.dma_semaphore, #tpu.memory_space<semaphore_mem>>) {add = true}
      %dma_wait3A_321 = arith.constant 80 : i32
      %dma_wait3A_322 = tpu.memref_slice %arg6[%dma_wait3A_321] : memref<400xi32, #tpu.memory_space<vmem>> -> memref<80xi32, #tpu.memory_space<vmem>>
      %dma_wait3A_323 = arith.constant 0 : i32
      %dma_wait3A_324 = arith.constant 0 : i32
      %dma_wait3A_325 = tpu.memref_slice %arg2[%dma_wait3A_323, %dma_wait3A_324] : memref<10000x64xbf16, #tpu.memory_space<hbm>> -> memref<10000x64xbf16, #tpu.memory_space<hbm>>
      tpu.wait_indirect_dma semaphore(%arg17 : memref<!tpu.dma_semaphore, #tpu.memory_space<semaphore_mem>>) src(%dma_wait3A_325 : memref<10000x64xbf16, #tpu.memory_space<hbm>>) dst(%arg11 : memref<80x64xbf16, #tpu.memory_space<vmem>>)
      %dma_start3A_326 = arith.constant 80 : i32
      %dma_start3A_327 = tpu.memref_slice %arg8[%dma_start3A_326] : memref<400xi32, #tpu.memory_space<vmem>> -> memref<80xi32, #tpu.memory_space<vmem>>
      %dma_start3A_328 = arith.constant 0 : i32
      %dma_start3A_329 = arith.constant 0 : i32
      %dma_start3A_330 = tpu.memref_slice %arg15[%dma_start3A_328, %dma_start3A_329] : memref<10240x64xbf16, #tpu.memory_space<vmem_shared>> -> memref<10240x64xbf16, #tpu.memory_space<vmem_shared>>
      tpu.enqueue_indirect_dma source(%arg11 : memref<80x64xbf16, #tpu.memory_space<vmem>>) target(%dma_start3A_330 : memref<10240x64xbf16, #tpu.memory_space<vmem_shared>>) offsets(%dma_start3A_327 : memref<80xi32, #tpu.memory_space<vmem>>) semaphore(%arg22 : memref<!tpu.dma_semaphore, #tpu.memory_space<semaphore_mem>>) {add = true}
      %dma_wait3A_331 = arith.constant 160 : i32
      %dma_wait3A_332 = tpu.memref_slice %arg6[%dma_wait3A_331] : memref<400xi32, #tpu.memory_space<vmem>> -> memref<80xi32, #tpu.memory_space<vmem>>
      %dma_wait3A_333 = arith.constant 0 : i32
      %dma_wait3A_334 = arith.constant 0 : i32
      %dma_wait3A_335 = tpu.memref_slice %arg2[%dma_wait3A_333, %dma_wait3A_334] : memref<10000x64xbf16, #tpu.memory_space<hbm>> -> memref<10000x64xbf16, #tpu.memory_space<hbm>>
      tpu.wait_indirect_dma semaphore(%arg18 : memref<!tpu.dma_semaphore, #tpu.memory_space<semaphore_mem>>) src(%dma_wait3A_335 : memref<10000x64xbf16, #tpu.memory_space<hbm>>) dst(%arg12 : memref<80x64xbf16, #tpu.memory_space<vmem>>)
      %dma_start3A_336 = arith.constant 160 : i32
      %dma_start3A_337 = tpu.memref_slice %arg8[%dma_start3A_336] : memref<400xi32, #tpu.memory_space<vmem>> -> memref<80xi32, #tpu.memory_space<vmem>>
      %dma_start3A_338 = arith.constant 0 : i32
      %dma_start3A_339 = arith.constant 0 : i32
      %dma_start3A_340 = tpu.memref_slice %arg15[%dma_start3A_338, %dma_start3A_339] : memref<10240x64xbf16, #tpu.memory_space<vmem_shared>> -> memref<10240x64xbf16, #tpu.memory_space<vmem_shared>>
      tpu.enqueue_indirect_dma source(%arg12 : memref<80x64xbf16, #tpu.memory_space<vmem>>) target(%dma_start3A_340 : memref<10240x64xbf16, #tpu.memory_space<vmem_shared>>) offsets(%dma_start3A_337 : memref<80xi32, #tpu.memory_space<vmem>>) semaphore(%arg23 : memref<!tpu.dma_semaphore, #tpu.memory_space<semaphore_mem>>) {add = true}
      %dma_wait3A_341 = arith.constant 240 : i32
      %dma_wait3A_342 = tpu.memref_slice %arg6[%dma_wait3A_341] : memref<400xi32, #tpu.memory_space<vmem>> -> memref<80xi32, #tpu.memory_space<vmem>>
      %dma_wait3A_343 = arith.constant 0 : i32
      %dma_wait3A_344 = arith.constant 0 : i32
      %dma_wait3A_345 = tpu.memref_slice %arg2[%dma_wait3A_343, %dma_wait3A_344] : memref<10000x64xbf16, #tpu.memory_space<hbm>> -> memref<10000x64xbf16, #tpu.memory_space<hbm>>
      tpu.wait_indirect_dma semaphore(%arg19 : memref<!tpu.dma_semaphore, #tpu.memory_space<semaphore_mem>>) src(%dma_wait3A_345 : memref<10000x64xbf16, #tpu.memory_space<hbm>>) dst(%arg13 : memref<80x64xbf16, #tpu.memory_space<vmem>>)
      %dma_start3A_346 = arith.constant 240 : i32
      %dma_start3A_347 = tpu.memref_slice %arg8[%dma_start3A_346] : memref<400xi32, #tpu.memory_space<vmem>> -> memref<80xi32, #tpu.memory_space<vmem>>
      %dma_start3A_348 = arith.constant 0 : i32
      %dma_start3A_349 = arith.constant 0 : i32
      %dma_start3A_350 = tpu.memref_slice %arg15[%dma_start3A_348, %dma_start3A_349] : memref<10240x64xbf16, #tpu.memory_space<vmem_shared>> -> memref<10240x64xbf16, #tpu.memory_space<vmem_shared>>
      tpu.enqueue_indirect_dma source(%arg13 : memref<80x64xbf16, #tpu.memory_space<vmem>>) target(%dma_start3A_350 : memref<10240x64xbf16, #tpu.memory_space<vmem_shared>>) offsets(%dma_start3A_347 : memref<80xi32, #tpu.memory_space<vmem>>) semaphore(%arg24 : memref<!tpu.dma_semaphore, #tpu.memory_space<semaphore_mem>>) {add = true}
      %dma_wait3A_351 = arith.constant 320 : i32
      %dma_wait3A_352 = tpu.memref_slice %arg6[%dma_wait3A_351] : memref<400xi32, #tpu.memory_space<vmem>> -> memref<80xi32, #tpu.memory_space<vmem>>
      %dma_wait3A_353 = arith.constant 0 : i32
      %dma_wait3A_354 = arith.constant 0 : i32
      %dma_wait3A_355 = tpu.memref_slice %arg2[%dma_wait3A_353, %dma_wait3A_354] : memref<10000x64xbf16, #tpu.memory_space<hbm>> -> memref<10000x64xbf16, #tpu.memory_space<hbm>>
      tpu.wait_indirect_dma semaphore(%arg20 : memref<!tpu.dma_semaphore, #tpu.memory_space<semaphore_mem>>) src(%dma_wait3A_355 : memref<10000x64xbf16, #tpu.memory_space<hbm>>) dst(%arg14 : memref<80x64xbf16, #tpu.memory_space<vmem>>)
      %dma_start3A_356 = arith.constant 320 : i32
      %dma_start3A_357 = tpu.memref_slice %arg8[%dma_start3A_356] : memref<400xi32, #tpu.memory_space<vmem>> -> memref<80xi32, #tpu.memory_space<vmem>>
      %dma_start3A_358 = arith.constant 0 : i32
      %dma_start3A_359 = arith.constant 0 : i32
      %dma_start3A_360 = tpu.memref_slice %arg15[%dma_start3A_358, %dma_start3A_359] : memref<10240x64xbf16, #tpu.memory_space<vmem_shared>> -> memref<10240x64xbf16, #tpu.memory_space<vmem_shared>>
      tpu.enqueue_indirect_dma source(%arg14 : memref<80x64xbf16, #tpu.memory_space<vmem>>) target(%dma_start3A_360 : memref<10240x64xbf16, #tpu.memory_space<vmem_shared>>) offsets(%dma_start3A_357 : memref<80xi32, #tpu.memory_space<vmem>>) semaphore(%arg25 : memref<!tpu.dma_semaphore, #tpu.memory_space<semaphore_mem>>) {add = true}
      %dma_wait3A_361 = arith.constant 0 : i32
      %dma_wait3A_362 = tpu.memref_slice %arg3[%dma_wait3A_361, %min3A_300] : memref<2x320000xi32, #tpu.memory_space<hbm>> -> memref<1x400xi32, #tpu.memory_space<hbm>>
      %dma_wait3A_363 = tpu.memref_squeeze %dma_wait3A_362 : memref<1x400xi32, #tpu.memory_space<hbm>> -> memref<400xi32, #tpu.memory_space<hbm>>
      %dma_wait3A_364 = tpu.memref_slice %arg3[%dma_wait3A_361, %min3A_300] : memref<2x320000xi32, #tpu.memory_space<hbm>> -> memref<1x400xi32, #tpu.memory_space<hbm>>
      %dma_wait3A_365 = tpu.memref_squeeze %dma_wait3A_364 : memref<1x400xi32, #tpu.memory_space<hbm>> -> memref<400xi32, #tpu.memory_space<hbm>>
      tpu.wait_dma2 semaphore(%arg27 : memref<!tpu.dma_semaphore, #tpu.memory_space<semaphore_mem>>) src(%dma_wait3A_365 : memref<400xi32, #tpu.memory_space<hbm>>) dst(%arg7 : memref<400xi32, #tpu.memory_space<vmem>>)
      %dma_wait3A_366 = arith.constant 1 : i32
      %dma_wait3A_367 = tpu.memref_slice %arg3[%dma_wait3A_366, %min3A_300] : memref<2x320000xi32, #tpu.memory_space<hbm>> -> memref<1x400xi32, #tpu.memory_space<hbm>>
      %dma_wait3A_368 = tpu.memref_squeeze %dma_wait3A_367 : memref<1x400xi32, #tpu.memory_space<hbm>> -> memref<400xi32, #tpu.memory_space<hbm>>
      %dma_wait3A_369 = tpu.memref_slice %arg3[%dma_wait3A_366, %min3A_300] : memref<2x320000xi32, #tpu.memory_space<hbm>> -> memref<1x400xi32, #tpu.memory_space<hbm>>
      %dma_wait3A_370 = tpu.memref_squeeze %dma_wait3A_369 : memref<1x400xi32, #tpu.memory_space<hbm>> -> memref<400xi32, #tpu.memory_space<hbm>>
      tpu.wait_dma2 semaphore(%arg27 : memref<!tpu.dma_semaphore, #tpu.memory_space<semaphore_mem>>) src(%dma_wait3A_370 : memref<400xi32, #tpu.memory_space<hbm>>) dst(%arg9 : memref<400xi32, #tpu.memory_space<vmem>>)
      %mul3A_371 = arith.constant 2 : i32
      %mul3A_372 = arith.muli %mul3A_371, %scan3A_233 : i32
      %add3A_373 = arith.constant 1 : i32
      %add3A_374 = arith.addi %mul3A_372, %add3A_373 : i32
      %dma_wait3A_375 = arith.constant 0 : i32
      %dma_wait3A_376 = arith.constant 0 : i32
      %dma_wait3A_377 = tpu.memref_slice %arg2[%dma_wait3A_375, %dma_wait3A_376] : memref<10000x64xbf16, #tpu.memory_space<hbm>> -> memref<80x64xbf16, #tpu.memory_space<hbm>>
      %dma_wait3A_378 = arith.constant 0 : i32
      %dma_wait3A_379 = arith.constant 0 : i32
      %dma_wait3A_380 = tpu.memref_slice %arg2[%dma_wait3A_378, %dma_wait3A_379] : memref<10000x64xbf16, #tpu.memory_space<hbm>> -> memref<80x64xbf16, #tpu.memory_space<hbm>>
      tpu.wait_dma2 semaphore(%arg21 : memref<!tpu.dma_semaphore, #tpu.memory_space<semaphore_mem>>) src(%dma_wait3A_380 : memref<80x64xbf16, #tpu.memory_space<hbm>>) dst(%arg10 : memref<80x64xbf16, #tpu.memory_space<vmem>>)
      %dma_start3A_381 = arith.constant 0 : i32
      %dma_start3A_382 = tpu.memref_slice %arg7[%dma_start3A_381] : memref<400xi32, #tpu.memory_space<vmem>> -> memref<80xi32, #tpu.memory_space<vmem>>
      %dma_start3A_383 = arith.constant 0 : i32
      %dma_start3A_384 = arith.constant 0 : i32
      %dma_start3A_385 = tpu.memref_slice %arg2[%dma_start3A_383, %dma_start3A_384] : memref<10000x64xbf16, #tpu.memory_space<hbm>> -> memref<10000x64xbf16, #tpu.memory_space<hbm>>
      tpu.enqueue_indirect_dma source(%dma_start3A_385 : memref<10000x64xbf16, #tpu.memory_space<hbm>>) target(%arg10 : memref<80x64xbf16, #tpu.memory_space<vmem>>) offsets(%dma_start3A_382 : memref<80xi32, #tpu.memory_space<vmem>>) semaphore(%arg16 : memref<!tpu.dma_semaphore, #tpu.memory_space<semaphore_mem>>)
      %dma_wait3A_386 = arith.constant 0 : i32
      %dma_wait3A_387 = arith.constant 0 : i32
      %dma_wait3A_388 = tpu.memref_slice %arg2[%dma_wait3A_386, %dma_wait3A_387] : memref<10000x64xbf16, #tpu.memory_space<hbm>> -> memref<80x64xbf16, #tpu.memory_space<hbm>>
      %dma_wait3A_389 = arith.constant 0 : i32
      %dma_wait3A_390 = arith.constant 0 : i32
      %dma_wait3A_391 = tpu.memref_slice %arg2[%dma_wait3A_389, %dma_wait3A_390] : memref<10000x64xbf16, #tpu.memory_space<hbm>> -> memref<80x64xbf16, #tpu.memory_space<hbm>>
      tpu.wait_dma2 semaphore(%arg22 : memref<!tpu.dma_semaphore, #tpu.memory_space<semaphore_mem>>) src(%dma_wait3A_391 : memref<80x64xbf16, #tpu.memory_space<hbm>>) dst(%arg11 : memref<80x64xbf16, #tpu.memory_space<vmem>>)
      %dma_start3A_392 = arith.constant 80 : i32
      %dma_start3A_393 = tpu.memref_slice %arg7[%dma_start3A_392] : memref<400xi32, #tpu.memory_space<vmem>> -> memref<80xi32, #tpu.memory_space<vmem>>
      %dma_start3A_394 = arith.constant 0 : i32
      %dma_start3A_395 = arith.constant 0 : i32
      %dma_start3A_396 = tpu.memref_slice %arg2[%dma_start3A_394, %dma_start3A_395] : memref<10000x64xbf16, #tpu.memory_space<hbm>> -> memref<10000x64xbf16, #tpu.memory_space<hbm>>
      tpu.enqueue_indirect_dma source(%dma_start3A_396 : memref<10000x64xbf16, #tpu.memory_space<hbm>>) target(%arg11 : memref<80x64xbf16, #tpu.memory_space<vmem>>) offsets(%dma_start3A_393 : memref<80xi32, #tpu.memory_space<vmem>>) semaphore(%arg17 : memref<!tpu.dma_semaphore, #tpu.memory_space<semaphore_mem>>)
      %dma_wait3A_397 = arith.constant 0 : i32
      %dma_wait3A_398 = arith.constant 0 : i32
      %dma_wait3A_399 = tpu.memref_slice %arg2[%dma_wait3A_397, %dma_wait3A_398] : memref<10000x64xbf16, #tpu.memory_space<hbm>> -> memref<80x64xbf16, #tpu.memory_space<hbm>>
      %dma_wait3A_400 = arith.constant 0 : i32
      %dma_wait3A_401 = arith.constant 0 : i32
      %dma_wait3A_402 = tpu.memref_slice %arg2[%dma_wait3A_400, %dma_wait3A_401] : memref<10000x64xbf16, #tpu.memory_space<hbm>> -> memref<80x64xbf16, #tpu.memory_space<hbm>>
      tpu.wait_dma2 semaphore(%arg23 : memref<!tpu.dma_semaphore, #tpu.memory_space<semaphore_mem>>) src(%dma_wait3A_402 : memref<80x64xbf16, #tpu.memory_space<hbm>>) dst(%arg12 : memref<80x64xbf16, #tpu.memory_space<vmem>>)
      %dma_start3A_403 = arith.constant 160 : i32
      %dma_start3A_404 = tpu.memref_slice %arg7[%dma_start3A_403] : memref<400xi32, #tpu.memory_space<vmem>> -> memref<80xi32, #tpu.memory_space<vmem>>
      %dma_start3A_405 = arith.constant 0 : i32
      %dma_start3A_406 = arith.constant 0 : i32
      %dma_start3A_407 = tpu.memref_slice %arg2[%dma_start3A_405, %dma_start3A_406] : memref<10000x64xbf16, #tpu.memory_space<hbm>> -> memref<10000x64xbf16, #tpu.memory_space<hbm>>
      tpu.enqueue_indirect_dma source(%dma_start3A_407 : memref<10000x64xbf16, #tpu.memory_space<hbm>>) target(%arg12 : memref<80x64xbf16, #tpu.memory_space<vmem>>) offsets(%dma_start3A_404 : memref<80xi32, #tpu.memory_space<vmem>>) semaphore(%arg18 : memref<!tpu.dma_semaphore, #tpu.memory_space<semaphore_mem>>)
      %dma_wait3A_408 = arith.constant 0 : i32
      %dma_wait3A_409 = arith.constant 0 : i32
      %dma_wait3A_410 = tpu.memref_slice %arg2[%dma_wait3A_408, %dma_wait3A_409] : memref<10000x64xbf16, #tpu.memory_space<hbm>> -> memref<80x64xbf16, #tpu.memory_space<hbm>>
      %dma_wait3A_411 = arith.constant 0 : i32
      %dma_wait3A_412 = arith.constant 0 : i32
      %dma_wait3A_413 = tpu.memref_slice %arg2[%dma_wait3A_411, %dma_wait3A_412] : memref<10000x64xbf16, #tpu.memory_space<hbm>> -> memref<80x64xbf16, #tpu.memory_space<hbm>>
      tpu.wait_dma2 semaphore(%arg24 : memref<!tpu.dma_semaphore, #tpu.memory_space<semaphore_mem>>) src(%dma_wait3A_413 : memref<80x64xbf16, #tpu.memory_space<hbm>>) dst(%arg13 : memref<80x64xbf16, #tpu.memory_space<vmem>>)
      %dma_start3A_414 = arith.constant 240 : i32
      %dma_start3A_415 = tpu.memref_slice %arg7[%dma_start3A_414] : memref<400xi32, #tpu.memory_space<vmem>> -> memref<80xi32, #tpu.memory_space<vmem>>
      %dma_start3A_416 = arith.constant 0 : i32
      %dma_start3A_417 = arith.constant 0 : i32
      %dma_start3A_418 = tpu.memref_slice %arg2[%dma_start3A_416, %dma_start3A_417] : memref<10000x64xbf16, #tpu.memory_space<hbm>> -> memref<10000x64xbf16, #tpu.memory_space<hbm>>
      tpu.enqueue_indirect_dma source(%dma_start3A_418 : memref<10000x64xbf16, #tpu.memory_space<hbm>>) target(%arg13 : memref<80x64xbf16, #tpu.memory_space<vmem>>) offsets(%dma_start3A_415 : memref<80xi32, #tpu.memory_space<vmem>>) semaphore(%arg19 : memref<!tpu.dma_semaphore, #tpu.memory_space<semaphore_mem>>)
      %dma_wait3A_419 = arith.constant 0 : i32
      %dma_wait3A_420 = arith.constant 0 : i32
      %dma_wait3A_421 = tpu.memref_slice %arg2[%dma_wait3A_419, %dma_wait3A_420] : memref<10000x64xbf16, #tpu.memory_space<hbm>> -> memref<80x64xbf16, #tpu.memory_space<hbm>>
      %dma_wait3A_422 = arith.constant 0 : i32
      %dma_wait3A_423 = arith.constant 0 : i32
      %dma_wait3A_424 = tpu.memref_slice %arg2[%dma_wait3A_422, %dma_wait3A_423] : memref<10000x64xbf16, #tpu.memory_space<hbm>> -> memref<80x64xbf16, #tpu.memory_space<hbm>>
      tpu.wait_dma2 semaphore(%arg25 : memref<!tpu.dma_semaphore, #tpu.memory_space<semaphore_mem>>) src(%dma_wait3A_424 : memref<80x64xbf16, #tpu.memory_space<hbm>>) dst(%arg14 : memref<80x64xbf16, #tpu.memory_space<vmem>>)
      %dma_start3A_425 = arith.constant 320 : i32
      %dma_start3A_426 = tpu.memref_slice %arg7[%dma_start3A_425] : memref<400xi32, #tpu.memory_space<vmem>> -> memref<80xi32, #tpu.memory_space<vmem>>
      %dma_start3A_427 = arith.constant 0 : i32
      %dma_start3A_428 = arith.constant 0 : i32
      %dma_start3A_429 = tpu.memref_slice %arg2[%dma_start3A_427, %dma_start3A_428] : memref<10000x64xbf16, #tpu.memory_space<hbm>> -> memref<10000x64xbf16, #tpu.memory_space<hbm>>
      tpu.enqueue_indirect_dma source(%dma_start3A_429 : memref<10000x64xbf16, #tpu.memory_space<hbm>>) target(%arg14 : memref<80x64xbf16, #tpu.memory_space<vmem>>) offsets(%dma_start3A_426 : memref<80xi32, #tpu.memory_space<vmem>>) semaphore(%arg20 : memref<!tpu.dma_semaphore, #tpu.memory_space<semaphore_mem>>)
      %add3A_430 = arith.constant 1 : i32
      %add3A_431 = arith.addi %add3A_374, %add3A_430 : i32
      %mul3A_432 = arith.constant 5 : i32
      %mul3A_433 = arith.muli %add3A_431, %mul3A_432 : i32
      %mul3A_434 = arith.constant 80 : i32
      %mul3A_435 = arith.muli %mul3A_433, %mul3A_434 : i32
      %add3A_436 = arith.addi %mul3A_7, %mul3A_435 : i32
      %min3A_437 = arith.constant 319600 : i32
      %min3A_438 = arith.minsi %add3A_436, %min3A_437 : i32
      %dma_start3A_439 = arith.constant 0 : i32
      %dma_start3A_440 = tpu.memref_slice %arg3[%dma_start3A_439, %min3A_438] : memref<2x320000xi32, #tpu.memory_space<hbm>> -> memref<1x400xi32, #tpu.memory_space<hbm>>
      %dma_start3A_441 = tpu.memref_squeeze %dma_start3A_440 : memref<1x400xi32, #tpu.memory_space<hbm>> -> memref<400xi32, #tpu.memory_space<hbm>>
      %dma_start3A_442 = tpu.memref_slice %arg3[%dma_start3A_439, %min3A_438] : memref<2x320000xi32, #tpu.memory_space<hbm>> -> memref<1x400xi32, #tpu.memory_space<hbm>>
      %dma_start3A_443 = tpu.memref_squeeze %dma_start3A_442 : memref<1x400xi32, #tpu.memory_space<hbm>> -> memref<400xi32, #tpu.memory_space<hbm>>
      tpu.enqueue_dma source(%dma_start3A_443 : memref<400xi32, #tpu.memory_space<hbm>>) target(%arg6 : memref<400xi32, #tpu.memory_space<vmem>>) target_semaphore(%arg26 : memref<!tpu.dma_semaphore, #tpu.memory_space<semaphore_mem>>)
      %dma_start3A_444 = arith.constant 1 : i32
      %dma_start3A_445 = tpu.memref_slice %arg3[%dma_start3A_444, %min3A_438] : memref<2x320000xi32, #tpu.memory_space<hbm>> -> memref<1x400xi32, #tpu.memory_space<hbm>>
      %dma_start3A_446 = tpu.memref_squeeze %dma_start3A_445 : memref<1x400xi32, #tpu.memory_space<hbm>> -> memref<400xi32, #tpu.memory_space<hbm>>
      %dma_start3A_447 = tpu.memref_slice %arg3[%dma_start3A_444, %min3A_438] : memref<2x320000xi32, #tpu.memory_space<hbm>> -> memref<1x400xi32, #tpu.memory_space<hbm>>
      %dma_start3A_448 = tpu.memref_squeeze %dma_start3A_447 : memref<1x400xi32, #tpu.memory_space<hbm>> -> memref<400xi32, #tpu.memory_space<hbm>>
      tpu.enqueue_dma source(%dma_start3A_448 : memref<400xi32, #tpu.memory_space<hbm>>) target(%arg8 : memref<400xi32, #tpu.memory_space<vmem>>) target_semaphore(%arg26 : memref<!tpu.dma_semaphore, #tpu.memory_space<semaphore_mem>>)
      %dma_wait3A_449 = arith.constant 0 : i32
      %dma_wait3A_450 = tpu.memref_slice %arg7[%dma_wait3A_449] : memref<400xi32, #tpu.memory_space<vmem>> -> memref<80xi32, #tpu.memory_space<vmem>>
      %dma_wait3A_451 = arith.constant 0 : i32
      %dma_wait3A_452 = arith.constant 0 : i32
      %dma_wait3A_453 = tpu.memref_slice %arg2[%dma_wait3A_451, %dma_wait3A_452] : memref<10000x64xbf16, #tpu.memory_space<hbm>> -> memref<10000x64xbf16, #tpu.memory_space<hbm>>
      tpu.wait_indirect_dma semaphore(%arg16 : memref<!tpu.dma_semaphore, #tpu.memory_space<semaphore_mem>>) src(%dma_wait3A_453 : memref<10000x64xbf16, #tpu.memory_space<hbm>>) dst(%arg10 : memref<80x64xbf16, #tpu.memory_space<vmem>>)
      %dma_start3A_454 = arith.constant 0 : i32
      %dma_start3A_455 = tpu.memref_slice %arg9[%dma_start3A_454] : memref<400xi32, #tpu.memory_space<vmem>> -> memref<80xi32, #tpu.memory_space<vmem>>
      %dma_start3A_456 = arith.constant 0 : i32
      %dma_start3A_457 = arith.constant 0 : i32
      %dma_start3A_458 = tpu.memref_slice %arg15[%dma_start3A_456, %dma_start3A_457] : memref<10240x64xbf16, #tpu.memory_space<vmem_shared>> -> memref<10240x64xbf16, #tpu.memory_space<vmem_shared>>
      tpu.enqueue_indirect_dma source(%arg10 : memref<80x64xbf16, #tpu.memory_space<vmem>>) target(%dma_start3A_458 : memref<10240x64xbf16, #tpu.memory_space<vmem_shared>>) offsets(%dma_start3A_455 : memref<80xi32, #tpu.memory_space<vmem>>) semaphore(%arg21 : memref<!tpu.dma_semaphore, #tpu.memory_space<semaphore_mem>>) {add = true}
      %dma_wait3A_459 = arith.constant 80 : i32
      %dma_wait3A_460 = tpu.memref_slice %arg7[%dma_wait3A_459] : memref<400xi32, #tpu.memory_space<vmem>> -> memref<80xi32, #tpu.memory_space<vmem>>
      %dma_wait3A_461 = arith.constant 0 : i32
      %dma_wait3A_462 = arith.constant 0 : i32
      %dma_wait3A_463 = tpu.memref_slice %arg2[%dma_wait3A_461, %dma_wait3A_462] : memref<10000x64xbf16, #tpu.memory_space<hbm>> -> memref<10000x64xbf16, #tpu.memory_space<hbm>>
      tpu.wait_indirect_dma semaphore(%arg17 : memref<!tpu.dma_semaphore, #tpu.memory_space<semaphore_mem>>) src(%dma_wait3A_463 : memref<10000x64xbf16, #tpu.memory_space<hbm>>) dst(%arg11 : memref<80x64xbf16, #tpu.memory_space<vmem>>)
      %dma_start3A_464 = arith.constant 80 : i32
      %dma_start3A_465 = tpu.memref_slice %arg9[%dma_start3A_464] : memref<400xi32, #tpu.memory_space<vmem>> -> memref<80xi32, #tpu.memory_space<vmem>>
      %dma_start3A_466 = arith.constant 0 : i32
      %dma_start3A_467 = arith.constant 0 : i32
      %dma_start3A_468 = tpu.memref_slice %arg15[%dma_start3A_466, %dma_start3A_467] : memref<10240x64xbf16, #tpu.memory_space<vmem_shared>> -> memref<10240x64xbf16, #tpu.memory_space<vmem_shared>>
      tpu.enqueue_indirect_dma source(%arg11 : memref<80x64xbf16, #tpu.memory_space<vmem>>) target(%dma_start3A_468 : memref<10240x64xbf16, #tpu.memory_space<vmem_shared>>) offsets(%dma_start3A_465 : memref<80xi32, #tpu.memory_space<vmem>>) semaphore(%arg22 : memref<!tpu.dma_semaphore, #tpu.memory_space<semaphore_mem>>) {add = true}
      %dma_wait3A_469 = arith.constant 160 : i32
      %dma_wait3A_470 = tpu.memref_slice %arg7[%dma_wait3A_469] : memref<400xi32, #tpu.memory_space<vmem>> -> memref<80xi32, #tpu.memory_space<vmem>>
      %dma_wait3A_471 = arith.constant 0 : i32
      %dma_wait3A_472 = arith.constant 0 : i32
      %dma_wait3A_473 = tpu.memref_slice %arg2[%dma_wait3A_471, %dma_wait3A_472] : memref<10000x64xbf16, #tpu.memory_space<hbm>> -> memref<10000x64xbf16, #tpu.memory_space<hbm>>
      tpu.wait_indirect_dma semaphore(%arg18 : memref<!tpu.dma_semaphore, #tpu.memory_space<semaphore_mem>>) src(%dma_wait3A_473 : memref<10000x64xbf16, #tpu.memory_space<hbm>>) dst(%arg12 : memref<80x64xbf16, #tpu.memory_space<vmem>>)
      %dma_start3A_474 = arith.constant 160 : i32
      %dma_start3A_475 = tpu.memref_slice %arg9[%dma_start3A_474] : memref<400xi32, #tpu.memory_space<vmem>> -> memref<80xi32, #tpu.memory_space<vmem>>
      %dma_start3A_476 = arith.constant 0 : i32
      %dma_start3A_477 = arith.constant 0 : i32
      %dma_start3A_478 = tpu.memref_slice %arg15[%dma_start3A_476, %dma_start3A_477] : memref<10240x64xbf16, #tpu.memory_space<vmem_shared>> -> memref<10240x64xbf16, #tpu.memory_space<vmem_shared>>
      tpu.enqueue_indirect_dma source(%arg12 : memref<80x64xbf16, #tpu.memory_space<vmem>>) target(%dma_start3A_478 : memref<10240x64xbf16, #tpu.memory_space<vmem_shared>>) offsets(%dma_start3A_475 : memref<80xi32, #tpu.memory_space<vmem>>) semaphore(%arg23 : memref<!tpu.dma_semaphore, #tpu.memory_space<semaphore_mem>>) {add = true}
      %dma_wait3A_479 = arith.constant 240 : i32
      %dma_wait3A_480 = tpu.memref_slice %arg7[%dma_wait3A_479] : memref<400xi32, #tpu.memory_space<vmem>> -> memref<80xi32, #tpu.memory_space<vmem>>
      %dma_wait3A_481 = arith.constant 0 : i32
      %dma_wait3A_482 = arith.constant 0 : i32
      %dma_wait3A_483 = tpu.memref_slice %arg2[%dma_wait3A_481, %dma_wait3A_482] : memref<10000x64xbf16, #tpu.memory_space<hbm>> -> memref<10000x64xbf16, #tpu.memory_space<hbm>>
      tpu.wait_indirect_dma semaphore(%arg19 : memref<!tpu.dma_semaphore, #tpu.memory_space<semaphore_mem>>) src(%dma_wait3A_483 : memref<10000x64xbf16, #tpu.memory_space<hbm>>) dst(%arg13 : memref<80x64xbf16, #tpu.memory_space<vmem>>)
      %dma_start3A_484 = arith.constant 240 : i32
      %dma_start3A_485 = tpu.memref_slice %arg9[%dma_start3A_484] : memref<400xi32, #tpu.memory_space<vmem>> -> memref<80xi32, #tpu.memory_space<vmem>>
      %dma_start3A_486 = arith.constant 0 : i32
      %dma_start3A_487 = arith.constant 0 : i32
      %dma_start3A_488 = tpu.memref_slice %arg15[%dma_start3A_486, %dma_start3A_487] : memref<10240x64xbf16, #tpu.memory_space<vmem_shared>> -> memref<10240x64xbf16, #tpu.memory_space<vmem_shared>>
      tpu.enqueue_indirect_dma source(%arg13 : memref<80x64xbf16, #tpu.memory_space<vmem>>) target(%dma_start3A_488 : memref<10240x64xbf16, #tpu.memory_space<vmem_shared>>) offsets(%dma_start3A_485 : memref<80xi32, #tpu.memory_space<vmem>>) semaphore(%arg24 : memref<!tpu.dma_semaphore, #tpu.memory_space<semaphore_mem>>) {add = true}
      %dma_wait3A_489 = arith.constant 320 : i32
      %dma_wait3A_490 = tpu.memref_slice %arg7[%dma_wait3A_489] : memref<400xi32, #tpu.memory_space<vmem>> -> memref<80xi32, #tpu.memory_space<vmem>>
      %dma_wait3A_491 = arith.constant 0 : i32
      %dma_wait3A_492 = arith.constant 0 : i32
      %dma_wait3A_493 = tpu.memref_slice %arg2[%dma_wait3A_491, %dma_wait3A_492] : memref<10000x64xbf16, #tpu.memory_space<hbm>> -> memref<10000x64xbf16, #tpu.memory_space<hbm>>
      tpu.wait_indirect_dma semaphore(%arg20 : memref<!tpu.dma_semaphore, #tpu.memory_space<semaphore_mem>>) src(%dma_wait3A_493 : memref<10000x64xbf16, #tpu.memory_space<hbm>>) dst(%arg14 : memref<80x64xbf16, #tpu.memory_space<vmem>>)
      %dma_start3A_494 = arith.constant 320 : i32
      %dma_start3A_495 = tpu.memref_slice %arg9[%dma_start3A_494] : memref<400xi32, #tpu.memory_space<vmem>> -> memref<80xi32, #tpu.memory_space<vmem>>
      %dma_start3A_496 = arith.constant 0 : i32
      %dma_start3A_497 = arith.constant 0 : i32
      %dma_start3A_498 = tpu.memref_slice %arg15[%dma_start3A_496, %dma_start3A_497] : memref<10240x64xbf16, #tpu.memory_space<vmem_shared>> -> memref<10240x64xbf16, #tpu.memory_space<vmem_shared>>
      tpu.enqueue_indirect_dma source(%arg14 : memref<80x64xbf16, #tpu.memory_space<vmem>>) target(%dma_start3A_498 : memref<10240x64xbf16, #tpu.memory_space<vmem_shared>>) offsets(%dma_start3A_495 : memref<80xi32, #tpu.memory_space<vmem>>) semaphore(%arg25 : memref<!tpu.dma_semaphore, #tpu.memory_space<semaphore_mem>>) {add = true}
      %dma_wait3A_499 = arith.constant 0 : i32
      %dma_wait3A_500 = tpu.memref_slice %arg3[%dma_wait3A_499, %min3A_438] : memref<2x320000xi32, #tpu.memory_space<hbm>> -> memref<1x400xi32, #tpu.memory_space<hbm>>
      %dma_wait3A_501 = tpu.memref_squeeze %dma_wait3A_500 : memref<1x400xi32, #tpu.memory_space<hbm>> -> memref<400xi32, #tpu.memory_space<hbm>>
      %dma_wait3A_502 = tpu.memref_slice %arg3[%dma_wait3A_499, %min3A_438] : memref<2x320000xi32, #tpu.memory_space<hbm>> -> memref<1x400xi32, #tpu.memory_space<hbm>>
      %dma_wait3A_503 = tpu.memref_squeeze %dma_wait3A_502 : memref<1x400xi32, #tpu.memory_space<hbm>> -> memref<400xi32, #tpu.memory_space<hbm>>
      tpu.wait_dma2 semaphore(%arg26 : memref<!tpu.dma_semaphore, #tpu.memory_space<semaphore_mem>>) src(%dma_wait3A_503 : memref<400xi32, #tpu.memory_space<hbm>>) dst(%arg6 : memref<400xi32, #tpu.memory_space<vmem>>)
      %dma_wait3A_504 = arith.constant 1 : i32
      %dma_wait3A_505 = tpu.memref_slice %arg3[%dma_wait3A_504, %min3A_438] : memref<2x320000xi32, #tpu.memory_space<hbm>> -> memref<1x400xi32, #tpu.memory_space<hbm>>
      %dma_wait3A_506 = tpu.memref_squeeze %dma_wait3A_505 : memref<1x400xi32, #tpu.memory_space<hbm>> -> memref<400xi32, #tpu.memory_space<hbm>>
      %dma_wait3A_507 = tpu.memref_slice %arg3[%dma_wait3A_504, %min3A_438] : memref<2x320000xi32, #tpu.memory_space<hbm>> -> memref<1x400xi32, #tpu.memory_space<hbm>>
      %dma_wait3A_508 = tpu.memref_squeeze %dma_wait3A_507 : memref<1x400xi32, #tpu.memory_space<hbm>> -> memref<400xi32, #tpu.memory_space<hbm>>
      tpu.wait_dma2 semaphore(%arg26 : memref<!tpu.dma_semaphore, #tpu.memory_space<semaphore_mem>>) src(%dma_wait3A_508 : memref<400xi32, #tpu.memory_space<hbm>>) dst(%arg8 : memref<400xi32, #tpu.memory_space<vmem>>)
      %scan3A_509 = arith.constant 0 : i32
      scf.yield %scan3A_509 : i32
    }
    %scan3A_68 = arith.constant 12 : i32
    %dma_wait3A_69 = arith.constant 0 : i32
    %dma_wait3A_70 = arith.constant 0 : i32
    %dma_wait3A_71 = tpu.memref_slice %arg2[%dma_wait3A_69, %dma_wait3A_70] : memref<10000x64xbf16, #tpu.memory_space<hbm>> -> memref<80x64xbf16, #tpu.memory_space<hbm>>
    %dma_wait3A_72 = arith.constant 0 : i32
    %dma_wait3A_73 = arith.constant 0 : i32
    %dma_wait3A_74 = tpu.memref_slice %arg2[%dma_wait3A_72, %dma_wait3A_73] : memref<10000x64xbf16, #tpu.memory_space<hbm>> -> memref<80x64xbf16, #tpu.memory_space<hbm>>
    tpu.wait_dma2 semaphore(%arg21 : memref<!tpu.dma_semaphore, #tpu.memory_space<semaphore_mem>>) src(%dma_wait3A_74 : memref<80x64xbf16, #tpu.memory_space<hbm>>) dst(%arg10 : memref<80x64xbf16, #tpu.memory_space<vmem>>)
    %dma_start3A_75 = arith.constant 0 : i32
    %dma_start3A_76 = tpu.memref_slice %arg6[%dma_start3A_75] : memref<400xi32, #tpu.memory_space<vmem>> -> memref<80xi32, #tpu.memory_space<vmem>>
    %dma_start3A_77 = arith.constant 0 : i32
    %dma_start3A_78 = arith.constant 0 : i32
    %dma_start3A_79 = tpu.memref_slice %arg2[%dma_start3A_77, %dma_start3A_78] : memref<10000x64xbf16, #tpu.memory_space<hbm>> -> memref<10000x64xbf16, #tpu.memory_space<hbm>>
    tpu.enqueue_indirect_dma source(%dma_start3A_79 : memref<10000x64xbf16, #tpu.memory_space<hbm>>) target(%arg10 : memref<80x64xbf16, #tpu.memory_space<vmem>>) offsets(%dma_start3A_76 : memref<80xi32, #tpu.memory_space<vmem>>) semaphore(%arg16 : memref<!tpu.dma_semaphore, #tpu.memory_space<semaphore_mem>>)
    %dma_wait3A_80 = arith.constant 0 : i32
    %dma_wait3A_81 = arith.constant 0 : i32
    %dma_wait3A_82 = tpu.memref_slice %arg2[%dma_wait3A_80, %dma_wait3A_81] : memref<10000x64xbf16, #tpu.memory_space<hbm>> -> memref<80x64xbf16, #tpu.memory_space<hbm>>
    %dma_wait3A_83 = arith.constant 0 : i32
    %dma_wait3A_84 = arith.constant 0 : i32
    %dma_wait3A_85 = tpu.memref_slice %arg2[%dma_wait3A_83, %dma_wait3A_84] : memref<10000x64xbf16, #tpu.memory_space<hbm>> -> memref<80x64xbf16, #tpu.memory_space<hbm>>
    tpu.wait_dma2 semaphore(%arg22 : memref<!tpu.dma_semaphore, #tpu.memory_space<semaphore_mem>>) src(%dma_wait3A_85 : memref<80x64xbf16, #tpu.memory_space<hbm>>) dst(%arg11 : memref<80x64xbf16, #tpu.memory_space<vmem>>)
    %dma_start3A_86 = arith.constant 80 : i32
    %dma_start3A_87 = tpu.memref_slice %arg6[%dma_start3A_86] : memref<400xi32, #tpu.memory_space<vmem>> -> memref<80xi32, #tpu.memory_space<vmem>>
    %dma_start3A_88 = arith.constant 0 : i32
    %dma_start3A_89 = arith.constant 0 : i32
    %dma_start3A_90 = tpu.memref_slice %arg2[%dma_start3A_88, %dma_start3A_89] : memref<10000x64xbf16, #tpu.memory_space<hbm>> -> memref<10000x64xbf16, #tpu.memory_space<hbm>>
    tpu.enqueue_indirect_dma source(%dma_start3A_90 : memref<10000x64xbf16, #tpu.memory_space<hbm>>) target(%arg11 : memref<80x64xbf16, #tpu.memory_space<vmem>>) offsets(%dma_start3A_87 : memref<80xi32, #tpu.memory_space<vmem>>) semaphore(%arg17 : memref<!tpu.dma_semaphore, #tpu.memory_space<semaphore_mem>>)
    %dma_wait3A_91 = arith.constant 0 : i32
    %dma_wait3A_92 = arith.constant 0 : i32
    %dma_wait3A_93 = tpu.memref_slice %arg2[%dma_wait3A_91, %dma_wait3A_92] : memref<10000x64xbf16, #tpu.memory_space<hbm>> -> memref<80x64xbf16, #tpu.memory_space<hbm>>
    %dma_wait3A_94 = arith.constant 0 : i32
    %dma_wait3A_95 = arith.constant 0 : i32
    %dma_wait3A_96 = tpu.memref_slice %arg2[%dma_wait3A_94, %dma_wait3A_95] : memref<10000x64xbf16, #tpu.memory_space<hbm>> -> memref<80x64xbf16, #tpu.memory_space<hbm>>
    tpu.wait_dma2 semaphore(%arg23 : memref<!tpu.dma_semaphore, #tpu.memory_space<semaphore_mem>>) src(%dma_wait3A_96 : memref<80x64xbf16, #tpu.memory_space<hbm>>) dst(%arg12 : memref<80x64xbf16, #tpu.memory_space<vmem>>)
    %dma_start3A_97 = arith.constant 160 : i32
    %dma_start3A_98 = tpu.memref_slice %arg6[%dma_start3A_97] : memref<400xi32, #tpu.memory_space<vmem>> -> memref<80xi32, #tpu.memory_space<vmem>>
    %dma_start3A_99 = arith.constant 0 : i32
    %dma_start3A_100 = arith.constant 0 : i32
    %dma_start3A_101 = tpu.memref_slice %arg2[%dma_start3A_99, %dma_start3A_100] : memref<10000x64xbf16, #tpu.memory_space<hbm>> -> memref<10000x64xbf16, #tpu.memory_space<hbm>>
    tpu.enqueue_indirect_dma source(%dma_start3A_101 : memref<10000x64xbf16, #tpu.memory_space<hbm>>) target(%arg12 : memref<80x64xbf16, #tpu.memory_space<vmem>>) offsets(%dma_start3A_98 : memref<80xi32, #tpu.memory_space<vmem>>) semaphore(%arg18 : memref<!tpu.dma_semaphore, #tpu.memory_space<semaphore_mem>>)
    %dma_wait3A_102 = arith.constant 0 : i32
    %dma_wait3A_103 = arith.constant 0 : i32
    %dma_wait3A_104 = tpu.memref_slice %arg2[%dma_wait3A_102, %dma_wait3A_103] : memref<10000x64xbf16, #tpu.memory_space<hbm>> -> memref<80x64xbf16, #tpu.memory_space<hbm>>
    %dma_wait3A_105 = arith.constant 0 : i32
    %dma_wait3A_106 = arith.constant 0 : i32
    %dma_wait3A_107 = tpu.memref_slice %arg2[%dma_wait3A_105, %dma_wait3A_106] : memref<10000x64xbf16, #tpu.memory_space<hbm>> -> memref<80x64xbf16, #tpu.memory_space<hbm>>
    tpu.wait_dma2 semaphore(%arg24 : memref<!tpu.dma_semaphore, #tpu.memory_space<semaphore_mem>>) src(%dma_wait3A_107 : memref<80x64xbf16, #tpu.memory_space<hbm>>) dst(%arg13 : memref<80x64xbf16, #tpu.memory_space<vmem>>)
    %dma_start3A_108 = arith.constant 240 : i32
    %dma_start3A_109 = tpu.memref_slice %arg6[%dma_start3A_108] : memref<400xi32, #tpu.memory_space<vmem>> -> memref<80xi32, #tpu.memory_space<vmem>>
    %dma_start3A_110 = arith.constant 0 : i32
    %dma_start3A_111 = arith.constant 0 : i32
    %dma_start3A_112 = tpu.memref_slice %arg2[%dma_start3A_110, %dma_start3A_111] : memref<10000x64xbf16, #tpu.memory_space<hbm>> -> memref<10000x64xbf16, #tpu.memory_space<hbm>>
    tpu.enqueue_indirect_dma source(%dma_start3A_112 : memref<10000x64xbf16, #tpu.memory_space<hbm>>) target(%arg13 : memref<80x64xbf16, #tpu.memory_space<vmem>>) offsets(%dma_start3A_109 : memref<80xi32, #tpu.memory_space<vmem>>) semaphore(%arg19 : memref<!tpu.dma_semaphore, #tpu.memory_space<semaphore_mem>>)
    %dma_wait3A_113 = arith.constant 0 : i32
    %dma_wait3A_114 = arith.constant 0 : i32
    %dma_wait3A_115 = tpu.memref_slice %arg2[%dma_wait3A_113, %dma_wait3A_114] : memref<10000x64xbf16, #tpu.memory_space<hbm>> -> memref<80x64xbf16, #tpu.memory_space<hbm>>
    %dma_wait3A_116 = arith.constant 0 : i32
    %dma_wait3A_117 = arith.constant 0 : i32
    %dma_wait3A_118 = tpu.memref_slice %arg2[%dma_wait3A_116, %dma_wait3A_117] : memref<10000x64xbf16, #tpu.memory_space<hbm>> -> memref<80x64xbf16, #tpu.memory_space<hbm>>
    tpu.wait_dma2 semaphore(%arg25 : memref<!tpu.dma_semaphore, #tpu.memory_space<semaphore_mem>>) src(%dma_wait3A_118 : memref<80x64xbf16, #tpu.memory_space<hbm>>) dst(%arg14 : memref<80x64xbf16, #tpu.memory_space<vmem>>)
    %dma_start3A_119 = arith.constant 320 : i32
    %dma_start3A_120 = tpu.memref_slice %arg6[%dma_start3A_119] : memref<400xi32, #tpu.memory_space<vmem>> -> memref<80xi32, #tpu.memory_space<vmem>>
    %dma_start3A_121 = arith.constant 0 : i32
    %dma_start3A_122 = arith.constant 0 : i32
    %dma_start3A_123 = tpu.memref_slice %arg2[%dma_start3A_121, %dma_start3A_122] : memref<10000x64xbf16, #tpu.memory_space<hbm>> -> memref<10000x64xbf16, #tpu.memory_space<hbm>>
    tpu.enqueue_indirect_dma source(%dma_start3A_123 : memref<10000x64xbf16, #tpu.memory_space<hbm>>) target(%arg14 : memref<80x64xbf16, #tpu.memory_space<vmem>>) offsets(%dma_start3A_120 : memref<80xi32, #tpu.memory_space<vmem>>) semaphore(%arg20 : memref<!tpu.dma_semaphore, #tpu.memory_space<semaphore_mem>>)
    %add3A_124 = arith.constant 10000 : i32
    %add3A_125 = arith.addi %mul3A_7, %add3A_124 : i32
    %min3A_126 = arith.constant 319600 : i32
    %min3A_127 = arith.minsi %add3A_125, %min3A_126 : i32
    %dma_start3A_128 = arith.constant 0 : i32
    %dma_start3A_129 = tpu.memref_slice %arg3[%dma_start3A_128, %min3A_127] : memref<2x320000xi32, #tpu.memory_space<hbm>> -> memref<1x400xi32, #tpu.memory_space<hbm>>
    %dma_start3A_130 = tpu.memref_squeeze %dma_start3A_129 : memref<1x400xi32, #tpu.memory_space<hbm>> -> memref<400xi32, #tpu.memory_space<hbm>>
    %dma_start3A_131 = tpu.memref_slice %arg3[%dma_start3A_128, %min3A_127] : memref<2x320000xi32, #tpu.memory_space<hbm>> -> memref<1x400xi32, #tpu.memory_space<hbm>>
    %dma_start3A_132 = tpu.memref_squeeze %dma_start3A_131 : memref<1x400xi32, #tpu.memory_space<hbm>> -> memref<400xi32, #tpu.memory_space<hbm>>
    tpu.enqueue_dma source(%dma_start3A_132 : memref<400xi32, #tpu.memory_space<hbm>>) target(%arg7 : memref<400xi32, #tpu.memory_space<vmem>>) target_semaphore(%arg27 : memref<!tpu.dma_semaphore, #tpu.memory_space<semaphore_mem>>)
    %dma_start3A_133 = arith.constant 1 : i32
    %dma_start3A_134 = tpu.memref_slice %arg3[%dma_start3A_133, %min3A_127] : memref<2x320000xi32, #tpu.memory_space<hbm>> -> memref<1x400xi32, #tpu.memory_space<hbm>>
    %dma_start3A_135 = tpu.memref_squeeze %dma_start3A_134 : memref<1x400xi32, #tpu.memory_space<hbm>> -> memref<400xi32, #tpu.memory_space<hbm>>
    %dma_start3A_136 = tpu.memref_slice %arg3[%dma_start3A_133, %min3A_127] : memref<2x320000xi32, #tpu.memory_space<hbm>> -> memref<1x400xi32, #tpu.memory_space<hbm>>
    %dma_start3A_137 = tpu.memref_squeeze %dma_start3A_136 : memref<1x400xi32, #tpu.memory_space<hbm>> -> memref<400xi32, #tpu.memory_space<hbm>>
    tpu.enqueue_dma source(%dma_start3A_137 : memref<400xi32, #tpu.memory_space<hbm>>) target(%arg9 : memref<400xi32, #tpu.memory_space<vmem>>) target_semaphore(%arg27 : memref<!tpu.dma_semaphore, #tpu.memory_space<semaphore_mem>>)
    %dma_wait3A_138 = arith.constant 0 : i32
    %dma_wait3A_139 = tpu.memref_slice %arg6[%dma_wait3A_138] : memref<400xi32, #tpu.memory_space<vmem>> -> memref<80xi32, #tpu.memory_space<vmem>>
    %dma_wait3A_140 = arith.constant 0 : i32
    %dma_wait3A_141 = arith.constant 0 : i32
    %dma_wait3A_142 = tpu.memref_slice %arg2[%dma_wait3A_140, %dma_wait3A_141] : memref<10000x64xbf16, #tpu.memory_space<hbm>> -> memref<10000x64xbf16, #tpu.memory_space<hbm>>
    tpu.wait_indirect_dma semaphore(%arg16 : memref<!tpu.dma_semaphore, #tpu.memory_space<semaphore_mem>>) src(%dma_wait3A_142 : memref<10000x64xbf16, #tpu.memory_space<hbm>>) dst(%arg10 : memref<80x64xbf16, #tpu.memory_space<vmem>>)
    %dma_start3A_143 = arith.constant 0 : i32
    %dma_start3A_144 = tpu.memref_slice %arg8[%dma_start3A_143] : memref<400xi32, #tpu.memory_space<vmem>> -> memref<80xi32, #tpu.memory_space<vmem>>
    %dma_start3A_145 = arith.constant 0 : i32
    %dma_start3A_146 = arith.constant 0 : i32
    %dma_start3A_147 = tpu.memref_slice %arg15[%dma_start3A_145, %dma_start3A_146] : memref<10240x64xbf16, #tpu.memory_space<vmem_shared>> -> memref<10240x64xbf16, #tpu.memory_space<vmem_shared>>
    tpu.enqueue_indirect_dma source(%arg10 : memref<80x64xbf16, #tpu.memory_space<vmem>>) target(%dma_start3A_147 : memref<10240x64xbf16, #tpu.memory_space<vmem_shared>>) offsets(%dma_start3A_144 : memref<80xi32, #tpu.memory_space<vmem>>) semaphore(%arg21 : memref<!tpu.dma_semaphore, #tpu.memory_space<semaphore_mem>>) {add = true}
    %dma_wait3A_148 = arith.constant 80 : i32
    %dma_wait3A_149 = tpu.memref_slice %arg6[%dma_wait3A_148] : memref<400xi32, #tpu.memory_space<vmem>> -> memref<80xi32, #tpu.memory_space<vmem>>
    %dma_wait3A_150 = arith.constant 0 : i32
    %dma_wait3A_151 = arith.constant 0 : i32
    %dma_wait3A_152 = tpu.memref_slice %arg2[%dma_wait3A_150, %dma_wait3A_151] : memref<10000x64xbf16, #tpu.memory_space<hbm>> -> memref<10000x64xbf16, #tpu.memory_space<hbm>>
    tpu.wait_indirect_dma semaphore(%arg17 : memref<!tpu.dma_semaphore, #tpu.memory_space<semaphore_mem>>) src(%dma_wait3A_152 : memref<10000x64xbf16, #tpu.memory_space<hbm>>) dst(%arg11 : memref<80x64xbf16, #tpu.memory_space<vmem>>)
    %dma_start3A_153 = arith.constant 80 : i32
    %dma_start3A_154 = tpu.memref_slice %arg8[%dma_start3A_153] : memref<400xi32, #tpu.memory_space<vmem>> -> memref<80xi32, #tpu.memory_space<vmem>>
    %dma_start3A_155 = arith.constant 0 : i32
    %dma_start3A_156 = arith.constant 0 : i32
    %dma_start3A_157 = tpu.memref_slice %arg15[%dma_start3A_155, %dma_start3A_156] : memref<10240x64xbf16, #tpu.memory_space<vmem_shared>> -> memref<10240x64xbf16, #tpu.memory_space<vmem_shared>>
    tpu.enqueue_indirect_dma source(%arg11 : memref<80x64xbf16, #tpu.memory_space<vmem>>) target(%dma_start3A_157 : memref<10240x64xbf16, #tpu.memory_space<vmem_shared>>) offsets(%dma_start3A_154 : memref<80xi32, #tpu.memory_space<vmem>>) semaphore(%arg22 : memref<!tpu.dma_semaphore, #tpu.memory_space<semaphore_mem>>) {add = true}
    %dma_wait3A_158 = arith.constant 160 : i32
    %dma_wait3A_159 = tpu.memref_slice %arg6[%dma_wait3A_158] : memref<400xi32, #tpu.memory_space<vmem>> -> memref<80xi32, #tpu.memory_space<vmem>>
    %dma_wait3A_160 = arith.constant 0 : i32
    %dma_wait3A_161 = arith.constant 0 : i32
    %dma_wait3A_162 = tpu.memref_slice %arg2[%dma_wait3A_160, %dma_wait3A_161] : memref<10000x64xbf16, #tpu.memory_space<hbm>> -> memref<10000x64xbf16, #tpu.memory_space<hbm>>
    tpu.wait_indirect_dma semaphore(%arg18 : memref<!tpu.dma_semaphore, #tpu.memory_space<semaphore_mem>>) src(%dma_wait3A_162 : memref<10000x64xbf16, #tpu.memory_space<hbm>>) dst(%arg12 : memref<80x64xbf16, #tpu.memory_space<vmem>>)
    %dma_start3A_163 = arith.constant 160 : i32
    %dma_start3A_164 = tpu.memref_slice %arg8[%dma_start3A_163] : memref<400xi32, #tpu.memory_space<vmem>> -> memref<80xi32, #tpu.memory_space<vmem>>
    %dma_start3A_165 = arith.constant 0 : i32
    %dma_start3A_166 = arith.constant 0 : i32
    %dma_start3A_167 = tpu.memref_slice %arg15[%dma_start3A_165, %dma_start3A_166] : memref<10240x64xbf16, #tpu.memory_space<vmem_shared>> -> memref<10240x64xbf16, #tpu.memory_space<vmem_shared>>
    tpu.enqueue_indirect_dma source(%arg12 : memref<80x64xbf16, #tpu.memory_space<vmem>>) target(%dma_start3A_167 : memref<10240x64xbf16, #tpu.memory_space<vmem_shared>>) offsets(%dma_start3A_164 : memref<80xi32, #tpu.memory_space<vmem>>) semaphore(%arg23 : memref<!tpu.dma_semaphore, #tpu.memory_space<semaphore_mem>>) {add = true}
    %dma_wait3A_168 = arith.constant 240 : i32
    %dma_wait3A_169 = tpu.memref_slice %arg6[%dma_wait3A_168] : memref<400xi32, #tpu.memory_space<vmem>> -> memref<80xi32, #tpu.memory_space<vmem>>
    %dma_wait3A_170 = arith.constant 0 : i32
    %dma_wait3A_171 = arith.constant 0 : i32
    %dma_wait3A_172 = tpu.memref_slice %arg2[%dma_wait3A_170, %dma_wait3A_171] : memref<10000x64xbf16, #tpu.memory_space<hbm>> -> memref<10000x64xbf16, #tpu.memory_space<hbm>>
    tpu.wait_indirect_dma semaphore(%arg19 : memref<!tpu.dma_semaphore, #tpu.memory_space<semaphore_mem>>) src(%dma_wait3A_172 : memref<10000x64xbf16, #tpu.memory_space<hbm>>) dst(%arg13 : memref<80x64xbf16, #tpu.memory_space<vmem>>)
    %dma_start3A_173 = arith.constant 240 : i32
    %dma_start3A_174 = tpu.memref_slice %arg8[%dma_start3A_173] : memref<400xi32, #tpu.memory_space<vmem>> -> memref<80xi32, #tpu.memory_space<vmem>>
    %dma_start3A_175 = arith.constant 0 : i32
    %dma_start3A_176 = arith.constant 0 : i32
    %dma_start3A_177 = tpu.memref_slice %arg15[%dma_start3A_175, %dma_start3A_176] : memref<10240x64xbf16, #tpu.memory_space<vmem_shared>> -> memref<10240x64xbf16, #tpu.memory_space<vmem_shared>>
    tpu.enqueue_indirect_dma source(%arg13 : memref<80x64xbf16, #tpu.memory_space<vmem>>) target(%dma_start3A_177 : memref<10240x64xbf16, #tpu.memory_space<vmem_shared>>) offsets(%dma_start3A_174 : memref<80xi32, #tpu.memory_space<vmem>>) semaphore(%arg24 : memref<!tpu.dma_semaphore, #tpu.memory_space<semaphore_mem>>) {add = true}
    %dma_wait3A_178 = arith.constant 320 : i32
    %dma_wait3A_179 = tpu.memref_slice %arg6[%dma_wait3A_178] : memref<400xi32, #tpu.memory_space<vmem>> -> memref<80xi32, #tpu.memory_space<vmem>>
    %dma_wait3A_180 = arith.constant 0 : i32
    %dma_wait3A_181 = arith.constant 0 : i32
    %dma_wait3A_182 = tpu.memref_slice %arg2[%dma_wait3A_180, %dma_wait3A_181] : memref<10000x64xbf16, #tpu.memory_space<hbm>> -> memref<10000x64xbf16, #tpu.memory_space<hbm>>
    tpu.wait_indirect_dma semaphore(%arg20 : memref<!tpu.dma_semaphore, #tpu.memory_space<semaphore_mem>>) src(%dma_wait3A_182 : memref<10000x64xbf16, #tpu.memory_space<hbm>>) dst(%arg14 : memref<80x64xbf16, #tpu.memory_space<vmem>>)
    %dma_start3A_183 = arith.constant 320 : i32
    %dma_start3A_184 = tpu.memref_slice %arg8[%dma_start3A_183] : memref<400xi32, #tpu.memory_space<vmem>> -> memref<80xi32, #tpu.memory_space<vmem>>
    %dma_start3A_185 = arith.constant 0 : i32
    %dma_start3A_186 = arith.constant 0 : i32
    %dma_start3A_187 = tpu.memref_slice %arg15[%dma_start3A_185, %dma_start3A_186] : memref<10240x64xbf16, #tpu.memory_space<vmem_shared>> -> memref<10240x64xbf16, #tpu.memory_space<vmem_shared>>
    tpu.enqueue_indirect_dma source(%arg14 : memref<80x64xbf16, #tpu.memory_space<vmem>>) target(%dma_start3A_187 : memref<10240x64xbf16, #tpu.memory_space<vmem_shared>>) offsets(%dma_start3A_184 : memref<80xi32, #tpu.memory_space<vmem>>) semaphore(%arg25 : memref<!tpu.dma_semaphore, #tpu.memory_space<semaphore_mem>>) {add = true}
    %dma_wait3A_188 = arith.constant 0 : i32
    %dma_wait3A_189 = tpu.memref_slice %arg3[%dma_wait3A_188, %min3A_127] : memref<2x320000xi32, #tpu.memory_space<hbm>> -> memref<1x400xi32, #tpu.memory_space<hbm>>
    %dma_wait3A_190 = tpu.memref_squeeze %dma_wait3A_189 : memref<1x400xi32, #tpu.memory_space<hbm>> -> memref<400xi32, #tpu.memory_space<hbm>>
    %dma_wait3A_191 = tpu.memref_slice %arg3[%dma_wait3A_188, %min3A_127] : memref<2x320000xi32, #tpu.memory_space<hbm>> -> memref<1x400xi32, #tpu.memory_space<hbm>>
    %dma_wait3A_192 = tpu.memref_squeeze %dma_wait3A_191 : memref<1x400xi32, #tpu.memory_space<hbm>> -> memref<400xi32, #tpu.memory_space<hbm>>
    tpu.wait_dma2 semaphore(%arg27 : memref<!tpu.dma_semaphore, #tpu.memory_space<semaphore_mem>>) src(%dma_wait3A_192 : memref<400xi32, #tpu.memory_space<hbm>>) dst(%arg7 : memref<400xi32, #tpu.memory_space<vmem>>)
    %dma_wait3A_193 = arith.constant 1 : i32
    %dma_wait3A_194 = tpu.memref_slice %arg3[%dma_wait3A_193, %min3A_127] : memref<2x320000xi32, #tpu.memory_space<hbm>> -> memref<1x400xi32, #tpu.memory_space<hbm>>
    %dma_wait3A_195 = tpu.memref_squeeze %dma_wait3A_194 : memref<1x400xi32, #tpu.memory_space<hbm>> -> memref<400xi32, #tpu.memory_space<hbm>>
    %dma_wait3A_196 = tpu.memref_slice %arg3[%dma_wait3A_193, %min3A_127] : memref<2x320000xi32, #tpu.memory_space<hbm>> -> memref<1x400xi32, #tpu.memory_space<hbm>>
    %dma_wait3A_197 = tpu.memref_squeeze %dma_wait3A_196 : memref<1x400xi32, #tpu.memory_space<hbm>> -> memref<400xi32, #tpu.memory_space<hbm>>
    tpu.wait_dma2 semaphore(%arg27 : memref<!tpu.dma_semaphore, #tpu.memory_space<semaphore_mem>>) src(%dma_wait3A_197 : memref<400xi32, #tpu.memory_space<hbm>>) dst(%arg9 : memref<400xi32, #tpu.memory_space<vmem>>)
    %dma_wait3A_198 = arith.constant 0 : i32
    %dma_wait3A_199 = arith.constant 0 : i32
    %dma_wait3A_200 = tpu.memref_slice %arg2[%dma_wait3A_198, %dma_wait3A_199] : memref<10000x64xbf16, #tpu.memory_space<hbm>> -> memref<80x64xbf16, #tpu.memory_space<hbm>>
    %dma_wait3A_201 = arith.constant 0 : i32
    %dma_wait3A_202 = arith.constant 0 : i32
    %dma_wait3A_203 = tpu.memref_slice %arg2[%dma_wait3A_201, %dma_wait3A_202] : memref<10000x64xbf16, #tpu.memory_space<hbm>> -> memref<80x64xbf16, #tpu.memory_space<hbm>>
    tpu.wait_dma2 semaphore(%arg21 : memref<!tpu.dma_semaphore, #tpu.memory_space<semaphore_mem>>) src(%dma_wait3A_203 : memref<80x64xbf16, #tpu.memory_space<hbm>>) dst(%arg10 : memref<80x64xbf16, #tpu.memory_space<vmem>>)
    %dma_wait3A_204 = arith.constant 0 : i32
    %dma_wait3A_205 = arith.constant 0 : i32
    %dma_wait3A_206 = tpu.memref_slice %arg2[%dma_wait3A_204, %dma_wait3A_205] : memref<10000x64xbf16, #tpu.memory_space<hbm>> -> memref<80x64xbf16, #tpu.memory_space<hbm>>
    %dma_wait3A_207 = arith.constant 0 : i32
    %dma_wait3A_208 = arith.constant 0 : i32
    %dma_wait3A_209 = tpu.memref_slice %arg2[%dma_wait3A_207, %dma_wait3A_208] : memref<10000x64xbf16, #tpu.memory_space<hbm>> -> memref<80x64xbf16, #tpu.memory_space<hbm>>
    tpu.wait_dma2 semaphore(%arg22 : memref<!tpu.dma_semaphore, #tpu.memory_space<semaphore_mem>>) src(%dma_wait3A_209 : memref<80x64xbf16, #tpu.memory_space<hbm>>) dst(%arg11 : memref<80x64xbf16, #tpu.memory_space<vmem>>)
    %dma_wait3A_210 = arith.constant 0 : i32
    %dma_wait3A_211 = arith.constant 0 : i32
    %dma_wait3A_212 = tpu.memref_slice %arg2[%dma_wait3A_210, %dma_wait3A_211] : memref<10000x64xbf16, #tpu.memory_space<hbm>> -> memref<80x64xbf16, #tpu.memory_space<hbm>>
    %dma_wait3A_213 = arith.constant 0 : i32
    %dma_wait3A_214 = arith.constant 0 : i32
    %dma_wait3A_215 = tpu.memref_slice %arg2[%dma_wait3A_213, %dma_wait3A_214] : memref<10000x64xbf16, #tpu.memory_space<hbm>> -> memref<80x64xbf16, #tpu.memory_space<hbm>>
    tpu.wait_dma2 semaphore(%arg23 : memref<!tpu.dma_semaphore, #tpu.memory_space<semaphore_mem>>) src(%dma_wait3A_215 : memref<80x64xbf16, #tpu.memory_space<hbm>>) dst(%arg12 : memref<80x64xbf16, #tpu.memory_space<vmem>>)
    %dma_wait3A_216 = arith.constant 0 : i32
    %dma_wait3A_217 = arith.constant 0 : i32
    %dma_wait3A_218 = tpu.memref_slice %arg2[%dma_wait3A_216, %dma_wait3A_217] : memref<10000x64xbf16, #tpu.memory_space<hbm>> -> memref<80x64xbf16, #tpu.memory_space<hbm>>
    %dma_wait3A_219 = arith.constant 0 : i32
    %dma_wait3A_220 = arith.constant 0 : i32
    %dma_wait3A_221 = tpu.memref_slice %arg2[%dma_wait3A_219, %dma_wait3A_220] : memref<10000x64xbf16, #tpu.memory_space<hbm>> -> memref<80x64xbf16, #tpu.memory_space<hbm>>
    tpu.wait_dma2 semaphore(%arg24 : memref<!tpu.dma_semaphore, #tpu.memory_space<semaphore_mem>>) src(%dma_wait3A_221 : memref<80x64xbf16, #tpu.memory_space<hbm>>) dst(%arg13 : memref<80x64xbf16, #tpu.memory_space<vmem>>)
    %dma_wait3A_222 = arith.constant 0 : i32
    %dma_wait3A_223 = arith.constant 0 : i32
    %dma_wait3A_224 = tpu.memref_slice %arg2[%dma_wait3A_222, %dma_wait3A_223] : memref<10000x64xbf16, #tpu.memory_space<hbm>> -> memref<80x64xbf16, #tpu.memory_space<hbm>>
    %dma_wait3A_225 = arith.constant 0 : i32
    %dma_wait3A_226 = arith.constant 0 : i32
    %dma_wait3A_227 = tpu.memref_slice %arg2[%dma_wait3A_225, %dma_wait3A_226] : memref<10000x64xbf16, #tpu.memory_space<hbm>> -> memref<80x64xbf16, #tpu.memory_space<hbm>>
    tpu.wait_dma2 semaphore(%arg25 : memref<!tpu.dma_semaphore, #tpu.memory_space<semaphore_mem>>) src(%dma_wait3A_227 : memref<80x64xbf16, #tpu.memory_space<hbm>>) dst(%arg14 : memref<80x64xbf16, #tpu.memory_space<vmem>>)
    %barrier3A_228 = arith.constant 0 : index
    tpu.barrier barrier_id(%barrier3A_228)
    %mul3A_229 = arith.constant 640 : i32
    %mul3A_230 = arith.muli %arg1, %mul3A_229 : i32
    %mul3A_231 = arith.constant 640 : i32
    %mul3A_232 = arith.muli %arg1, %mul3A_231 : i32
    "tpu.region"() ({
      %run_scoped3A = tpu.sem_alloc : memref<!tpu.dma_semaphore, #tpu.memory_space<semaphore_mem>>
      %dma_start3A_233 = arith.constant 0 : i32
      %dma_start3A_234 = tpu.memref_slice %arg5[%arg0, %mul3A_232, %dma_start3A_233] : memref<2x10240x64xbf16, #tpu.memory_space<hbm>> -> memref<1x640x64xbf16, #tpu.memory_space<hbm>>
      %dma_start3A_235 = tpu.memref_squeeze %dma_start3A_234 : memref<1x640x64xbf16, #tpu.memory_space<hbm>> -> memref<640x64xbf16, #tpu.memory_space<hbm>>
      %dma_start3A_236 = arith.constant 0 : i32
      %dma_start3A_237 = tpu.memref_slice %arg15[%mul3A_230, %dma_start3A_236] : memref<10240x64xbf16, #tpu.memory_space<vmem_shared>> -> memref<640x64xbf16, #tpu.memory_space<vmem_shared>>
      tpu.enqueue_dma source(%dma_start3A_237 : memref<640x64xbf16, #tpu.memory_space<vmem_shared>>) target(%dma_start3A_235 : memref<640x64xbf16, #tpu.memory_space<hbm>>) target_semaphore(%run_scoped3A : memref<!tpu.dma_semaphore, #tpu.memory_space<semaphore_mem>>)
      %dma_wait3A_238 = arith.constant 0 : i32
      %dma_wait3A_239 = tpu.memref_slice %arg5[%arg0, %mul3A_232, %dma_wait3A_238] : memref<2x10240x64xbf16, #tpu.memory_space<hbm>> -> memref<1x640x64xbf16, #tpu.memory_space<hbm>>
      %dma_wait3A_240 = tpu.memref_squeeze %dma_wait3A_239 : memref<1x640x64xbf16, #tpu.memory_space<hbm>> -> memref<640x64xbf16, #tpu.memory_space<hbm>>
      %dma_wait3A_241 = arith.constant 0 : i32
      %dma_wait3A_242 = tpu.memref_slice %arg15[%mul3A_230, %dma_wait3A_241] : memref<10240x64xbf16, #tpu.memory_space<vmem_shared>> -> memref<640x64xbf16, #tpu.memory_space<vmem_shared>>
      tpu.wait_dma2 semaphore(%run_scoped3A : memref<!tpu.dma_semaphore, #tpu.memory_space<semaphore_mem>>) src(%dma_wait3A_242 : memref<640x64xbf16, #tpu.memory_space<vmem_shared>>) dst(%dma_wait3A_240 : memref<640x64xbf16, #tpu.memory_space<hbm>>)
      tpu.yield
    }) : () -> ()
    return
  }
}

#map = affine_map<(d0, d1) -> (0, 0)>
#map1 = affine_map<(d0, d1) -> (0, 0, 0)>
module attributes {stable_mosaic.version = 14 : i64} {
  func.func @sage_sc_agg128(%arg0: i32, %arg1: i32, %arg2: memref<10000x128xbf16, #tpu.memory_space<hbm>>, %arg3: memref<2x320000xi32, #tpu.memory_space<hbm>>, %arg4: memref<640x128xbf16, #tpu.memory_space<hbm>>, %arg5: memref<2x10240x128xbf16, #tpu.memory_space<hbm>>, %arg6: memref<2x640x16xf32, #tpu.memory_space<hbm>>, %arg7: memref<400xi32, #tpu.memory_space<vmem>>, %arg8: memref<400xi32, #tpu.memory_space<vmem>>, %arg9: memref<400xi32, #tpu.memory_space<vmem>>, %arg10: memref<400xi32, #tpu.memory_space<vmem>>, %arg11: memref<80x128xbf16, #tpu.memory_space<vmem>>, %arg12: memref<80x128xbf16, #tpu.memory_space<vmem>>, %arg13: memref<80x128xbf16, #tpu.memory_space<vmem>>, %arg14: memref<80x128xbf16, #tpu.memory_space<vmem>>, %arg15: memref<80x128xbf16, #tpu.memory_space<vmem>>, %arg16: memref<10240x128xbf16, #tpu.memory_space<vmem_shared>>, %arg17: memref<!tpu.dma_semaphore, #tpu.memory_space<semaphore_mem>>, %arg18: memref<!tpu.dma_semaphore, #tpu.memory_space<semaphore_mem>>, %arg19: memref<!tpu.dma_semaphore, #tpu.memory_space<semaphore_mem>>, %arg20: memref<!tpu.dma_semaphore, #tpu.memory_space<semaphore_mem>>, %arg21: memref<!tpu.dma_semaphore, #tpu.memory_space<semaphore_mem>>, %arg22: memref<!tpu.dma_semaphore, #tpu.memory_space<semaphore_mem>>, %arg23: memref<!tpu.dma_semaphore, #tpu.memory_space<semaphore_mem>>, %arg24: memref<!tpu.dma_semaphore, #tpu.memory_space<semaphore_mem>>, %arg25: memref<!tpu.dma_semaphore, #tpu.memory_space<semaphore_mem>>, %arg26: memref<!tpu.dma_semaphore, #tpu.memory_space<semaphore_mem>>, %arg27: memref<!tpu.dma_semaphore, #tpu.memory_space<semaphore_mem>>, %arg28: memref<!tpu.dma_semaphore, #tpu.memory_space<semaphore_mem>>, %arg29: memref<640x16xf32, #tpu.memory_space<vmem_shared>>, %arg30: memref<625x16xf32, #tpu.memory_space<vmem>>, %arg31: memref<5x125xi32, #tpu.memory_space<vmem>>) attributes {dimension_semantics = [#tpu.dimension_semantics<core_parallel>, #tpu.dimension_semantics<subcore_parallel>], iteration_bounds = array<i64: 2, 16>, scalar_prefetch = 0 : i64, scratch_operands = 25 : i64, tpu.core_type = #tpu.core_type<sc_vector_subcore>, window_params = [{transform_indices = #map}, {transform_indices = #map}, {transform_indices = #map}, {transform_indices = #map1}, {transform_indices = #map1}]} {
    %mul3A = arith.constant 2 : i32
    %mul3A_0 = arith.muli %arg1, %mul3A : i32
    %add3A = arith.addi %mul3A_0, %arg0 : i32
    %broadcast_in_dim3A = arith.constant 0.000000e+00 : f32
    %broadcast_in_dim3A_1 = vector.broadcast %broadcast_in_dim3A : f32 to vector<16xf32>
    %iota3A = tpu.iota {dimensions = array<i32: 0>} : vector<16xi32>
    %mul3A_2 = arith.constant 640 : i32
    %mul3A_3 = arith.muli %arg1, %mul3A_2 : i32
    "tpu.region"() ({
      %run_scoped3A = tpu.sem_alloc : memref<!tpu.dma_semaphore, #tpu.memory_space<semaphore_mem>>
      %dma_start3A_824 = arith.constant 0 : i32
      %dma_start3A_825 = tpu.memref_slice %arg16[%mul3A_3, %dma_start3A_824] : memref<10240x128xbf16, #tpu.memory_space<vmem_shared>> -> memref<640x128xbf16, #tpu.memory_space<vmem_shared>>
      tpu.enqueue_dma source(%arg4 : memref<640x128xbf16, #tpu.memory_space<hbm>>) target(%dma_start3A_825 : memref<640x128xbf16, #tpu.memory_space<vmem_shared>>) target_semaphore(%run_scoped3A : memref<!tpu.dma_semaphore, #tpu.memory_space<semaphore_mem>>)
      %dma_wait3A_826 = arith.constant 0 : i32
      %dma_wait3A_827 = tpu.memref_slice %arg16[%mul3A_3, %dma_wait3A_826] : memref<10240x128xbf16, #tpu.memory_space<vmem_shared>> -> memref<640x128xbf16, #tpu.memory_space<vmem_shared>>
      tpu.wait_dma2 semaphore(%run_scoped3A : memref<!tpu.dma_semaphore, #tpu.memory_space<semaphore_mem>>) src(%arg4 : memref<640x128xbf16, #tpu.memory_space<hbm>>) dst(%dma_wait3A_827 : memref<640x128xbf16, #tpu.memory_space<vmem_shared>>)
      tpu.yield
    }) : () -> ()
    %scan3A = arith.constant 0 : i32
    %scan3A_4 = arith.constant 0 : i32
    %scan3A_5 = arith.constant 625 : i32
    %scan3A_6 = arith.addi %scan3A_4, %scan3A_5 : i32
    %scan3A_7 = arith.constant 1 : i32
    %scan3A_8 = scf.for %scan3A_824 = %scan3A_4 to %scan3A_6 step %scan3A_7 iter_args(%scan3A_825 = %scan3A) -> (i32)  : i32 {
      %swap3A_826 = arith.index_cast %scan3A_824 : i32 to index
      %swap3A_827 = arith.constant 0 : index
      %swap3A_828 = tpu.vector_load %arg30[%swap3A_826, %swap3A_827] {strides = array<i32>} : memref<625x16xf32, #tpu.memory_space<vmem>>, vector<16xf32>,
      tpu.vector_store %arg30[%swap3A_826, %swap3A_827], %broadcast_in_dim3A_1 {strides = array<i32>} : memref<625x16xf32, #tpu.memory_space<vmem>>, vector<16xf32>,
      %scan3A_829 = arith.constant 0 : i32
      scf.yield %scan3A_829 : i32
    }
    %scan3A_9 = arith.constant 625 : i32
    %add3A_10 = arith.constant 0 : i32
    %add3A_11 = vector.broadcast %add3A_10 : i32 to vector<16xi32>
    %add3A_12 = arith.addi %iota3A, %add3A_11 : vector<16xi32>
    %swap3A = arith.constant 0 : i32
    %swap3A_13 = arith.index_cast %swap3A : i32 to index
    %swap3A_14 = arith.constant 0 : index
    %swap3A_15 = tpu.vector_load %arg31[%swap3A_13, %swap3A_14] {strides = array<i32>} : memref<5x125xi32, #tpu.memory_space<vmem>>, vector<16xi32>,
    tpu.vector_store %arg31[%swap3A_13, %swap3A_14], %add3A_12 {strides = array<i32>} : memref<5x125xi32, #tpu.memory_space<vmem>>, vector<16xi32>,
    %add3A_16 = arith.constant 16 : i32
    %add3A_17 = vector.broadcast %add3A_16 : i32 to vector<16xi32>
    %add3A_18 = arith.addi %iota3A, %add3A_17 : vector<16xi32>
    %swap3A_19 = arith.constant 0 : i32
    %swap3A_20 = arith.index_cast %swap3A_19 : i32 to index
    %swap3A_21 = arith.constant 16 : index
    %swap3A_22 = tpu.vector_load %arg31[%swap3A_20, %swap3A_21] {strides = array<i32>} : memref<5x125xi32, #tpu.memory_space<vmem>>, vector<16xi32>,
    tpu.vector_store %arg31[%swap3A_20, %swap3A_21], %add3A_18 {strides = array<i32>} : memref<5x125xi32, #tpu.memory_space<vmem>>, vector<16xi32>,
    %add3A_23 = arith.constant 32 : i32
    %add3A_24 = vector.broadcast %add3A_23 : i32 to vector<16xi32>
    %add3A_25 = arith.addi %iota3A, %add3A_24 : vector<16xi32>
    %swap3A_26 = arith.constant 0 : i32
    %swap3A_27 = arith.index_cast %swap3A_26 : i32 to index
    %swap3A_28 = arith.constant 32 : index
    %swap3A_29 = tpu.vector_load %arg31[%swap3A_27, %swap3A_28] {strides = array<i32>} : memref<5x125xi32, #tpu.memory_space<vmem>>, vector<16xi32>,
    tpu.vector_store %arg31[%swap3A_27, %swap3A_28], %add3A_25 {strides = array<i32>} : memref<5x125xi32, #tpu.memory_space<vmem>>, vector<16xi32>,
    %add3A_30 = arith.constant 48 : i32
    %add3A_31 = vector.broadcast %add3A_30 : i32 to vector<16xi32>
    %add3A_32 = arith.addi %iota3A, %add3A_31 : vector<16xi32>
    %swap3A_33 = arith.constant 0 : i32
    %swap3A_34 = arith.index_cast %swap3A_33 : i32 to index
    %swap3A_35 = arith.constant 48 : index
    %swap3A_36 = tpu.vector_load %arg31[%swap3A_34, %swap3A_35] {strides = array<i32>} : memref<5x125xi32, #tpu.memory_space<vmem>>, vector<16xi32>,
    tpu.vector_store %arg31[%swap3A_34, %swap3A_35], %add3A_32 {strides = array<i32>} : memref<5x125xi32, #tpu.memory_space<vmem>>, vector<16xi32>,
    %add3A_37 = arith.constant 64 : i32
    %add3A_38 = vector.broadcast %add3A_37 : i32 to vector<16xi32>
    %add3A_39 = arith.addi %iota3A, %add3A_38 : vector<16xi32>
    %swap3A_40 = arith.constant 0 : i32
    %swap3A_41 = arith.index_cast %swap3A_40 : i32 to index
    %swap3A_42 = arith.constant 64 : index
    %swap3A_43 = tpu.vector_load %arg31[%swap3A_41, %swap3A_42] {strides = array<i32>} : memref<5x125xi32, #tpu.memory_space<vmem>>, vector<16xi32>,
    tpu.vector_store %arg31[%swap3A_41, %swap3A_42], %add3A_39 {strides = array<i32>} : memref<5x125xi32, #tpu.memory_space<vmem>>, vector<16xi32>,
    %add3A_44 = arith.constant 80 : i32
    %add3A_45 = vector.broadcast %add3A_44 : i32 to vector<16xi32>
    %add3A_46 = arith.addi %iota3A, %add3A_45 : vector<16xi32>
    %swap3A_47 = arith.constant 0 : i32
    %swap3A_48 = arith.index_cast %swap3A_47 : i32 to index
    %swap3A_49 = arith.constant 80 : index
    %swap3A_50 = tpu.vector_load %arg31[%swap3A_48, %swap3A_49] {strides = array<i32>} : memref<5x125xi32, #tpu.memory_space<vmem>>, vector<16xi32>,
    tpu.vector_store %arg31[%swap3A_48, %swap3A_49], %add3A_46 {strides = array<i32>} : memref<5x125xi32, #tpu.memory_space<vmem>>, vector<16xi32>,
    %add3A_51 = arith.constant 96 : i32
    %add3A_52 = vector.broadcast %add3A_51 : i32 to vector<16xi32>
    %add3A_53 = arith.addi %iota3A, %add3A_52 : vector<16xi32>
    %swap3A_54 = arith.constant 0 : i32
    %swap3A_55 = arith.index_cast %swap3A_54 : i32 to index
    %swap3A_56 = arith.constant 96 : index
    %swap3A_57 = tpu.vector_load %arg31[%swap3A_55, %swap3A_56] {strides = array<i32>} : memref<5x125xi32, #tpu.memory_space<vmem>>, vector<16xi32>,
    tpu.vector_store %arg31[%swap3A_55, %swap3A_56], %add3A_53 {strides = array<i32>} : memref<5x125xi32, #tpu.memory_space<vmem>>, vector<16xi32>,
    %add3A_58 = arith.constant 109 : i32
    %add3A_59 = vector.broadcast %add3A_58 : i32 to vector<16xi32>
    %add3A_60 = arith.addi %iota3A, %add3A_59 : vector<16xi32>
    %swap3A_61 = arith.constant 0 : i32
    %swap3A_62 = arith.index_cast %swap3A_61 : i32 to index
    %swap3A_63 = arith.constant 109 : index
    %swap3A_64 = tpu.vector_load %arg31[%swap3A_62, %swap3A_63] {strides = array<i32>} : memref<5x125xi32, #tpu.memory_space<vmem>>, vector<16xi32>,
    tpu.vector_store %arg31[%swap3A_62, %swap3A_63], %add3A_60 {strides = array<i32>} : memref<5x125xi32, #tpu.memory_space<vmem>>, vector<16xi32>,
    %add3A_65 = arith.constant 125 : i32
    %add3A_66 = vector.broadcast %add3A_65 : i32 to vector<16xi32>
    %add3A_67 = arith.addi %iota3A, %add3A_66 : vector<16xi32>
    %swap3A_68 = arith.constant 1 : i32
    %swap3A_69 = arith.index_cast %swap3A_68 : i32 to index
    %swap3A_70 = arith.constant 0 : index
    %swap3A_71 = tpu.vector_load %arg31[%swap3A_69, %swap3A_70] {strides = array<i32>} : memref<5x125xi32, #tpu.memory_space<vmem>>, vector<16xi32>,
    tpu.vector_store %arg31[%swap3A_69, %swap3A_70], %add3A_67 {strides = array<i32>} : memref<5x125xi32, #tpu.memory_space<vmem>>, vector<16xi32>,
    %add3A_72 = arith.constant 141 : i32
    %add3A_73 = vector.broadcast %add3A_72 : i32 to vector<16xi32>
    %add3A_74 = arith.addi %iota3A, %add3A_73 : vector<16xi32>
    %swap3A_75 = arith.constant 1 : i32
    %swap3A_76 = arith.index_cast %swap3A_75 : i32 to index
    %swap3A_77 = arith.constant 16 : index
    %swap3A_78 = tpu.vector_load %arg31[%swap3A_76, %swap3A_77] {strides = array<i32>} : memref<5x125xi32, #tpu.memory_space<vmem>>, vector<16xi32>,
    tpu.vector_store %arg31[%swap3A_76, %swap3A_77], %add3A_74 {strides = array<i32>} : memref<5x125xi32, #tpu.memory_space<vmem>>, vector<16xi32>,
    %add3A_79 = arith.constant 157 : i32
    %add3A_80 = vector.broadcast %add3A_79 : i32 to vector<16xi32>
    %add3A_81 = arith.addi %iota3A, %add3A_80 : vector<16xi32>
    %swap3A_82 = arith.constant 1 : i32
    %swap3A_83 = arith.index_cast %swap3A_82 : i32 to index
    %swap3A_84 = arith.constant 32 : index
    %swap3A_85 = tpu.vector_load %arg31[%swap3A_83, %swap3A_84] {strides = array<i32>} : memref<5x125xi32, #tpu.memory_space<vmem>>, vector<16xi32>,
    tpu.vector_store %arg31[%swap3A_83, %swap3A_84], %add3A_81 {strides = array<i32>} : memref<5x125xi32, #tpu.memory_space<vmem>>, vector<16xi32>,
    %add3A_86 = arith.constant 173 : i32
    %add3A_87 = vector.broadcast %add3A_86 : i32 to vector<16xi32>
    %add3A_88 = arith.addi %iota3A, %add3A_87 : vector<16xi32>
    %swap3A_89 = arith.constant 1 : i32
    %swap3A_90 = arith.index_cast %swap3A_89 : i32 to index
    %swap3A_91 = arith.constant 48 : index
    %swap3A_92 = tpu.vector_load %arg31[%swap3A_90, %swap3A_91] {strides = array<i32>} : memref<5x125xi32, #tpu.memory_space<vmem>>, vector<16xi32>,
    tpu.vector_store %arg31[%swap3A_90, %swap3A_91], %add3A_88 {strides = array<i32>} : memref<5x125xi32, #tpu.memory_space<vmem>>, vector<16xi32>,
    %add3A_93 = arith.constant 189 : i32
    %add3A_94 = vector.broadcast %add3A_93 : i32 to vector<16xi32>
    %add3A_95 = arith.addi %iota3A, %add3A_94 : vector<16xi32>
    %swap3A_96 = arith.constant 1 : i32
    %swap3A_97 = arith.index_cast %swap3A_96 : i32 to index
    %swap3A_98 = arith.constant 64 : index
    %swap3A_99 = tpu.vector_load %arg31[%swap3A_97, %swap3A_98] {strides = array<i32>} : memref<5x125xi32, #tpu.memory_space<vmem>>, vector<16xi32>,
    tpu.vector_store %arg31[%swap3A_97, %swap3A_98], %add3A_95 {strides = array<i32>} : memref<5x125xi32, #tpu.memory_space<vmem>>, vector<16xi32>,
    %add3A_100 = arith.constant 205 : i32
    %add3A_101 = vector.broadcast %add3A_100 : i32 to vector<16xi32>
    %add3A_102 = arith.addi %iota3A, %add3A_101 : vector<16xi32>
    %swap3A_103 = arith.constant 1 : i32
    %swap3A_104 = arith.index_cast %swap3A_103 : i32 to index
    %swap3A_105 = arith.constant 80 : index
    %swap3A_106 = tpu.vector_load %arg31[%swap3A_104, %swap3A_105] {strides = array<i32>} : memref<5x125xi32, #tpu.memory_space<vmem>>, vector<16xi32>,
    tpu.vector_store %arg31[%swap3A_104, %swap3A_105], %add3A_102 {strides = array<i32>} : memref<5x125xi32, #tpu.memory_space<vmem>>, vector<16xi32>,
    %add3A_107 = arith.constant 221 : i32
    %add3A_108 = vector.broadcast %add3A_107 : i32 to vector<16xi32>
    %add3A_109 = arith.addi %iota3A, %add3A_108 : vector<16xi32>
    %swap3A_110 = arith.constant 1 : i32
    %swap3A_111 = arith.index_cast %swap3A_110 : i32 to index
    %swap3A_112 = arith.constant 96 : index
    %swap3A_113 = tpu.vector_load %arg31[%swap3A_111, %swap3A_112] {strides = array<i32>} : memref<5x125xi32, #tpu.memory_space<vmem>>, vector<16xi32>,
    tpu.vector_store %arg31[%swap3A_111, %swap3A_112], %add3A_109 {strides = array<i32>} : memref<5x125xi32, #tpu.memory_space<vmem>>, vector<16xi32>,
    %add3A_114 = arith.constant 234 : i32
    %add3A_115 = vector.broadcast %add3A_114 : i32 to vector<16xi32>
    %add3A_116 = arith.addi %iota3A, %add3A_115 : vector<16xi32>
    %swap3A_117 = arith.constant 1 : i32
    %swap3A_118 = arith.index_cast %swap3A_117 : i32 to index
    %swap3A_119 = arith.constant 109 : index
    %swap3A_120 = tpu.vector_load %arg31[%swap3A_118, %swap3A_119] {strides = array<i32>} : memref<5x125xi32, #tpu.memory_space<vmem>>, vector<16xi32>,
    tpu.vector_store %arg31[%swap3A_118, %swap3A_119], %add3A_116 {strides = array<i32>} : memref<5x125xi32, #tpu.memory_space<vmem>>, vector<16xi32>,
    %add3A_121 = arith.constant 250 : i32
    %add3A_122 = vector.broadcast %add3A_121 : i32 to vector<16xi32>
    %add3A_123 = arith.addi %iota3A, %add3A_122 : vector<16xi32>
    %swap3A_124 = arith.constant 2 : i32
    %swap3A_125 = arith.index_cast %swap3A_124 : i32 to index
    %swap3A_126 = arith.constant 0 : index
    %swap3A_127 = tpu.vector_load %arg31[%swap3A_125, %swap3A_126] {strides = array<i32>} : memref<5x125xi32, #tpu.memory_space<vmem>>, vector<16xi32>,
    tpu.vector_store %arg31[%swap3A_125, %swap3A_126], %add3A_123 {strides = array<i32>} : memref<5x125xi32, #tpu.memory_space<vmem>>, vector<16xi32>,
    %add3A_128 = arith.constant 266 : i32
    %add3A_129 = vector.broadcast %add3A_128 : i32 to vector<16xi32>
    %add3A_130 = arith.addi %iota3A, %add3A_129 : vector<16xi32>
    %swap3A_131 = arith.constant 2 : i32
    %swap3A_132 = arith.index_cast %swap3A_131 : i32 to index
    %swap3A_133 = arith.constant 16 : index
    %swap3A_134 = tpu.vector_load %arg31[%swap3A_132, %swap3A_133] {strides = array<i32>} : memref<5x125xi32, #tpu.memory_space<vmem>>, vector<16xi32>,
    tpu.vector_store %arg31[%swap3A_132, %swap3A_133], %add3A_130 {strides = array<i32>} : memref<5x125xi32, #tpu.memory_space<vmem>>, vector<16xi32>,
    %add3A_135 = arith.constant 282 : i32
    %add3A_136 = vector.broadcast %add3A_135 : i32 to vector<16xi32>
    %add3A_137 = arith.addi %iota3A, %add3A_136 : vector<16xi32>
    %swap3A_138 = arith.constant 2 : i32
    %swap3A_139 = arith.index_cast %swap3A_138 : i32 to index
    %swap3A_140 = arith.constant 32 : index
    %swap3A_141 = tpu.vector_load %arg31[%swap3A_139, %swap3A_140] {strides = array<i32>} : memref<5x125xi32, #tpu.memory_space<vmem>>, vector<16xi32>,
    tpu.vector_store %arg31[%swap3A_139, %swap3A_140], %add3A_137 {strides = array<i32>} : memref<5x125xi32, #tpu.memory_space<vmem>>, vector<16xi32>,
    %add3A_142 = arith.constant 298 : i32
    %add3A_143 = vector.broadcast %add3A_142 : i32 to vector<16xi32>
    %add3A_144 = arith.addi %iota3A, %add3A_143 : vector<16xi32>
    %swap3A_145 = arith.constant 2 : i32
    %swap3A_146 = arith.index_cast %swap3A_145 : i32 to index
    %swap3A_147 = arith.constant 48 : index
    %swap3A_148 = tpu.vector_load %arg31[%swap3A_146, %swap3A_147] {strides = array<i32>} : memref<5x125xi32, #tpu.memory_space<vmem>>, vector<16xi32>,
    tpu.vector_store %arg31[%swap3A_146, %swap3A_147], %add3A_144 {strides = array<i32>} : memref<5x125xi32, #tpu.memory_space<vmem>>, vector<16xi32>,
    %add3A_149 = arith.constant 314 : i32
    %add3A_150 = vector.broadcast %add3A_149 : i32 to vector<16xi32>
    %add3A_151 = arith.addi %iota3A, %add3A_150 : vector<16xi32>
    %swap3A_152 = arith.constant 2 : i32
    %swap3A_153 = arith.index_cast %swap3A_152 : i32 to index
    %swap3A_154 = arith.constant 64 : index
    %swap3A_155 = tpu.vector_load %arg31[%swap3A_153, %swap3A_154] {strides = array<i32>} : memref<5x125xi32, #tpu.memory_space<vmem>>, vector<16xi32>,
    tpu.vector_store %arg31[%swap3A_153, %swap3A_154], %add3A_151 {strides = array<i32>} : memref<5x125xi32, #tpu.memory_space<vmem>>, vector<16xi32>,
    %add3A_156 = arith.constant 330 : i32
    %add3A_157 = vector.broadcast %add3A_156 : i32 to vector<16xi32>
    %add3A_158 = arith.addi %iota3A, %add3A_157 : vector<16xi32>
    %swap3A_159 = arith.constant 2 : i32
    %swap3A_160 = arith.index_cast %swap3A_159 : i32 to index
    %swap3A_161 = arith.constant 80 : index
    %swap3A_162 = tpu.vector_load %arg31[%swap3A_160, %swap3A_161] {strides = array<i32>} : memref<5x125xi32, #tpu.memory_space<vmem>>, vector<16xi32>,
    tpu.vector_store %arg31[%swap3A_160, %swap3A_161], %add3A_158 {strides = array<i32>} : memref<5x125xi32, #tpu.memory_space<vmem>>, vector<16xi32>,
    %add3A_163 = arith.constant 346 : i32
    %add3A_164 = vector.broadcast %add3A_163 : i32 to vector<16xi32>
    %add3A_165 = arith.addi %iota3A, %add3A_164 : vector<16xi32>
    %swap3A_166 = arith.constant 2 : i32
    %swap3A_167 = arith.index_cast %swap3A_166 : i32 to index
    %swap3A_168 = arith.constant 96 : index
    %swap3A_169 = tpu.vector_load %arg31[%swap3A_167, %swap3A_168] {strides = array<i32>} : memref<5x125xi32, #tpu.memory_space<vmem>>, vector<16xi32>,
    tpu.vector_store %arg31[%swap3A_167, %swap3A_168], %add3A_165 {strides = array<i32>} : memref<5x125xi32, #tpu.memory_space<vmem>>, vector<16xi32>,
    %add3A_170 = arith.constant 359 : i32
    %add3A_171 = vector.broadcast %add3A_170 : i32 to vector<16xi32>
    %add3A_172 = arith.addi %iota3A, %add3A_171 : vector<16xi32>
    %swap3A_173 = arith.constant 2 : i32
    %swap3A_174 = arith.index_cast %swap3A_173 : i32 to index
    %swap3A_175 = arith.constant 109 : index
    %swap3A_176 = tpu.vector_load %arg31[%swap3A_174, %swap3A_175] {strides = array<i32>} : memref<5x125xi32, #tpu.memory_space<vmem>>, vector<16xi32>,
    tpu.vector_store %arg31[%swap3A_174, %swap3A_175], %add3A_172 {strides = array<i32>} : memref<5x125xi32, #tpu.memory_space<vmem>>, vector<16xi32>,
    %add3A_177 = arith.constant 375 : i32
    %add3A_178 = vector.broadcast %add3A_177 : i32 to vector<16xi32>
    %add3A_179 = arith.addi %iota3A, %add3A_178 : vector<16xi32>
    %swap3A_180 = arith.constant 3 : i32
    %swap3A_181 = arith.index_cast %swap3A_180 : i32 to index
    %swap3A_182 = arith.constant 0 : index
    %swap3A_183 = tpu.vector_load %arg31[%swap3A_181, %swap3A_182] {strides = array<i32>} : memref<5x125xi32, #tpu.memory_space<vmem>>, vector<16xi32>,
    tpu.vector_store %arg31[%swap3A_181, %swap3A_182], %add3A_179 {strides = array<i32>} : memref<5x125xi32, #tpu.memory_space<vmem>>, vector<16xi32>,
    %add3A_184 = arith.constant 391 : i32
    %add3A_185 = vector.broadcast %add3A_184 : i32 to vector<16xi32>
    %add3A_186 = arith.addi %iota3A, %add3A_185 : vector<16xi32>
    %swap3A_187 = arith.constant 3 : i32
    %swap3A_188 = arith.index_cast %swap3A_187 : i32 to index
    %swap3A_189 = arith.constant 16 : index
    %swap3A_190 = tpu.vector_load %arg31[%swap3A_188, %swap3A_189] {strides = array<i32>} : memref<5x125xi32, #tpu.memory_space<vmem>>, vector<16xi32>,
    tpu.vector_store %arg31[%swap3A_188, %swap3A_189], %add3A_186 {strides = array<i32>} : memref<5x125xi32, #tpu.memory_space<vmem>>, vector<16xi32>,
    %add3A_191 = arith.constant 407 : i32
    %add3A_192 = vector.broadcast %add3A_191 : i32 to vector<16xi32>
    %add3A_193 = arith.addi %iota3A, %add3A_192 : vector<16xi32>
    %swap3A_194 = arith.constant 3 : i32
    %swap3A_195 = arith.index_cast %swap3A_194 : i32 to index
    %swap3A_196 = arith.constant 32 : index
    %swap3A_197 = tpu.vector_load %arg31[%swap3A_195, %swap3A_196] {strides = array<i32>} : memref<5x125xi32, #tpu.memory_space<vmem>>, vector<16xi32>,
    tpu.vector_store %arg31[%swap3A_195, %swap3A_196], %add3A_193 {strides = array<i32>} : memref<5x125xi32, #tpu.memory_space<vmem>>, vector<16xi32>,
    %add3A_198 = arith.constant 423 : i32
    %add3A_199 = vector.broadcast %add3A_198 : i32 to vector<16xi32>
    %add3A_200 = arith.addi %iota3A, %add3A_199 : vector<16xi32>
    %swap3A_201 = arith.constant 3 : i32
    %swap3A_202 = arith.index_cast %swap3A_201 : i32 to index
    %swap3A_203 = arith.constant 48 : index
    %swap3A_204 = tpu.vector_load %arg31[%swap3A_202, %swap3A_203] {strides = array<i32>} : memref<5x125xi32, #tpu.memory_space<vmem>>, vector<16xi32>,
    tpu.vector_store %arg31[%swap3A_202, %swap3A_203], %add3A_200 {strides = array<i32>} : memref<5x125xi32, #tpu.memory_space<vmem>>, vector<16xi32>,
    %add3A_205 = arith.constant 439 : i32
    %add3A_206 = vector.broadcast %add3A_205 : i32 to vector<16xi32>
    %add3A_207 = arith.addi %iota3A, %add3A_206 : vector<16xi32>
    %swap3A_208 = arith.constant 3 : i32
    %swap3A_209 = arith.index_cast %swap3A_208 : i32 to index
    %swap3A_210 = arith.constant 64 : index
    %swap3A_211 = tpu.vector_load %arg31[%swap3A_209, %swap3A_210] {strides = array<i32>} : memref<5x125xi32, #tpu.memory_space<vmem>>, vector<16xi32>,
    tpu.vector_store %arg31[%swap3A_209, %swap3A_210], %add3A_207 {strides = array<i32>} : memref<5x125xi32, #tpu.memory_space<vmem>>, vector<16xi32>,
    %add3A_212 = arith.constant 455 : i32
    %add3A_213 = vector.broadcast %add3A_212 : i32 to vector<16xi32>
    %add3A_214 = arith.addi %iota3A, %add3A_213 : vector<16xi32>
    %swap3A_215 = arith.constant 3 : i32
    %swap3A_216 = arith.index_cast %swap3A_215 : i32 to index
    %swap3A_217 = arith.constant 80 : index
    %swap3A_218 = tpu.vector_load %arg31[%swap3A_216, %swap3A_217] {strides = array<i32>} : memref<5x125xi32, #tpu.memory_space<vmem>>, vector<16xi32>,
    tpu.vector_store %arg31[%swap3A_216, %swap3A_217], %add3A_214 {strides = array<i32>} : memref<5x125xi32, #tpu.memory_space<vmem>>, vector<16xi32>,
    %add3A_219 = arith.constant 471 : i32
    %add3A_220 = vector.broadcast %add3A_219 : i32 to vector<16xi32>
    %add3A_221 = arith.addi %iota3A, %add3A_220 : vector<16xi32>
    %swap3A_222 = arith.constant 3 : i32
    %swap3A_223 = arith.index_cast %swap3A_222 : i32 to index
    %swap3A_224 = arith.constant 96 : index
    %swap3A_225 = tpu.vector_load %arg31[%swap3A_223, %swap3A_224] {strides = array<i32>} : memref<5x125xi32, #tpu.memory_space<vmem>>, vector<16xi32>,
    tpu.vector_store %arg31[%swap3A_223, %swap3A_224], %add3A_221 {strides = array<i32>} : memref<5x125xi32, #tpu.memory_space<vmem>>, vector<16xi32>,
    %add3A_226 = arith.constant 484 : i32
    %add3A_227 = vector.broadcast %add3A_226 : i32 to vector<16xi32>
    %add3A_228 = arith.addi %iota3A, %add3A_227 : vector<16xi32>
    %swap3A_229 = arith.constant 3 : i32
    %swap3A_230 = arith.index_cast %swap3A_229 : i32 to index
    %swap3A_231 = arith.constant 109 : index
    %swap3A_232 = tpu.vector_load %arg31[%swap3A_230, %swap3A_231] {strides = array<i32>} : memref<5x125xi32, #tpu.memory_space<vmem>>, vector<16xi32>,
    tpu.vector_store %arg31[%swap3A_230, %swap3A_231], %add3A_228 {strides = array<i32>} : memref<5x125xi32, #tpu.memory_space<vmem>>, vector<16xi32>,
    %add3A_233 = arith.constant 500 : i32
    %add3A_234 = vector.broadcast %add3A_233 : i32 to vector<16xi32>
    %add3A_235 = arith.addi %iota3A, %add3A_234 : vector<16xi32>
    %swap3A_236 = arith.constant 4 : i32
    %swap3A_237 = arith.index_cast %swap3A_236 : i32 to index
    %swap3A_238 = arith.constant 0 : index
    %swap3A_239 = tpu.vector_load %arg31[%swap3A_237, %swap3A_238] {strides = array<i32>} : memref<5x125xi32, #tpu.memory_space<vmem>>, vector<16xi32>,
    tpu.vector_store %arg31[%swap3A_237, %swap3A_238], %add3A_235 {strides = array<i32>} : memref<5x125xi32, #tpu.memory_space<vmem>>, vector<16xi32>,
    %add3A_240 = arith.constant 516 : i32
    %add3A_241 = vector.broadcast %add3A_240 : i32 to vector<16xi32>
    %add3A_242 = arith.addi %iota3A, %add3A_241 : vector<16xi32>
    %swap3A_243 = arith.constant 4 : i32
    %swap3A_244 = arith.index_cast %swap3A_243 : i32 to index
    %swap3A_245 = arith.constant 16 : index
    %swap3A_246 = tpu.vector_load %arg31[%swap3A_244, %swap3A_245] {strides = array<i32>} : memref<5x125xi32, #tpu.memory_space<vmem>>, vector<16xi32>,
    tpu.vector_store %arg31[%swap3A_244, %swap3A_245], %add3A_242 {strides = array<i32>} : memref<5x125xi32, #tpu.memory_space<vmem>>, vector<16xi32>,
    %add3A_247 = arith.constant 532 : i32
    %add3A_248 = vector.broadcast %add3A_247 : i32 to vector<16xi32>
    %add3A_249 = arith.addi %iota3A, %add3A_248 : vector<16xi32>
    %swap3A_250 = arith.constant 4 : i32
    %swap3A_251 = arith.index_cast %swap3A_250 : i32 to index
    %swap3A_252 = arith.constant 32 : index
    %swap3A_253 = tpu.vector_load %arg31[%swap3A_251, %swap3A_252] {strides = array<i32>} : memref<5x125xi32, #tpu.memory_space<vmem>>, vector<16xi32>,
    tpu.vector_store %arg31[%swap3A_251, %swap3A_252], %add3A_249 {strides = array<i32>} : memref<5x125xi32, #tpu.memory_space<vmem>>, vector<16xi32>,
    %add3A_254 = arith.constant 548 : i32
    %add3A_255 = vector.broadcast %add3A_254 : i32 to vector<16xi32>
    %add3A_256 = arith.addi %iota3A, %add3A_255 : vector<16xi32>
    %swap3A_257 = arith.constant 4 : i32
    %swap3A_258 = arith.index_cast %swap3A_257 : i32 to index
    %swap3A_259 = arith.constant 48 : index
    %swap3A_260 = tpu.vector_load %arg31[%swap3A_258, %swap3A_259] {strides = array<i32>} : memref<5x125xi32, #tpu.memory_space<vmem>>, vector<16xi32>,
    tpu.vector_store %arg31[%swap3A_258, %swap3A_259], %add3A_256 {strides = array<i32>} : memref<5x125xi32, #tpu.memory_space<vmem>>, vector<16xi32>,
    %add3A_261 = arith.constant 564 : i32
    %add3A_262 = vector.broadcast %add3A_261 : i32 to vector<16xi32>
    %add3A_263 = arith.addi %iota3A, %add3A_262 : vector<16xi32>
    %swap3A_264 = arith.constant 4 : i32
    %swap3A_265 = arith.index_cast %swap3A_264 : i32 to index
    %swap3A_266 = arith.constant 64 : index
    %swap3A_267 = tpu.vector_load %arg31[%swap3A_265, %swap3A_266] {strides = array<i32>} : memref<5x125xi32, #tpu.memory_space<vmem>>, vector<16xi32>,
    tpu.vector_store %arg31[%swap3A_265, %swap3A_266], %add3A_263 {strides = array<i32>} : memref<5x125xi32, #tpu.memory_space<vmem>>, vector<16xi32>,
    %add3A_268 = arith.constant 580 : i32
    %add3A_269 = vector.broadcast %add3A_268 : i32 to vector<16xi32>
    %add3A_270 = arith.addi %iota3A, %add3A_269 : vector<16xi32>
    %swap3A_271 = arith.constant 4 : i32
    %swap3A_272 = arith.index_cast %swap3A_271 : i32 to index
    %swap3A_273 = arith.constant 80 : index
    %swap3A_274 = tpu.vector_load %arg31[%swap3A_272, %swap3A_273] {strides = array<i32>} : memref<5x125xi32, #tpu.memory_space<vmem>>, vector<16xi32>,
    tpu.vector_store %arg31[%swap3A_272, %swap3A_273], %add3A_270 {strides = array<i32>} : memref<5x125xi32, #tpu.memory_space<vmem>>, vector<16xi32>,
    %add3A_275 = arith.constant 596 : i32
    %add3A_276 = vector.broadcast %add3A_275 : i32 to vector<16xi32>
    %add3A_277 = arith.addi %iota3A, %add3A_276 : vector<16xi32>
    %swap3A_278 = arith.constant 4 : i32
    %swap3A_279 = arith.index_cast %swap3A_278 : i32 to index
    %swap3A_280 = arith.constant 96 : index
    %swap3A_281 = tpu.vector_load %arg31[%swap3A_279, %swap3A_280] {strides = array<i32>} : memref<5x125xi32, #tpu.memory_space<vmem>>, vector<16xi32>,
    tpu.vector_store %arg31[%swap3A_279, %swap3A_280], %add3A_277 {strides = array<i32>} : memref<5x125xi32, #tpu.memory_space<vmem>>, vector<16xi32>,
    %add3A_282 = arith.constant 609 : i32
    %add3A_283 = vector.broadcast %add3A_282 : i32 to vector<16xi32>
    %add3A_284 = arith.addi %iota3A, %add3A_283 : vector<16xi32>
    %swap3A_285 = arith.constant 4 : i32
    %swap3A_286 = arith.index_cast %swap3A_285 : i32 to index
    %swap3A_287 = arith.constant 109 : index
    %swap3A_288 = tpu.vector_load %arg31[%swap3A_286, %swap3A_287] {strides = array<i32>} : memref<5x125xi32, #tpu.memory_space<vmem>>, vector<16xi32>,
    tpu.vector_store %arg31[%swap3A_286, %swap3A_287], %add3A_284 {strides = array<i32>} : memref<5x125xi32, #tpu.memory_space<vmem>>, vector<16xi32>,
    %eq3A = arith.constant 0 : i32
    %eq3A_289 = arith.cmpi eq, %arg1, %eq3A : i32
    %convert_element_type3A = arith.extui %eq3A_289 : i1 to i32
    %cond3A = arith.constant 0 : i32
    %cond3A_290 = arith.cmpi ne, %convert_element_type3A, %cond3A : i32
    scf.if %cond3A_290 {
      "tpu.region"() ({
        %run_scoped3A = tpu.sem_alloc : memref<!tpu.dma_semaphore, #tpu.memory_space<semaphore_mem>>
        %dma_start3A_824 = arith.constant 0 : i32
        %dma_start3A_825 = arith.constant 0 : i32
        %dma_start3A_826 = tpu.memref_slice %arg30[%dma_start3A_824, %dma_start3A_825] : memref<625x16xf32, #tpu.memory_space<vmem>> -> memref<625x16xf32, #tpu.memory_space<vmem>>
        %dma_start3A_827 = arith.constant 0 : i32
        %dma_start3A_828 = arith.constant 0 : i32
        %dma_start3A_829 = tpu.memref_slice %arg29[%dma_start3A_827, %dma_start3A_828] : memref<640x16xf32, #tpu.memory_space<vmem_shared>> -> memref<625x16xf32, #tpu.memory_space<vmem_shared>>
        %dma_start3A_830 = arith.constant 0 : i32
        %dma_start3A_831 = arith.constant 0 : i32
        %dma_start3A_832 = tpu.memref_slice %arg29[%dma_start3A_830, %dma_start3A_831] : memref<640x16xf32, #tpu.memory_space<vmem_shared>> -> memref<625x16xf32, #tpu.memory_space<vmem_shared>>
        %dma_start3A_833 = arith.constant 0 : i32
        %dma_start3A_834 = arith.constant 0 : i32
        %dma_start3A_835 = tpu.memref_slice %arg30[%dma_start3A_833, %dma_start3A_834] : memref<625x16xf32, #tpu.memory_space<vmem>> -> memref<625x16xf32, #tpu.memory_space<vmem>>
        tpu.enqueue_dma source(%dma_start3A_835 : memref<625x16xf32, #tpu.memory_space<vmem>>) target(%dma_start3A_832 : memref<625x16xf32, #tpu.memory_space<vmem_shared>>) target_semaphore(%run_scoped3A : memref<!tpu.dma_semaphore, #tpu.memory_space<semaphore_mem>>)
        %dma_wait3A_836 = arith.constant 0 : i32
        %dma_wait3A_837 = arith.constant 0 : i32
        %dma_wait3A_838 = tpu.memref_slice %arg30[%dma_wait3A_836, %dma_wait3A_837] : memref<625x16xf32, #tpu.memory_space<vmem>> -> memref<625x16xf32, #tpu.memory_space<vmem>>
        %dma_wait3A_839 = arith.constant 0 : i32
        %dma_wait3A_840 = arith.constant 0 : i32
        %dma_wait3A_841 = tpu.memref_slice %arg29[%dma_wait3A_839, %dma_wait3A_840] : memref<640x16xf32, #tpu.memory_space<vmem_shared>> -> memref<625x16xf32, #tpu.memory_space<vmem_shared>>
        %dma_wait3A_842 = arith.constant 0 : i32
        %dma_wait3A_843 = arith.constant 0 : i32
        %dma_wait3A_844 = tpu.memref_slice %arg29[%dma_wait3A_842, %dma_wait3A_843] : memref<640x16xf32, #tpu.memory_space<vmem_shared>> -> memref<625x16xf32, #tpu.memory_space<vmem_shared>>
        %dma_wait3A_845 = arith.constant 0 : i32
        %dma_wait3A_846 = arith.constant 0 : i32
        %dma_wait3A_847 = tpu.memref_slice %arg30[%dma_wait3A_845, %dma_wait3A_846] : memref<625x16xf32, #tpu.memory_space<vmem>> -> memref<625x16xf32, #tpu.memory_space<vmem>>
        tpu.wait_dma2 semaphore(%run_scoped3A : memref<!tpu.dma_semaphore, #tpu.memory_space<semaphore_mem>>) src(%dma_wait3A_847 : memref<625x16xf32, #tpu.memory_space<vmem>>) dst(%dma_wait3A_844 : memref<625x16xf32, #tpu.memory_space<vmem_shared>>)
        tpu.yield
      }) : () -> ()
      "tpu.region"() ({
        %run_scoped3A = tpu.sem_alloc : memref<!tpu.dma_semaphore, #tpu.memory_space<semaphore_mem>>
        %dma_start3A_824 = arith.constant 0 : i32
        %dma_start3A_825 = arith.constant 0 : i32
        %dma_start3A_826 = tpu.memref_slice %arg30[%dma_start3A_824, %dma_start3A_825] : memref<625x16xf32, #tpu.memory_space<vmem>> -> memref<15x16xf32, #tpu.memory_space<vmem>>
        %dma_start3A_827 = arith.constant 625 : i32
        %dma_start3A_828 = arith.constant 0 : i32
        %dma_start3A_829 = tpu.memref_slice %arg29[%dma_start3A_827, %dma_start3A_828] : memref<640x16xf32, #tpu.memory_space<vmem_shared>> -> memref<15x16xf32, #tpu.memory_space<vmem_shared>>
        %dma_start3A_830 = arith.constant 625 : i32
        %dma_start3A_831 = arith.constant 0 : i32
        %dma_start3A_832 = tpu.memref_slice %arg29[%dma_start3A_830, %dma_start3A_831] : memref<640x16xf32, #tpu.memory_space<vmem_shared>> -> memref<15x16xf32, #tpu.memory_space<vmem_shared>>
        %dma_start3A_833 = arith.constant 0 : i32
        %dma_start3A_834 = arith.constant 0 : i32
        %dma_start3A_835 = tpu.memref_slice %arg30[%dma_start3A_833, %dma_start3A_834] : memref<625x16xf32, #tpu.memory_space<vmem>> -> memref<15x16xf32, #tpu.memory_space<vmem>>
        tpu.enqueue_dma source(%dma_start3A_835 : memref<15x16xf32, #tpu.memory_space<vmem>>) target(%dma_start3A_832 : memref<15x16xf32, #tpu.memory_space<vmem_shared>>) target_semaphore(%run_scoped3A : memref<!tpu.dma_semaphore, #tpu.memory_space<semaphore_mem>>)
        %dma_wait3A_836 = arith.constant 0 : i32
        %dma_wait3A_837 = arith.constant 0 : i32
        %dma_wait3A_838 = tpu.memref_slice %arg30[%dma_wait3A_836, %dma_wait3A_837] : memref<625x16xf32, #tpu.memory_space<vmem>> -> memref<15x16xf32, #tpu.memory_space<vmem>>
        %dma_wait3A_839 = arith.constant 625 : i32
        %dma_wait3A_840 = arith.constant 0 : i32
        %dma_wait3A_841 = tpu.memref_slice %arg29[%dma_wait3A_839, %dma_wait3A_840] : memref<640x16xf32, #tpu.memory_space<vmem_shared>> -> memref<15x16xf32, #tpu.memory_space<vmem_shared>>
        %dma_wait3A_842 = arith.constant 625 : i32
        %dma_wait3A_843 = arith.constant 0 : i32
        %dma_wait3A_844 = tpu.memref_slice %arg29[%dma_wait3A_842, %dma_wait3A_843] : memref<640x16xf32, #tpu.memory_space<vmem_shared>> -> memref<15x16xf32, #tpu.memory_space<vmem_shared>>
        %dma_wait3A_845 = arith.constant 0 : i32
        %dma_wait3A_846 = arith.constant 0 : i32
        %dma_wait3A_847 = tpu.memref_slice %arg30[%dma_wait3A_845, %dma_wait3A_846] : memref<625x16xf32, #tpu.memory_space<vmem>> -> memref<15x16xf32, #tpu.memory_space<vmem>>
        tpu.wait_dma2 semaphore(%run_scoped3A : memref<!tpu.dma_semaphore, #tpu.memory_space<semaphore_mem>>) src(%dma_wait3A_847 : memref<15x16xf32, #tpu.memory_space<vmem>>) dst(%dma_wait3A_844 : memref<15x16xf32, #tpu.memory_space<vmem_shared>>)
        tpu.yield
      }) : () -> ()
    } else {
    }
    %broadcast_in_dim3A_291 = arith.constant 1.000000e+00 : f32
    %broadcast_in_dim3A_292 = vector.broadcast %broadcast_in_dim3A_291 : f32 to vector<16xf32>
    %mul3A_293 = arith.constant 10000 : i32
    %mul3A_294 = arith.muli %add3A, %mul3A_293 : i32
    %barrier3A = arith.constant 0 : index
    tpu.barrier barrier_id(%barrier3A)
    %add3A_295 = arith.constant 0 : i32
    %add3A_296 = arith.addi %mul3A_294, %add3A_295 : i32
    %min3A = arith.constant 319600 : i32
    %min3A_297 = arith.minsi %add3A_296, %min3A : i32
    %dma_start3A = arith.constant 0 : i32
    %dma_start3A_298 = tpu.memref_slice %arg3[%dma_start3A, %min3A_297] : memref<2x320000xi32, #tpu.memory_space<hbm>> -> memref<1x400xi32, #tpu.memory_space<hbm>>
    %dma_start3A_299 = tpu.memref_squeeze %dma_start3A_298 : memref<1x400xi32, #tpu.memory_space<hbm>> -> memref<400xi32, #tpu.memory_space<hbm>>
    %dma_start3A_300 = tpu.memref_slice %arg3[%dma_start3A, %min3A_297] : memref<2x320000xi32, #tpu.memory_space<hbm>> -> memref<1x400xi32, #tpu.memory_space<hbm>>
    %dma_start3A_301 = tpu.memref_squeeze %dma_start3A_300 : memref<1x400xi32, #tpu.memory_space<hbm>> -> memref<400xi32, #tpu.memory_space<hbm>>
    tpu.enqueue_dma source(%dma_start3A_301 : memref<400xi32, #tpu.memory_space<hbm>>) target(%arg7 : memref<400xi32, #tpu.memory_space<vmem>>) target_semaphore(%arg27 : memref<!tpu.dma_semaphore, #tpu.memory_space<semaphore_mem>>)
    %dma_start3A_302 = arith.constant 1 : i32
    %dma_start3A_303 = tpu.memref_slice %arg3[%dma_start3A_302, %min3A_297] : memref<2x320000xi32, #tpu.memory_space<hbm>> -> memref<1x400xi32, #tpu.memory_space<hbm>>
    %dma_start3A_304 = tpu.memref_squeeze %dma_start3A_303 : memref<1x400xi32, #tpu.memory_space<hbm>> -> memref<400xi32, #tpu.memory_space<hbm>>
    %dma_start3A_305 = tpu.memref_slice %arg3[%dma_start3A_302, %min3A_297] : memref<2x320000xi32, #tpu.memory_space<hbm>> -> memref<1x400xi32, #tpu.memory_space<hbm>>
    %dma_start3A_306 = tpu.memref_squeeze %dma_start3A_305 : memref<1x400xi32, #tpu.memory_space<hbm>> -> memref<400xi32, #tpu.memory_space<hbm>>
    tpu.enqueue_dma source(%dma_start3A_306 : memref<400xi32, #tpu.memory_space<hbm>>) target(%arg9 : memref<400xi32, #tpu.memory_space<vmem>>) target_semaphore(%arg27 : memref<!tpu.dma_semaphore, #tpu.memory_space<semaphore_mem>>)
    %dma_wait3A = arith.constant 0 : i32
    %dma_wait3A_307 = tpu.memref_slice %arg3[%dma_wait3A, %min3A_297] : memref<2x320000xi32, #tpu.memory_space<hbm>> -> memref<1x400xi32, #tpu.memory_space<hbm>>
    %dma_wait3A_308 = tpu.memref_squeeze %dma_wait3A_307 : memref<1x400xi32, #tpu.memory_space<hbm>> -> memref<400xi32, #tpu.memory_space<hbm>>
    %dma_wait3A_309 = tpu.memref_slice %arg3[%dma_wait3A, %min3A_297] : memref<2x320000xi32, #tpu.memory_space<hbm>> -> memref<1x400xi32, #tpu.memory_space<hbm>>
    %dma_wait3A_310 = tpu.memref_squeeze %dma_wait3A_309 : memref<1x400xi32, #tpu.memory_space<hbm>> -> memref<400xi32, #tpu.memory_space<hbm>>
    tpu.wait_dma2 semaphore(%arg27 : memref<!tpu.dma_semaphore, #tpu.memory_space<semaphore_mem>>) src(%dma_wait3A_310 : memref<400xi32, #tpu.memory_space<hbm>>) dst(%arg7 : memref<400xi32, #tpu.memory_space<vmem>>)
    %dma_wait3A_311 = arith.constant 1 : i32
    %dma_wait3A_312 = tpu.memref_slice %arg3[%dma_wait3A_311, %min3A_297] : memref<2x320000xi32, #tpu.memory_space<hbm>> -> memref<1x400xi32, #tpu.memory_space<hbm>>
    %dma_wait3A_313 = tpu.memref_squeeze %dma_wait3A_312 : memref<1x400xi32, #tpu.memory_space<hbm>> -> memref<400xi32, #tpu.memory_space<hbm>>
    %dma_wait3A_314 = tpu.memref_slice %arg3[%dma_wait3A_311, %min3A_297] : memref<2x320000xi32, #tpu.memory_space<hbm>> -> memref<1x400xi32, #tpu.memory_space<hbm>>
    %dma_wait3A_315 = tpu.memref_squeeze %dma_wait3A_314 : memref<1x400xi32, #tpu.memory_space<hbm>> -> memref<400xi32, #tpu.memory_space<hbm>>
    tpu.wait_dma2 semaphore(%arg27 : memref<!tpu.dma_semaphore, #tpu.memory_space<semaphore_mem>>) src(%dma_wait3A_315 : memref<400xi32, #tpu.memory_space<hbm>>) dst(%arg9 : memref<400xi32, #tpu.memory_space<vmem>>)
    %broadcast_in_dim3A_316 = arith.constant 0.000000e+00 : bf16
    %broadcast_in_dim3A_317 = vector.broadcast %broadcast_in_dim3A_316 : bf16 to vector<32xbf16>
    %scan3A_318 = arith.constant 0 : i32
    %scan3A_319 = arith.constant 0 : i32
    %scan3A_320 = arith.constant 80 : i32
    %scan3A_321 = arith.addi %scan3A_319, %scan3A_320 : i32
    %scan3A_322 = arith.constant 1 : i32
    %scan3A_323 = scf.for %scan3A_824 = %scan3A_319 to %scan3A_321 step %scan3A_322 iter_args(%scan3A_825 = %scan3A_318) -> (i32)  : i32 {
      %swap3A_826 = arith.index_cast %scan3A_824 : i32 to index
      %swap3A_827 = arith.constant 0 : index
      %swap3A_828 = tpu.vector_load %arg11[%swap3A_826, %swap3A_827] {strides = array<i32>} : memref<80x128xbf16, #tpu.memory_space<vmem>>, vector<32xbf16>,
      tpu.vector_store %arg11[%swap3A_826, %swap3A_827], %broadcast_in_dim3A_317 {strides = array<i32>} : memref<80x128xbf16, #tpu.memory_space<vmem>>, vector<32xbf16>,
      %swap3A_829 = arith.index_cast %scan3A_824 : i32 to index
      %swap3A_830 = arith.constant 32 : index
      %swap3A_831 = tpu.vector_load %arg11[%swap3A_829, %swap3A_830] {strides = array<i32>} : memref<80x128xbf16, #tpu.memory_space<vmem>>, vector<32xbf16>,
      tpu.vector_store %arg11[%swap3A_829, %swap3A_830], %broadcast_in_dim3A_317 {strides = array<i32>} : memref<80x128xbf16, #tpu.memory_space<vmem>>, vector<32xbf16>,
      %swap3A_832 = arith.index_cast %scan3A_824 : i32 to index
      %swap3A_833 = arith.constant 64 : index
      %swap3A_834 = tpu.vector_load %arg11[%swap3A_832, %swap3A_833] {strides = array<i32>} : memref<80x128xbf16, #tpu.memory_space<vmem>>, vector<32xbf16>,
      tpu.vector_store %arg11[%swap3A_832, %swap3A_833], %broadcast_in_dim3A_317 {strides = array<i32>} : memref<80x128xbf16, #tpu.memory_space<vmem>>, vector<32xbf16>,
      %swap3A_835 = arith.index_cast %scan3A_824 : i32 to index
      %swap3A_836 = arith.constant 96 : index
      %swap3A_837 = tpu.vector_load %arg11[%swap3A_835, %swap3A_836] {strides = array<i32>} : memref<80x128xbf16, #tpu.memory_space<vmem>>, vector<32xbf16>,
      tpu.vector_store %arg11[%swap3A_835, %swap3A_836], %broadcast_in_dim3A_317 {strides = array<i32>} : memref<80x128xbf16, #tpu.memory_space<vmem>>, vector<32xbf16>,
      %swap3A_838 = arith.index_cast %scan3A_824 : i32 to index
      %swap3A_839 = arith.constant 0 : index
      %swap3A_840 = tpu.vector_load %arg12[%swap3A_838, %swap3A_839] {strides = array<i32>} : memref<80x128xbf16, #tpu.memory_space<vmem>>, vector<32xbf16>,
      tpu.vector_store %arg12[%swap3A_838, %swap3A_839], %broadcast_in_dim3A_317 {strides = array<i32>} : memref<80x128xbf16, #tpu.memory_space<vmem>>, vector<32xbf16>,
      %swap3A_841 = arith.index_cast %scan3A_824 : i32 to index
      %swap3A_842 = arith.constant 32 : index
      %swap3A_843 = tpu.vector_load %arg12[%swap3A_841, %swap3A_842] {strides = array<i32>} : memref<80x128xbf16, #tpu.memory_space<vmem>>, vector<32xbf16>,
      tpu.vector_store %arg12[%swap3A_841, %swap3A_842], %broadcast_in_dim3A_317 {strides = array<i32>} : memref<80x128xbf16, #tpu.memory_space<vmem>>, vector<32xbf16>,
      %swap3A_844 = arith.index_cast %scan3A_824 : i32 to index
      %swap3A_845 = arith.constant 64 : index
      %swap3A_846 = tpu.vector_load %arg12[%swap3A_844, %swap3A_845] {strides = array<i32>} : memref<80x128xbf16, #tpu.memory_space<vmem>>, vector<32xbf16>,
      tpu.vector_store %arg12[%swap3A_844, %swap3A_845], %broadcast_in_dim3A_317 {strides = array<i32>} : memref<80x128xbf16, #tpu.memory_space<vmem>>, vector<32xbf16>,
      %swap3A_847 = arith.index_cast %scan3A_824 : i32 to index
      %swap3A_848 = arith.constant 96 : index
      %swap3A_849 = tpu.vector_load %arg12[%swap3A_847, %swap3A_848] {strides = array<i32>} : memref<80x128xbf16, #tpu.memory_space<vmem>>, vector<32xbf16>,
      tpu.vector_store %arg12[%swap3A_847, %swap3A_848], %broadcast_in_dim3A_317 {strides = array<i32>} : memref<80x128xbf16, #tpu.memory_space<vmem>>, vector<32xbf16>,
      %swap3A_850 = arith.index_cast %scan3A_824 : i32 to index
      %swap3A_851 = arith.constant 0 : index
      %swap3A_852 = tpu.vector_load %arg13[%swap3A_850, %swap3A_851] {strides = array<i32>} : memref<80x128xbf16, #tpu.memory_space<vmem>>, vector<32xbf16>,
      tpu.vector_store %arg13[%swap3A_850, %swap3A_851], %broadcast_in_dim3A_317 {strides = array<i32>} : memref<80x128xbf16, #tpu.memory_space<vmem>>, vector<32xbf16>,
      %swap3A_853 = arith.index_cast %scan3A_824 : i32 to index
      %swap3A_854 = arith.constant 32 : index
      %swap3A_855 = tpu.vector_load %arg13[%swap3A_853, %swap3A_854] {strides = array<i32>} : memref<80x128xbf16, #tpu.memory_space<vmem>>, vector<32xbf16>,
      tpu.vector_store %arg13[%swap3A_853, %swap3A_854], %broadcast_in_dim3A_317 {strides = array<i32>} : memref<80x128xbf16, #tpu.memory_space<vmem>>, vector<32xbf16>,
      %swap3A_856 = arith.index_cast %scan3A_824 : i32 to index
      %swap3A_857 = arith.constant 64 : index
      %swap3A_858 = tpu.vector_load %arg13[%swap3A_856, %swap3A_857] {strides = array<i32>} : memref<80x128xbf16, #tpu.memory_space<vmem>>, vector<32xbf16>,
      tpu.vector_store %arg13[%swap3A_856, %swap3A_857], %broadcast_in_dim3A_317 {strides = array<i32>} : memref<80x128xbf16, #tpu.memory_space<vmem>>, vector<32xbf16>,
      %swap3A_859 = arith.index_cast %scan3A_824 : i32 to index
      %swap3A_860 = arith.constant 96 : index
      %swap3A_861 = tpu.vector_load %arg13[%swap3A_859, %swap3A_860] {strides = array<i32>} : memref<80x128xbf16, #tpu.memory_space<vmem>>, vector<32xbf16>,
      tpu.vector_store %arg13[%swap3A_859, %swap3A_860], %broadcast_in_dim3A_317 {strides = array<i32>} : memref<80x128xbf16, #tpu.memory_space<vmem>>, vector<32xbf16>,
      %swap3A_862 = arith.index_cast %scan3A_824 : i32 to index
      %swap3A_863 = arith.constant 0 : index
      %swap3A_864 = tpu.vector_load %arg14[%swap3A_862, %swap3A_863] {strides = array<i32>} : memref<80x128xbf16, #tpu.memory_space<vmem>>, vector<32xbf16>,
      tpu.vector_store %arg14[%swap3A_862, %swap3A_863], %broadcast_in_dim3A_317 {strides = array<i32>} : memref<80x128xbf16, #tpu.memory_space<vmem>>, vector<32xbf16>,
      %swap3A_865 = arith.index_cast %scan3A_824 : i32 to index
      %swap3A_866 = arith.constant 32 : index
      %swap3A_867 = tpu.vector_load %arg14[%swap3A_865, %swap3A_866] {strides = array<i32>} : memref<80x128xbf16, #tpu.memory_space<vmem>>, vector<32xbf16>,
      tpu.vector_store %arg14[%swap3A_865, %swap3A_866], %broadcast_in_dim3A_317 {strides = array<i32>} : memref<80x128xbf16, #tpu.memory_space<vmem>>, vector<32xbf16>,
      %swap3A_868 = arith.index_cast %scan3A_824 : i32 to index
      %swap3A_869 = arith.constant 64 : index
      %swap3A_870 = tpu.vector_load %arg14[%swap3A_868, %swap3A_869] {strides = array<i32>} : memref<80x128xbf16, #tpu.memory_space<vmem>>, vector<32xbf16>,
      tpu.vector_store %arg14[%swap3A_868, %swap3A_869], %broadcast_in_dim3A_317 {strides = array<i32>} : memref<80x128xbf16, #tpu.memory_space<vmem>>, vector<32xbf16>,
      %swap3A_871 = arith.index_cast %scan3A_824 : i32 to index
      %swap3A_872 = arith.constant 96 : index
      %swap3A_873 = tpu.vector_load %arg14[%swap3A_871, %swap3A_872] {strides = array<i32>} : memref<80x128xbf16, #tpu.memory_space<vmem>>, vector<32xbf16>,
      tpu.vector_store %arg14[%swap3A_871, %swap3A_872], %broadcast_in_dim3A_317 {strides = array<i32>} : memref<80x128xbf16, #tpu.memory_space<vmem>>, vector<32xbf16>,
      %swap3A_874 = arith.index_cast %scan3A_824 : i32 to index
      %swap3A_875 = arith.constant 0 : index
      %swap3A_876 = tpu.vector_load %arg15[%swap3A_874, %swap3A_875] {strides = array<i32>} : memref<80x128xbf16, #tpu.memory_space<vmem>>, vector<32xbf16>,
      tpu.vector_store %arg15[%swap3A_874, %swap3A_875], %broadcast_in_dim3A_317 {strides = array<i32>} : memref<80x128xbf16, #tpu.memory_space<vmem>>, vector<32xbf16>,
      %swap3A_877 = arith.index_cast %scan3A_824 : i32 to index
      %swap3A_878 = arith.constant 32 : index
      %swap3A_879 = tpu.vector_load %arg15[%swap3A_877, %swap3A_878] {strides = array<i32>} : memref<80x128xbf16, #tpu.memory_space<vmem>>, vector<32xbf16>,
      tpu.vector_store %arg15[%swap3A_877, %swap3A_878], %broadcast_in_dim3A_317 {strides = array<i32>} : memref<80x128xbf16, #tpu.memory_space<vmem>>, vector<32xbf16>,
      %swap3A_880 = arith.index_cast %scan3A_824 : i32 to index
      %swap3A_881 = arith.constant 64 : index
      %swap3A_882 = tpu.vector_load %arg15[%swap3A_880, %swap3A_881] {strides = array<i32>} : memref<80x128xbf16, #tpu.memory_space<vmem>>, vector<32xbf16>,
      tpu.vector_store %arg15[%swap3A_880, %swap3A_881], %broadcast_in_dim3A_317 {strides = array<i32>} : memref<80x128xbf16, #tpu.memory_space<vmem>>, vector<32xbf16>,
      %swap3A_883 = arith.index_cast %scan3A_824 : i32 to index
      %swap3A_884 = arith.constant 96 : index
      %swap3A_885 = tpu.vector_load %arg15[%swap3A_883, %swap3A_884] {strides = array<i32>} : memref<80x128xbf16, #tpu.memory_space<vmem>>, vector<32xbf16>,
      tpu.vector_store %arg15[%swap3A_883, %swap3A_884], %broadcast_in_dim3A_317 {strides = array<i32>} : memref<80x128xbf16, #tpu.memory_space<vmem>>, vector<32xbf16>,
      %scan3A_886 = arith.constant 0 : i32
      scf.yield %scan3A_886 : i32
    }
    %scan3A_324 = arith.constant 80 : i32
    %dma_start3A_325 = arith.constant 0 : i32
    %dma_start3A_326 = tpu.memref_slice %arg9[%dma_start3A_325] : memref<400xi32, #tpu.memory_space<vmem>> -> memref<80xi32, #tpu.memory_space<vmem>>
    %dma_start3A_327 = arith.constant 0 : i32
    %dma_start3A_328 = arith.constant 0 : i32
    %dma_start3A_329 = tpu.memref_slice %arg16[%dma_start3A_327, %dma_start3A_328] : memref<10240x128xbf16, #tpu.memory_space<vmem_shared>> -> memref<10240x128xbf16, #tpu.memory_space<vmem_shared>>
    tpu.enqueue_indirect_dma source(%arg11 : memref<80x128xbf16, #tpu.memory_space<vmem>>) target(%dma_start3A_329 : memref<10240x128xbf16, #tpu.memory_space<vmem_shared>>) offsets(%dma_start3A_326 : memref<80xi32, #tpu.memory_space<vmem>>) semaphore(%arg22 : memref<!tpu.dma_semaphore, #tpu.memory_space<semaphore_mem>>) {add = true}
    %dma_start3A_330 = arith.constant 80 : i32
    %dma_start3A_331 = tpu.memref_slice %arg9[%dma_start3A_330] : memref<400xi32, #tpu.memory_space<vmem>> -> memref<80xi32, #tpu.memory_space<vmem>>
    %dma_start3A_332 = arith.constant 0 : i32
    %dma_start3A_333 = arith.constant 0 : i32
    %dma_start3A_334 = tpu.memref_slice %arg16[%dma_start3A_332, %dma_start3A_333] : memref<10240x128xbf16, #tpu.memory_space<vmem_shared>> -> memref<10240x128xbf16, #tpu.memory_space<vmem_shared>>
    tpu.enqueue_indirect_dma source(%arg12 : memref<80x128xbf16, #tpu.memory_space<vmem>>) target(%dma_start3A_334 : memref<10240x128xbf16, #tpu.memory_space<vmem_shared>>) offsets(%dma_start3A_331 : memref<80xi32, #tpu.memory_space<vmem>>) semaphore(%arg23 : memref<!tpu.dma_semaphore, #tpu.memory_space<semaphore_mem>>) {add = true}
    %dma_start3A_335 = arith.constant 160 : i32
    %dma_start3A_336 = tpu.memref_slice %arg9[%dma_start3A_335] : memref<400xi32, #tpu.memory_space<vmem>> -> memref<80xi32, #tpu.memory_space<vmem>>
    %dma_start3A_337 = arith.constant 0 : i32
    %dma_start3A_338 = arith.constant 0 : i32
    %dma_start3A_339 = tpu.memref_slice %arg16[%dma_start3A_337, %dma_start3A_338] : memref<10240x128xbf16, #tpu.memory_space<vmem_shared>> -> memref<10240x128xbf16, #tpu.memory_space<vmem_shared>>
    tpu.enqueue_indirect_dma source(%arg13 : memref<80x128xbf16, #tpu.memory_space<vmem>>) target(%dma_start3A_339 : memref<10240x128xbf16, #tpu.memory_space<vmem_shared>>) offsets(%dma_start3A_336 : memref<80xi32, #tpu.memory_space<vmem>>) semaphore(%arg24 : memref<!tpu.dma_semaphore, #tpu.memory_space<semaphore_mem>>) {add = true}
    %dma_start3A_340 = arith.constant 240 : i32
    %dma_start3A_341 = tpu.memref_slice %arg9[%dma_start3A_340] : memref<400xi32, #tpu.memory_space<vmem>> -> memref<80xi32, #tpu.memory_space<vmem>>
    %dma_start3A_342 = arith.constant 0 : i32
    %dma_start3A_343 = arith.constant 0 : i32
    %dma_start3A_344 = tpu.memref_slice %arg16[%dma_start3A_342, %dma_start3A_343] : memref<10240x128xbf16, #tpu.memory_space<vmem_shared>> -> memref<10240x128xbf16, #tpu.memory_space<vmem_shared>>
    tpu.enqueue_indirect_dma source(%arg14 : memref<80x128xbf16, #tpu.memory_space<vmem>>) target(%dma_start3A_344 : memref<10240x128xbf16, #tpu.memory_space<vmem_shared>>) offsets(%dma_start3A_341 : memref<80xi32, #tpu.memory_space<vmem>>) semaphore(%arg25 : memref<!tpu.dma_semaphore, #tpu.memory_space<semaphore_mem>>) {add = true}
    %dma_start3A_345 = arith.constant 320 : i32
    %dma_start3A_346 = tpu.memref_slice %arg9[%dma_start3A_345] : memref<400xi32, #tpu.memory_space<vmem>> -> memref<80xi32, #tpu.memory_space<vmem>>
    %dma_start3A_347 = arith.constant 0 : i32
    %dma_start3A_348 = arith.constant 0 : i32
    %dma_start3A_349 = tpu.memref_slice %arg16[%dma_start3A_347, %dma_start3A_348] : memref<10240x128xbf16, #tpu.memory_space<vmem_shared>> -> memref<10240x128xbf16, #tpu.memory_space<vmem_shared>>
    tpu.enqueue_indirect_dma source(%arg15 : memref<80x128xbf16, #tpu.memory_space<vmem>>) target(%dma_start3A_349 : memref<10240x128xbf16, #tpu.memory_space<vmem_shared>>) offsets(%dma_start3A_346 : memref<80xi32, #tpu.memory_space<vmem>>) semaphore(%arg26 : memref<!tpu.dma_semaphore, #tpu.memory_space<semaphore_mem>>) {add = true}
    %scan3A_350 = arith.constant 0 : i32
    %scan3A_351 = arith.constant 0 : i32
    %scan3A_352 = arith.constant 12 : i32
    %scan3A_353 = arith.addi %scan3A_351, %scan3A_352 : i32
    %scan3A_354 = arith.constant 1 : i32
    %scan3A_355 = scf.for %scan3A_824 = %scan3A_351 to %scan3A_353 step %scan3A_354 iter_args(%scan3A_825 = %scan3A_350) -> (i32)  : i32 {
      %mul3A_826 = arith.constant 2 : i32
      %mul3A_827 = arith.muli %mul3A_826, %scan3A_824 : i32
      %dma_wait3A_828 = arith.constant 0 : i32
      %dma_wait3A_829 = arith.constant 0 : i32
      %dma_wait3A_830 = tpu.memref_slice %arg2[%dma_wait3A_828, %dma_wait3A_829] : memref<10000x128xbf16, #tpu.memory_space<hbm>> -> memref<80x128xbf16, #tpu.memory_space<hbm>>
      %dma_wait3A_831 = arith.constant 0 : i32
      %dma_wait3A_832 = arith.constant 0 : i32
      %dma_wait3A_833 = tpu.memref_slice %arg2[%dma_wait3A_831, %dma_wait3A_832] : memref<10000x128xbf16, #tpu.memory_space<hbm>> -> memref<80x128xbf16, #tpu.memory_space<hbm>>
      tpu.wait_dma2 semaphore(%arg22 : memref<!tpu.dma_semaphore, #tpu.memory_space<semaphore_mem>>) src(%dma_wait3A_833 : memref<80x128xbf16, #tpu.memory_space<hbm>>) dst(%arg11 : memref<80x128xbf16, #tpu.memory_space<vmem>>)
      %dma_start3A_834 = arith.constant 0 : i32
      %dma_start3A_835 = tpu.memref_slice %arg7[%dma_start3A_834] : memref<400xi32, #tpu.memory_space<vmem>> -> memref<80xi32, #tpu.memory_space<vmem>>
      %dma_start3A_836 = arith.constant 0 : i32
      %dma_start3A_837 = arith.constant 0 : i32
      %dma_start3A_838 = tpu.memref_slice %arg2[%dma_start3A_836, %dma_start3A_837] : memref<10000x128xbf16, #tpu.memory_space<hbm>> -> memref<10000x128xbf16, #tpu.memory_space<hbm>>
      tpu.enqueue_indirect_dma source(%dma_start3A_838 : memref<10000x128xbf16, #tpu.memory_space<hbm>>) target(%arg11 : memref<80x128xbf16, #tpu.memory_space<vmem>>) offsets(%dma_start3A_835 : memref<80xi32, #tpu.memory_space<vmem>>) semaphore(%arg17 : memref<!tpu.dma_semaphore, #tpu.memory_space<semaphore_mem>>)
      %dma_wait3A_839 = arith.constant 0 : i32
      %dma_wait3A_840 = arith.constant 0 : i32
      %dma_wait3A_841 = tpu.memref_slice %arg2[%dma_wait3A_839, %dma_wait3A_840] : memref<10000x128xbf16, #tpu.memory_space<hbm>> -> memref<80x128xbf16, #tpu.memory_space<hbm>>
      %dma_wait3A_842 = arith.constant 0 : i32
      %dma_wait3A_843 = arith.constant 0 : i32
      %dma_wait3A_844 = tpu.memref_slice %arg2[%dma_wait3A_842, %dma_wait3A_843] : memref<10000x128xbf16, #tpu.memory_space<hbm>> -> memref<80x128xbf16, #tpu.memory_space<hbm>>
      tpu.wait_dma2 semaphore(%arg23 : memref<!tpu.dma_semaphore, #tpu.memory_space<semaphore_mem>>) src(%dma_wait3A_844 : memref<80x128xbf16, #tpu.memory_space<hbm>>) dst(%arg12 : memref<80x128xbf16, #tpu.memory_space<vmem>>)
      %dma_start3A_845 = arith.constant 80 : i32
      %dma_start3A_846 = tpu.memref_slice %arg7[%dma_start3A_845] : memref<400xi32, #tpu.memory_space<vmem>> -> memref<80xi32, #tpu.memory_space<vmem>>
      %dma_start3A_847 = arith.constant 0 : i32
      %dma_start3A_848 = arith.constant 0 : i32
      %dma_start3A_849 = tpu.memref_slice %arg2[%dma_start3A_847, %dma_start3A_848] : memref<10000x128xbf16, #tpu.memory_space<hbm>> -> memref<10000x128xbf16, #tpu.memory_space<hbm>>
      tpu.enqueue_indirect_dma source(%dma_start3A_849 : memref<10000x128xbf16, #tpu.memory_space<hbm>>) target(%arg12 : memref<80x128xbf16, #tpu.memory_space<vmem>>) offsets(%dma_start3A_846 : memref<80xi32, #tpu.memory_space<vmem>>) semaphore(%arg18 : memref<!tpu.dma_semaphore, #tpu.memory_space<semaphore_mem>>)
      %dma_wait3A_850 = arith.constant 0 : i32
      %dma_wait3A_851 = arith.constant 0 : i32
      %dma_wait3A_852 = tpu.memref_slice %arg2[%dma_wait3A_850, %dma_wait3A_851] : memref<10000x128xbf16, #tpu.memory_space<hbm>> -> memref<80x128xbf16, #tpu.memory_space<hbm>>
      %dma_wait3A_853 = arith.constant 0 : i32
      %dma_wait3A_854 = arith.constant 0 : i32
      %dma_wait3A_855 = tpu.memref_slice %arg2[%dma_wait3A_853, %dma_wait3A_854] : memref<10000x128xbf16, #tpu.memory_space<hbm>> -> memref<80x128xbf16, #tpu.memory_space<hbm>>
      tpu.wait_dma2 semaphore(%arg24 : memref<!tpu.dma_semaphore, #tpu.memory_space<semaphore_mem>>) src(%dma_wait3A_855 : memref<80x128xbf16, #tpu.memory_space<hbm>>) dst(%arg13 : memref<80x128xbf16, #tpu.memory_space<vmem>>)
      %dma_start3A_856 = arith.constant 160 : i32
      %dma_start3A_857 = tpu.memref_slice %arg7[%dma_start3A_856] : memref<400xi32, #tpu.memory_space<vmem>> -> memref<80xi32, #tpu.memory_space<vmem>>
      %dma_start3A_858 = arith.constant 0 : i32
      %dma_start3A_859 = arith.constant 0 : i32
      %dma_start3A_860 = tpu.memref_slice %arg2[%dma_start3A_858, %dma_start3A_859] : memref<10000x128xbf16, #tpu.memory_space<hbm>> -> memref<10000x128xbf16, #tpu.memory_space<hbm>>
      tpu.enqueue_indirect_dma source(%dma_start3A_860 : memref<10000x128xbf16, #tpu.memory_space<hbm>>) target(%arg13 : memref<80x128xbf16, #tpu.memory_space<vmem>>) offsets(%dma_start3A_857 : memref<80xi32, #tpu.memory_space<vmem>>) semaphore(%arg19 : memref<!tpu.dma_semaphore, #tpu.memory_space<semaphore_mem>>)
      %dma_wait3A_861 = arith.constant 0 : i32
      %dma_wait3A_862 = arith.constant 0 : i32
      %dma_wait3A_863 = tpu.memref_slice %arg2[%dma_wait3A_861, %dma_wait3A_862] : memref<10000x128xbf16, #tpu.memory_space<hbm>> -> memref<80x128xbf16, #tpu.memory_space<hbm>>
      %dma_wait3A_864 = arith.constant 0 : i32
      %dma_wait3A_865 = arith.constant 0 : i32
      %dma_wait3A_866 = tpu.memref_slice %arg2[%dma_wait3A_864, %dma_wait3A_865] : memref<10000x128xbf16, #tpu.memory_space<hbm>> -> memref<80x128xbf16, #tpu.memory_space<hbm>>
      tpu.wait_dma2 semaphore(%arg25 : memref<!tpu.dma_semaphore, #tpu.memory_space<semaphore_mem>>) src(%dma_wait3A_866 : memref<80x128xbf16, #tpu.memory_space<hbm>>) dst(%arg14 : memref<80x128xbf16, #tpu.memory_space<vmem>>)
      %dma_start3A_867 = arith.constant 240 : i32
      %dma_start3A_868 = tpu.memref_slice %arg7[%dma_start3A_867] : memref<400xi32, #tpu.memory_space<vmem>> -> memref<80xi32, #tpu.memory_space<vmem>>
      %dma_start3A_869 = arith.constant 0 : i32
      %dma_start3A_870 = arith.constant 0 : i32
      %dma_start3A_871 = tpu.memref_slice %arg2[%dma_start3A_869, %dma_start3A_870] : memref<10000x128xbf16, #tpu.memory_space<hbm>> -> memref<10000x128xbf16, #tpu.memory_space<hbm>>
      tpu.enqueue_indirect_dma source(%dma_start3A_871 : memref<10000x128xbf16, #tpu.memory_space<hbm>>) target(%arg14 : memref<80x128xbf16, #tpu.memory_space<vmem>>) offsets(%dma_start3A_868 : memref<80xi32, #tpu.memory_space<vmem>>) semaphore(%arg20 : memref<!tpu.dma_semaphore, #tpu.memory_space<semaphore_mem>>)
      %dma_wait3A_872 = arith.constant 0 : i32
      %dma_wait3A_873 = arith.constant 0 : i32
      %dma_wait3A_874 = tpu.memref_slice %arg2[%dma_wait3A_872, %dma_wait3A_873] : memref<10000x128xbf16, #tpu.memory_space<hbm>> -> memref<80x128xbf16, #tpu.memory_space<hbm>>
      %dma_wait3A_875 = arith.constant 0 : i32
      %dma_wait3A_876 = arith.constant 0 : i32
      %dma_wait3A_877 = tpu.memref_slice %arg2[%dma_wait3A_875, %dma_wait3A_876] : memref<10000x128xbf16, #tpu.memory_space<hbm>> -> memref<80x128xbf16, #tpu.memory_space<hbm>>
      tpu.wait_dma2 semaphore(%arg26 : memref<!tpu.dma_semaphore, #tpu.memory_space<semaphore_mem>>) src(%dma_wait3A_877 : memref<80x128xbf16, #tpu.memory_space<hbm>>) dst(%arg15 : memref<80x128xbf16, #tpu.memory_space<vmem>>)
      %dma_start3A_878 = arith.constant 320 : i32
      %dma_start3A_879 = tpu.memref_slice %arg7[%dma_start3A_878] : memref<400xi32, #tpu.memory_space<vmem>> -> memref<80xi32, #tpu.memory_space<vmem>>
      %dma_start3A_880 = arith.constant 0 : i32
      %dma_start3A_881 = arith.constant 0 : i32
      %dma_start3A_882 = tpu.memref_slice %arg2[%dma_start3A_880, %dma_start3A_881] : memref<10000x128xbf16, #tpu.memory_space<hbm>> -> memref<10000x128xbf16, #tpu.memory_space<hbm>>
      tpu.enqueue_indirect_dma source(%dma_start3A_882 : memref<10000x128xbf16, #tpu.memory_space<hbm>>) target(%arg15 : memref<80x128xbf16, #tpu.memory_space<vmem>>) offsets(%dma_start3A_879 : memref<80xi32, #tpu.memory_space<vmem>>) semaphore(%arg21 : memref<!tpu.dma_semaphore, #tpu.memory_space<semaphore_mem>>)
      %add3A_883 = arith.constant 1 : i32
      %add3A_884 = arith.addi %mul3A_827, %add3A_883 : i32
      %mul3A_885 = arith.constant 5 : i32
      %mul3A_886 = arith.muli %add3A_884, %mul3A_885 : i32
      %mul3A_887 = arith.constant 80 : i32
      %mul3A_888 = arith.muli %mul3A_886, %mul3A_887 : i32
      %add3A_889 = arith.addi %mul3A_294, %mul3A_888 : i32
      %min3A_890 = arith.constant 319600 : i32
      %min3A_891 = arith.minsi %add3A_889, %min3A_890 : i32
      %dma_start3A_892 = arith.constant 0 : i32
      %dma_start3A_893 = tpu.memref_slice %arg3[%dma_start3A_892, %min3A_891] : memref<2x320000xi32, #tpu.memory_space<hbm>> -> memref<1x400xi32, #tpu.memory_space<hbm>>
      %dma_start3A_894 = tpu.memref_squeeze %dma_start3A_893 : memref<1x400xi32, #tpu.memory_space<hbm>> -> memref<400xi32, #tpu.memory_space<hbm>>
      %dma_start3A_895 = tpu.memref_slice %arg3[%dma_start3A_892, %min3A_891] : memref<2x320000xi32, #tpu.memory_space<hbm>> -> memref<1x400xi32, #tpu.memory_space<hbm>>
      %dma_start3A_896 = tpu.memref_squeeze %dma_start3A_895 : memref<1x400xi32, #tpu.memory_space<hbm>> -> memref<400xi32, #tpu.memory_space<hbm>>
      tpu.enqueue_dma source(%dma_start3A_896 : memref<400xi32, #tpu.memory_space<hbm>>) target(%arg8 : memref<400xi32, #tpu.memory_space<vmem>>) target_semaphore(%arg28 : memref<!tpu.dma_semaphore, #tpu.memory_space<semaphore_mem>>)
      %dma_start3A_897 = arith.constant 1 : i32
      %dma_start3A_898 = tpu.memref_slice %arg3[%dma_start3A_897, %min3A_891] : memref<2x320000xi32, #tpu.memory_space<hbm>> -> memref<1x400xi32, #tpu.memory_space<hbm>>
      %dma_start3A_899 = tpu.memref_squeeze %dma_start3A_898 : memref<1x400xi32, #tpu.memory_space<hbm>> -> memref<400xi32, #tpu.memory_space<hbm>>
      %dma_start3A_900 = tpu.memref_slice %arg3[%dma_start3A_897, %min3A_891] : memref<2x320000xi32, #tpu.memory_space<hbm>> -> memref<1x400xi32, #tpu.memory_space<hbm>>
      %dma_start3A_901 = tpu.memref_squeeze %dma_start3A_900 : memref<1x400xi32, #tpu.memory_space<hbm>> -> memref<400xi32, #tpu.memory_space<hbm>>
      tpu.enqueue_dma source(%dma_start3A_901 : memref<400xi32, #tpu.memory_space<hbm>>) target(%arg10 : memref<400xi32, #tpu.memory_space<vmem>>) target_semaphore(%arg28 : memref<!tpu.dma_semaphore, #tpu.memory_space<semaphore_mem>>)
      %get3A_902 = arith.constant 0 : index
      %get3A_903 = tpu.vector_load %arg9[%get3A_902] {strides = array<i32>} : memref<400xi32, #tpu.memory_space<vmem>>, vector<16xi32>,
      %shift_right_logical3A_904 = arith.constant 4 : i32
      %shift_right_logical3A_905 = vector.broadcast %shift_right_logical3A_904 : i32 to vector<16xi32>
      %shift_right_logical3A_906 = arith.shrui %get3A_903, %shift_right_logical3A_905 : vector<16xi32>
      %and3A_907 = arith.constant 15 : i32
      %and3A_908 = vector.broadcast %and3A_907 : i32 to vector<16xi32>
      %and3A_909 = arith.andi %get3A_903, %and3A_908 : vector<16xi32>
      tpu.vector_store_idx %arg30[%shift_right_logical3A_906, %and3A_909], %broadcast_in_dim3A_292 {add = true} : memref<625x16xf32, #tpu.memory_space<vmem>>[vector<16xi32>, vector<16xi32>], vector<16xf32>,
      %get3A_910 = arith.constant 16 : index
      %get3A_911 = tpu.vector_load %arg9[%get3A_910] {strides = array<i32>} : memref<400xi32, #tpu.memory_space<vmem>>, vector<16xi32>,
      %shift_right_logical3A_912 = arith.constant 4 : i32
      %shift_right_logical3A_913 = vector.broadcast %shift_right_logical3A_912 : i32 to vector<16xi32>
      %shift_right_logical3A_914 = arith.shrui %get3A_911, %shift_right_logical3A_913 : vector<16xi32>
      %and3A_915 = arith.constant 15 : i32
      %and3A_916 = vector.broadcast %and3A_915 : i32 to vector<16xi32>
      %and3A_917 = arith.andi %get3A_911, %and3A_916 : vector<16xi32>
      tpu.vector_store_idx %arg30[%shift_right_logical3A_914, %and3A_917], %broadcast_in_dim3A_292 {add = true} : memref<625x16xf32, #tpu.memory_space<vmem>>[vector<16xi32>, vector<16xi32>], vector<16xf32>,
      %get3A_918 = arith.constant 32 : index
      %get3A_919 = tpu.vector_load %arg9[%get3A_918] {strides = array<i32>} : memref<400xi32, #tpu.memory_space<vmem>>, vector<16xi32>,
      %shift_right_logical3A_920 = arith.constant 4 : i32
      %shift_right_logical3A_921 = vector.broadcast %shift_right_logical3A_920 : i32 to vector<16xi32>
      %shift_right_logical3A_922 = arith.shrui %get3A_919, %shift_right_logical3A_921 : vector<16xi32>
      %and3A_923 = arith.constant 15 : i32
      %and3A_924 = vector.broadcast %and3A_923 : i32 to vector<16xi32>
      %and3A_925 = arith.andi %get3A_919, %and3A_924 : vector<16xi32>
      tpu.vector_store_idx %arg30[%shift_right_logical3A_922, %and3A_925], %broadcast_in_dim3A_292 {add = true} : memref<625x16xf32, #tpu.memory_space<vmem>>[vector<16xi32>, vector<16xi32>], vector<16xf32>,
      %get3A_926 = arith.constant 48 : index
      %get3A_927 = tpu.vector_load %arg9[%get3A_926] {strides = array<i32>} : memref<400xi32, #tpu.memory_space<vmem>>, vector<16xi32>,
      %shift_right_logical3A_928 = arith.constant 4 : i32
      %shift_right_logical3A_929 = vector.broadcast %shift_right_logical3A_928 : i32 to vector<16xi32>
      %shift_right_logical3A_930 = arith.shrui %get3A_927, %shift_right_logical3A_929 : vector<16xi32>
      %and3A_931 = arith.constant 15 : i32
      %and3A_932 = vector.broadcast %and3A_931 : i32 to vector<16xi32>
      %and3A_933 = arith.andi %get3A_927, %and3A_932 : vector<16xi32>
      tpu.vector_store_idx %arg30[%shift_right_logical3A_930, %and3A_933], %broadcast_in_dim3A_292 {add = true} : memref<625x16xf32, #tpu.memory_space<vmem>>[vector<16xi32>, vector<16xi32>], vector<16xf32>,
      %get3A_934 = arith.constant 64 : index
      %get3A_935 = tpu.vector_load %arg9[%get3A_934] {strides = array<i32>} : memref<400xi32, #tpu.memory_space<vmem>>, vector<16xi32>,
      %shift_right_logical3A_936 = arith.constant 4 : i32
      %shift_right_logical3A_937 = vector.broadcast %shift_right_logical3A_936 : i32 to vector<16xi32>
      %shift_right_logical3A_938 = arith.shrui %get3A_935, %shift_right_logical3A_937 : vector<16xi32>
      %and3A_939 = arith.constant 15 : i32
      %and3A_940 = vector.broadcast %and3A_939 : i32 to vector<16xi32>
      %and3A_941 = arith.andi %get3A_935, %and3A_940 : vector<16xi32>
      tpu.vector_store_idx %arg30[%shift_right_logical3A_938, %and3A_941], %broadcast_in_dim3A_292 {add = true} : memref<625x16xf32, #tpu.memory_space<vmem>>[vector<16xi32>, vector<16xi32>], vector<16xf32>,
      %get3A_942 = arith.constant 80 : index
      %get3A_943 = tpu.vector_load %arg9[%get3A_942] {strides = array<i32>} : memref<400xi32, #tpu.memory_space<vmem>>, vector<16xi32>,
      %shift_right_logical3A_944 = arith.constant 4 : i32
      %shift_right_logical3A_945 = vector.broadcast %shift_right_logical3A_944 : i32 to vector<16xi32>
      %shift_right_logical3A_946 = arith.shrui %get3A_943, %shift_right_logical3A_945 : vector<16xi32>
      %and3A_947 = arith.constant 15 : i32
      %and3A_948 = vector.broadcast %and3A_947 : i32 to vector<16xi32>
      %and3A_949 = arith.andi %get3A_943, %and3A_948 : vector<16xi32>
      tpu.vector_store_idx %arg30[%shift_right_logical3A_946, %and3A_949], %broadcast_in_dim3A_292 {add = true} : memref<625x16xf32, #tpu.memory_space<vmem>>[vector<16xi32>, vector<16xi32>], vector<16xf32>,
      %get3A_950 = arith.constant 96 : index
      %get3A_951 = tpu.vector_load %arg9[%get3A_950] {strides = array<i32>} : memref<400xi32, #tpu.memory_space<vmem>>, vector<16xi32>,
      %shift_right_logical3A_952 = arith.constant 4 : i32
      %shift_right_logical3A_953 = vector.broadcast %shift_right_logical3A_952 : i32 to vector<16xi32>
      %shift_right_logical3A_954 = arith.shrui %get3A_951, %shift_right_logical3A_953 : vector<16xi32>
      %and3A_955 = arith.constant 15 : i32
      %and3A_956 = vector.broadcast %and3A_955 : i32 to vector<16xi32>
      %and3A_957 = arith.andi %get3A_951, %and3A_956 : vector<16xi32>
      tpu.vector_store_idx %arg30[%shift_right_logical3A_954, %and3A_957], %broadcast_in_dim3A_292 {add = true} : memref<625x16xf32, #tpu.memory_space<vmem>>[vector<16xi32>, vector<16xi32>], vector<16xf32>,
      %get3A_958 = arith.constant 112 : index
      %get3A_959 = tpu.vector_load %arg9[%get3A_958] {strides = array<i32>} : memref<400xi32, #tpu.memory_space<vmem>>, vector<16xi32>,
      %shift_right_logical3A_960 = arith.constant 4 : i32
      %shift_right_logical3A_961 = vector.broadcast %shift_right_logical3A_960 : i32 to vector<16xi32>
      %shift_right_logical3A_962 = arith.shrui %get3A_959, %shift_right_logical3A_961 : vector<16xi32>
      %and3A_963 = arith.constant 15 : i32
      %and3A_964 = vector.broadcast %and3A_963 : i32 to vector<16xi32>
      %and3A_965 = arith.andi %get3A_959, %and3A_964 : vector<16xi32>
      tpu.vector_store_idx %arg30[%shift_right_logical3A_962, %and3A_965], %broadcast_in_dim3A_292 {add = true} : memref<625x16xf32, #tpu.memory_space<vmem>>[vector<16xi32>, vector<16xi32>], vector<16xf32>,
      %get3A_966 = arith.constant 128 : index
      %get3A_967 = tpu.vector_load %arg9[%get3A_966] {strides = array<i32>} : memref<400xi32, #tpu.memory_space<vmem>>, vector<16xi32>,
      %shift_right_logical3A_968 = arith.constant 4 : i32
      %shift_right_logical3A_969 = vector.broadcast %shift_right_logical3A_968 : i32 to vector<16xi32>
      %shift_right_logical3A_970 = arith.shrui %get3A_967, %shift_right_logical3A_969 : vector<16xi32>
      %and3A_971 = arith.constant 15 : i32
      %and3A_972 = vector.broadcast %and3A_971 : i32 to vector<16xi32>
      %and3A_973 = arith.andi %get3A_967, %and3A_972 : vector<16xi32>
      tpu.vector_store_idx %arg30[%shift_right_logical3A_970, %and3A_973], %broadcast_in_dim3A_292 {add = true} : memref<625x16xf32, #tpu.memory_space<vmem>>[vector<16xi32>, vector<16xi32>], vector<16xf32>,
      %get3A_974 = arith.constant 144 : index
      %get3A_975 = tpu.vector_load %arg9[%get3A_974] {strides = array<i32>} : memref<400xi32, #tpu.memory_space<vmem>>, vector<16xi32>,
      %shift_right_logical3A_976 = arith.constant 4 : i32
      %shift_right_logical3A_977 = vector.broadcast %shift_right_logical3A_976 : i32 to vector<16xi32>
      %shift_right_logical3A_978 = arith.shrui %get3A_975, %shift_right_logical3A_977 : vector<16xi32>
      %and3A_979 = arith.constant 15 : i32
      %and3A_980 = vector.broadcast %and3A_979 : i32 to vector<16xi32>
      %and3A_981 = arith.andi %get3A_975, %and3A_980 : vector<16xi32>
      tpu.vector_store_idx %arg30[%shift_right_logical3A_978, %and3A_981], %broadcast_in_dim3A_292 {add = true} : memref<625x16xf32, #tpu.memory_space<vmem>>[vector<16xi32>, vector<16xi32>], vector<16xf32>,
      %get3A_982 = arith.constant 160 : index
      %get3A_983 = tpu.vector_load %arg9[%get3A_982] {strides = array<i32>} : memref<400xi32, #tpu.memory_space<vmem>>, vector<16xi32>,
      %shift_right_logical3A_984 = arith.constant 4 : i32
      %shift_right_logical3A_985 = vector.broadcast %shift_right_logical3A_984 : i32 to vector<16xi32>
      %shift_right_logical3A_986 = arith.shrui %get3A_983, %shift_right_logical3A_985 : vector<16xi32>
      %and3A_987 = arith.constant 15 : i32
      %and3A_988 = vector.broadcast %and3A_987 : i32 to vector<16xi32>
      %and3A_989 = arith.andi %get3A_983, %and3A_988 : vector<16xi32>
      tpu.vector_store_idx %arg30[%shift_right_logical3A_986, %and3A_989], %broadcast_in_dim3A_292 {add = true} : memref<625x16xf32, #tpu.memory_space<vmem>>[vector<16xi32>, vector<16xi32>], vector<16xf32>,
      %get3A_990 = arith.constant 176 : index
      %get3A_991 = tpu.vector_load %arg9[%get3A_990] {strides = array<i32>} : memref<400xi32, #tpu.memory_space<vmem>>, vector<16xi32>,
      %shift_right_logical3A_992 = arith.constant 4 : i32
      %shift_right_logical3A_993 = vector.broadcast %shift_right_logical3A_992 : i32 to vector<16xi32>
      %shift_right_logical3A_994 = arith.shrui %get3A_991, %shift_right_logical3A_993 : vector<16xi32>
      %and3A_995 = arith.constant 15 : i32
      %and3A_996 = vector.broadcast %and3A_995 : i32 to vector<16xi32>
      %and3A_997 = arith.andi %get3A_991, %and3A_996 : vector<16xi32>
      tpu.vector_store_idx %arg30[%shift_right_logical3A_994, %and3A_997], %broadcast_in_dim3A_292 {add = true} : memref<625x16xf32, #tpu.memory_space<vmem>>[vector<16xi32>, vector<16xi32>], vector<16xf32>,
      %get3A_998 = arith.constant 192 : index
      %get3A_999 = tpu.vector_load %arg9[%get3A_998] {strides = array<i32>} : memref<400xi32, #tpu.memory_space<vmem>>, vector<16xi32>,
      %shift_right_logical3A_1000 = arith.constant 4 : i32
      %shift_right_logical3A_1001 = vector.broadcast %shift_right_logical3A_1000 : i32 to vector<16xi32>
      %shift_right_logical3A_1002 = arith.shrui %get3A_999, %shift_right_logical3A_1001 : vector<16xi32>
      %and3A_1003 = arith.constant 15 : i32
      %and3A_1004 = vector.broadcast %and3A_1003 : i32 to vector<16xi32>
      %and3A_1005 = arith.andi %get3A_999, %and3A_1004 : vector<16xi32>
      tpu.vector_store_idx %arg30[%shift_right_logical3A_1002, %and3A_1005], %broadcast_in_dim3A_292 {add = true} : memref<625x16xf32, #tpu.memory_space<vmem>>[vector<16xi32>, vector<16xi32>], vector<16xf32>,
      %get3A_1006 = arith.constant 208 : index
      %get3A_1007 = tpu.vector_load %arg9[%get3A_1006] {strides = array<i32>} : memref<400xi32, #tpu.memory_space<vmem>>, vector<16xi32>,
      %shift_right_logical3A_1008 = arith.constant 4 : i32
      %shift_right_logical3A_1009 = vector.broadcast %shift_right_logical3A_1008 : i32 to vector<16xi32>
      %shift_right_logical3A_1010 = arith.shrui %get3A_1007, %shift_right_logical3A_1009 : vector<16xi32>
      %and3A_1011 = arith.constant 15 : i32
      %and3A_1012 = vector.broadcast %and3A_1011 : i32 to vector<16xi32>
      %and3A_1013 = arith.andi %get3A_1007, %and3A_1012 : vector<16xi32>
      tpu.vector_store_idx %arg30[%shift_right_logical3A_1010, %and3A_1013], %broadcast_in_dim3A_292 {add = true} : memref<625x16xf32, #tpu.memory_space<vmem>>[vector<16xi32>, vector<16xi32>], vector<16xf32>,
      %get3A_1014 = arith.constant 224 : index
      %get3A_1015 = tpu.vector_load %arg9[%get3A_1014] {strides = array<i32>} : memref<400xi32, #tpu.memory_space<vmem>>, vector<16xi32>,
      %shift_right_logical3A_1016 = arith.constant 4 : i32
      %shift_right_logical3A_1017 = vector.broadcast %shift_right_logical3A_1016 : i32 to vector<16xi32>
      %shift_right_logical3A_1018 = arith.shrui %get3A_1015, %shift_right_logical3A_1017 : vector<16xi32>
      %and3A_1019 = arith.constant 15 : i32
      %and3A_1020 = vector.broadcast %and3A_1019 : i32 to vector<16xi32>
      %and3A_1021 = arith.andi %get3A_1015, %and3A_1020 : vector<16xi32>
      tpu.vector_store_idx %arg30[%shift_right_logical3A_1018, %and3A_1021], %broadcast_in_dim3A_292 {add = true} : memref<625x16xf32, #tpu.memory_space<vmem>>[vector<16xi32>, vector<16xi32>], vector<16xf32>,
      %get3A_1022 = arith.constant 240 : index
      %get3A_1023 = tpu.vector_load %arg9[%get3A_1022] {strides = array<i32>} : memref<400xi32, #tpu.memory_space<vmem>>, vector<16xi32>,
      %shift_right_logical3A_1024 = arith.constant 4 : i32
      %shift_right_logical3A_1025 = vector.broadcast %shift_right_logical3A_1024 : i32 to vector<16xi32>
      %shift_right_logical3A_1026 = arith.shrui %get3A_1023, %shift_right_logical3A_1025 : vector<16xi32>
      %and3A_1027 = arith.constant 15 : i32
      %and3A_1028 = vector.broadcast %and3A_1027 : i32 to vector<16xi32>
      %and3A_1029 = arith.andi %get3A_1023, %and3A_1028 : vector<16xi32>
      tpu.vector_store_idx %arg30[%shift_right_logical3A_1026, %and3A_1029], %broadcast_in_dim3A_292 {add = true} : memref<625x16xf32, #tpu.memory_space<vmem>>[vector<16xi32>, vector<16xi32>], vector<16xf32>,
      %get3A_1030 = arith.constant 256 : index
      %get3A_1031 = tpu.vector_load %arg9[%get3A_1030] {strides = array<i32>} : memref<400xi32, #tpu.memory_space<vmem>>, vector<16xi32>,
      %shift_right_logical3A_1032 = arith.constant 4 : i32
      %shift_right_logical3A_1033 = vector.broadcast %shift_right_logical3A_1032 : i32 to vector<16xi32>
      %shift_right_logical3A_1034 = arith.shrui %get3A_1031, %shift_right_logical3A_1033 : vector<16xi32>
      %and3A_1035 = arith.constant 15 : i32
      %and3A_1036 = vector.broadcast %and3A_1035 : i32 to vector<16xi32>
      %and3A_1037 = arith.andi %get3A_1031, %and3A_1036 : vector<16xi32>
      tpu.vector_store_idx %arg30[%shift_right_logical3A_1034, %and3A_1037], %broadcast_in_dim3A_292 {add = true} : memref<625x16xf32, #tpu.memory_space<vmem>>[vector<16xi32>, vector<16xi32>], vector<16xf32>,
      %get3A_1038 = arith.constant 272 : index
      %get3A_1039 = tpu.vector_load %arg9[%get3A_1038] {strides = array<i32>} : memref<400xi32, #tpu.memory_space<vmem>>, vector<16xi32>,
      %shift_right_logical3A_1040 = arith.constant 4 : i32
      %shift_right_logical3A_1041 = vector.broadcast %shift_right_logical3A_1040 : i32 to vector<16xi32>
      %shift_right_logical3A_1042 = arith.shrui %get3A_1039, %shift_right_logical3A_1041 : vector<16xi32>
      %and3A_1043 = arith.constant 15 : i32
      %and3A_1044 = vector.broadcast %and3A_1043 : i32 to vector<16xi32>
      %and3A_1045 = arith.andi %get3A_1039, %and3A_1044 : vector<16xi32>
      tpu.vector_store_idx %arg30[%shift_right_logical3A_1042, %and3A_1045], %broadcast_in_dim3A_292 {add = true} : memref<625x16xf32, #tpu.memory_space<vmem>>[vector<16xi32>, vector<16xi32>], vector<16xf32>,
      %get3A_1046 = arith.constant 288 : index
      %get3A_1047 = tpu.vector_load %arg9[%get3A_1046] {strides = array<i32>} : memref<400xi32, #tpu.memory_space<vmem>>, vector<16xi32>,
      %shift_right_logical3A_1048 = arith.constant 4 : i32
      %shift_right_logical3A_1049 = vector.broadcast %shift_right_logical3A_1048 : i32 to vector<16xi32>
      %shift_right_logical3A_1050 = arith.shrui %get3A_1047, %shift_right_logical3A_1049 : vector<16xi32>
      %and3A_1051 = arith.constant 15 : i32
      %and3A_1052 = vector.broadcast %and3A_1051 : i32 to vector<16xi32>
      %and3A_1053 = arith.andi %get3A_1047, %and3A_1052 : vector<16xi32>
      tpu.vector_store_idx %arg30[%shift_right_logical3A_1050, %and3A_1053], %broadcast_in_dim3A_292 {add = true} : memref<625x16xf32, #tpu.memory_space<vmem>>[vector<16xi32>, vector<16xi32>], vector<16xf32>,
      %get3A_1054 = arith.constant 304 : index
      %get3A_1055 = tpu.vector_load %arg9[%get3A_1054] {strides = array<i32>} : memref<400xi32, #tpu.memory_space<vmem>>, vector<16xi32>,
      %shift_right_logical3A_1056 = arith.constant 4 : i32
      %shift_right_logical3A_1057 = vector.broadcast %shift_right_logical3A_1056 : i32 to vector<16xi32>
      %shift_right_logical3A_1058 = arith.shrui %get3A_1055, %shift_right_logical3A_1057 : vector<16xi32>
      %and3A_1059 = arith.constant 15 : i32
      %and3A_1060 = vector.broadcast %and3A_1059 : i32 to vector<16xi32>
      %and3A_1061 = arith.andi %get3A_1055, %and3A_1060 : vector<16xi32>
      tpu.vector_store_idx %arg30[%shift_right_logical3A_1058, %and3A_1061], %broadcast_in_dim3A_292 {add = true} : memref<625x16xf32, #tpu.memory_space<vmem>>[vector<16xi32>, vector<16xi32>], vector<16xf32>,
      %get3A_1062 = arith.constant 320 : index
      %get3A_1063 = tpu.vector_load %arg9[%get3A_1062] {strides = array<i32>} : memref<400xi32, #tpu.memory_space<vmem>>, vector<16xi32>,
      %shift_right_logical3A_1064 = arith.constant 4 : i32
      %shift_right_logical3A_1065 = vector.broadcast %shift_right_logical3A_1064 : i32 to vector<16xi32>
      %shift_right_logical3A_1066 = arith.shrui %get3A_1063, %shift_right_logical3A_1065 : vector<16xi32>
      %and3A_1067 = arith.constant 15 : i32
      %and3A_1068 = vector.broadcast %and3A_1067 : i32 to vector<16xi32>
      %and3A_1069 = arith.andi %get3A_1063, %and3A_1068 : vector<16xi32>
      tpu.vector_store_idx %arg30[%shift_right_logical3A_1066, %and3A_1069], %broadcast_in_dim3A_292 {add = true} : memref<625x16xf32, #tpu.memory_space<vmem>>[vector<16xi32>, vector<16xi32>], vector<16xf32>,
      %get3A_1070 = arith.constant 336 : index
      %get3A_1071 = tpu.vector_load %arg9[%get3A_1070] {strides = array<i32>} : memref<400xi32, #tpu.memory_space<vmem>>, vector<16xi32>,
      %shift_right_logical3A_1072 = arith.constant 4 : i32
      %shift_right_logical3A_1073 = vector.broadcast %shift_right_logical3A_1072 : i32 to vector<16xi32>
      %shift_right_logical3A_1074 = arith.shrui %get3A_1071, %shift_right_logical3A_1073 : vector<16xi32>
      %and3A_1075 = arith.constant 15 : i32
      %and3A_1076 = vector.broadcast %and3A_1075 : i32 to vector<16xi32>
      %and3A_1077 = arith.andi %get3A_1071, %and3A_1076 : vector<16xi32>
      tpu.vector_store_idx %arg30[%shift_right_logical3A_1074, %and3A_1077], %broadcast_in_dim3A_292 {add = true} : memref<625x16xf32, #tpu.memory_space<vmem>>[vector<16xi32>, vector<16xi32>], vector<16xf32>,
      %get3A_1078 = arith.constant 352 : index
      %get3A_1079 = tpu.vector_load %arg9[%get3A_1078] {strides = array<i32>} : memref<400xi32, #tpu.memory_space<vmem>>, vector<16xi32>,
      %shift_right_logical3A_1080 = arith.constant 4 : i32
      %shift_right_logical3A_1081 = vector.broadcast %shift_right_logical3A_1080 : i32 to vector<16xi32>
      %shift_right_logical3A_1082 = arith.shrui %get3A_1079, %shift_right_logical3A_1081 : vector<16xi32>
      %and3A_1083 = arith.constant 15 : i32
      %and3A_1084 = vector.broadcast %and3A_1083 : i32 to vector<16xi32>
      %and3A_1085 = arith.andi %get3A_1079, %and3A_1084 : vector<16xi32>
      tpu.vector_store_idx %arg30[%shift_right_logical3A_1082, %and3A_1085], %broadcast_in_dim3A_292 {add = true} : memref<625x16xf32, #tpu.memory_space<vmem>>[vector<16xi32>, vector<16xi32>], vector<16xf32>,
      %get3A_1086 = arith.constant 368 : index
      %get3A_1087 = tpu.vector_load %arg9[%get3A_1086] {strides = array<i32>} : memref<400xi32, #tpu.memory_space<vmem>>, vector<16xi32>,
      %shift_right_logical3A_1088 = arith.constant 4 : i32
      %shift_right_logical3A_1089 = vector.broadcast %shift_right_logical3A_1088 : i32 to vector<16xi32>
      %shift_right_logical3A_1090 = arith.shrui %get3A_1087, %shift_right_logical3A_1089 : vector<16xi32>
      %and3A_1091 = arith.constant 15 : i32
      %and3A_1092 = vector.broadcast %and3A_1091 : i32 to vector<16xi32>
      %and3A_1093 = arith.andi %get3A_1087, %and3A_1092 : vector<16xi32>
      tpu.vector_store_idx %arg30[%shift_right_logical3A_1090, %and3A_1093], %broadcast_in_dim3A_292 {add = true} : memref<625x16xf32, #tpu.memory_space<vmem>>[vector<16xi32>, vector<16xi32>], vector<16xf32>,
      %get3A_1094 = arith.constant 384 : index
      %get3A_1095 = tpu.vector_load %arg9[%get3A_1094] {strides = array<i32>} : memref<400xi32, #tpu.memory_space<vmem>>, vector<16xi32>,
      %shift_right_logical3A_1096 = arith.constant 4 : i32
      %shift_right_logical3A_1097 = vector.broadcast %shift_right_logical3A_1096 : i32 to vector<16xi32>
      %shift_right_logical3A_1098 = arith.shrui %get3A_1095, %shift_right_logical3A_1097 : vector<16xi32>
      %and3A_1099 = arith.constant 15 : i32
      %and3A_1100 = vector.broadcast %and3A_1099 : i32 to vector<16xi32>
      %and3A_1101 = arith.andi %get3A_1095, %and3A_1100 : vector<16xi32>
      tpu.vector_store_idx %arg30[%shift_right_logical3A_1098, %and3A_1101], %broadcast_in_dim3A_292 {add = true} : memref<625x16xf32, #tpu.memory_space<vmem>>[vector<16xi32>, vector<16xi32>], vector<16xf32>,
      %dma_wait3A_1102 = arith.constant 0 : i32
      %dma_wait3A_1103 = tpu.memref_slice %arg7[%dma_wait3A_1102] : memref<400xi32, #tpu.memory_space<vmem>> -> memref<80xi32, #tpu.memory_space<vmem>>
      %dma_wait3A_1104 = arith.constant 0 : i32
      %dma_wait3A_1105 = arith.constant 0 : i32
      %dma_wait3A_1106 = tpu.memref_slice %arg2[%dma_wait3A_1104, %dma_wait3A_1105] : memref<10000x128xbf16, #tpu.memory_space<hbm>> -> memref<10000x128xbf16, #tpu.memory_space<hbm>>
      tpu.wait_indirect_dma semaphore(%arg17 : memref<!tpu.dma_semaphore, #tpu.memory_space<semaphore_mem>>) src(%dma_wait3A_1106 : memref<10000x128xbf16, #tpu.memory_space<hbm>>) dst(%arg11 : memref<80x128xbf16, #tpu.memory_space<vmem>>)
      %dma_start3A_1107 = arith.constant 0 : i32
      %dma_start3A_1108 = tpu.memref_slice %arg9[%dma_start3A_1107] : memref<400xi32, #tpu.memory_space<vmem>> -> memref<80xi32, #tpu.memory_space<vmem>>
      %dma_start3A_1109 = arith.constant 0 : i32
      %dma_start3A_1110 = arith.constant 0 : i32
      %dma_start3A_1111 = tpu.memref_slice %arg16[%dma_start3A_1109, %dma_start3A_1110] : memref<10240x128xbf16, #tpu.memory_space<vmem_shared>> -> memref<10240x128xbf16, #tpu.memory_space<vmem_shared>>
      tpu.enqueue_indirect_dma source(%arg11 : memref<80x128xbf16, #tpu.memory_space<vmem>>) target(%dma_start3A_1111 : memref<10240x128xbf16, #tpu.memory_space<vmem_shared>>) offsets(%dma_start3A_1108 : memref<80xi32, #tpu.memory_space<vmem>>) semaphore(%arg22 : memref<!tpu.dma_semaphore, #tpu.memory_space<semaphore_mem>>) {add = true}
      %dma_wait3A_1112 = arith.constant 80 : i32
      %dma_wait3A_1113 = tpu.memref_slice %arg7[%dma_wait3A_1112] : memref<400xi32, #tpu.memory_space<vmem>> -> memref<80xi32, #tpu.memory_space<vmem>>
      %dma_wait3A_1114 = arith.constant 0 : i32
      %dma_wait3A_1115 = arith.constant 0 : i32
      %dma_wait3A_1116 = tpu.memref_slice %arg2[%dma_wait3A_1114, %dma_wait3A_1115] : memref<10000x128xbf16, #tpu.memory_space<hbm>> -> memref<10000x128xbf16, #tpu.memory_space<hbm>>
      tpu.wait_indirect_dma semaphore(%arg18 : memref<!tpu.dma_semaphore, #tpu.memory_space<semaphore_mem>>) src(%dma_wait3A_1116 : memref<10000x128xbf16, #tpu.memory_space<hbm>>) dst(%arg12 : memref<80x128xbf16, #tpu.memory_space<vmem>>)
      %dma_start3A_1117 = arith.constant 80 : i32
      %dma_start3A_1118 = tpu.memref_slice %arg9[%dma_start3A_1117] : memref<400xi32, #tpu.memory_space<vmem>> -> memref<80xi32, #tpu.memory_space<vmem>>
      %dma_start3A_1119 = arith.constant 0 : i32
      %dma_start3A_1120 = arith.constant 0 : i32
      %dma_start3A_1121 = tpu.memref_slice %arg16[%dma_start3A_1119, %dma_start3A_1120] : memref<10240x128xbf16, #tpu.memory_space<vmem_shared>> -> memref<10240x128xbf16, #tpu.memory_space<vmem_shared>>
      tpu.enqueue_indirect_dma source(%arg12 : memref<80x128xbf16, #tpu.memory_space<vmem>>) target(%dma_start3A_1121 : memref<10240x128xbf16, #tpu.memory_space<vmem_shared>>) offsets(%dma_start3A_1118 : memref<80xi32, #tpu.memory_space<vmem>>) semaphore(%arg23 : memref<!tpu.dma_semaphore, #tpu.memory_space<semaphore_mem>>) {add = true}
      %dma_wait3A_1122 = arith.constant 160 : i32
      %dma_wait3A_1123 = tpu.memref_slice %arg7[%dma_wait3A_1122] : memref<400xi32, #tpu.memory_space<vmem>> -> memref<80xi32, #tpu.memory_space<vmem>>
      %dma_wait3A_1124 = arith.constant 0 : i32
      %dma_wait3A_1125 = arith.constant 0 : i32
      %dma_wait3A_1126 = tpu.memref_slice %arg2[%dma_wait3A_1124, %dma_wait3A_1125] : memref<10000x128xbf16, #tpu.memory_space<hbm>> -> memref<10000x128xbf16, #tpu.memory_space<hbm>>
      tpu.wait_indirect_dma semaphore(%arg19 : memref<!tpu.dma_semaphore, #tpu.memory_space<semaphore_mem>>) src(%dma_wait3A_1126 : memref<10000x128xbf16, #tpu.memory_space<hbm>>) dst(%arg13 : memref<80x128xbf16, #tpu.memory_space<vmem>>)
      %dma_start3A_1127 = arith.constant 160 : i32
      %dma_start3A_1128 = tpu.memref_slice %arg9[%dma_start3A_1127] : memref<400xi32, #tpu.memory_space<vmem>> -> memref<80xi32, #tpu.memory_space<vmem>>
      %dma_start3A_1129 = arith.constant 0 : i32
      %dma_start3A_1130 = arith.constant 0 : i32
      %dma_start3A_1131 = tpu.memref_slice %arg16[%dma_start3A_1129, %dma_start3A_1130] : memref<10240x128xbf16, #tpu.memory_space<vmem_shared>> -> memref<10240x128xbf16, #tpu.memory_space<vmem_shared>>
      tpu.enqueue_indirect_dma source(%arg13 : memref<80x128xbf16, #tpu.memory_space<vmem>>) target(%dma_start3A_1131 : memref<10240x128xbf16, #tpu.memory_space<vmem_shared>>) offsets(%dma_start3A_1128 : memref<80xi32, #tpu.memory_space<vmem>>) semaphore(%arg24 : memref<!tpu.dma_semaphore, #tpu.memory_space<semaphore_mem>>) {add = true}
      %dma_wait3A_1132 = arith.constant 240 : i32
      %dma_wait3A_1133 = tpu.memref_slice %arg7[%dma_wait3A_1132] : memref<400xi32, #tpu.memory_space<vmem>> -> memref<80xi32, #tpu.memory_space<vmem>>
      %dma_wait3A_1134 = arith.constant 0 : i32
      %dma_wait3A_1135 = arith.constant 0 : i32
      %dma_wait3A_1136 = tpu.memref_slice %arg2[%dma_wait3A_1134, %dma_wait3A_1135] : memref<10000x128xbf16, #tpu.memory_space<hbm>> -> memref<10000x128xbf16, #tpu.memory_space<hbm>>
      tpu.wait_indirect_dma semaphore(%arg20 : memref<!tpu.dma_semaphore, #tpu.memory_space<semaphore_mem>>) src(%dma_wait3A_1136 : memref<10000x128xbf16, #tpu.memory_space<hbm>>) dst(%arg14 : memref<80x128xbf16, #tpu.memory_space<vmem>>)
      %dma_start3A_1137 = arith.constant 240 : i32
      %dma_start3A_1138 = tpu.memref_slice %arg9[%dma_start3A_1137] : memref<400xi32, #tpu.memory_space<vmem>> -> memref<80xi32, #tpu.memory_space<vmem>>
      %dma_start3A_1139 = arith.constant 0 : i32
      %dma_start3A_1140 = arith.constant 0 : i32
      %dma_start3A_1141 = tpu.memref_slice %arg16[%dma_start3A_1139, %dma_start3A_1140] : memref<10240x128xbf16, #tpu.memory_space<vmem_shared>> -> memref<10240x128xbf16, #tpu.memory_space<vmem_shared>>
      tpu.enqueue_indirect_dma source(%arg14 : memref<80x128xbf16, #tpu.memory_space<vmem>>) target(%dma_start3A_1141 : memref<10240x128xbf16, #tpu.memory_space<vmem_shared>>) offsets(%dma_start3A_1138 : memref<80xi32, #tpu.memory_space<vmem>>) semaphore(%arg25 : memref<!tpu.dma_semaphore, #tpu.memory_space<semaphore_mem>>) {add = true}
      %dma_wait3A_1142 = arith.constant 320 : i32
      %dma_wait3A_1143 = tpu.memref_slice %arg7[%dma_wait3A_1142] : memref<400xi32, #tpu.memory_space<vmem>> -> memref<80xi32, #tpu.memory_space<vmem>>
      %dma_wait3A_1144 = arith.constant 0 : i32
      %dma_wait3A_1145 = arith.constant 0 : i32
      %dma_wait3A_1146 = tpu.memref_slice %arg2[%dma_wait3A_1144, %dma_wait3A_1145] : memref<10000x128xbf16, #tpu.memory_space<hbm>> -> memref<10000x128xbf16, #tpu.memory_space<hbm>>
      tpu.wait_indirect_dma semaphore(%arg21 : memref<!tpu.dma_semaphore, #tpu.memory_space<semaphore_mem>>) src(%dma_wait3A_1146 : memref<10000x128xbf16, #tpu.memory_space<hbm>>) dst(%arg15 : memref<80x128xbf16, #tpu.memory_space<vmem>>)
      %dma_start3A_1147 = arith.constant 320 : i32
      %dma_start3A_1148 = tpu.memref_slice %arg9[%dma_start3A_1147] : memref<400xi32, #tpu.memory_space<vmem>> -> memref<80xi32, #tpu.memory_space<vmem>>
      %dma_start3A_1149 = arith.constant 0 : i32
      %dma_start3A_1150 = arith.constant 0 : i32
      %dma_start3A_1151 = tpu.memref_slice %arg16[%dma_start3A_1149, %dma_start3A_1150] : memref<10240x128xbf16, #tpu.memory_space<vmem_shared>> -> memref<10240x128xbf16, #tpu.memory_space<vmem_shared>>
      tpu.enqueue_indirect_dma source(%arg15 : memref<80x128xbf16, #tpu.memory_space<vmem>>) target(%dma_start3A_1151 : memref<10240x128xbf16, #tpu.memory_space<vmem_shared>>) offsets(%dma_start3A_1148 : memref<80xi32, #tpu.memory_space<vmem>>) semaphore(%arg26 : memref<!tpu.dma_semaphore, #tpu.memory_space<semaphore_mem>>) {add = true}
      %dma_wait3A_1152 = arith.constant 0 : i32
      %dma_wait3A_1153 = tpu.memref_slice %arg3[%dma_wait3A_1152, %min3A_891] : memref<2x320000xi32, #tpu.memory_space<hbm>> -> memref<1x400xi32, #tpu.memory_space<hbm>>
      %dma_wait3A_1154 = tpu.memref_squeeze %dma_wait3A_1153 : memref<1x400xi32, #tpu.memory_space<hbm>> -> memref<400xi32, #tpu.memory_space<hbm>>
      %dma_wait3A_1155 = tpu.memref_slice %arg3[%dma_wait3A_1152, %min3A_891] : memref<2x320000xi32, #tpu.memory_space<hbm>> -> memref<1x400xi32, #tpu.memory_space<hbm>>
      %dma_wait3A_1156 = tpu.memref_squeeze %dma_wait3A_1155 : memref<1x400xi32, #tpu.memory_space<hbm>> -> memref<400xi32, #tpu.memory_space<hbm>>
      tpu.wait_dma2 semaphore(%arg28 : memref<!tpu.dma_semaphore, #tpu.memory_space<semaphore_mem>>) src(%dma_wait3A_1156 : memref<400xi32, #tpu.memory_space<hbm>>) dst(%arg8 : memref<400xi32, #tpu.memory_space<vmem>>)
      %dma_wait3A_1157 = arith.constant 1 : i32
      %dma_wait3A_1158 = tpu.memref_slice %arg3[%dma_wait3A_1157, %min3A_891] : memref<2x320000xi32, #tpu.memory_space<hbm>> -> memref<1x400xi32, #tpu.memory_space<hbm>>
      %dma_wait3A_1159 = tpu.memref_squeeze %dma_wait3A_1158 : memref<1x400xi32, #tpu.memory_space<hbm>> -> memref<400xi32, #tpu.memory_space<hbm>>
      %dma_wait3A_1160 = tpu.memref_slice %arg3[%dma_wait3A_1157, %min3A_891] : memref<2x320000xi32, #tpu.memory_space<hbm>> -> memref<1x400xi32, #tpu.memory_space<hbm>>
      %dma_wait3A_1161 = tpu.memref_squeeze %dma_wait3A_1160 : memref<1x400xi32, #tpu.memory_space<hbm>> -> memref<400xi32, #tpu.memory_space<hbm>>
      tpu.wait_dma2 semaphore(%arg28 : memref<!tpu.dma_semaphore, #tpu.memory_space<semaphore_mem>>) src(%dma_wait3A_1161 : memref<400xi32, #tpu.memory_space<hbm>>) dst(%arg10 : memref<400xi32, #tpu.memory_space<vmem>>)
      %mul3A_1162 = arith.constant 2 : i32
      %mul3A_1163 = arith.muli %mul3A_1162, %scan3A_824 : i32
      %add3A_1164 = arith.constant 1 : i32
      %add3A_1165 = arith.addi %mul3A_1163, %add3A_1164 : i32
      %dma_wait3A_1166 = arith.constant 0 : i32
      %dma_wait3A_1167 = arith.constant 0 : i32
      %dma_wait3A_1168 = tpu.memref_slice %arg2[%dma_wait3A_1166, %dma_wait3A_1167] : memref<10000x128xbf16, #tpu.memory_space<hbm>> -> memref<80x128xbf16, #tpu.memory_space<hbm>>
      %dma_wait3A_1169 = arith.constant 0 : i32
      %dma_wait3A_1170 = arith.constant 0 : i32
      %dma_wait3A_1171 = tpu.memref_slice %arg2[%dma_wait3A_1169, %dma_wait3A_1170] : memref<10000x128xbf16, #tpu.memory_space<hbm>> -> memref<80x128xbf16, #tpu.memory_space<hbm>>
      tpu.wait_dma2 semaphore(%arg22 : memref<!tpu.dma_semaphore, #tpu.memory_space<semaphore_mem>>) src(%dma_wait3A_1171 : memref<80x128xbf16, #tpu.memory_space<hbm>>) dst(%arg11 : memref<80x128xbf16, #tpu.memory_space<vmem>>)
      %dma_start3A_1172 = arith.constant 0 : i32
      %dma_start3A_1173 = tpu.memref_slice %arg8[%dma_start3A_1172] : memref<400xi32, #tpu.memory_space<vmem>> -> memref<80xi32, #tpu.memory_space<vmem>>
      %dma_start3A_1174 = arith.constant 0 : i32
      %dma_start3A_1175 = arith.constant 0 : i32
      %dma_start3A_1176 = tpu.memref_slice %arg2[%dma_start3A_1174, %dma_start3A_1175] : memref<10000x128xbf16, #tpu.memory_space<hbm>> -> memref<10000x128xbf16, #tpu.memory_space<hbm>>
      tpu.enqueue_indirect_dma source(%dma_start3A_1176 : memref<10000x128xbf16, #tpu.memory_space<hbm>>) target(%arg11 : memref<80x128xbf16, #tpu.memory_space<vmem>>) offsets(%dma_start3A_1173 : memref<80xi32, #tpu.memory_space<vmem>>) semaphore(%arg17 : memref<!tpu.dma_semaphore, #tpu.memory_space<semaphore_mem>>)
      %dma_wait3A_1177 = arith.constant 0 : i32
      %dma_wait3A_1178 = arith.constant 0 : i32
      %dma_wait3A_1179 = tpu.memref_slice %arg2[%dma_wait3A_1177, %dma_wait3A_1178] : memref<10000x128xbf16, #tpu.memory_space<hbm>> -> memref<80x128xbf16, #tpu.memory_space<hbm>>
      %dma_wait3A_1180 = arith.constant 0 : i32
      %dma_wait3A_1181 = arith.constant 0 : i32
      %dma_wait3A_1182 = tpu.memref_slice %arg2[%dma_wait3A_1180, %dma_wait3A_1181] : memref<10000x128xbf16, #tpu.memory_space<hbm>> -> memref<80x128xbf16, #tpu.memory_space<hbm>>
      tpu.wait_dma2 semaphore(%arg23 : memref<!tpu.dma_semaphore, #tpu.memory_space<semaphore_mem>>) src(%dma_wait3A_1182 : memref<80x128xbf16, #tpu.memory_space<hbm>>) dst(%arg12 : memref<80x128xbf16, #tpu.memory_space<vmem>>)
      %dma_start3A_1183 = arith.constant 80 : i32
      %dma_start3A_1184 = tpu.memref_slice %arg8[%dma_start3A_1183] : memref<400xi32, #tpu.memory_space<vmem>> -> memref<80xi32, #tpu.memory_space<vmem>>
      %dma_start3A_1185 = arith.constant 0 : i32
      %dma_start3A_1186 = arith.constant 0 : i32
      %dma_start3A_1187 = tpu.memref_slice %arg2[%dma_start3A_1185, %dma_start3A_1186] : memref<10000x128xbf16, #tpu.memory_space<hbm>> -> memref<10000x128xbf16, #tpu.memory_space<hbm>>
      tpu.enqueue_indirect_dma source(%dma_start3A_1187 : memref<10000x128xbf16, #tpu.memory_space<hbm>>) target(%arg12 : memref<80x128xbf16, #tpu.memory_space<vmem>>) offsets(%dma_start3A_1184 : memref<80xi32, #tpu.memory_space<vmem>>) semaphore(%arg18 : memref<!tpu.dma_semaphore, #tpu.memory_space<semaphore_mem>>)
      %dma_wait3A_1188 = arith.constant 0 : i32
      %dma_wait3A_1189 = arith.constant 0 : i32
      %dma_wait3A_1190 = tpu.memref_slice %arg2[%dma_wait3A_1188, %dma_wait3A_1189] : memref<10000x128xbf16, #tpu.memory_space<hbm>> -> memref<80x128xbf16, #tpu.memory_space<hbm>>
      %dma_wait3A_1191 = arith.constant 0 : i32
      %dma_wait3A_1192 = arith.constant 0 : i32
      %dma_wait3A_1193 = tpu.memref_slice %arg2[%dma_wait3A_1191, %dma_wait3A_1192] : memref<10000x128xbf16, #tpu.memory_space<hbm>> -> memref<80x128xbf16, #tpu.memory_space<hbm>>
      tpu.wait_dma2 semaphore(%arg24 : memref<!tpu.dma_semaphore, #tpu.memory_space<semaphore_mem>>) src(%dma_wait3A_1193 : memref<80x128xbf16, #tpu.memory_space<hbm>>) dst(%arg13 : memref<80x128xbf16, #tpu.memory_space<vmem>>)
      %dma_start3A_1194 = arith.constant 160 : i32
      %dma_start3A_1195 = tpu.memref_slice %arg8[%dma_start3A_1194] : memref<400xi32, #tpu.memory_space<vmem>> -> memref<80xi32, #tpu.memory_space<vmem>>
      %dma_start3A_1196 = arith.constant 0 : i32
      %dma_start3A_1197 = arith.constant 0 : i32
      %dma_start3A_1198 = tpu.memref_slice %arg2[%dma_start3A_1196, %dma_start3A_1197] : memref<10000x128xbf16, #tpu.memory_space<hbm>> -> memref<10000x128xbf16, #tpu.memory_space<hbm>>
      tpu.enqueue_indirect_dma source(%dma_start3A_1198 : memref<10000x128xbf16, #tpu.memory_space<hbm>>) target(%arg13 : memref<80x128xbf16, #tpu.memory_space<vmem>>) offsets(%dma_start3A_1195 : memref<80xi32, #tpu.memory_space<vmem>>) semaphore(%arg19 : memref<!tpu.dma_semaphore, #tpu.memory_space<semaphore_mem>>)
      %dma_wait3A_1199 = arith.constant 0 : i32
      %dma_wait3A_1200 = arith.constant 0 : i32
      %dma_wait3A_1201 = tpu.memref_slice %arg2[%dma_wait3A_1199, %dma_wait3A_1200] : memref<10000x128xbf16, #tpu.memory_space<hbm>> -> memref<80x128xbf16, #tpu.memory_space<hbm>>
      %dma_wait3A_1202 = arith.constant 0 : i32
      %dma_wait3A_1203 = arith.constant 0 : i32
      %dma_wait3A_1204 = tpu.memref_slice %arg2[%dma_wait3A_1202, %dma_wait3A_1203] : memref<10000x128xbf16, #tpu.memory_space<hbm>> -> memref<80x128xbf16, #tpu.memory_space<hbm>>
      tpu.wait_dma2 semaphore(%arg25 : memref<!tpu.dma_semaphore, #tpu.memory_space<semaphore_mem>>) src(%dma_wait3A_1204 : memref<80x128xbf16, #tpu.memory_space<hbm>>) dst(%arg14 : memref<80x128xbf16, #tpu.memory_space<vmem>>)
      %dma_start3A_1205 = arith.constant 240 : i32
      %dma_start3A_1206 = tpu.memref_slice %arg8[%dma_start3A_1205] : memref<400xi32, #tpu.memory_space<vmem>> -> memref<80xi32, #tpu.memory_space<vmem>>
      %dma_start3A_1207 = arith.constant 0 : i32
      %dma_start3A_1208 = arith.constant 0 : i32
      %dma_start3A_1209 = tpu.memref_slice %arg2[%dma_start3A_1207, %dma_start3A_1208] : memref<10000x128xbf16, #tpu.memory_space<hbm>> -> memref<10000x128xbf16, #tpu.memory_space<hbm>>
      tpu.enqueue_indirect_dma source(%dma_start3A_1209 : memref<10000x128xbf16, #tpu.memory_space<hbm>>) target(%arg14 : memref<80x128xbf16, #tpu.memory_space<vmem>>) offsets(%dma_start3A_1206 : memref<80xi32, #tpu.memory_space<vmem>>) semaphore(%arg20 : memref<!tpu.dma_semaphore, #tpu.memory_space<semaphore_mem>>)
      %dma_wait3A_1210 = arith.constant 0 : i32
      %dma_wait3A_1211 = arith.constant 0 : i32
      %dma_wait3A_1212 = tpu.memref_slice %arg2[%dma_wait3A_1210, %dma_wait3A_1211] : memref<10000x128xbf16, #tpu.memory_space<hbm>> -> memref<80x128xbf16, #tpu.memory_space<hbm>>
      %dma_wait3A_1213 = arith.constant 0 : i32
      %dma_wait3A_1214 = arith.constant 0 : i32
      %dma_wait3A_1215 = tpu.memref_slice %arg2[%dma_wait3A_1213, %dma_wait3A_1214] : memref<10000x128xbf16, #tpu.memory_space<hbm>> -> memref<80x128xbf16, #tpu.memory_space<hbm>>
      tpu.wait_dma2 semaphore(%arg26 : memref<!tpu.dma_semaphore, #tpu.memory_space<semaphore_mem>>) src(%dma_wait3A_1215 : memref<80x128xbf16, #tpu.memory_space<hbm>>) dst(%arg15 : memref<80x128xbf16, #tpu.memory_space<vmem>>)
      %dma_start3A_1216 = arith.constant 320 : i32
      %dma_start3A_1217 = tpu.memref_slice %arg8[%dma_start3A_1216] : memref<400xi32, #tpu.memory_space<vmem>> -> memref<80xi32, #tpu.memory_space<vmem>>
      %dma_start3A_1218 = arith.constant 0 : i32
      %dma_start3A_1219 = arith.constant 0 : i32
      %dma_start3A_1220 = tpu.memref_slice %arg2[%dma_start3A_1218, %dma_start3A_1219] : memref<10000x128xbf16, #tpu.memory_space<hbm>> -> memref<10000x128xbf16, #tpu.memory_space<hbm>>
      tpu.enqueue_indirect_dma source(%dma_start3A_1220 : memref<10000x128xbf16, #tpu.memory_space<hbm>>) target(%arg15 : memref<80x128xbf16, #tpu.memory_space<vmem>>) offsets(%dma_start3A_1217 : memref<80xi32, #tpu.memory_space<vmem>>) semaphore(%arg21 : memref<!tpu.dma_semaphore, #tpu.memory_space<semaphore_mem>>)
      %add3A_1221 = arith.constant 1 : i32
      %add3A_1222 = arith.addi %add3A_1165, %add3A_1221 : i32
      %mul3A_1223 = arith.constant 5 : i32
      %mul3A_1224 = arith.muli %add3A_1222, %mul3A_1223 : i32
      %mul3A_1225 = arith.constant 80 : i32
      %mul3A_1226 = arith.muli %mul3A_1224, %mul3A_1225 : i32
      %add3A_1227 = arith.addi %mul3A_294, %mul3A_1226 : i32
      %min3A_1228 = arith.constant 319600 : i32
      %min3A_1229 = arith.minsi %add3A_1227, %min3A_1228 : i32
      %dma_start3A_1230 = arith.constant 0 : i32
      %dma_start3A_1231 = tpu.memref_slice %arg3[%dma_start3A_1230, %min3A_1229] : memref<2x320000xi32, #tpu.memory_space<hbm>> -> memref<1x400xi32, #tpu.memory_space<hbm>>
      %dma_start3A_1232 = tpu.memref_squeeze %dma_start3A_1231 : memref<1x400xi32, #tpu.memory_space<hbm>> -> memref<400xi32, #tpu.memory_space<hbm>>
      %dma_start3A_1233 = tpu.memref_slice %arg3[%dma_start3A_1230, %min3A_1229] : memref<2x320000xi32, #tpu.memory_space<hbm>> -> memref<1x400xi32, #tpu.memory_space<hbm>>
      %dma_start3A_1234 = tpu.memref_squeeze %dma_start3A_1233 : memref<1x400xi32, #tpu.memory_space<hbm>> -> memref<400xi32, #tpu.memory_space<hbm>>
      tpu.enqueue_dma source(%dma_start3A_1234 : memref<400xi32, #tpu.memory_space<hbm>>) target(%arg7 : memref<400xi32, #tpu.memory_space<vmem>>) target_semaphore(%arg27 : memref<!tpu.dma_semaphore, #tpu.memory_space<semaphore_mem>>)
      %dma_start3A_1235 = arith.constant 1 : i32
      %dma_start3A_1236 = tpu.memref_slice %arg3[%dma_start3A_1235, %min3A_1229] : memref<2x320000xi32, #tpu.memory_space<hbm>> -> memref<1x400xi32, #tpu.memory_space<hbm>>
      %dma_start3A_1237 = tpu.memref_squeeze %dma_start3A_1236 : memref<1x400xi32, #tpu.memory_space<hbm>> -> memref<400xi32, #tpu.memory_space<hbm>>
      %dma_start3A_1238 = tpu.memref_slice %arg3[%dma_start3A_1235, %min3A_1229] : memref<2x320000xi32, #tpu.memory_space<hbm>> -> memref<1x400xi32, #tpu.memory_space<hbm>>
      %dma_start3A_1239 = tpu.memref_squeeze %dma_start3A_1238 : memref<1x400xi32, #tpu.memory_space<hbm>> -> memref<400xi32, #tpu.memory_space<hbm>>
      tpu.enqueue_dma source(%dma_start3A_1239 : memref<400xi32, #tpu.memory_space<hbm>>) target(%arg9 : memref<400xi32, #tpu.memory_space<vmem>>) target_semaphore(%arg27 : memref<!tpu.dma_semaphore, #tpu.memory_space<semaphore_mem>>)
      %get3A_1240 = arith.constant 0 : index
      %get3A_1241 = tpu.vector_load %arg10[%get3A_1240] {strides = array<i32>} : memref<400xi32, #tpu.memory_space<vmem>>, vector<16xi32>,
      %shift_right_logical3A_1242 = arith.constant 4 : i32
      %shift_right_logical3A_1243 = vector.broadcast %shift_right_logical3A_1242 : i32 to vector<16xi32>
      %shift_right_logical3A_1244 = arith.shrui %get3A_1241, %shift_right_logical3A_1243 : vector<16xi32>
      %and3A_1245 = arith.constant 15 : i32
      %and3A_1246 = vector.broadcast %and3A_1245 : i32 to vector<16xi32>
      %and3A_1247 = arith.andi %get3A_1241, %and3A_1246 : vector<16xi32>
      tpu.vector_store_idx %arg30[%shift_right_logical3A_1244, %and3A_1247], %broadcast_in_dim3A_292 {add = true} : memref<625x16xf32, #tpu.memory_space<vmem>>[vector<16xi32>, vector<16xi32>], vector<16xf32>,
      %get3A_1248 = arith.constant 16 : index
      %get3A_1249 = tpu.vector_load %arg10[%get3A_1248] {strides = array<i32>} : memref<400xi32, #tpu.memory_space<vmem>>, vector<16xi32>,
      %shift_right_logical3A_1250 = arith.constant 4 : i32
      %shift_right_logical3A_1251 = vector.broadcast %shift_right_logical3A_1250 : i32 to vector<16xi32>
      %shift_right_logical3A_1252 = arith.shrui %get3A_1249, %shift_right_logical3A_1251 : vector<16xi32>
      %and3A_1253 = arith.constant 15 : i32
      %and3A_1254 = vector.broadcast %and3A_1253 : i32 to vector<16xi32>
      %and3A_1255 = arith.andi %get3A_1249, %and3A_1254 : vector<16xi32>
      tpu.vector_store_idx %arg30[%shift_right_logical3A_1252, %and3A_1255], %broadcast_in_dim3A_292 {add = true} : memref<625x16xf32, #tpu.memory_space<vmem>>[vector<16xi32>, vector<16xi32>], vector<16xf32>,
      %get3A_1256 = arith.constant 32 : index
      %get3A_1257 = tpu.vector_load %arg10[%get3A_1256] {strides = array<i32>} : memref<400xi32, #tpu.memory_space<vmem>>, vector<16xi32>,
      %shift_right_logical3A_1258 = arith.constant 4 : i32
      %shift_right_logical3A_1259 = vector.broadcast %shift_right_logical3A_1258 : i32 to vector<16xi32>
      %shift_right_logical3A_1260 = arith.shrui %get3A_1257, %shift_right_logical3A_1259 : vector<16xi32>
      %and3A_1261 = arith.constant 15 : i32
      %and3A_1262 = vector.broadcast %and3A_1261 : i32 to vector<16xi32>
      %and3A_1263 = arith.andi %get3A_1257, %and3A_1262 : vector<16xi32>
      tpu.vector_store_idx %arg30[%shift_right_logical3A_1260, %and3A_1263], %broadcast_in_dim3A_292 {add = true} : memref<625x16xf32, #tpu.memory_space<vmem>>[vector<16xi32>, vector<16xi32>], vector<16xf32>,
      %get3A_1264 = arith.constant 48 : index
      %get3A_1265 = tpu.vector_load %arg10[%get3A_1264] {strides = array<i32>} : memref<400xi32, #tpu.memory_space<vmem>>, vector<16xi32>,
      %shift_right_logical3A_1266 = arith.constant 4 : i32
      %shift_right_logical3A_1267 = vector.broadcast %shift_right_logical3A_1266 : i32 to vector<16xi32>
      %shift_right_logical3A_1268 = arith.shrui %get3A_1265, %shift_right_logical3A_1267 : vector<16xi32>
      %and3A_1269 = arith.constant 15 : i32
      %and3A_1270 = vector.broadcast %and3A_1269 : i32 to vector<16xi32>
      %and3A_1271 = arith.andi %get3A_1265, %and3A_1270 : vector<16xi32>
      tpu.vector_store_idx %arg30[%shift_right_logical3A_1268, %and3A_1271], %broadcast_in_dim3A_292 {add = true} : memref<625x16xf32, #tpu.memory_space<vmem>>[vector<16xi32>, vector<16xi32>], vector<16xf32>,
      %get3A_1272 = arith.constant 64 : index
      %get3A_1273 = tpu.vector_load %arg10[%get3A_1272] {strides = array<i32>} : memref<400xi32, #tpu.memory_space<vmem>>, vector<16xi32>,
      %shift_right_logical3A_1274 = arith.constant 4 : i32
      %shift_right_logical3A_1275 = vector.broadcast %shift_right_logical3A_1274 : i32 to vector<16xi32>
      %shift_right_logical3A_1276 = arith.shrui %get3A_1273, %shift_right_logical3A_1275 : vector<16xi32>
      %and3A_1277 = arith.constant 15 : i32
      %and3A_1278 = vector.broadcast %and3A_1277 : i32 to vector<16xi32>
      %and3A_1279 = arith.andi %get3A_1273, %and3A_1278 : vector<16xi32>
      tpu.vector_store_idx %arg30[%shift_right_logical3A_1276, %and3A_1279], %broadcast_in_dim3A_292 {add = true} : memref<625x16xf32, #tpu.memory_space<vmem>>[vector<16xi32>, vector<16xi32>], vector<16xf32>,
      %get3A_1280 = arith.constant 80 : index
      %get3A_1281 = tpu.vector_load %arg10[%get3A_1280] {strides = array<i32>} : memref<400xi32, #tpu.memory_space<vmem>>, vector<16xi32>,
      %shift_right_logical3A_1282 = arith.constant 4 : i32
      %shift_right_logical3A_1283 = vector.broadcast %shift_right_logical3A_1282 : i32 to vector<16xi32>
      %shift_right_logical3A_1284 = arith.shrui %get3A_1281, %shift_right_logical3A_1283 : vector<16xi32>
      %and3A_1285 = arith.constant 15 : i32
      %and3A_1286 = vector.broadcast %and3A_1285 : i32 to vector<16xi32>
      %and3A_1287 = arith.andi %get3A_1281, %and3A_1286 : vector<16xi32>
      tpu.vector_store_idx %arg30[%shift_right_logical3A_1284, %and3A_1287], %broadcast_in_dim3A_292 {add = true} : memref<625x16xf32, #tpu.memory_space<vmem>>[vector<16xi32>, vector<16xi32>], vector<16xf32>,
      %get3A_1288 = arith.constant 96 : index
      %get3A_1289 = tpu.vector_load %arg10[%get3A_1288] {strides = array<i32>} : memref<400xi32, #tpu.memory_space<vmem>>, vector<16xi32>,
      %shift_right_logical3A_1290 = arith.constant 4 : i32
      %shift_right_logical3A_1291 = vector.broadcast %shift_right_logical3A_1290 : i32 to vector<16xi32>
      %shift_right_logical3A_1292 = arith.shrui %get3A_1289, %shift_right_logical3A_1291 : vector<16xi32>
      %and3A_1293 = arith.constant 15 : i32
      %and3A_1294 = vector.broadcast %and3A_1293 : i32 to vector<16xi32>
      %and3A_1295 = arith.andi %get3A_1289, %and3A_1294 : vector<16xi32>
      tpu.vector_store_idx %arg30[%shift_right_logical3A_1292, %and3A_1295], %broadcast_in_dim3A_292 {add = true} : memref<625x16xf32, #tpu.memory_space<vmem>>[vector<16xi32>, vector<16xi32>], vector<16xf32>,
      %get3A_1296 = arith.constant 112 : index
      %get3A_1297 = tpu.vector_load %arg10[%get3A_1296] {strides = array<i32>} : memref<400xi32, #tpu.memory_space<vmem>>, vector<16xi32>,
      %shift_right_logical3A_1298 = arith.constant 4 : i32
      %shift_right_logical3A_1299 = vector.broadcast %shift_right_logical3A_1298 : i32 to vector<16xi32>
      %shift_right_logical3A_1300 = arith.shrui %get3A_1297, %shift_right_logical3A_1299 : vector<16xi32>
      %and3A_1301 = arith.constant 15 : i32
      %and3A_1302 = vector.broadcast %and3A_1301 : i32 to vector<16xi32>
      %and3A_1303 = arith.andi %get3A_1297, %and3A_1302 : vector<16xi32>
      tpu.vector_store_idx %arg30[%shift_right_logical3A_1300, %and3A_1303], %broadcast_in_dim3A_292 {add = true} : memref<625x16xf32, #tpu.memory_space<vmem>>[vector<16xi32>, vector<16xi32>], vector<16xf32>,
      %get3A_1304 = arith.constant 128 : index
      %get3A_1305 = tpu.vector_load %arg10[%get3A_1304] {strides = array<i32>} : memref<400xi32, #tpu.memory_space<vmem>>, vector<16xi32>,
      %shift_right_logical3A_1306 = arith.constant 4 : i32
      %shift_right_logical3A_1307 = vector.broadcast %shift_right_logical3A_1306 : i32 to vector<16xi32>
      %shift_right_logical3A_1308 = arith.shrui %get3A_1305, %shift_right_logical3A_1307 : vector<16xi32>
      %and3A_1309 = arith.constant 15 : i32
      %and3A_1310 = vector.broadcast %and3A_1309 : i32 to vector<16xi32>
      %and3A_1311 = arith.andi %get3A_1305, %and3A_1310 : vector<16xi32>
      tpu.vector_store_idx %arg30[%shift_right_logical3A_1308, %and3A_1311], %broadcast_in_dim3A_292 {add = true} : memref<625x16xf32, #tpu.memory_space<vmem>>[vector<16xi32>, vector<16xi32>], vector<16xf32>,
      %get3A_1312 = arith.constant 144 : index
      %get3A_1313 = tpu.vector_load %arg10[%get3A_1312] {strides = array<i32>} : memref<400xi32, #tpu.memory_space<vmem>>, vector<16xi32>,
      %shift_right_logical3A_1314 = arith.constant 4 : i32
      %shift_right_logical3A_1315 = vector.broadcast %shift_right_logical3A_1314 : i32 to vector<16xi32>
      %shift_right_logical3A_1316 = arith.shrui %get3A_1313, %shift_right_logical3A_1315 : vector<16xi32>
      %and3A_1317 = arith.constant 15 : i32
      %and3A_1318 = vector.broadcast %and3A_1317 : i32 to vector<16xi32>
      %and3A_1319 = arith.andi %get3A_1313, %and3A_1318 : vector<16xi32>
      tpu.vector_store_idx %arg30[%shift_right_logical3A_1316, %and3A_1319], %broadcast_in_dim3A_292 {add = true} : memref<625x16xf32, #tpu.memory_space<vmem>>[vector<16xi32>, vector<16xi32>], vector<16xf32>,
      %get3A_1320 = arith.constant 160 : index
      %get3A_1321 = tpu.vector_load %arg10[%get3A_1320] {strides = array<i32>} : memref<400xi32, #tpu.memory_space<vmem>>, vector<16xi32>,
      %shift_right_logical3A_1322 = arith.constant 4 : i32
      %shift_right_logical3A_1323 = vector.broadcast %shift_right_logical3A_1322 : i32 to vector<16xi32>
      %shift_right_logical3A_1324 = arith.shrui %get3A_1321, %shift_right_logical3A_1323 : vector<16xi32>
      %and3A_1325 = arith.constant 15 : i32
      %and3A_1326 = vector.broadcast %and3A_1325 : i32 to vector<16xi32>
      %and3A_1327 = arith.andi %get3A_1321, %and3A_1326 : vector<16xi32>
      tpu.vector_store_idx %arg30[%shift_right_logical3A_1324, %and3A_1327], %broadcast_in_dim3A_292 {add = true} : memref<625x16xf32, #tpu.memory_space<vmem>>[vector<16xi32>, vector<16xi32>], vector<16xf32>,
      %get3A_1328 = arith.constant 176 : index
      %get3A_1329 = tpu.vector_load %arg10[%get3A_1328] {strides = array<i32>} : memref<400xi32, #tpu.memory_space<vmem>>, vector<16xi32>,
      %shift_right_logical3A_1330 = arith.constant 4 : i32
      %shift_right_logical3A_1331 = vector.broadcast %shift_right_logical3A_1330 : i32 to vector<16xi32>
      %shift_right_logical3A_1332 = arith.shrui %get3A_1329, %shift_right_logical3A_1331 : vector<16xi32>
      %and3A_1333 = arith.constant 15 : i32
      %and3A_1334 = vector.broadcast %and3A_1333 : i32 to vector<16xi32>
      %and3A_1335 = arith.andi %get3A_1329, %and3A_1334 : vector<16xi32>
      tpu.vector_store_idx %arg30[%shift_right_logical3A_1332, %and3A_1335], %broadcast_in_dim3A_292 {add = true} : memref<625x16xf32, #tpu.memory_space<vmem>>[vector<16xi32>, vector<16xi32>], vector<16xf32>,
      %get3A_1336 = arith.constant 192 : index
      %get3A_1337 = tpu.vector_load %arg10[%get3A_1336] {strides = array<i32>} : memref<400xi32, #tpu.memory_space<vmem>>, vector<16xi32>,
      %shift_right_logical3A_1338 = arith.constant 4 : i32
      %shift_right_logical3A_1339 = vector.broadcast %shift_right_logical3A_1338 : i32 to vector<16xi32>
      %shift_right_logical3A_1340 = arith.shrui %get3A_1337, %shift_right_logical3A_1339 : vector<16xi32>
      %and3A_1341 = arith.constant 15 : i32
      %and3A_1342 = vector.broadcast %and3A_1341 : i32 to vector<16xi32>
      %and3A_1343 = arith.andi %get3A_1337, %and3A_1342 : vector<16xi32>
      tpu.vector_store_idx %arg30[%shift_right_logical3A_1340, %and3A_1343], %broadcast_in_dim3A_292 {add = true} : memref<625x16xf32, #tpu.memory_space<vmem>>[vector<16xi32>, vector<16xi32>], vector<16xf32>,
      %get3A_1344 = arith.constant 208 : index
      %get3A_1345 = tpu.vector_load %arg10[%get3A_1344] {strides = array<i32>} : memref<400xi32, #tpu.memory_space<vmem>>, vector<16xi32>,
      %shift_right_logical3A_1346 = arith.constant 4 : i32
      %shift_right_logical3A_1347 = vector.broadcast %shift_right_logical3A_1346 : i32 to vector<16xi32>
      %shift_right_logical3A_1348 = arith.shrui %get3A_1345, %shift_right_logical3A_1347 : vector<16xi32>
      %and3A_1349 = arith.constant 15 : i32
      %and3A_1350 = vector.broadcast %and3A_1349 : i32 to vector<16xi32>
      %and3A_1351 = arith.andi %get3A_1345, %and3A_1350 : vector<16xi32>
      tpu.vector_store_idx %arg30[%shift_right_logical3A_1348, %and3A_1351], %broadcast_in_dim3A_292 {add = true} : memref<625x16xf32, #tpu.memory_space<vmem>>[vector<16xi32>, vector<16xi32>], vector<16xf32>,
      %get3A_1352 = arith.constant 224 : index
      %get3A_1353 = tpu.vector_load %arg10[%get3A_1352] {strides = array<i32>} : memref<400xi32, #tpu.memory_space<vmem>>, vector<16xi32>,
      %shift_right_logical3A_1354 = arith.constant 4 : i32
      %shift_right_logical3A_1355 = vector.broadcast %shift_right_logical3A_1354 : i32 to vector<16xi32>
      %shift_right_logical3A_1356 = arith.shrui %get3A_1353, %shift_right_logical3A_1355 : vector<16xi32>
      %and3A_1357 = arith.constant 15 : i32
      %and3A_1358 = vector.broadcast %and3A_1357 : i32 to vector<16xi32>
      %and3A_1359 = arith.andi %get3A_1353, %and3A_1358 : vector<16xi32>
      tpu.vector_store_idx %arg30[%shift_right_logical3A_1356, %and3A_1359], %broadcast_in_dim3A_292 {add = true} : memref<625x16xf32, #tpu.memory_space<vmem>>[vector<16xi32>, vector<16xi32>], vector<16xf32>,
      %get3A_1360 = arith.constant 240 : index
      %get3A_1361 = tpu.vector_load %arg10[%get3A_1360] {strides = array<i32>} : memref<400xi32, #tpu.memory_space<vmem>>, vector<16xi32>,
      %shift_right_logical3A_1362 = arith.constant 4 : i32
      %shift_right_logical3A_1363 = vector.broadcast %shift_right_logical3A_1362 : i32 to vector<16xi32>
      %shift_right_logical3A_1364 = arith.shrui %get3A_1361, %shift_right_logical3A_1363 : vector<16xi32>
      %and3A_1365 = arith.constant 15 : i32
      %and3A_1366 = vector.broadcast %and3A_1365 : i32 to vector<16xi32>
      %and3A_1367 = arith.andi %get3A_1361, %and3A_1366 : vector<16xi32>
      tpu.vector_store_idx %arg30[%shift_right_logical3A_1364, %and3A_1367], %broadcast_in_dim3A_292 {add = true} : memref<625x16xf32, #tpu.memory_space<vmem>>[vector<16xi32>, vector<16xi32>], vector<16xf32>,
      %get3A_1368 = arith.constant 256 : index
      %get3A_1369 = tpu.vector_load %arg10[%get3A_1368] {strides = array<i32>} : memref<400xi32, #tpu.memory_space<vmem>>, vector<16xi32>,
      %shift_right_logical3A_1370 = arith.constant 4 : i32
      %shift_right_logical3A_1371 = vector.broadcast %shift_right_logical3A_1370 : i32 to vector<16xi32>
      %shift_right_logical3A_1372 = arith.shrui %get3A_1369, %shift_right_logical3A_1371 : vector<16xi32>
      %and3A_1373 = arith.constant 15 : i32
      %and3A_1374 = vector.broadcast %and3A_1373 : i32 to vector<16xi32>
      %and3A_1375 = arith.andi %get3A_1369, %and3A_1374 : vector<16xi32>
      tpu.vector_store_idx %arg30[%shift_right_logical3A_1372, %and3A_1375], %broadcast_in_dim3A_292 {add = true} : memref<625x16xf32, #tpu.memory_space<vmem>>[vector<16xi32>, vector<16xi32>], vector<16xf32>,
      %get3A_1376 = arith.constant 272 : index
      %get3A_1377 = tpu.vector_load %arg10[%get3A_1376] {strides = array<i32>} : memref<400xi32, #tpu.memory_space<vmem>>, vector<16xi32>,
      %shift_right_logical3A_1378 = arith.constant 4 : i32
      %shift_right_logical3A_1379 = vector.broadcast %shift_right_logical3A_1378 : i32 to vector<16xi32>
      %shift_right_logical3A_1380 = arith.shrui %get3A_1377, %shift_right_logical3A_1379 : vector<16xi32>
      %and3A_1381 = arith.constant 15 : i32
      %and3A_1382 = vector.broadcast %and3A_1381 : i32 to vector<16xi32>
      %and3A_1383 = arith.andi %get3A_1377, %and3A_1382 : vector<16xi32>
      tpu.vector_store_idx %arg30[%shift_right_logical3A_1380, %and3A_1383], %broadcast_in_dim3A_292 {add = true} : memref<625x16xf32, #tpu.memory_space<vmem>>[vector<16xi32>, vector<16xi32>], vector<16xf32>,
      %get3A_1384 = arith.constant 288 : index
      %get3A_1385 = tpu.vector_load %arg10[%get3A_1384] {strides = array<i32>} : memref<400xi32, #tpu.memory_space<vmem>>, vector<16xi32>,
      %shift_right_logical3A_1386 = arith.constant 4 : i32
      %shift_right_logical3A_1387 = vector.broadcast %shift_right_logical3A_1386 : i32 to vector<16xi32>
      %shift_right_logical3A_1388 = arith.shrui %get3A_1385, %shift_right_logical3A_1387 : vector<16xi32>
      %and3A_1389 = arith.constant 15 : i32
      %and3A_1390 = vector.broadcast %and3A_1389 : i32 to vector<16xi32>
      %and3A_1391 = arith.andi %get3A_1385, %and3A_1390 : vector<16xi32>
      tpu.vector_store_idx %arg30[%shift_right_logical3A_1388, %and3A_1391], %broadcast_in_dim3A_292 {add = true} : memref<625x16xf32, #tpu.memory_space<vmem>>[vector<16xi32>, vector<16xi32>], vector<16xf32>,
      %get3A_1392 = arith.constant 304 : index
      %get3A_1393 = tpu.vector_load %arg10[%get3A_1392] {strides = array<i32>} : memref<400xi32, #tpu.memory_space<vmem>>, vector<16xi32>,
      %shift_right_logical3A_1394 = arith.constant 4 : i32
      %shift_right_logical3A_1395 = vector.broadcast %shift_right_logical3A_1394 : i32 to vector<16xi32>
      %shift_right_logical3A_1396 = arith.shrui %get3A_1393, %shift_right_logical3A_1395 : vector<16xi32>
      %and3A_1397 = arith.constant 15 : i32
      %and3A_1398 = vector.broadcast %and3A_1397 : i32 to vector<16xi32>
      %and3A_1399 = arith.andi %get3A_1393, %and3A_1398 : vector<16xi32>
      tpu.vector_store_idx %arg30[%shift_right_logical3A_1396, %and3A_1399], %broadcast_in_dim3A_292 {add = true} : memref<625x16xf32, #tpu.memory_space<vmem>>[vector<16xi32>, vector<16xi32>], vector<16xf32>,
      %get3A_1400 = arith.constant 320 : index
      %get3A_1401 = tpu.vector_load %arg10[%get3A_1400] {strides = array<i32>} : memref<400xi32, #tpu.memory_space<vmem>>, vector<16xi32>,
      %shift_right_logical3A_1402 = arith.constant 4 : i32
      %shift_right_logical3A_1403 = vector.broadcast %shift_right_logical3A_1402 : i32 to vector<16xi32>
      %shift_right_logical3A_1404 = arith.shrui %get3A_1401, %shift_right_logical3A_1403 : vector<16xi32>
      %and3A_1405 = arith.constant 15 : i32
      %and3A_1406 = vector.broadcast %and3A_1405 : i32 to vector<16xi32>
      %and3A_1407 = arith.andi %get3A_1401, %and3A_1406 : vector<16xi32>
      tpu.vector_store_idx %arg30[%shift_right_logical3A_1404, %and3A_1407], %broadcast_in_dim3A_292 {add = true} : memref<625x16xf32, #tpu.memory_space<vmem>>[vector<16xi32>, vector<16xi32>], vector<16xf32>,
      %get3A_1408 = arith.constant 336 : index
      %get3A_1409 = tpu.vector_load %arg10[%get3A_1408] {strides = array<i32>} : memref<400xi32, #tpu.memory_space<vmem>>, vector<16xi32>,
      %shift_right_logical3A_1410 = arith.constant 4 : i32
      %shift_right_logical3A_1411 = vector.broadcast %shift_right_logical3A_1410 : i32 to vector<16xi32>
      %shift_right_logical3A_1412 = arith.shrui %get3A_1409, %shift_right_logical3A_1411 : vector<16xi32>
      %and3A_1413 = arith.constant 15 : i32
      %and3A_1414 = vector.broadcast %and3A_1413 : i32 to vector<16xi32>
      %and3A_1415 = arith.andi %get3A_1409, %and3A_1414 : vector<16xi32>
      tpu.vector_store_idx %arg30[%shift_right_logical3A_1412, %and3A_1415], %broadcast_in_dim3A_292 {add = true} : memref<625x16xf32, #tpu.memory_space<vmem>>[vector<16xi32>, vector<16xi32>], vector<16xf32>,
      %get3A_1416 = arith.constant 352 : index
      %get3A_1417 = tpu.vector_load %arg10[%get3A_1416] {strides = array<i32>} : memref<400xi32, #tpu.memory_space<vmem>>, vector<16xi32>,
      %shift_right_logical3A_1418 = arith.constant 4 : i32
      %shift_right_logical3A_1419 = vector.broadcast %shift_right_logical3A_1418 : i32 to vector<16xi32>
      %shift_right_logical3A_1420 = arith.shrui %get3A_1417, %shift_right_logical3A_1419 : vector<16xi32>
      %and3A_1421 = arith.constant 15 : i32
      %and3A_1422 = vector.broadcast %and3A_1421 : i32 to vector<16xi32>
      %and3A_1423 = arith.andi %get3A_1417, %and3A_1422 : vector<16xi32>
      tpu.vector_store_idx %arg30[%shift_right_logical3A_1420, %and3A_1423], %broadcast_in_dim3A_292 {add = true} : memref<625x16xf32, #tpu.memory_space<vmem>>[vector<16xi32>, vector<16xi32>], vector<16xf32>,
      %get3A_1424 = arith.constant 368 : index
      %get3A_1425 = tpu.vector_load %arg10[%get3A_1424] {strides = array<i32>} : memref<400xi32, #tpu.memory_space<vmem>>, vector<16xi32>,
      %shift_right_logical3A_1426 = arith.constant 4 : i32
      %shift_right_logical3A_1427 = vector.broadcast %shift_right_logical3A_1426 : i32 to vector<16xi32>
      %shift_right_logical3A_1428 = arith.shrui %get3A_1425, %shift_right_logical3A_1427 : vector<16xi32>
      %and3A_1429 = arith.constant 15 : i32
      %and3A_1430 = vector.broadcast %and3A_1429 : i32 to vector<16xi32>
      %and3A_1431 = arith.andi %get3A_1425, %and3A_1430 : vector<16xi32>
      tpu.vector_store_idx %arg30[%shift_right_logical3A_1428, %and3A_1431], %broadcast_in_dim3A_292 {add = true} : memref<625x16xf32, #tpu.memory_space<vmem>>[vector<16xi32>, vector<16xi32>], vector<16xf32>,
      %get3A_1432 = arith.constant 384 : index
      %get3A_1433 = tpu.vector_load %arg10[%get3A_1432] {strides = array<i32>} : memref<400xi32, #tpu.memory_space<vmem>>, vector<16xi32>,
      %shift_right_logical3A_1434 = arith.constant 4 : i32
      %shift_right_logical3A_1435 = vector.broadcast %shift_right_logical3A_1434 : i32 to vector<16xi32>
      %shift_right_logical3A_1436 = arith.shrui %get3A_1433, %shift_right_logical3A_1435 : vector<16xi32>
      %and3A_1437 = arith.constant 15 : i32
      %and3A_1438 = vector.broadcast %and3A_1437 : i32 to vector<16xi32>
      %and3A_1439 = arith.andi %get3A_1433, %and3A_1438 : vector<16xi32>
      tpu.vector_store_idx %arg30[%shift_right_logical3A_1436, %and3A_1439], %broadcast_in_dim3A_292 {add = true} : memref<625x16xf32, #tpu.memory_space<vmem>>[vector<16xi32>, vector<16xi32>], vector<16xf32>,
      %dma_wait3A_1440 = arith.constant 0 : i32
      %dma_wait3A_1441 = tpu.memref_slice %arg8[%dma_wait3A_1440] : memref<400xi32, #tpu.memory_space<vmem>> -> memref<80xi32, #tpu.memory_space<vmem>>
      %dma_wait3A_1442 = arith.constant 0 : i32
      %dma_wait3A_1443 = arith.constant 0 : i32
      %dma_wait3A_1444 = tpu.memref_slice %arg2[%dma_wait3A_1442, %dma_wait3A_1443] : memref<10000x128xbf16, #tpu.memory_space<hbm>> -> memref<10000x128xbf16, #tpu.memory_space<hbm>>
      tpu.wait_indirect_dma semaphore(%arg17 : memref<!tpu.dma_semaphore, #tpu.memory_space<semaphore_mem>>) src(%dma_wait3A_1444 : memref<10000x128xbf16, #tpu.memory_space<hbm>>) dst(%arg11 : memref<80x128xbf16, #tpu.memory_space<vmem>>)
      %dma_start3A_1445 = arith.constant 0 : i32
      %dma_start3A_1446 = tpu.memref_slice %arg10[%dma_start3A_1445] : memref<400xi32, #tpu.memory_space<vmem>> -> memref<80xi32, #tpu.memory_space<vmem>>
      %dma_start3A_1447 = arith.constant 0 : i32
      %dma_start3A_1448 = arith.constant 0 : i32
      %dma_start3A_1449 = tpu.memref_slice %arg16[%dma_start3A_1447, %dma_start3A_1448] : memref<10240x128xbf16, #tpu.memory_space<vmem_shared>> -> memref<10240x128xbf16, #tpu.memory_space<vmem_shared>>
      tpu.enqueue_indirect_dma source(%arg11 : memref<80x128xbf16, #tpu.memory_space<vmem>>) target(%dma_start3A_1449 : memref<10240x128xbf16, #tpu.memory_space<vmem_shared>>) offsets(%dma_start3A_1446 : memref<80xi32, #tpu.memory_space<vmem>>) semaphore(%arg22 : memref<!tpu.dma_semaphore, #tpu.memory_space<semaphore_mem>>) {add = true}
      %dma_wait3A_1450 = arith.constant 80 : i32
      %dma_wait3A_1451 = tpu.memref_slice %arg8[%dma_wait3A_1450] : memref<400xi32, #tpu.memory_space<vmem>> -> memref<80xi32, #tpu.memory_space<vmem>>
      %dma_wait3A_1452 = arith.constant 0 : i32
      %dma_wait3A_1453 = arith.constant 0 : i32
      %dma_wait3A_1454 = tpu.memref_slice %arg2[%dma_wait3A_1452, %dma_wait3A_1453] : memref<10000x128xbf16, #tpu.memory_space<hbm>> -> memref<10000x128xbf16, #tpu.memory_space<hbm>>
      tpu.wait_indirect_dma semaphore(%arg18 : memref<!tpu.dma_semaphore, #tpu.memory_space<semaphore_mem>>) src(%dma_wait3A_1454 : memref<10000x128xbf16, #tpu.memory_space<hbm>>) dst(%arg12 : memref<80x128xbf16, #tpu.memory_space<vmem>>)
      %dma_start3A_1455 = arith.constant 80 : i32
      %dma_start3A_1456 = tpu.memref_slice %arg10[%dma_start3A_1455] : memref<400xi32, #tpu.memory_space<vmem>> -> memref<80xi32, #tpu.memory_space<vmem>>
      %dma_start3A_1457 = arith.constant 0 : i32
      %dma_start3A_1458 = arith.constant 0 : i32
      %dma_start3A_1459 = tpu.memref_slice %arg16[%dma_start3A_1457, %dma_start3A_1458] : memref<10240x128xbf16, #tpu.memory_space<vmem_shared>> -> memref<10240x128xbf16, #tpu.memory_space<vmem_shared>>
      tpu.enqueue_indirect_dma source(%arg12 : memref<80x128xbf16, #tpu.memory_space<vmem>>) target(%dma_start3A_1459 : memref<10240x128xbf16, #tpu.memory_space<vmem_shared>>) offsets(%dma_start3A_1456 : memref<80xi32, #tpu.memory_space<vmem>>) semaphore(%arg23 : memref<!tpu.dma_semaphore, #tpu.memory_space<semaphore_mem>>) {add = true}
      %dma_wait3A_1460 = arith.constant 160 : i32
      %dma_wait3A_1461 = tpu.memref_slice %arg8[%dma_wait3A_1460] : memref<400xi32, #tpu.memory_space<vmem>> -> memref<80xi32, #tpu.memory_space<vmem>>
      %dma_wait3A_1462 = arith.constant 0 : i32
      %dma_wait3A_1463 = arith.constant 0 : i32
      %dma_wait3A_1464 = tpu.memref_slice %arg2[%dma_wait3A_1462, %dma_wait3A_1463] : memref<10000x128xbf16, #tpu.memory_space<hbm>> -> memref<10000x128xbf16, #tpu.memory_space<hbm>>
      tpu.wait_indirect_dma semaphore(%arg19 : memref<!tpu.dma_semaphore, #tpu.memory_space<semaphore_mem>>) src(%dma_wait3A_1464 : memref<10000x128xbf16, #tpu.memory_space<hbm>>) dst(%arg13 : memref<80x128xbf16, #tpu.memory_space<vmem>>)
      %dma_start3A_1465 = arith.constant 160 : i32
      %dma_start3A_1466 = tpu.memref_slice %arg10[%dma_start3A_1465] : memref<400xi32, #tpu.memory_space<vmem>> -> memref<80xi32, #tpu.memory_space<vmem>>
      %dma_start3A_1467 = arith.constant 0 : i32
      %dma_start3A_1468 = arith.constant 0 : i32
      %dma_start3A_1469 = tpu.memref_slice %arg16[%dma_start3A_1467, %dma_start3A_1468] : memref<10240x128xbf16, #tpu.memory_space<vmem_shared>> -> memref<10240x128xbf16, #tpu.memory_space<vmem_shared>>
      tpu.enqueue_indirect_dma source(%arg13 : memref<80x128xbf16, #tpu.memory_space<vmem>>) target(%dma_start3A_1469 : memref<10240x128xbf16, #tpu.memory_space<vmem_shared>>) offsets(%dma_start3A_1466 : memref<80xi32, #tpu.memory_space<vmem>>) semaphore(%arg24 : memref<!tpu.dma_semaphore, #tpu.memory_space<semaphore_mem>>) {add = true}
      %dma_wait3A_1470 = arith.constant 240 : i32
      %dma_wait3A_1471 = tpu.memref_slice %arg8[%dma_wait3A_1470] : memref<400xi32, #tpu.memory_space<vmem>> -> memref<80xi32, #tpu.memory_space<vmem>>
      %dma_wait3A_1472 = arith.constant 0 : i32
      %dma_wait3A_1473 = arith.constant 0 : i32
      %dma_wait3A_1474 = tpu.memref_slice %arg2[%dma_wait3A_1472, %dma_wait3A_1473] : memref<10000x128xbf16, #tpu.memory_space<hbm>> -> memref<10000x128xbf16, #tpu.memory_space<hbm>>
      tpu.wait_indirect_dma semaphore(%arg20 : memref<!tpu.dma_semaphore, #tpu.memory_space<semaphore_mem>>) src(%dma_wait3A_1474 : memref<10000x128xbf16, #tpu.memory_space<hbm>>) dst(%arg14 : memref<80x128xbf16, #tpu.memory_space<vmem>>)
      %dma_start3A_1475 = arith.constant 240 : i32
      %dma_start3A_1476 = tpu.memref_slice %arg10[%dma_start3A_1475] : memref<400xi32, #tpu.memory_space<vmem>> -> memref<80xi32, #tpu.memory_space<vmem>>
      %dma_start3A_1477 = arith.constant 0 : i32
      %dma_start3A_1478 = arith.constant 0 : i32
      %dma_start3A_1479 = tpu.memref_slice %arg16[%dma_start3A_1477, %dma_start3A_1478] : memref<10240x128xbf16, #tpu.memory_space<vmem_shared>> -> memref<10240x128xbf16, #tpu.memory_space<vmem_shared>>
      tpu.enqueue_indirect_dma source(%arg14 : memref<80x128xbf16, #tpu.memory_space<vmem>>) target(%dma_start3A_1479 : memref<10240x128xbf16, #tpu.memory_space<vmem_shared>>) offsets(%dma_start3A_1476 : memref<80xi32, #tpu.memory_space<vmem>>) semaphore(%arg25 : memref<!tpu.dma_semaphore, #tpu.memory_space<semaphore_mem>>) {add = true}
      %dma_wait3A_1480 = arith.constant 320 : i32
      %dma_wait3A_1481 = tpu.memref_slice %arg8[%dma_wait3A_1480] : memref<400xi32, #tpu.memory_space<vmem>> -> memref<80xi32, #tpu.memory_space<vmem>>
      %dma_wait3A_1482 = arith.constant 0 : i32
      %dma_wait3A_1483 = arith.constant 0 : i32
      %dma_wait3A_1484 = tpu.memref_slice %arg2[%dma_wait3A_1482, %dma_wait3A_1483] : memref<10000x128xbf16, #tpu.memory_space<hbm>> -> memref<10000x128xbf16, #tpu.memory_space<hbm>>
      tpu.wait_indirect_dma semaphore(%arg21 : memref<!tpu.dma_semaphore, #tpu.memory_space<semaphore_mem>>) src(%dma_wait3A_1484 : memref<10000x128xbf16, #tpu.memory_space<hbm>>) dst(%arg15 : memref<80x128xbf16, #tpu.memory_space<vmem>>)
      %dma_start3A_1485 = arith.constant 320 : i32
      %dma_start3A_1486 = tpu.memref_slice %arg10[%dma_start3A_1485] : memref<400xi32, #tpu.memory_space<vmem>> -> memref<80xi32, #tpu.memory_space<vmem>>
      %dma_start3A_1487 = arith.constant 0 : i32
      %dma_start3A_1488 = arith.constant 0 : i32
      %dma_start3A_1489 = tpu.memref_slice %arg16[%dma_start3A_1487, %dma_start3A_1488] : memref<10240x128xbf16, #tpu.memory_space<vmem_shared>> -> memref<10240x128xbf16, #tpu.memory_space<vmem_shared>>
      tpu.enqueue_indirect_dma source(%arg15 : memref<80x128xbf16, #tpu.memory_space<vmem>>) target(%dma_start3A_1489 : memref<10240x128xbf16, #tpu.memory_space<vmem_shared>>) offsets(%dma_start3A_1486 : memref<80xi32, #tpu.memory_space<vmem>>) semaphore(%arg26 : memref<!tpu.dma_semaphore, #tpu.memory_space<semaphore_mem>>) {add = true}
      %dma_wait3A_1490 = arith.constant 0 : i32
      %dma_wait3A_1491 = tpu.memref_slice %arg3[%dma_wait3A_1490, %min3A_1229] : memref<2x320000xi32, #tpu.memory_space<hbm>> -> memref<1x400xi32, #tpu.memory_space<hbm>>
      %dma_wait3A_1492 = tpu.memref_squeeze %dma_wait3A_1491 : memref<1x400xi32, #tpu.memory_space<hbm>> -> memref<400xi32, #tpu.memory_space<hbm>>
      %dma_wait3A_1493 = tpu.memref_slice %arg3[%dma_wait3A_1490, %min3A_1229] : memref<2x320000xi32, #tpu.memory_space<hbm>> -> memref<1x400xi32, #tpu.memory_space<hbm>>
      %dma_wait3A_1494 = tpu.memref_squeeze %dma_wait3A_1493 : memref<1x400xi32, #tpu.memory_space<hbm>> -> memref<400xi32, #tpu.memory_space<hbm>>
      tpu.wait_dma2 semaphore(%arg27 : memref<!tpu.dma_semaphore, #tpu.memory_space<semaphore_mem>>) src(%dma_wait3A_1494 : memref<400xi32, #tpu.memory_space<hbm>>) dst(%arg7 : memref<400xi32, #tpu.memory_space<vmem>>)
      %dma_wait3A_1495 = arith.constant 1 : i32
      %dma_wait3A_1496 = tpu.memref_slice %arg3[%dma_wait3A_1495, %min3A_1229] : memref<2x320000xi32, #tpu.memory_space<hbm>> -> memref<1x400xi32, #tpu.memory_space<hbm>>
      %dma_wait3A_1497 = tpu.memref_squeeze %dma_wait3A_1496 : memref<1x400xi32, #tpu.memory_space<hbm>> -> memref<400xi32, #tpu.memory_space<hbm>>
      %dma_wait3A_1498 = tpu.memref_slice %arg3[%dma_wait3A_1495, %min3A_1229] : memref<2x320000xi32, #tpu.memory_space<hbm>> -> memref<1x400xi32, #tpu.memory_space<hbm>>
      %dma_wait3A_1499 = tpu.memref_squeeze %dma_wait3A_1498 : memref<1x400xi32, #tpu.memory_space<hbm>> -> memref<400xi32, #tpu.memory_space<hbm>>
      tpu.wait_dma2 semaphore(%arg27 : memref<!tpu.dma_semaphore, #tpu.memory_space<semaphore_mem>>) src(%dma_wait3A_1499 : memref<400xi32, #tpu.memory_space<hbm>>) dst(%arg9 : memref<400xi32, #tpu.memory_space<vmem>>)
      %scan3A_1500 = arith.constant 0 : i32
      scf.yield %scan3A_1500 : i32
    }
    %scan3A_356 = arith.constant 12 : i32
    %dma_wait3A_357 = arith.constant 0 : i32
    %dma_wait3A_358 = arith.constant 0 : i32
    %dma_wait3A_359 = tpu.memref_slice %arg2[%dma_wait3A_357, %dma_wait3A_358] : memref<10000x128xbf16, #tpu.memory_space<hbm>> -> memref<80x128xbf16, #tpu.memory_space<hbm>>
    %dma_wait3A_360 = arith.constant 0 : i32
    %dma_wait3A_361 = arith.constant 0 : i32
    %dma_wait3A_362 = tpu.memref_slice %arg2[%dma_wait3A_360, %dma_wait3A_361] : memref<10000x128xbf16, #tpu.memory_space<hbm>> -> memref<80x128xbf16, #tpu.memory_space<hbm>>
    tpu.wait_dma2 semaphore(%arg22 : memref<!tpu.dma_semaphore, #tpu.memory_space<semaphore_mem>>) src(%dma_wait3A_362 : memref<80x128xbf16, #tpu.memory_space<hbm>>) dst(%arg11 : memref<80x128xbf16, #tpu.memory_space<vmem>>)
    %dma_start3A_363 = arith.constant 0 : i32
    %dma_start3A_364 = tpu.memref_slice %arg7[%dma_start3A_363] : memref<400xi32, #tpu.memory_space<vmem>> -> memref<80xi32, #tpu.memory_space<vmem>>
    %dma_start3A_365 = arith.constant 0 : i32
    %dma_start3A_366 = arith.constant 0 : i32
    %dma_start3A_367 = tpu.memref_slice %arg2[%dma_start3A_365, %dma_start3A_366] : memref<10000x128xbf16, #tpu.memory_space<hbm>> -> memref<10000x128xbf16, #tpu.memory_space<hbm>>
    tpu.enqueue_indirect_dma source(%dma_start3A_367 : memref<10000x128xbf16, #tpu.memory_space<hbm>>) target(%arg11 : memref<80x128xbf16, #tpu.memory_space<vmem>>) offsets(%dma_start3A_364 : memref<80xi32, #tpu.memory_space<vmem>>) semaphore(%arg17 : memref<!tpu.dma_semaphore, #tpu.memory_space<semaphore_mem>>)
    %dma_wait3A_368 = arith.constant 0 : i32
    %dma_wait3A_369 = arith.constant 0 : i32
    %dma_wait3A_370 = tpu.memref_slice %arg2[%dma_wait3A_368, %dma_wait3A_369] : memref<10000x128xbf16, #tpu.memory_space<hbm>> -> memref<80x128xbf16, #tpu.memory_space<hbm>>
    %dma_wait3A_371 = arith.constant 0 : i32
    %dma_wait3A_372 = arith.constant 0 : i32
    %dma_wait3A_373 = tpu.memref_slice %arg2[%dma_wait3A_371, %dma_wait3A_372] : memref<10000x128xbf16, #tpu.memory_space<hbm>> -> memref<80x128xbf16, #tpu.memory_space<hbm>>
    tpu.wait_dma2 semaphore(%arg23 : memref<!tpu.dma_semaphore, #tpu.memory_space<semaphore_mem>>) src(%dma_wait3A_373 : memref<80x128xbf16, #tpu.memory_space<hbm>>) dst(%arg12 : memref<80x128xbf16, #tpu.memory_space<vmem>>)
    %dma_start3A_374 = arith.constant 80 : i32
    %dma_start3A_375 = tpu.memref_slice %arg7[%dma_start3A_374] : memref<400xi32, #tpu.memory_space<vmem>> -> memref<80xi32, #tpu.memory_space<vmem>>
    %dma_start3A_376 = arith.constant 0 : i32
    %dma_start3A_377 = arith.constant 0 : i32
    %dma_start3A_378 = tpu.memref_slice %arg2[%dma_start3A_376, %dma_start3A_377] : memref<10000x128xbf16, #tpu.memory_space<hbm>> -> memref<10000x128xbf16, #tpu.memory_space<hbm>>
    tpu.enqueue_indirect_dma source(%dma_start3A_378 : memref<10000x128xbf16, #tpu.memory_space<hbm>>) target(%arg12 : memref<80x128xbf16, #tpu.memory_space<vmem>>) offsets(%dma_start3A_375 : memref<80xi32, #tpu.memory_space<vmem>>) semaphore(%arg18 : memref<!tpu.dma_semaphore, #tpu.memory_space<semaphore_mem>>)
    %dma_wait3A_379 = arith.constant 0 : i32
    %dma_wait3A_380 = arith.constant 0 : i32
    %dma_wait3A_381 = tpu.memref_slice %arg2[%dma_wait3A_379, %dma_wait3A_380] : memref<10000x128xbf16, #tpu.memory_space<hbm>> -> memref<80x128xbf16, #tpu.memory_space<hbm>>
    %dma_wait3A_382 = arith.constant 0 : i32
    %dma_wait3A_383 = arith.constant 0 : i32
    %dma_wait3A_384 = tpu.memref_slice %arg2[%dma_wait3A_382, %dma_wait3A_383] : memref<10000x128xbf16, #tpu.memory_space<hbm>> -> memref<80x128xbf16, #tpu.memory_space<hbm>>
    tpu.wait_dma2 semaphore(%arg24 : memref<!tpu.dma_semaphore, #tpu.memory_space<semaphore_mem>>) src(%dma_wait3A_384 : memref<80x128xbf16, #tpu.memory_space<hbm>>) dst(%arg13 : memref<80x128xbf16, #tpu.memory_space<vmem>>)
    %dma_start3A_385 = arith.constant 160 : i32
    %dma_start3A_386 = tpu.memref_slice %arg7[%dma_start3A_385] : memref<400xi32, #tpu.memory_space<vmem>> -> memref<80xi32, #tpu.memory_space<vmem>>
    %dma_start3A_387 = arith.constant 0 : i32
    %dma_start3A_388 = arith.constant 0 : i32
    %dma_start3A_389 = tpu.memref_slice %arg2[%dma_start3A_387, %dma_start3A_388] : memref<10000x128xbf16, #tpu.memory_space<hbm>> -> memref<10000x128xbf16, #tpu.memory_space<hbm>>
    tpu.enqueue_indirect_dma source(%dma_start3A_389 : memref<10000x128xbf16, #tpu.memory_space<hbm>>) target(%arg13 : memref<80x128xbf16, #tpu.memory_space<vmem>>) offsets(%dma_start3A_386 : memref<80xi32, #tpu.memory_space<vmem>>) semaphore(%arg19 : memref<!tpu.dma_semaphore, #tpu.memory_space<semaphore_mem>>)
    %dma_wait3A_390 = arith.constant 0 : i32
    %dma_wait3A_391 = arith.constant 0 : i32
    %dma_wait3A_392 = tpu.memref_slice %arg2[%dma_wait3A_390, %dma_wait3A_391] : memref<10000x128xbf16, #tpu.memory_space<hbm>> -> memref<80x128xbf16, #tpu.memory_space<hbm>>
    %dma_wait3A_393 = arith.constant 0 : i32
    %dma_wait3A_394 = arith.constant 0 : i32
    %dma_wait3A_395 = tpu.memref_slice %arg2[%dma_wait3A_393, %dma_wait3A_394] : memref<10000x128xbf16, #tpu.memory_space<hbm>> -> memref<80x128xbf16, #tpu.memory_space<hbm>>
    tpu.wait_dma2 semaphore(%arg25 : memref<!tpu.dma_semaphore, #tpu.memory_space<semaphore_mem>>) src(%dma_wait3A_395 : memref<80x128xbf16, #tpu.memory_space<hbm>>) dst(%arg14 : memref<80x128xbf16, #tpu.memory_space<vmem>>)
    %dma_start3A_396 = arith.constant 240 : i32
    %dma_start3A_397 = tpu.memref_slice %arg7[%dma_start3A_396] : memref<400xi32, #tpu.memory_space<vmem>> -> memref<80xi32, #tpu.memory_space<vmem>>
    %dma_start3A_398 = arith.constant 0 : i32
    %dma_start3A_399 = arith.constant 0 : i32
    %dma_start3A_400 = tpu.memref_slice %arg2[%dma_start3A_398, %dma_start3A_399] : memref<10000x128xbf16, #tpu.memory_space<hbm>> -> memref<10000x128xbf16, #tpu.memory_space<hbm>>
    tpu.enqueue_indirect_dma source(%dma_start3A_400 : memref<10000x128xbf16, #tpu.memory_space<hbm>>) target(%arg14 : memref<80x128xbf16, #tpu.memory_space<vmem>>) offsets(%dma_start3A_397 : memref<80xi32, #tpu.memory_space<vmem>>) semaphore(%arg20 : memref<!tpu.dma_semaphore, #tpu.memory_space<semaphore_mem>>)
    %dma_wait3A_401 = arith.constant 0 : i32
    %dma_wait3A_402 = arith.constant 0 : i32
    %dma_wait3A_403 = tpu.memref_slice %arg2[%dma_wait3A_401, %dma_wait3A_402] : memref<10000x128xbf16, #tpu.memory_space<hbm>> -> memref<80x128xbf16, #tpu.memory_space<hbm>>
    %dma_wait3A_404 = arith.constant 0 : i32
    %dma_wait3A_405 = arith.constant 0 : i32
    %dma_wait3A_406 = tpu.memref_slice %arg2[%dma_wait3A_404, %dma_wait3A_405] : memref<10000x128xbf16, #tpu.memory_space<hbm>> -> memref<80x128xbf16, #tpu.memory_space<hbm>>
    tpu.wait_dma2 semaphore(%arg26 : memref<!tpu.dma_semaphore, #tpu.memory_space<semaphore_mem>>) src(%dma_wait3A_406 : memref<80x128xbf16, #tpu.memory_space<hbm>>) dst(%arg15 : memref<80x128xbf16, #tpu.memory_space<vmem>>)
    %dma_start3A_407 = arith.constant 320 : i32
    %dma_start3A_408 = tpu.memref_slice %arg7[%dma_start3A_407] : memref<400xi32, #tpu.memory_space<vmem>> -> memref<80xi32, #tpu.memory_space<vmem>>
    %dma_start3A_409 = arith.constant 0 : i32
    %dma_start3A_410 = arith.constant 0 : i32
    %dma_start3A_411 = tpu.memref_slice %arg2[%dma_start3A_409, %dma_start3A_410] : memref<10000x128xbf16, #tpu.memory_space<hbm>> -> memref<10000x128xbf16, #tpu.memory_space<hbm>>
    tpu.enqueue_indirect_dma source(%dma_start3A_411 : memref<10000x128xbf16, #tpu.memory_space<hbm>>) target(%arg15 : memref<80x128xbf16, #tpu.memory_space<vmem>>) offsets(%dma_start3A_408 : memref<80xi32, #tpu.memory_space<vmem>>) semaphore(%arg21 : memref<!tpu.dma_semaphore, #tpu.memory_space<semaphore_mem>>)
    %add3A_412 = arith.constant 10000 : i32
    %add3A_413 = arith.addi %mul3A_294, %add3A_412 : i32
    %min3A_414 = arith.constant 319600 : i32
    %min3A_415 = arith.minsi %add3A_413, %min3A_414 : i32
    %dma_start3A_416 = arith.constant 0 : i32
    %dma_start3A_417 = tpu.memref_slice %arg3[%dma_start3A_416, %min3A_415] : memref<2x320000xi32, #tpu.memory_space<hbm>> -> memref<1x400xi32, #tpu.memory_space<hbm>>
    %dma_start3A_418 = tpu.memref_squeeze %dma_start3A_417 : memref<1x400xi32, #tpu.memory_space<hbm>> -> memref<400xi32, #tpu.memory_space<hbm>>
    %dma_start3A_419 = tpu.memref_slice %arg3[%dma_start3A_416, %min3A_415] : memref<2x320000xi32, #tpu.memory_space<hbm>> -> memref<1x400xi32, #tpu.memory_space<hbm>>
    %dma_start3A_420 = tpu.memref_squeeze %dma_start3A_419 : memref<1x400xi32, #tpu.memory_space<hbm>> -> memref<400xi32, #tpu.memory_space<hbm>>
    tpu.enqueue_dma source(%dma_start3A_420 : memref<400xi32, #tpu.memory_space<hbm>>) target(%arg8 : memref<400xi32, #tpu.memory_space<vmem>>) target_semaphore(%arg28 : memref<!tpu.dma_semaphore, #tpu.memory_space<semaphore_mem>>)
    %dma_start3A_421 = arith.constant 1 : i32
    %dma_start3A_422 = tpu.memref_slice %arg3[%dma_start3A_421, %min3A_415] : memref<2x320000xi32, #tpu.memory_space<hbm>> -> memref<1x400xi32, #tpu.memory_space<hbm>>
    %dma_start3A_423 = tpu.memref_squeeze %dma_start3A_422 : memref<1x400xi32, #tpu.memory_space<hbm>> -> memref<400xi32, #tpu.memory_space<hbm>>
    %dma_start3A_424 = tpu.memref_slice %arg3[%dma_start3A_421, %min3A_415] : memref<2x320000xi32, #tpu.memory_space<hbm>> -> memref<1x400xi32, #tpu.memory_space<hbm>>
    %dma_start3A_425 = tpu.memref_squeeze %dma_start3A_424 : memref<1x400xi32, #tpu.memory_space<hbm>> -> memref<400xi32, #tpu.memory_space<hbm>>
    tpu.enqueue_dma source(%dma_start3A_425 : memref<400xi32, #tpu.memory_space<hbm>>) target(%arg10 : memref<400xi32, #tpu.memory_space<vmem>>) target_semaphore(%arg28 : memref<!tpu.dma_semaphore, #tpu.memory_space<semaphore_mem>>)
    %get3A = arith.constant 0 : index
    %get3A_426 = tpu.vector_load %arg9[%get3A] {strides = array<i32>} : memref<400xi32, #tpu.memory_space<vmem>>, vector<16xi32>,
    %shift_right_logical3A = arith.constant 4 : i32
    %shift_right_logical3A_427 = vector.broadcast %shift_right_logical3A : i32 to vector<16xi32>
    %shift_right_logical3A_428 = arith.shrui %get3A_426, %shift_right_logical3A_427 : vector<16xi32>
    %and3A = arith.constant 15 : i32
    %and3A_429 = vector.broadcast %and3A : i32 to vector<16xi32>
    %and3A_430 = arith.andi %get3A_426, %and3A_429 : vector<16xi32>
    tpu.vector_store_idx %arg30[%shift_right_logical3A_428, %and3A_430], %broadcast_in_dim3A_292 {add = true} : memref<625x16xf32, #tpu.memory_space<vmem>>[vector<16xi32>, vector<16xi32>], vector<16xf32>,
    %get3A_431 = arith.constant 16 : index
    %get3A_432 = tpu.vector_load %arg9[%get3A_431] {strides = array<i32>} : memref<400xi32, #tpu.memory_space<vmem>>, vector<16xi32>,
    %shift_right_logical3A_433 = arith.constant 4 : i32
    %shift_right_logical3A_434 = vector.broadcast %shift_right_logical3A_433 : i32 to vector<16xi32>
    %shift_right_logical3A_435 = arith.shrui %get3A_432, %shift_right_logical3A_434 : vector<16xi32>
    %and3A_436 = arith.constant 15 : i32
    %and3A_437 = vector.broadcast %and3A_436 : i32 to vector<16xi32>
    %and3A_438 = arith.andi %get3A_432, %and3A_437 : vector<16xi32>
    tpu.vector_store_idx %arg30[%shift_right_logical3A_435, %and3A_438], %broadcast_in_dim3A_292 {add = true} : memref<625x16xf32, #tpu.memory_space<vmem>>[vector<16xi32>, vector<16xi32>], vector<16xf32>,
    %get3A_439 = arith.constant 32 : index
    %get3A_440 = tpu.vector_load %arg9[%get3A_439] {strides = array<i32>} : memref<400xi32, #tpu.memory_space<vmem>>, vector<16xi32>,
    %shift_right_logical3A_441 = arith.constant 4 : i32
    %shift_right_logical3A_442 = vector.broadcast %shift_right_logical3A_441 : i32 to vector<16xi32>
    %shift_right_logical3A_443 = arith.shrui %get3A_440, %shift_right_logical3A_442 : vector<16xi32>
    %and3A_444 = arith.constant 15 : i32
    %and3A_445 = vector.broadcast %and3A_444 : i32 to vector<16xi32>
    %and3A_446 = arith.andi %get3A_440, %and3A_445 : vector<16xi32>
    tpu.vector_store_idx %arg30[%shift_right_logical3A_443, %and3A_446], %broadcast_in_dim3A_292 {add = true} : memref<625x16xf32, #tpu.memory_space<vmem>>[vector<16xi32>, vector<16xi32>], vector<16xf32>,
    %get3A_447 = arith.constant 48 : index
    %get3A_448 = tpu.vector_load %arg9[%get3A_447] {strides = array<i32>} : memref<400xi32, #tpu.memory_space<vmem>>, vector<16xi32>,
    %shift_right_logical3A_449 = arith.constant 4 : i32
    %shift_right_logical3A_450 = vector.broadcast %shift_right_logical3A_449 : i32 to vector<16xi32>
    %shift_right_logical3A_451 = arith.shrui %get3A_448, %shift_right_logical3A_450 : vector<16xi32>
    %and3A_452 = arith.constant 15 : i32
    %and3A_453 = vector.broadcast %and3A_452 : i32 to vector<16xi32>
    %and3A_454 = arith.andi %get3A_448, %and3A_453 : vector<16xi32>
    tpu.vector_store_idx %arg30[%shift_right_logical3A_451, %and3A_454], %broadcast_in_dim3A_292 {add = true} : memref<625x16xf32, #tpu.memory_space<vmem>>[vector<16xi32>, vector<16xi32>], vector<16xf32>,
    %get3A_455 = arith.constant 64 : index
    %get3A_456 = tpu.vector_load %arg9[%get3A_455] {strides = array<i32>} : memref<400xi32, #tpu.memory_space<vmem>>, vector<16xi32>,
    %shift_right_logical3A_457 = arith.constant 4 : i32
    %shift_right_logical3A_458 = vector.broadcast %shift_right_logical3A_457 : i32 to vector<16xi32>
    %shift_right_logical3A_459 = arith.shrui %get3A_456, %shift_right_logical3A_458 : vector<16xi32>
    %and3A_460 = arith.constant 15 : i32
    %and3A_461 = vector.broadcast %and3A_460 : i32 to vector<16xi32>
    %and3A_462 = arith.andi %get3A_456, %and3A_461 : vector<16xi32>
    tpu.vector_store_idx %arg30[%shift_right_logical3A_459, %and3A_462], %broadcast_in_dim3A_292 {add = true} : memref<625x16xf32, #tpu.memory_space<vmem>>[vector<16xi32>, vector<16xi32>], vector<16xf32>,
    %get3A_463 = arith.constant 80 : index
    %get3A_464 = tpu.vector_load %arg9[%get3A_463] {strides = array<i32>} : memref<400xi32, #tpu.memory_space<vmem>>, vector<16xi32>,
    %shift_right_logical3A_465 = arith.constant 4 : i32
    %shift_right_logical3A_466 = vector.broadcast %shift_right_logical3A_465 : i32 to vector<16xi32>
    %shift_right_logical3A_467 = arith.shrui %get3A_464, %shift_right_logical3A_466 : vector<16xi32>
    %and3A_468 = arith.constant 15 : i32
    %and3A_469 = vector.broadcast %and3A_468 : i32 to vector<16xi32>
    %and3A_470 = arith.andi %get3A_464, %and3A_469 : vector<16xi32>
    tpu.vector_store_idx %arg30[%shift_right_logical3A_467, %and3A_470], %broadcast_in_dim3A_292 {add = true} : memref<625x16xf32, #tpu.memory_space<vmem>>[vector<16xi32>, vector<16xi32>], vector<16xf32>,
    %get3A_471 = arith.constant 96 : index
    %get3A_472 = tpu.vector_load %arg9[%get3A_471] {strides = array<i32>} : memref<400xi32, #tpu.memory_space<vmem>>, vector<16xi32>,
    %shift_right_logical3A_473 = arith.constant 4 : i32
    %shift_right_logical3A_474 = vector.broadcast %shift_right_logical3A_473 : i32 to vector<16xi32>
    %shift_right_logical3A_475 = arith.shrui %get3A_472, %shift_right_logical3A_474 : vector<16xi32>
    %and3A_476 = arith.constant 15 : i32
    %and3A_477 = vector.broadcast %and3A_476 : i32 to vector<16xi32>
    %and3A_478 = arith.andi %get3A_472, %and3A_477 : vector<16xi32>
    tpu.vector_store_idx %arg30[%shift_right_logical3A_475, %and3A_478], %broadcast_in_dim3A_292 {add = true} : memref<625x16xf32, #tpu.memory_space<vmem>>[vector<16xi32>, vector<16xi32>], vector<16xf32>,
    %get3A_479 = arith.constant 112 : index
    %get3A_480 = tpu.vector_load %arg9[%get3A_479] {strides = array<i32>} : memref<400xi32, #tpu.memory_space<vmem>>, vector<16xi32>,
    %shift_right_logical3A_481 = arith.constant 4 : i32
    %shift_right_logical3A_482 = vector.broadcast %shift_right_logical3A_481 : i32 to vector<16xi32>
    %shift_right_logical3A_483 = arith.shrui %get3A_480, %shift_right_logical3A_482 : vector<16xi32>
    %and3A_484 = arith.constant 15 : i32
    %and3A_485 = vector.broadcast %and3A_484 : i32 to vector<16xi32>
    %and3A_486 = arith.andi %get3A_480, %and3A_485 : vector<16xi32>
    tpu.vector_store_idx %arg30[%shift_right_logical3A_483, %and3A_486], %broadcast_in_dim3A_292 {add = true} : memref<625x16xf32, #tpu.memory_space<vmem>>[vector<16xi32>, vector<16xi32>], vector<16xf32>,
    %get3A_487 = arith.constant 128 : index
    %get3A_488 = tpu.vector_load %arg9[%get3A_487] {strides = array<i32>} : memref<400xi32, #tpu.memory_space<vmem>>, vector<16xi32>,
    %shift_right_logical3A_489 = arith.constant 4 : i32
    %shift_right_logical3A_490 = vector.broadcast %shift_right_logical3A_489 : i32 to vector<16xi32>
    %shift_right_logical3A_491 = arith.shrui %get3A_488, %shift_right_logical3A_490 : vector<16xi32>
    %and3A_492 = arith.constant 15 : i32
    %and3A_493 = vector.broadcast %and3A_492 : i32 to vector<16xi32>
    %and3A_494 = arith.andi %get3A_488, %and3A_493 : vector<16xi32>
    tpu.vector_store_idx %arg30[%shift_right_logical3A_491, %and3A_494], %broadcast_in_dim3A_292 {add = true} : memref<625x16xf32, #tpu.memory_space<vmem>>[vector<16xi32>, vector<16xi32>], vector<16xf32>,
    %get3A_495 = arith.constant 144 : index
    %get3A_496 = tpu.vector_load %arg9[%get3A_495] {strides = array<i32>} : memref<400xi32, #tpu.memory_space<vmem>>, vector<16xi32>,
    %shift_right_logical3A_497 = arith.constant 4 : i32
    %shift_right_logical3A_498 = vector.broadcast %shift_right_logical3A_497 : i32 to vector<16xi32>
    %shift_right_logical3A_499 = arith.shrui %get3A_496, %shift_right_logical3A_498 : vector<16xi32>
    %and3A_500 = arith.constant 15 : i32
    %and3A_501 = vector.broadcast %and3A_500 : i32 to vector<16xi32>
    %and3A_502 = arith.andi %get3A_496, %and3A_501 : vector<16xi32>
    tpu.vector_store_idx %arg30[%shift_right_logical3A_499, %and3A_502], %broadcast_in_dim3A_292 {add = true} : memref<625x16xf32, #tpu.memory_space<vmem>>[vector<16xi32>, vector<16xi32>], vector<16xf32>,
    %get3A_503 = arith.constant 160 : index
    %get3A_504 = tpu.vector_load %arg9[%get3A_503] {strides = array<i32>} : memref<400xi32, #tpu.memory_space<vmem>>, vector<16xi32>,
    %shift_right_logical3A_505 = arith.constant 4 : i32
    %shift_right_logical3A_506 = vector.broadcast %shift_right_logical3A_505 : i32 to vector<16xi32>
    %shift_right_logical3A_507 = arith.shrui %get3A_504, %shift_right_logical3A_506 : vector<16xi32>
    %and3A_508 = arith.constant 15 : i32
    %and3A_509 = vector.broadcast %and3A_508 : i32 to vector<16xi32>
    %and3A_510 = arith.andi %get3A_504, %and3A_509 : vector<16xi32>
    tpu.vector_store_idx %arg30[%shift_right_logical3A_507, %and3A_510], %broadcast_in_dim3A_292 {add = true} : memref<625x16xf32, #tpu.memory_space<vmem>>[vector<16xi32>, vector<16xi32>], vector<16xf32>,
    %get3A_511 = arith.constant 176 : index
    %get3A_512 = tpu.vector_load %arg9[%get3A_511] {strides = array<i32>} : memref<400xi32, #tpu.memory_space<vmem>>, vector<16xi32>,
    %shift_right_logical3A_513 = arith.constant 4 : i32
    %shift_right_logical3A_514 = vector.broadcast %shift_right_logical3A_513 : i32 to vector<16xi32>
    %shift_right_logical3A_515 = arith.shrui %get3A_512, %shift_right_logical3A_514 : vector<16xi32>
    %and3A_516 = arith.constant 15 : i32
    %and3A_517 = vector.broadcast %and3A_516 : i32 to vector<16xi32>
    %and3A_518 = arith.andi %get3A_512, %and3A_517 : vector<16xi32>
    tpu.vector_store_idx %arg30[%shift_right_logical3A_515, %and3A_518], %broadcast_in_dim3A_292 {add = true} : memref<625x16xf32, #tpu.memory_space<vmem>>[vector<16xi32>, vector<16xi32>], vector<16xf32>,
    %get3A_519 = arith.constant 192 : index
    %get3A_520 = tpu.vector_load %arg9[%get3A_519] {strides = array<i32>} : memref<400xi32, #tpu.memory_space<vmem>>, vector<16xi32>,
    %shift_right_logical3A_521 = arith.constant 4 : i32
    %shift_right_logical3A_522 = vector.broadcast %shift_right_logical3A_521 : i32 to vector<16xi32>
    %shift_right_logical3A_523 = arith.shrui %get3A_520, %shift_right_logical3A_522 : vector<16xi32>
    %and3A_524 = arith.constant 15 : i32
    %and3A_525 = vector.broadcast %and3A_524 : i32 to vector<16xi32>
    %and3A_526 = arith.andi %get3A_520, %and3A_525 : vector<16xi32>
    tpu.vector_store_idx %arg30[%shift_right_logical3A_523, %and3A_526], %broadcast_in_dim3A_292 {add = true} : memref<625x16xf32, #tpu.memory_space<vmem>>[vector<16xi32>, vector<16xi32>], vector<16xf32>,
    %get3A_527 = arith.constant 208 : index
    %get3A_528 = tpu.vector_load %arg9[%get3A_527] {strides = array<i32>} : memref<400xi32, #tpu.memory_space<vmem>>, vector<16xi32>,
    %shift_right_logical3A_529 = arith.constant 4 : i32
    %shift_right_logical3A_530 = vector.broadcast %shift_right_logical3A_529 : i32 to vector<16xi32>
    %shift_right_logical3A_531 = arith.shrui %get3A_528, %shift_right_logical3A_530 : vector<16xi32>
    %and3A_532 = arith.constant 15 : i32
    %and3A_533 = vector.broadcast %and3A_532 : i32 to vector<16xi32>
    %and3A_534 = arith.andi %get3A_528, %and3A_533 : vector<16xi32>
    tpu.vector_store_idx %arg30[%shift_right_logical3A_531, %and3A_534], %broadcast_in_dim3A_292 {add = true} : memref<625x16xf32, #tpu.memory_space<vmem>>[vector<16xi32>, vector<16xi32>], vector<16xf32>,
    %get3A_535 = arith.constant 224 : index
    %get3A_536 = tpu.vector_load %arg9[%get3A_535] {strides = array<i32>} : memref<400xi32, #tpu.memory_space<vmem>>, vector<16xi32>,
    %shift_right_logical3A_537 = arith.constant 4 : i32
    %shift_right_logical3A_538 = vector.broadcast %shift_right_logical3A_537 : i32 to vector<16xi32>
    %shift_right_logical3A_539 = arith.shrui %get3A_536, %shift_right_logical3A_538 : vector<16xi32>
    %and3A_540 = arith.constant 15 : i32
    %and3A_541 = vector.broadcast %and3A_540 : i32 to vector<16xi32>
    %and3A_542 = arith.andi %get3A_536, %and3A_541 : vector<16xi32>
    tpu.vector_store_idx %arg30[%shift_right_logical3A_539, %and3A_542], %broadcast_in_dim3A_292 {add = true} : memref<625x16xf32, #tpu.memory_space<vmem>>[vector<16xi32>, vector<16xi32>], vector<16xf32>,
    %get3A_543 = arith.constant 240 : index
    %get3A_544 = tpu.vector_load %arg9[%get3A_543] {strides = array<i32>} : memref<400xi32, #tpu.memory_space<vmem>>, vector<16xi32>,
    %shift_right_logical3A_545 = arith.constant 4 : i32
    %shift_right_logical3A_546 = vector.broadcast %shift_right_logical3A_545 : i32 to vector<16xi32>
    %shift_right_logical3A_547 = arith.shrui %get3A_544, %shift_right_logical3A_546 : vector<16xi32>
    %and3A_548 = arith.constant 15 : i32
    %and3A_549 = vector.broadcast %and3A_548 : i32 to vector<16xi32>
    %and3A_550 = arith.andi %get3A_544, %and3A_549 : vector<16xi32>
    tpu.vector_store_idx %arg30[%shift_right_logical3A_547, %and3A_550], %broadcast_in_dim3A_292 {add = true} : memref<625x16xf32, #tpu.memory_space<vmem>>[vector<16xi32>, vector<16xi32>], vector<16xf32>,
    %get3A_551 = arith.constant 256 : index
    %get3A_552 = tpu.vector_load %arg9[%get3A_551] {strides = array<i32>} : memref<400xi32, #tpu.memory_space<vmem>>, vector<16xi32>,
    %shift_right_logical3A_553 = arith.constant 4 : i32
    %shift_right_logical3A_554 = vector.broadcast %shift_right_logical3A_553 : i32 to vector<16xi32>
    %shift_right_logical3A_555 = arith.shrui %get3A_552, %shift_right_logical3A_554 : vector<16xi32>
    %and3A_556 = arith.constant 15 : i32
    %and3A_557 = vector.broadcast %and3A_556 : i32 to vector<16xi32>
    %and3A_558 = arith.andi %get3A_552, %and3A_557 : vector<16xi32>
    tpu.vector_store_idx %arg30[%shift_right_logical3A_555, %and3A_558], %broadcast_in_dim3A_292 {add = true} : memref<625x16xf32, #tpu.memory_space<vmem>>[vector<16xi32>, vector<16xi32>], vector<16xf32>,
    %get3A_559 = arith.constant 272 : index
    %get3A_560 = tpu.vector_load %arg9[%get3A_559] {strides = array<i32>} : memref<400xi32, #tpu.memory_space<vmem>>, vector<16xi32>,
    %shift_right_logical3A_561 = arith.constant 4 : i32
    %shift_right_logical3A_562 = vector.broadcast %shift_right_logical3A_561 : i32 to vector<16xi32>
    %shift_right_logical3A_563 = arith.shrui %get3A_560, %shift_right_logical3A_562 : vector<16xi32>
    %and3A_564 = arith.constant 15 : i32
    %and3A_565 = vector.broadcast %and3A_564 : i32 to vector<16xi32>
    %and3A_566 = arith.andi %get3A_560, %and3A_565 : vector<16xi32>
    tpu.vector_store_idx %arg30[%shift_right_logical3A_563, %and3A_566], %broadcast_in_dim3A_292 {add = true} : memref<625x16xf32, #tpu.memory_space<vmem>>[vector<16xi32>, vector<16xi32>], vector<16xf32>,
    %get3A_567 = arith.constant 288 : index
    %get3A_568 = tpu.vector_load %arg9[%get3A_567] {strides = array<i32>} : memref<400xi32, #tpu.memory_space<vmem>>, vector<16xi32>,
    %shift_right_logical3A_569 = arith.constant 4 : i32
    %shift_right_logical3A_570 = vector.broadcast %shift_right_logical3A_569 : i32 to vector<16xi32>
    %shift_right_logical3A_571 = arith.shrui %get3A_568, %shift_right_logical3A_570 : vector<16xi32>
    %and3A_572 = arith.constant 15 : i32
    %and3A_573 = vector.broadcast %and3A_572 : i32 to vector<16xi32>
    %and3A_574 = arith.andi %get3A_568, %and3A_573 : vector<16xi32>
    tpu.vector_store_idx %arg30[%shift_right_logical3A_571, %and3A_574], %broadcast_in_dim3A_292 {add = true} : memref<625x16xf32, #tpu.memory_space<vmem>>[vector<16xi32>, vector<16xi32>], vector<16xf32>,
    %get3A_575 = arith.constant 304 : index
    %get3A_576 = tpu.vector_load %arg9[%get3A_575] {strides = array<i32>} : memref<400xi32, #tpu.memory_space<vmem>>, vector<16xi32>,
    %shift_right_logical3A_577 = arith.constant 4 : i32
    %shift_right_logical3A_578 = vector.broadcast %shift_right_logical3A_577 : i32 to vector<16xi32>
    %shift_right_logical3A_579 = arith.shrui %get3A_576, %shift_right_logical3A_578 : vector<16xi32>
    %and3A_580 = arith.constant 15 : i32
    %and3A_581 = vector.broadcast %and3A_580 : i32 to vector<16xi32>
    %and3A_582 = arith.andi %get3A_576, %and3A_581 : vector<16xi32>
    tpu.vector_store_idx %arg30[%shift_right_logical3A_579, %and3A_582], %broadcast_in_dim3A_292 {add = true} : memref<625x16xf32, #tpu.memory_space<vmem>>[vector<16xi32>, vector<16xi32>], vector<16xf32>,
    %get3A_583 = arith.constant 320 : index
    %get3A_584 = tpu.vector_load %arg9[%get3A_583] {strides = array<i32>} : memref<400xi32, #tpu.memory_space<vmem>>, vector<16xi32>,
    %shift_right_logical3A_585 = arith.constant 4 : i32
    %shift_right_logical3A_586 = vector.broadcast %shift_right_logical3A_585 : i32 to vector<16xi32>
    %shift_right_logical3A_587 = arith.shrui %get3A_584, %shift_right_logical3A_586 : vector<16xi32>
    %and3A_588 = arith.constant 15 : i32
    %and3A_589 = vector.broadcast %and3A_588 : i32 to vector<16xi32>
    %and3A_590 = arith.andi %get3A_584, %and3A_589 : vector<16xi32>
    tpu.vector_store_idx %arg30[%shift_right_logical3A_587, %and3A_590], %broadcast_in_dim3A_292 {add = true} : memref<625x16xf32, #tpu.memory_space<vmem>>[vector<16xi32>, vector<16xi32>], vector<16xf32>,
    %get3A_591 = arith.constant 336 : index
    %get3A_592 = tpu.vector_load %arg9[%get3A_591] {strides = array<i32>} : memref<400xi32, #tpu.memory_space<vmem>>, vector<16xi32>,
    %shift_right_logical3A_593 = arith.constant 4 : i32
    %shift_right_logical3A_594 = vector.broadcast %shift_right_logical3A_593 : i32 to vector<16xi32>
    %shift_right_logical3A_595 = arith.shrui %get3A_592, %shift_right_logical3A_594 : vector<16xi32>
    %and3A_596 = arith.constant 15 : i32
    %and3A_597 = vector.broadcast %and3A_596 : i32 to vector<16xi32>
    %and3A_598 = arith.andi %get3A_592, %and3A_597 : vector<16xi32>
    tpu.vector_store_idx %arg30[%shift_right_logical3A_595, %and3A_598], %broadcast_in_dim3A_292 {add = true} : memref<625x16xf32, #tpu.memory_space<vmem>>[vector<16xi32>, vector<16xi32>], vector<16xf32>,
    %get3A_599 = arith.constant 352 : index
    %get3A_600 = tpu.vector_load %arg9[%get3A_599] {strides = array<i32>} : memref<400xi32, #tpu.memory_space<vmem>>, vector<16xi32>,
    %shift_right_logical3A_601 = arith.constant 4 : i32
    %shift_right_logical3A_602 = vector.broadcast %shift_right_logical3A_601 : i32 to vector<16xi32>
    %shift_right_logical3A_603 = arith.shrui %get3A_600, %shift_right_logical3A_602 : vector<16xi32>
    %and3A_604 = arith.constant 15 : i32
    %and3A_605 = vector.broadcast %and3A_604 : i32 to vector<16xi32>
    %and3A_606 = arith.andi %get3A_600, %and3A_605 : vector<16xi32>
    tpu.vector_store_idx %arg30[%shift_right_logical3A_603, %and3A_606], %broadcast_in_dim3A_292 {add = true} : memref<625x16xf32, #tpu.memory_space<vmem>>[vector<16xi32>, vector<16xi32>], vector<16xf32>,
    %get3A_607 = arith.constant 368 : index
    %get3A_608 = tpu.vector_load %arg9[%get3A_607] {strides = array<i32>} : memref<400xi32, #tpu.memory_space<vmem>>, vector<16xi32>,
    %shift_right_logical3A_609 = arith.constant 4 : i32
    %shift_right_logical3A_610 = vector.broadcast %shift_right_logical3A_609 : i32 to vector<16xi32>
    %shift_right_logical3A_611 = arith.shrui %get3A_608, %shift_right_logical3A_610 : vector<16xi32>
    %and3A_612 = arith.constant 15 : i32
    %and3A_613 = vector.broadcast %and3A_612 : i32 to vector<16xi32>
    %and3A_614 = arith.andi %get3A_608, %and3A_613 : vector<16xi32>
    tpu.vector_store_idx %arg30[%shift_right_logical3A_611, %and3A_614], %broadcast_in_dim3A_292 {add = true} : memref<625x16xf32, #tpu.memory_space<vmem>>[vector<16xi32>, vector<16xi32>], vector<16xf32>,
    %get3A_615 = arith.constant 384 : index
    %get3A_616 = tpu.vector_load %arg9[%get3A_615] {strides = array<i32>} : memref<400xi32, #tpu.memory_space<vmem>>, vector<16xi32>,
    %shift_right_logical3A_617 = arith.constant 4 : i32
    %shift_right_logical3A_618 = vector.broadcast %shift_right_logical3A_617 : i32 to vector<16xi32>
    %shift_right_logical3A_619 = arith.shrui %get3A_616, %shift_right_logical3A_618 : vector<16xi32>
    %and3A_620 = arith.constant 15 : i32
    %and3A_621 = vector.broadcast %and3A_620 : i32 to vector<16xi32>
    %and3A_622 = arith.andi %get3A_616, %and3A_621 : vector<16xi32>
    tpu.vector_store_idx %arg30[%shift_right_logical3A_619, %and3A_622], %broadcast_in_dim3A_292 {add = true} : memref<625x16xf32, #tpu.memory_space<vmem>>[vector<16xi32>, vector<16xi32>], vector<16xf32>,
    %dma_wait3A_623 = arith.constant 0 : i32
    %dma_wait3A_624 = tpu.memref_slice %arg7[%dma_wait3A_623] : memref<400xi32, #tpu.memory_space<vmem>> -> memref<80xi32, #tpu.memory_space<vmem>>
    %dma_wait3A_625 = arith.constant 0 : i32
    %dma_wait3A_626 = arith.constant 0 : i32
    %dma_wait3A_627 = tpu.memref_slice %arg2[%dma_wait3A_625, %dma_wait3A_626] : memref<10000x128xbf16, #tpu.memory_space<hbm>> -> memref<10000x128xbf16, #tpu.memory_space<hbm>>
    tpu.wait_indirect_dma semaphore(%arg17 : memref<!tpu.dma_semaphore, #tpu.memory_space<semaphore_mem>>) src(%dma_wait3A_627 : memref<10000x128xbf16, #tpu.memory_space<hbm>>) dst(%arg11 : memref<80x128xbf16, #tpu.memory_space<vmem>>)
    %dma_start3A_628 = arith.constant 0 : i32
    %dma_start3A_629 = tpu.memref_slice %arg9[%dma_start3A_628] : memref<400xi32, #tpu.memory_space<vmem>> -> memref<80xi32, #tpu.memory_space<vmem>>
    %dma_start3A_630 = arith.constant 0 : i32
    %dma_start3A_631 = arith.constant 0 : i32
    %dma_start3A_632 = tpu.memref_slice %arg16[%dma_start3A_630, %dma_start3A_631] : memref<10240x128xbf16, #tpu.memory_space<vmem_shared>> -> memref<10240x128xbf16, #tpu.memory_space<vmem_shared>>
    tpu.enqueue_indirect_dma source(%arg11 : memref<80x128xbf16, #tpu.memory_space<vmem>>) target(%dma_start3A_632 : memref<10240x128xbf16, #tpu.memory_space<vmem_shared>>) offsets(%dma_start3A_629 : memref<80xi32, #tpu.memory_space<vmem>>) semaphore(%arg22 : memref<!tpu.dma_semaphore, #tpu.memory_space<semaphore_mem>>) {add = true}
    %dma_wait3A_633 = arith.constant 80 : i32
    %dma_wait3A_634 = tpu.memref_slice %arg7[%dma_wait3A_633] : memref<400xi32, #tpu.memory_space<vmem>> -> memref<80xi32, #tpu.memory_space<vmem>>
    %dma_wait3A_635 = arith.constant 0 : i32
    %dma_wait3A_636 = arith.constant 0 : i32
    %dma_wait3A_637 = tpu.memref_slice %arg2[%dma_wait3A_635, %dma_wait3A_636] : memref<10000x128xbf16, #tpu.memory_space<hbm>> -> memref<10000x128xbf16, #tpu.memory_space<hbm>>
    tpu.wait_indirect_dma semaphore(%arg18 : memref<!tpu.dma_semaphore, #tpu.memory_space<semaphore_mem>>) src(%dma_wait3A_637 : memref<10000x128xbf16, #tpu.memory_space<hbm>>) dst(%arg12 : memref<80x128xbf16, #tpu.memory_space<vmem>>)
    %dma_start3A_638 = arith.constant 80 : i32
    %dma_start3A_639 = tpu.memref_slice %arg9[%dma_start3A_638] : memref<400xi32, #tpu.memory_space<vmem>> -> memref<80xi32, #tpu.memory_space<vmem>>
    %dma_start3A_640 = arith.constant 0 : i32
    %dma_start3A_641 = arith.constant 0 : i32
    %dma_start3A_642 = tpu.memref_slice %arg16[%dma_start3A_640, %dma_start3A_641] : memref<10240x128xbf16, #tpu.memory_space<vmem_shared>> -> memref<10240x128xbf16, #tpu.memory_space<vmem_shared>>
    tpu.enqueue_indirect_dma source(%arg12 : memref<80x128xbf16, #tpu.memory_space<vmem>>) target(%dma_start3A_642 : memref<10240x128xbf16, #tpu.memory_space<vmem_shared>>) offsets(%dma_start3A_639 : memref<80xi32, #tpu.memory_space<vmem>>) semaphore(%arg23 : memref<!tpu.dma_semaphore, #tpu.memory_space<semaphore_mem>>) {add = true}
    %dma_wait3A_643 = arith.constant 160 : i32
    %dma_wait3A_644 = tpu.memref_slice %arg7[%dma_wait3A_643] : memref<400xi32, #tpu.memory_space<vmem>> -> memref<80xi32, #tpu.memory_space<vmem>>
    %dma_wait3A_645 = arith.constant 0 : i32
    %dma_wait3A_646 = arith.constant 0 : i32
    %dma_wait3A_647 = tpu.memref_slice %arg2[%dma_wait3A_645, %dma_wait3A_646] : memref<10000x128xbf16, #tpu.memory_space<hbm>> -> memref<10000x128xbf16, #tpu.memory_space<hbm>>
    tpu.wait_indirect_dma semaphore(%arg19 : memref<!tpu.dma_semaphore, #tpu.memory_space<semaphore_mem>>) src(%dma_wait3A_647 : memref<10000x128xbf16, #tpu.memory_space<hbm>>) dst(%arg13 : memref<80x128xbf16, #tpu.memory_space<vmem>>)
    %dma_start3A_648 = arith.constant 160 : i32
    %dma_start3A_649 = tpu.memref_slice %arg9[%dma_start3A_648] : memref<400xi32, #tpu.memory_space<vmem>> -> memref<80xi32, #tpu.memory_space<vmem>>
    %dma_start3A_650 = arith.constant 0 : i32
    %dma_start3A_651 = arith.constant 0 : i32
    %dma_start3A_652 = tpu.memref_slice %arg16[%dma_start3A_650, %dma_start3A_651] : memref<10240x128xbf16, #tpu.memory_space<vmem_shared>> -> memref<10240x128xbf16, #tpu.memory_space<vmem_shared>>
    tpu.enqueue_indirect_dma source(%arg13 : memref<80x128xbf16, #tpu.memory_space<vmem>>) target(%dma_start3A_652 : memref<10240x128xbf16, #tpu.memory_space<vmem_shared>>) offsets(%dma_start3A_649 : memref<80xi32, #tpu.memory_space<vmem>>) semaphore(%arg24 : memref<!tpu.dma_semaphore, #tpu.memory_space<semaphore_mem>>) {add = true}
    %dma_wait3A_653 = arith.constant 240 : i32
    %dma_wait3A_654 = tpu.memref_slice %arg7[%dma_wait3A_653] : memref<400xi32, #tpu.memory_space<vmem>> -> memref<80xi32, #tpu.memory_space<vmem>>
    %dma_wait3A_655 = arith.constant 0 : i32
    %dma_wait3A_656 = arith.constant 0 : i32
    %dma_wait3A_657 = tpu.memref_slice %arg2[%dma_wait3A_655, %dma_wait3A_656] : memref<10000x128xbf16, #tpu.memory_space<hbm>> -> memref<10000x128xbf16, #tpu.memory_space<hbm>>
    tpu.wait_indirect_dma semaphore(%arg20 : memref<!tpu.dma_semaphore, #tpu.memory_space<semaphore_mem>>) src(%dma_wait3A_657 : memref<10000x128xbf16, #tpu.memory_space<hbm>>) dst(%arg14 : memref<80x128xbf16, #tpu.memory_space<vmem>>)
    %dma_start3A_658 = arith.constant 240 : i32
    %dma_start3A_659 = tpu.memref_slice %arg9[%dma_start3A_658] : memref<400xi32, #tpu.memory_space<vmem>> -> memref<80xi32, #tpu.memory_space<vmem>>
    %dma_start3A_660 = arith.constant 0 : i32
    %dma_start3A_661 = arith.constant 0 : i32
    %dma_start3A_662 = tpu.memref_slice %arg16[%dma_start3A_660, %dma_start3A_661] : memref<10240x128xbf16, #tpu.memory_space<vmem_shared>> -> memref<10240x128xbf16, #tpu.memory_space<vmem_shared>>
    tpu.enqueue_indirect_dma source(%arg14 : memref<80x128xbf16, #tpu.memory_space<vmem>>) target(%dma_start3A_662 : memref<10240x128xbf16, #tpu.memory_space<vmem_shared>>) offsets(%dma_start3A_659 : memref<80xi32, #tpu.memory_space<vmem>>) semaphore(%arg25 : memref<!tpu.dma_semaphore, #tpu.memory_space<semaphore_mem>>) {add = true}
    %dma_wait3A_663 = arith.constant 320 : i32
    %dma_wait3A_664 = tpu.memref_slice %arg7[%dma_wait3A_663] : memref<400xi32, #tpu.memory_space<vmem>> -> memref<80xi32, #tpu.memory_space<vmem>>
    %dma_wait3A_665 = arith.constant 0 : i32
    %dma_wait3A_666 = arith.constant 0 : i32
    %dma_wait3A_667 = tpu.memref_slice %arg2[%dma_wait3A_665, %dma_wait3A_666] : memref<10000x128xbf16, #tpu.memory_space<hbm>> -> memref<10000x128xbf16, #tpu.memory_space<hbm>>
    tpu.wait_indirect_dma semaphore(%arg21 : memref<!tpu.dma_semaphore, #tpu.memory_space<semaphore_mem>>) src(%dma_wait3A_667 : memref<10000x128xbf16, #tpu.memory_space<hbm>>) dst(%arg15 : memref<80x128xbf16, #tpu.memory_space<vmem>>)
    %dma_start3A_668 = arith.constant 320 : i32
    %dma_start3A_669 = tpu.memref_slice %arg9[%dma_start3A_668] : memref<400xi32, #tpu.memory_space<vmem>> -> memref<80xi32, #tpu.memory_space<vmem>>
    %dma_start3A_670 = arith.constant 0 : i32
    %dma_start3A_671 = arith.constant 0 : i32
    %dma_start3A_672 = tpu.memref_slice %arg16[%dma_start3A_670, %dma_start3A_671] : memref<10240x128xbf16, #tpu.memory_space<vmem_shared>> -> memref<10240x128xbf16, #tpu.memory_space<vmem_shared>>
    tpu.enqueue_indirect_dma source(%arg15 : memref<80x128xbf16, #tpu.memory_space<vmem>>) target(%dma_start3A_672 : memref<10240x128xbf16, #tpu.memory_space<vmem_shared>>) offsets(%dma_start3A_669 : memref<80xi32, #tpu.memory_space<vmem>>) semaphore(%arg26 : memref<!tpu.dma_semaphore, #tpu.memory_space<semaphore_mem>>) {add = true}
    %dma_wait3A_673 = arith.constant 0 : i32
    %dma_wait3A_674 = tpu.memref_slice %arg3[%dma_wait3A_673, %min3A_415] : memref<2x320000xi32, #tpu.memory_space<hbm>> -> memref<1x400xi32, #tpu.memory_space<hbm>>
    %dma_wait3A_675 = tpu.memref_squeeze %dma_wait3A_674 : memref<1x400xi32, #tpu.memory_space<hbm>> -> memref<400xi32, #tpu.memory_space<hbm>>
    %dma_wait3A_676 = tpu.memref_slice %arg3[%dma_wait3A_673, %min3A_415] : memref<2x320000xi32, #tpu.memory_space<hbm>> -> memref<1x400xi32, #tpu.memory_space<hbm>>
    %dma_wait3A_677 = tpu.memref_squeeze %dma_wait3A_676 : memref<1x400xi32, #tpu.memory_space<hbm>> -> memref<400xi32, #tpu.memory_space<hbm>>
    tpu.wait_dma2 semaphore(%arg28 : memref<!tpu.dma_semaphore, #tpu.memory_space<semaphore_mem>>) src(%dma_wait3A_677 : memref<400xi32, #tpu.memory_space<hbm>>) dst(%arg8 : memref<400xi32, #tpu.memory_space<vmem>>)
    %dma_wait3A_678 = arith.constant 1 : i32
    %dma_wait3A_679 = tpu.memref_slice %arg3[%dma_wait3A_678, %min3A_415] : memref<2x320000xi32, #tpu.memory_space<hbm>> -> memref<1x400xi32, #tpu.memory_space<hbm>>
    %dma_wait3A_680 = tpu.memref_squeeze %dma_wait3A_679 : memref<1x400xi32, #tpu.memory_space<hbm>> -> memref<400xi32, #tpu.memory_space<hbm>>
    %dma_wait3A_681 = tpu.memref_slice %arg3[%dma_wait3A_678, %min3A_415] : memref<2x320000xi32, #tpu.memory_space<hbm>> -> memref<1x400xi32, #tpu.memory_space<hbm>>
    %dma_wait3A_682 = tpu.memref_squeeze %dma_wait3A_681 : memref<1x400xi32, #tpu.memory_space<hbm>> -> memref<400xi32, #tpu.memory_space<hbm>>
    tpu.wait_dma2 semaphore(%arg28 : memref<!tpu.dma_semaphore, #tpu.memory_space<semaphore_mem>>) src(%dma_wait3A_682 : memref<400xi32, #tpu.memory_space<hbm>>) dst(%arg10 : memref<400xi32, #tpu.memory_space<vmem>>)
    %dma_wait3A_683 = arith.constant 0 : i32
    %dma_wait3A_684 = arith.constant 0 : i32
    %dma_wait3A_685 = tpu.memref_slice %arg2[%dma_wait3A_683, %dma_wait3A_684] : memref<10000x128xbf16, #tpu.memory_space<hbm>> -> memref<80x128xbf16, #tpu.memory_space<hbm>>
    %dma_wait3A_686 = arith.constant 0 : i32
    %dma_wait3A_687 = arith.constant 0 : i32
    %dma_wait3A_688 = tpu.memref_slice %arg2[%dma_wait3A_686, %dma_wait3A_687] : memref<10000x128xbf16, #tpu.memory_space<hbm>> -> memref<80x128xbf16, #tpu.memory_space<hbm>>
    tpu.wait_dma2 semaphore(%arg22 : memref<!tpu.dma_semaphore, #tpu.memory_space<semaphore_mem>>) src(%dma_wait3A_688 : memref<80x128xbf16, #tpu.memory_space<hbm>>) dst(%arg11 : memref<80x128xbf16, #tpu.memory_space<vmem>>)
    %dma_wait3A_689 = arith.constant 0 : i32
    %dma_wait3A_690 = arith.constant 0 : i32
    %dma_wait3A_691 = tpu.memref_slice %arg2[%dma_wait3A_689, %dma_wait3A_690] : memref<10000x128xbf16, #tpu.memory_space<hbm>> -> memref<80x128xbf16, #tpu.memory_space<hbm>>
    %dma_wait3A_692 = arith.constant 0 : i32
    %dma_wait3A_693 = arith.constant 0 : i32
    %dma_wait3A_694 = tpu.memref_slice %arg2[%dma_wait3A_692, %dma_wait3A_693] : memref<10000x128xbf16, #tpu.memory_space<hbm>> -> memref<80x128xbf16, #tpu.memory_space<hbm>>
    tpu.wait_dma2 semaphore(%arg23 : memref<!tpu.dma_semaphore, #tpu.memory_space<semaphore_mem>>) src(%dma_wait3A_694 : memref<80x128xbf16, #tpu.memory_space<hbm>>) dst(%arg12 : memref<80x128xbf16, #tpu.memory_space<vmem>>)
    %dma_wait3A_695 = arith.constant 0 : i32
    %dma_wait3A_696 = arith.constant 0 : i32
    %dma_wait3A_697 = tpu.memref_slice %arg2[%dma_wait3A_695, %dma_wait3A_696] : memref<10000x128xbf16, #tpu.memory_space<hbm>> -> memref<80x128xbf16, #tpu.memory_space<hbm>>
    %dma_wait3A_698 = arith.constant 0 : i32
    %dma_wait3A_699 = arith.constant 0 : i32
    %dma_wait3A_700 = tpu.memref_slice %arg2[%dma_wait3A_698, %dma_wait3A_699] : memref<10000x128xbf16, #tpu.memory_space<hbm>> -> memref<80x128xbf16, #tpu.memory_space<hbm>>
    tpu.wait_dma2 semaphore(%arg24 : memref<!tpu.dma_semaphore, #tpu.memory_space<semaphore_mem>>) src(%dma_wait3A_700 : memref<80x128xbf16, #tpu.memory_space<hbm>>) dst(%arg13 : memref<80x128xbf16, #tpu.memory_space<vmem>>)
    %dma_wait3A_701 = arith.constant 0 : i32
    %dma_wait3A_702 = arith.constant 0 : i32
    %dma_wait3A_703 = tpu.memref_slice %arg2[%dma_wait3A_701, %dma_wait3A_702] : memref<10000x128xbf16, #tpu.memory_space<hbm>> -> memref<80x128xbf16, #tpu.memory_space<hbm>>
    %dma_wait3A_704 = arith.constant 0 : i32
    %dma_wait3A_705 = arith.constant 0 : i32
    %dma_wait3A_706 = tpu.memref_slice %arg2[%dma_wait3A_704, %dma_wait3A_705] : memref<10000x128xbf16, #tpu.memory_space<hbm>> -> memref<80x128xbf16, #tpu.memory_space<hbm>>
    tpu.wait_dma2 semaphore(%arg25 : memref<!tpu.dma_semaphore, #tpu.memory_space<semaphore_mem>>) src(%dma_wait3A_706 : memref<80x128xbf16, #tpu.memory_space<hbm>>) dst(%arg14 : memref<80x128xbf16, #tpu.memory_space<vmem>>)
    %dma_wait3A_707 = arith.constant 0 : i32
    %dma_wait3A_708 = arith.constant 0 : i32
    %dma_wait3A_709 = tpu.memref_slice %arg2[%dma_wait3A_707, %dma_wait3A_708] : memref<10000x128xbf16, #tpu.memory_space<hbm>> -> memref<80x128xbf16, #tpu.memory_space<hbm>>
    %dma_wait3A_710 = arith.constant 0 : i32
    %dma_wait3A_711 = arith.constant 0 : i32
    %dma_wait3A_712 = tpu.memref_slice %arg2[%dma_wait3A_710, %dma_wait3A_711] : memref<10000x128xbf16, #tpu.memory_space<hbm>> -> memref<80x128xbf16, #tpu.memory_space<hbm>>
    tpu.wait_dma2 semaphore(%arg26 : memref<!tpu.dma_semaphore, #tpu.memory_space<semaphore_mem>>) src(%dma_wait3A_712 : memref<80x128xbf16, #tpu.memory_space<hbm>>) dst(%arg15 : memref<80x128xbf16, #tpu.memory_space<vmem>>)
    %barrier3A_713 = arith.constant 0 : index
    tpu.barrier barrier_id(%barrier3A_713)
    %mul3A_714 = arith.constant 640 : i32
    %mul3A_715 = arith.muli %arg1, %mul3A_714 : i32
    %mul3A_716 = arith.constant 640 : i32
    %mul3A_717 = arith.muli %arg1, %mul3A_716 : i32
    "tpu.region"() ({
      %run_scoped3A = tpu.sem_alloc : memref<!tpu.dma_semaphore, #tpu.memory_space<semaphore_mem>>
      %dma_start3A_824 = arith.constant 0 : i32
      %dma_start3A_825 = tpu.memref_slice %arg5[%arg0, %mul3A_717, %dma_start3A_824] : memref<2x10240x128xbf16, #tpu.memory_space<hbm>> -> memref<1x640x128xbf16, #tpu.memory_space<hbm>>
      %dma_start3A_826 = tpu.memref_squeeze %dma_start3A_825 : memref<1x640x128xbf16, #tpu.memory_space<hbm>> -> memref<640x128xbf16, #tpu.memory_space<hbm>>
      %dma_start3A_827 = arith.constant 0 : i32
      %dma_start3A_828 = tpu.memref_slice %arg16[%mul3A_715, %dma_start3A_827] : memref<10240x128xbf16, #tpu.memory_space<vmem_shared>> -> memref<640x128xbf16, #tpu.memory_space<vmem_shared>>
      tpu.enqueue_dma source(%dma_start3A_828 : memref<640x128xbf16, #tpu.memory_space<vmem_shared>>) target(%dma_start3A_826 : memref<640x128xbf16, #tpu.memory_space<hbm>>) target_semaphore(%run_scoped3A : memref<!tpu.dma_semaphore, #tpu.memory_space<semaphore_mem>>)
      %dma_wait3A_829 = arith.constant 0 : i32
      %dma_wait3A_830 = tpu.memref_slice %arg5[%arg0, %mul3A_717, %dma_wait3A_829] : memref<2x10240x128xbf16, #tpu.memory_space<hbm>> -> memref<1x640x128xbf16, #tpu.memory_space<hbm>>
      %dma_wait3A_831 = tpu.memref_squeeze %dma_wait3A_830 : memref<1x640x128xbf16, #tpu.memory_space<hbm>> -> memref<640x128xbf16, #tpu.memory_space<hbm>>
      %dma_wait3A_832 = arith.constant 0 : i32
      %dma_wait3A_833 = tpu.memref_slice %arg16[%mul3A_715, %dma_wait3A_832] : memref<10240x128xbf16, #tpu.memory_space<vmem_shared>> -> memref<640x128xbf16, #tpu.memory_space<vmem_shared>>
      tpu.wait_dma2 semaphore(%run_scoped3A : memref<!tpu.dma_semaphore, #tpu.memory_space<semaphore_mem>>) src(%dma_wait3A_833 : memref<640x128xbf16, #tpu.memory_space<vmem_shared>>) dst(%dma_wait3A_831 : memref<640x128xbf16, #tpu.memory_space<hbm>>)
      tpu.yield
    }) : () -> ()
    %dma_start3A_718 = arith.constant 0 : i32
    %dma_start3A_719 = arith.constant 0 : i32
    %dma_start3A_720 = arith.constant 0 : i32
    %dma_start3A_721 = tpu.memref_slice %arg30[%dma_start3A_719, %dma_start3A_720] : memref<625x16xf32, #tpu.memory_space<vmem>> -> memref<125x16xf32, #tpu.memory_space<vmem>>
    %dma_start3A_722 = arith.constant 0 : i32
    %dma_start3A_723 = tpu.memref_slice %arg31[%dma_start3A_718, %dma_start3A_722] : memref<5x125xi32, #tpu.memory_space<vmem>> -> memref<1x125xi32, #tpu.memory_space<vmem>>
    %dma_start3A_724 = tpu.memref_squeeze %dma_start3A_723 : memref<1x125xi32, #tpu.memory_space<vmem>> -> memref<125xi32, #tpu.memory_space<vmem>>
    %dma_start3A_725 = arith.constant 0 : i32
    %dma_start3A_726 = arith.constant 0 : i32
    %dma_start3A_727 = tpu.memref_slice %arg29[%dma_start3A_725, %dma_start3A_726] : memref<640x16xf32, #tpu.memory_space<vmem_shared>> -> memref<640x16xf32, #tpu.memory_space<vmem_shared>>
    tpu.enqueue_indirect_dma source(%dma_start3A_721 : memref<125x16xf32, #tpu.memory_space<vmem>>) target(%dma_start3A_727 : memref<640x16xf32, #tpu.memory_space<vmem_shared>>) offsets(%dma_start3A_724 : memref<125xi32, #tpu.memory_space<vmem>>) semaphore(%arg27 : memref<!tpu.dma_semaphore, #tpu.memory_space<semaphore_mem>>) {add = true}
    %dma_start3A_728 = arith.constant 1 : i32
    %dma_start3A_729 = arith.constant 125 : i32
    %dma_start3A_730 = arith.constant 0 : i32
    %dma_start3A_731 = tpu.memref_slice %arg30[%dma_start3A_729, %dma_start3A_730] : memref<625x16xf32, #tpu.memory_space<vmem>> -> memref<125x16xf32, #tpu.memory_space<vmem>>
    %dma_start3A_732 = arith.constant 0 : i32
    %dma_start3A_733 = tpu.memref_slice %arg31[%dma_start3A_728, %dma_start3A_732] : memref<5x125xi32, #tpu.memory_space<vmem>> -> memref<1x125xi32, #tpu.memory_space<vmem>>
    %dma_start3A_734 = tpu.memref_squeeze %dma_start3A_733 : memref<1x125xi32, #tpu.memory_space<vmem>> -> memref<125xi32, #tpu.memory_space<vmem>>
    %dma_start3A_735 = arith.constant 0 : i32
    %dma_start3A_736 = arith.constant 0 : i32
    %dma_start3A_737 = tpu.memref_slice %arg29[%dma_start3A_735, %dma_start3A_736] : memref<640x16xf32, #tpu.memory_space<vmem_shared>> -> memref<640x16xf32, #tpu.memory_space<vmem_shared>>
    tpu.enqueue_indirect_dma source(%dma_start3A_731 : memref<125x16xf32, #tpu.memory_space<vmem>>) target(%dma_start3A_737 : memref<640x16xf32, #tpu.memory_space<vmem_shared>>) offsets(%dma_start3A_734 : memref<125xi32, #tpu.memory_space<vmem>>) semaphore(%arg27 : memref<!tpu.dma_semaphore, #tpu.memory_space<semaphore_mem>>) {add = true}
    %dma_start3A_738 = arith.constant 2 : i32
    %dma_start3A_739 = arith.constant 250 : i32
    %dma_start3A_740 = arith.constant 0 : i32
    %dma_start3A_741 = tpu.memref_slice %arg30[%dma_start3A_739, %dma_start3A_740] : memref<625x16xf32, #tpu.memory_space<vmem>> -> memref<125x16xf32, #tpu.memory_space<vmem>>
    %dma_start3A_742 = arith.constant 0 : i32
    %dma_start3A_743 = tpu.memref_slice %arg31[%dma_start3A_738, %dma_start3A_742] : memref<5x125xi32, #tpu.memory_space<vmem>> -> memref<1x125xi32, #tpu.memory_space<vmem>>
    %dma_start3A_744 = tpu.memref_squeeze %dma_start3A_743 : memref<1x125xi32, #tpu.memory_space<vmem>> -> memref<125xi32, #tpu.memory_space<vmem>>
    %dma_start3A_745 = arith.constant 0 : i32
    %dma_start3A_746 = arith.constant 0 : i32
    %dma_start3A_747 = tpu.memref_slice %arg29[%dma_start3A_745, %dma_start3A_746] : memref<640x16xf32, #tpu.memory_space<vmem_shared>> -> memref<640x16xf32, #tpu.memory_space<vmem_shared>>
    tpu.enqueue_indirect_dma source(%dma_start3A_741 : memref<125x16xf32, #tpu.memory_space<vmem>>) target(%dma_start3A_747 : memref<640x16xf32, #tpu.memory_space<vmem_shared>>) offsets(%dma_start3A_744 : memref<125xi32, #tpu.memory_space<vmem>>) semaphore(%arg27 : memref<!tpu.dma_semaphore, #tpu.memory_space<semaphore_mem>>) {add = true}
    %dma_start3A_748 = arith.constant 3 : i32
    %dma_start3A_749 = arith.constant 375 : i32
    %dma_start3A_750 = arith.constant 0 : i32
    %dma_start3A_751 = tpu.memref_slice %arg30[%dma_start3A_749, %dma_start3A_750] : memref<625x16xf32, #tpu.memory_space<vmem>> -> memref<125x16xf32, #tpu.memory_space<vmem>>
    %dma_start3A_752 = arith.constant 0 : i32
    %dma_start3A_753 = tpu.memref_slice %arg31[%dma_start3A_748, %dma_start3A_752] : memref<5x125xi32, #tpu.memory_space<vmem>> -> memref<1x125xi32, #tpu.memory_space<vmem>>
    %dma_start3A_754 = tpu.memref_squeeze %dma_start3A_753 : memref<1x125xi32, #tpu.memory_space<vmem>> -> memref<125xi32, #tpu.memory_space<vmem>>
    %dma_start3A_755 = arith.constant 0 : i32
    %dma_start3A_756 = arith.constant 0 : i32
    %dma_start3A_757 = tpu.memref_slice %arg29[%dma_start3A_755, %dma_start3A_756] : memref<640x16xf32, #tpu.memory_space<vmem_shared>> -> memref<640x16xf32, #tpu.memory_space<vmem_shared>>
    tpu.enqueue_indirect_dma source(%dma_start3A_751 : memref<125x16xf32, #tpu.memory_space<vmem>>) target(%dma_start3A_757 : memref<640x16xf32, #tpu.memory_space<vmem_shared>>) offsets(%dma_start3A_754 : memref<125xi32, #tpu.memory_space<vmem>>) semaphore(%arg27 : memref<!tpu.dma_semaphore, #tpu.memory_space<semaphore_mem>>) {add = true}
    %dma_start3A_758 = arith.constant 4 : i32
    %dma_start3A_759 = arith.constant 500 : i32
    %dma_start3A_760 = arith.constant 0 : i32
    %dma_start3A_761 = tpu.memref_slice %arg30[%dma_start3A_759, %dma_start3A_760] : memref<625x16xf32, #tpu.memory_space<vmem>> -> memref<125x16xf32, #tpu.memory_space<vmem>>
    %dma_start3A_762 = arith.constant 0 : i32
    %dma_start3A_763 = tpu.memref_slice %arg31[%dma_start3A_758, %dma_start3A_762] : memref<5x125xi32, #tpu.memory_space<vmem>> -> memref<1x125xi32, #tpu.memory_space<vmem>>
    %dma_start3A_764 = tpu.memref_squeeze %dma_start3A_763 : memref<1x125xi32, #tpu.memory_space<vmem>> -> memref<125xi32, #tpu.memory_space<vmem>>
    %dma_start3A_765 = arith.constant 0 : i32
    %dma_start3A_766 = arith.constant 0 : i32
    %dma_start3A_767 = tpu.memref_slice %arg29[%dma_start3A_765, %dma_start3A_766] : memref<640x16xf32, #tpu.memory_space<vmem_shared>> -> memref<640x16xf32, #tpu.memory_space<vmem_shared>>
    tpu.enqueue_indirect_dma source(%dma_start3A_761 : memref<125x16xf32, #tpu.memory_space<vmem>>) target(%dma_start3A_767 : memref<640x16xf32, #tpu.memory_space<vmem_shared>>) offsets(%dma_start3A_764 : memref<125xi32, #tpu.memory_space<vmem>>) semaphore(%arg27 : memref<!tpu.dma_semaphore, #tpu.memory_space<semaphore_mem>>) {add = true}
    %dma_wait3A_768 = arith.constant 0 : i32
    %dma_wait3A_769 = arith.constant 0 : i32
    %dma_wait3A_770 = arith.constant 0 : i32
    %dma_wait3A_771 = tpu.memref_slice %arg30[%dma_wait3A_769, %dma_wait3A_770] : memref<625x16xf32, #tpu.memory_space<vmem>> -> memref<125x16xf32, #tpu.memory_space<vmem>>
    %dma_wait3A_772 = arith.constant 0 : i32
    %dma_wait3A_773 = tpu.memref_slice %arg31[%dma_wait3A_768, %dma_wait3A_772] : memref<5x125xi32, #tpu.memory_space<vmem>> -> memref<1x125xi32, #tpu.memory_space<vmem>>
    %dma_wait3A_774 = tpu.memref_squeeze %dma_wait3A_773 : memref<1x125xi32, #tpu.memory_space<vmem>> -> memref<125xi32, #tpu.memory_space<vmem>>
    %dma_wait3A_775 = arith.constant 0 : i32
    %dma_wait3A_776 = arith.constant 0 : i32
    %dma_wait3A_777 = tpu.memref_slice %arg29[%dma_wait3A_775, %dma_wait3A_776] : memref<640x16xf32, #tpu.memory_space<vmem_shared>> -> memref<640x16xf32, #tpu.memory_space<vmem_shared>>
    tpu.wait_indirect_dma semaphore(%arg27 : memref<!tpu.dma_semaphore, #tpu.memory_space<semaphore_mem>>) src(%dma_wait3A_771 : memref<125x16xf32, #tpu.memory_space<vmem>>) dst(%dma_wait3A_777 : memref<640x16xf32, #tpu.memory_space<vmem_shared>>)
    %dma_wait3A_778 = arith.constant 1 : i32
    %dma_wait3A_779 = arith.constant 125 : i32
    %dma_wait3A_780 = arith.constant 0 : i32
    %dma_wait3A_781 = tpu.memref_slice %arg30[%dma_wait3A_779, %dma_wait3A_780] : memref<625x16xf32, #tpu.memory_space<vmem>> -> memref<125x16xf32, #tpu.memory_space<vmem>>
    %dma_wait3A_782 = arith.constant 0 : i32
    %dma_wait3A_783 = tpu.memref_slice %arg31[%dma_wait3A_778, %dma_wait3A_782] : memref<5x125xi32, #tpu.memory_space<vmem>> -> memref<1x125xi32, #tpu.memory_space<vmem>>
    %dma_wait3A_784 = tpu.memref_squeeze %dma_wait3A_783 : memref<1x125xi32, #tpu.memory_space<vmem>> -> memref<125xi32, #tpu.memory_space<vmem>>
    %dma_wait3A_785 = arith.constant 0 : i32
    %dma_wait3A_786 = arith.constant 0 : i32
    %dma_wait3A_787 = tpu.memref_slice %arg29[%dma_wait3A_785, %dma_wait3A_786] : memref<640x16xf32, #tpu.memory_space<vmem_shared>> -> memref<640x16xf32, #tpu.memory_space<vmem_shared>>
    tpu.wait_indirect_dma semaphore(%arg27 : memref<!tpu.dma_semaphore, #tpu.memory_space<semaphore_mem>>) src(%dma_wait3A_781 : memref<125x16xf32, #tpu.memory_space<vmem>>) dst(%dma_wait3A_787 : memref<640x16xf32, #tpu.memory_space<vmem_shared>>)
    %dma_wait3A_788 = arith.constant 2 : i32
    %dma_wait3A_789 = arith.constant 250 : i32
    %dma_wait3A_790 = arith.constant 0 : i32
    %dma_wait3A_791 = tpu.memref_slice %arg30[%dma_wait3A_789, %dma_wait3A_790] : memref<625x16xf32, #tpu.memory_space<vmem>> -> memref<125x16xf32, #tpu.memory_space<vmem>>
    %dma_wait3A_792 = arith.constant 0 : i32
    %dma_wait3A_793 = tpu.memref_slice %arg31[%dma_wait3A_788, %dma_wait3A_792] : memref<5x125xi32, #tpu.memory_space<vmem>> -> memref<1x125xi32, #tpu.memory_space<vmem>>
    %dma_wait3A_794 = tpu.memref_squeeze %dma_wait3A_793 : memref<1x125xi32, #tpu.memory_space<vmem>> -> memref<125xi32, #tpu.memory_space<vmem>>
    %dma_wait3A_795 = arith.constant 0 : i32
    %dma_wait3A_796 = arith.constant 0 : i32
    %dma_wait3A_797 = tpu.memref_slice %arg29[%dma_wait3A_795, %dma_wait3A_796] : memref<640x16xf32, #tpu.memory_space<vmem_shared>> -> memref<640x16xf32, #tpu.memory_space<vmem_shared>>
    tpu.wait_indirect_dma semaphore(%arg27 : memref<!tpu.dma_semaphore, #tpu.memory_space<semaphore_mem>>) src(%dma_wait3A_791 : memref<125x16xf32, #tpu.memory_space<vmem>>) dst(%dma_wait3A_797 : memref<640x16xf32, #tpu.memory_space<vmem_shared>>)
    %dma_wait3A_798 = arith.constant 3 : i32
    %dma_wait3A_799 = arith.constant 375 : i32
    %dma_wait3A_800 = arith.constant 0 : i32
    %dma_wait3A_801 = tpu.memref_slice %arg30[%dma_wait3A_799, %dma_wait3A_800] : memref<625x16xf32, #tpu.memory_space<vmem>> -> memref<125x16xf32, #tpu.memory_space<vmem>>
    %dma_wait3A_802 = arith.constant 0 : i32
    %dma_wait3A_803 = tpu.memref_slice %arg31[%dma_wait3A_798, %dma_wait3A_802] : memref<5x125xi32, #tpu.memory_space<vmem>> -> memref<1x125xi32, #tpu.memory_space<vmem>>
    %dma_wait3A_804 = tpu.memref_squeeze %dma_wait3A_803 : memref<1x125xi32, #tpu.memory_space<vmem>> -> memref<125xi32, #tpu.memory_space<vmem>>
    %dma_wait3A_805 = arith.constant 0 : i32
    %dma_wait3A_806 = arith.constant 0 : i32
    %dma_wait3A_807 = tpu.memref_slice %arg29[%dma_wait3A_805, %dma_wait3A_806] : memref<640x16xf32, #tpu.memory_space<vmem_shared>> -> memref<640x16xf32, #tpu.memory_space<vmem_shared>>
    tpu.wait_indirect_dma semaphore(%arg27 : memref<!tpu.dma_semaphore, #tpu.memory_space<semaphore_mem>>) src(%dma_wait3A_801 : memref<125x16xf32, #tpu.memory_space<vmem>>) dst(%dma_wait3A_807 : memref<640x16xf32, #tpu.memory_space<vmem_shared>>)
    %dma_wait3A_808 = arith.constant 4 : i32
    %dma_wait3A_809 = arith.constant 500 : i32
    %dma_wait3A_810 = arith.constant 0 : i32
    %dma_wait3A_811 = tpu.memref_slice %arg30[%dma_wait3A_809, %dma_wait3A_810] : memref<625x16xf32, #tpu.memory_space<vmem>> -> memref<125x16xf32, #tpu.memory_space<vmem>>
    %dma_wait3A_812 = arith.constant 0 : i32
    %dma_wait3A_813 = tpu.memref_slice %arg31[%dma_wait3A_808, %dma_wait3A_812] : memref<5x125xi32, #tpu.memory_space<vmem>> -> memref<1x125xi32, #tpu.memory_space<vmem>>
    %dma_wait3A_814 = tpu.memref_squeeze %dma_wait3A_813 : memref<1x125xi32, #tpu.memory_space<vmem>> -> memref<125xi32, #tpu.memory_space<vmem>>
    %dma_wait3A_815 = arith.constant 0 : i32
    %dma_wait3A_816 = arith.constant 0 : i32
    %dma_wait3A_817 = tpu.memref_slice %arg29[%dma_wait3A_815, %dma_wait3A_816] : memref<640x16xf32, #tpu.memory_space<vmem_shared>> -> memref<640x16xf32, #tpu.memory_space<vmem_shared>>
    tpu.wait_indirect_dma semaphore(%arg27 : memref<!tpu.dma_semaphore, #tpu.memory_space<semaphore_mem>>) src(%dma_wait3A_811 : memref<125x16xf32, #tpu.memory_space<vmem>>) dst(%dma_wait3A_817 : memref<640x16xf32, #tpu.memory_space<vmem_shared>>)
    %barrier3A_818 = arith.constant 0 : index
    tpu.barrier barrier_id(%barrier3A_818)
    %eq3A_819 = arith.constant 0 : i32
    %eq3A_820 = arith.cmpi eq, %arg1, %eq3A_819 : i32
    %convert_element_type3A_821 = arith.extui %eq3A_820 : i1 to i32
    %cond3A_822 = arith.constant 0 : i32
    %cond3A_823 = arith.cmpi ne, %convert_element_type3A_821, %cond3A_822 : i32
    scf.if %cond3A_823 {
      "tpu.region"() ({
        %run_scoped3A = tpu.sem_alloc : memref<!tpu.dma_semaphore, #tpu.memory_space<semaphore_mem>>
        %dma_start3A_824 = arith.constant 0 : i32
        %dma_start3A_825 = arith.constant 0 : i32
        %dma_start3A_826 = tpu.memref_slice %arg6[%arg0, %dma_start3A_824, %dma_start3A_825] : memref<2x640x16xf32, #tpu.memory_space<hbm>> -> memref<1x640x16xf32, #tpu.memory_space<hbm>>
        %dma_start3A_827 = tpu.memref_squeeze %dma_start3A_826 : memref<1x640x16xf32, #tpu.memory_space<hbm>> -> memref<640x16xf32, #tpu.memory_space<hbm>>
        tpu.enqueue_dma source(%arg29 : memref<640x16xf32, #tpu.memory_space<vmem_shared>>) target(%dma_start3A_827 : memref<640x16xf32, #tpu.memory_space<hbm>>) target_semaphore(%run_scoped3A : memref<!tpu.dma_semaphore, #tpu.memory_space<semaphore_mem>>)
        %dma_wait3A_828 = arith.constant 0 : i32
        %dma_wait3A_829 = arith.constant 0 : i32
        %dma_wait3A_830 = tpu.memref_slice %arg6[%arg0, %dma_wait3A_828, %dma_wait3A_829] : memref<2x640x16xf32, #tpu.memory_space<hbm>> -> memref<1x640x16xf32, #tpu.memory_space<hbm>>
        %dma_wait3A_831 = tpu.memref_squeeze %dma_wait3A_830 : memref<1x640x16xf32, #tpu.memory_space<hbm>> -> memref<640x16xf32, #tpu.memory_space<hbm>>
        tpu.wait_dma2 semaphore(%run_scoped3A : memref<!tpu.dma_semaphore, #tpu.memory_space<semaphore_mem>>) src(%arg29 : memref<640x16xf32, #tpu.memory_space<vmem_shared>>) dst(%dma_wait3A_831 : memref<640x16xf32, #tpu.memory_space<hbm>>)
        tpu.yield
      }) : () -> ()
    } else {
    }
    return
  }
}

module attributes {stable_mosaic.version = 14 : i64} {
  func.func @_mm_body(%arg0: i32, %arg1: memref<1024x128xf32, #tpu.memory_space<vmem>>, %arg2: memref<128x128xf32, #tpu.memory_space<vmem>>, %arg3: memref<1024x128xbf16, #tpu.memory_space<vmem>>) attributes {dimension_semantics = [#tpu.dimension_semantics<arbitrary>], iteration_bounds = array<i64: 10>, scalar_prefetch = 0 : i64, scratch_operands = 0 : i64, tpu.core_type = #tpu.core_type<tc>, window_params = [{transform_indices = @transform_0, window_bounds = array<i64: 1024, 128>}, {pipeline_mode = #tpu.pipeline_mode<synchronous>, transform_indices = @transform_1, window_bounds = array<i64: 128, 128>}, {transform_indices = @transform_2, window_bounds = array<i64: 1024, 128>}]} {
    %get3A = arith.constant 0 : index
    %get3A_0 = arith.constant 0 : index
    %get3A_1 = vector.load %arg1[%get3A, %get3A_0] : memref<1024x128xf32, #tpu.memory_space<vmem>>, vector<1024x128xf32>
    %get3A_2 = arith.constant 0 : index
    %get3A_3 = arith.constant 0 : index
    %get3A_4 = vector.load %arg2[%get3A_2, %get3A_3] : memref<128x128xf32, #tpu.memory_space<vmem>>, vector<128x128xf32>
    %dot_general3A = arith.constant dense<0.000000e+00> : vector<1024x128xf32>
    %dot_general3A_5 = tpu.matmul %get3A_1, %get3A_4, %dot_general3A {dimension_numbers = #tpu.dot_dimension_numbers<[1], [0], [0], [1], [0, 0, 1, 1], [], []>, transpose_lhs_hint = false} : vector<1024x128xf32>, vector<128x128xf32>, vector<1024x128xf32> -> vector<1024x128xf32>
    %convert_element_type3A = arith.truncf %dot_general3A_5 : vector<1024x128xf32> to vector<1024x128xbf16>
    %swap3A = arith.constant 0 : index
    %swap3A_6 = arith.constant 0 : index
    %swap3A_7 = vector.load %arg3[%swap3A, %swap3A_6] : memref<1024x128xbf16, #tpu.memory_space<vmem>>, vector<1024x128xbf16>
    tpu.vector_store %arg3[%swap3A, %swap3A_6], %convert_element_type3A {strides = array<i32>} : memref<1024x128xbf16, #tpu.memory_space<vmem>>, vector<1024x128xbf16>,
    return
  }
  func.func @transform_0(%arg0: i32) -> (i32, i32) {
    %c0_i32 = arith.constant 0 : i32
    %c0_i32_0 = arith.constant 0 : i32
    return %arg0, %c0_i32 : i32, i32
  }
  func.func @transform_1(%arg0: i32) -> (i32, i32) {
    %c0_i32 = arith.constant 0 : i32
    %c0_i32_0 = arith.constant 0 : i32
    %c0_i32_1 = arith.constant 0 : i32
    return %c0_i32, %c0_i32_0 : i32, i32
  }
  func.func @transform_2(%arg0: i32) -> (i32, i32) {
    %c0_i32 = arith.constant 0 : i32
    %c0_i32_0 = arith.constant 0 : i32
    return %arg0, %c0_i32 : i32, i32
  }
}

module attributes {stable_mosaic.version = 14 : i64} {
  func.func @_tc2_body(%arg0: i32, %arg1: memref<1024x128xf32, #tpu.memory_space<vmem>>, %arg2: memref<128x128xf32, #tpu.memory_space<vmem>>, %arg3: memref<1x128xf32, #tpu.memory_space<vmem>>, %arg4: memref<2x1024x128xbf16, #tpu.memory_space<vmem>>, %arg5: memref<2x1024xf32, #tpu.memory_space<vmem>>, %arg6: memref<128x64xf32, #tpu.memory_space<vmem>>, %arg7: memref<1024x128xbf16, #tpu.memory_space<vmem>>, %arg8: memref<1024x64xbf16, #tpu.memory_space<vmem>>) attributes {dimension_semantics = [#tpu.dimension_semantics<arbitrary>], iteration_bounds = array<i64: 10>, scalar_prefetch = 0 : i64, scratch_operands = 0 : i64, tpu.core_type = #tpu.core_type<tc>, window_params = [{transform_indices = @transform_0, window_bounds = array<i64: 1024, 128>}, {pipeline_mode = #tpu.pipeline_mode<synchronous>, transform_indices = @transform_1, window_bounds = array<i64: 128, 128>}, {pipeline_mode = #tpu.pipeline_mode<synchronous>, transform_indices = @transform_2, window_bounds = array<i64: 1, 128>}, {transform_indices = @transform_3, window_bounds = array<i64: 2, 1024, 128>}, {transform_indices = @transform_4, window_bounds = array<i64: 2, 1024>}, {pipeline_mode = #tpu.pipeline_mode<synchronous>, transform_indices = @transform_5, window_bounds = array<i64: 128, 64>}, {transform_indices = @transform_6, window_bounds = array<i64: 1024, 128>}, {transform_indices = @transform_7, window_bounds = array<i64: 1024, 64>}]} {
    %get3A = arith.constant 0 : index
    %get3A_0 = arith.constant 0 : index
    %get3A_1 = arith.constant 0 : index
    %get3A_2 = vector.load %arg4[%get3A, %get3A_0, %get3A_1] : memref<2x1024x128xbf16, #tpu.memory_space<vmem>>, vector<1x1024x128xbf16>
    %get3A_3 = vector.shape_cast %get3A_2 : vector<1x1024x128xbf16> to vector<1024x128xbf16>
    %convert_element_type3A = arith.extf %get3A_3 : vector<1024x128xbf16> to vector<1024x128xf32>
    %get3A_4 = arith.constant 1 : index
    %get3A_5 = arith.constant 0 : index
    %get3A_6 = arith.constant 0 : index
    %get3A_7 = vector.load %arg4[%get3A_4, %get3A_5, %get3A_6] : memref<2x1024x128xbf16, #tpu.memory_space<vmem>>, vector<1x1024x128xbf16>
    %get3A_8 = vector.shape_cast %get3A_7 : vector<1x1024x128xbf16> to vector<1024x128xbf16>
    %convert_element_type3A_9 = arith.extf %get3A_8 : vector<1024x128xbf16> to vector<1024x128xf32>
    %add3A = arith.addf %convert_element_type3A, %convert_element_type3A_9 : vector<1024x128xf32>
    %get3A_10 = arith.constant 0 : index
    %get3A_11 = arith.constant 0 : index
    %get3A_12 = vector.load %arg5[%get3A_10, %get3A_11] : memref<2x1024xf32, #tpu.memory_space<vmem>>, vector<1x1024xf32>
    %get3A_13 = vector.shape_cast %get3A_12 : vector<1x1024xf32> to vector<1024xf32>
    %get3A_14 = arith.constant 1 : index
    %get3A_15 = arith.constant 0 : index
    %get3A_16 = vector.load %arg5[%get3A_14, %get3A_15] : memref<2x1024xf32, #tpu.memory_space<vmem>>, vector<1x1024xf32>
    %get3A_17 = vector.shape_cast %get3A_16 : vector<1x1024xf32> to vector<1024xf32>
    %add3A_18 = arith.addf %get3A_13, %get3A_17 : vector<1024xf32>
    %max3A = arith.constant 1.000000e+00 : f32
    %max3A_19 = vector.broadcast %max3A : f32 to vector<1024xf32>
    %max3A_20 = arith.maximumf %add3A_18, %max3A_19 : vector<1024xf32>
    %div3A = arith.constant 1.000000e+00 : f32
    %div3A_21 = vector.broadcast %div3A : f32 to vector<1024xf32>
    %div3A_22 = arith.divf %div3A_21, %max3A_20 : vector<1024xf32>
    %get3A_23 = arith.constant 0 : index
    %get3A_24 = arith.constant 0 : index
    %get3A_25 = vector.load %arg1[%get3A_23, %get3A_24] : memref<1024x128xf32, #tpu.memory_space<vmem>>, vector<1024x128xf32>
    %get3A_26 = arith.constant 0 : index
    %get3A_27 = arith.constant 0 : index
    %get3A_28 = vector.load %arg2[%get3A_26, %get3A_27] : memref<128x128xf32, #tpu.memory_space<vmem>>, vector<128x128xf32>
    %dot_general3A = arith.constant dense<0.000000e+00> : vector<1024x128xf32>
    %dot_general3A_29 = tpu.matmul %get3A_25, %get3A_28, %dot_general3A {dimension_numbers = #tpu.dot_dimension_numbers<[1], [0], [0], [1], [0, 0, 1, 1], [], []>, transpose_lhs_hint = false} : vector<1024x128xf32>, vector<128x128xf32>, vector<1024x128xf32> -> vector<1024x128xf32>
    %broadcast_in_dim3A = vector.shape_cast %div3A_22 : vector<1024xf32> to vector<1024x1xf32>
    %mul3A = vector.broadcast %broadcast_in_dim3A : vector<1024x1xf32> to vector<1024x128xf32>
    %mul3A_30 = arith.mulf %add3A, %mul3A : vector<1024x128xf32>
    %add3A_31 = arith.addf %dot_general3A_29, %mul3A_30 : vector<1024x128xf32>
    %get3A_32 = arith.constant 0 : index
    %get3A_33 = arith.constant 0 : index
    %get3A_34 = vector.load %arg3[%get3A_32, %get3A_33] : memref<1x128xf32, #tpu.memory_space<vmem>>, vector<1x128xf32>
    %add3A_35 = vector.broadcast %get3A_34 : vector<1x128xf32> to vector<1024x128xf32>
    %add3A_36 = arith.addf %add3A_31, %add3A_35 : vector<1024x128xf32>
    %convert_element_type3A_37 = arith.truncf %add3A_36 : vector<1024x128xf32> to vector<1024x128xbf16>
    %swap3A = arith.constant 0 : index
    %swap3A_38 = arith.constant 0 : index
    %swap3A_39 = vector.load %arg7[%swap3A, %swap3A_38] : memref<1024x128xbf16, #tpu.memory_space<vmem>>, vector<1024x128xbf16>
    tpu.vector_store %arg7[%swap3A, %swap3A_38], %convert_element_type3A_37 {strides = array<i32>} : memref<1024x128xbf16, #tpu.memory_space<vmem>>, vector<1024x128xbf16>,
    %get3A_40 = arith.constant 0 : index
    %get3A_41 = arith.constant 0 : index
    %get3A_42 = vector.load %arg6[%get3A_40, %get3A_41] : memref<128x64xf32, #tpu.memory_space<vmem>>, vector<128x64xf32>
    %dot_general3A_43 = arith.constant dense<0.000000e+00> : vector<1024x64xf32>
    %dot_general3A_44 = tpu.matmul %add3A_36, %get3A_42, %dot_general3A_43 {dimension_numbers = #tpu.dot_dimension_numbers<[1], [0], [0], [1], [0, 0, 1, 1], [], []>, transpose_lhs_hint = false} : vector<1024x128xf32>, vector<128x64xf32>, vector<1024x64xf32> -> vector<1024x64xf32>
    %convert_element_type3A_45 = arith.truncf %dot_general3A_44 : vector<1024x64xf32> to vector<1024x64xbf16>
    %swap3A_46 = arith.constant 0 : index
    %swap3A_47 = arith.constant 0 : index
    %swap3A_48 = vector.load %arg8[%swap3A_46, %swap3A_47] : memref<1024x64xbf16, #tpu.memory_space<vmem>>, vector<1024x64xbf16>
    tpu.vector_store %arg8[%swap3A_46, %swap3A_47], %convert_element_type3A_45 {strides = array<i32>} : memref<1024x64xbf16, #tpu.memory_space<vmem>>, vector<1024x64xbf16>,
    return
  }
  func.func @transform_0(%arg0: i32) -> (i32, i32) {
    %c0_i32 = arith.constant 0 : i32
    %c0_i32_0 = arith.constant 0 : i32
    return %arg0, %c0_i32 : i32, i32
  }
  func.func @transform_1(%arg0: i32) -> (i32, i32) {
    %c0_i32 = arith.constant 0 : i32
    %c0_i32_0 = arith.constant 0 : i32
    %c0_i32_1 = arith.constant 0 : i32
    return %c0_i32, %c0_i32_0 : i32, i32
  }
  func.func @transform_2(%arg0: i32) -> (i32, i32) {
    %c0_i32 = arith.constant 0 : i32
    %c0_i32_0 = arith.constant 0 : i32
    %c0_i32_1 = arith.constant 0 : i32
    return %c0_i32, %c0_i32_0 : i32, i32
  }
  func.func @transform_3(%arg0: i32) -> (i32, i32, i32) {
    %c0_i32 = arith.constant 0 : i32
    %c0_i32_0 = arith.constant 0 : i32
    %c0_i32_1 = arith.constant 0 : i32
    return %c0_i32, %arg0, %c0_i32_0 : i32, i32, i32
  }
  func.func @transform_4(%arg0: i32) -> (i32, i32) {
    %c0_i32 = arith.constant 0 : i32
    %c0_i32_0 = arith.constant 0 : i32
    return %c0_i32, %arg0 : i32, i32
  }
  func.func @transform_5(%arg0: i32) -> (i32, i32) {
    %c0_i32 = arith.constant 0 : i32
    %c0_i32_0 = arith.constant 0 : i32
    %c0_i32_1 = arith.constant 0 : i32
    return %c0_i32, %c0_i32_0 : i32, i32
  }
  func.func @transform_6(%arg0: i32) -> (i32, i32) {
    %c0_i32 = arith.constant 0 : i32
    %c0_i32_0 = arith.constant 0 : i32
    return %arg0, %c0_i32 : i32, i32
  }
  func.func @transform_7(%arg0: i32) -> (i32, i32) {
    %c0_i32 = arith.constant 0 : i32
    %c0_i32_0 = arith.constant 0 : i32
    return %arg0, %c0_i32 : i32, i32
  }
}

module attributes {stable_mosaic.version = 14 : i64} {
  func.func @_tc3_body(%arg0: i32, %arg1: memref<1024x128xbf16, #tpu.memory_space<vmem>>, %arg2: memref<128x64xf32, #tpu.memory_space<vmem>>, %arg3: memref<1x64xf32, #tpu.memory_space<vmem>>, %arg4: memref<2x1024x64xbf16, #tpu.memory_space<vmem>>, %arg5: memref<2x1024xf32, #tpu.memory_space<vmem>>, %arg6: memref<1024x64xf32, #tpu.memory_space<vmem>>) attributes {dimension_semantics = [#tpu.dimension_semantics<arbitrary>], iteration_bounds = array<i64: 10>, scalar_prefetch = 0 : i64, scratch_operands = 0 : i64, tpu.core_type = #tpu.core_type<tc>, window_params = [{transform_indices = @transform_0, window_bounds = array<i64: 1024, 128>}, {pipeline_mode = #tpu.pipeline_mode<synchronous>, transform_indices = @transform_1, window_bounds = array<i64: 128, 64>}, {pipeline_mode = #tpu.pipeline_mode<synchronous>, transform_indices = @transform_2, window_bounds = array<i64: 1, 64>}, {transform_indices = @transform_3, window_bounds = array<i64: 2, 1024, 64>}, {transform_indices = @transform_4, window_bounds = array<i64: 2, 1024>}, {transform_indices = @transform_5, window_bounds = array<i64: 1024, 64>}]} {
    %get3A = arith.constant 0 : index
    %get3A_0 = arith.constant 0 : index
    %get3A_1 = arith.constant 0 : index
    %get3A_2 = vector.load %arg4[%get3A, %get3A_0, %get3A_1] : memref<2x1024x64xbf16, #tpu.memory_space<vmem>>, vector<1x1024x64xbf16>
    %get3A_3 = vector.shape_cast %get3A_2 : vector<1x1024x64xbf16> to vector<1024x64xbf16>
    %convert_element_type3A = arith.extf %get3A_3 : vector<1024x64xbf16> to vector<1024x64xf32>
    %get3A_4 = arith.constant 1 : index
    %get3A_5 = arith.constant 0 : index
    %get3A_6 = arith.constant 0 : index
    %get3A_7 = vector.load %arg4[%get3A_4, %get3A_5, %get3A_6] : memref<2x1024x64xbf16, #tpu.memory_space<vmem>>, vector<1x1024x64xbf16>
    %get3A_8 = vector.shape_cast %get3A_7 : vector<1x1024x64xbf16> to vector<1024x64xbf16>
    %convert_element_type3A_9 = arith.extf %get3A_8 : vector<1024x64xbf16> to vector<1024x64xf32>
    %add3A = arith.addf %convert_element_type3A, %convert_element_type3A_9 : vector<1024x64xf32>
    %get3A_10 = arith.constant 0 : index
    %get3A_11 = arith.constant 0 : index
    %get3A_12 = vector.load %arg5[%get3A_10, %get3A_11] : memref<2x1024xf32, #tpu.memory_space<vmem>>, vector<1x1024xf32>
    %get3A_13 = vector.shape_cast %get3A_12 : vector<1x1024xf32> to vector<1024xf32>
    %get3A_14 = arith.constant 1 : index
    %get3A_15 = arith.constant 0 : index
    %get3A_16 = vector.load %arg5[%get3A_14, %get3A_15] : memref<2x1024xf32, #tpu.memory_space<vmem>>, vector<1x1024xf32>
    %get3A_17 = vector.shape_cast %get3A_16 : vector<1x1024xf32> to vector<1024xf32>
    %add3A_18 = arith.addf %get3A_13, %get3A_17 : vector<1024xf32>
    %max3A = arith.constant 1.000000e+00 : f32
    %max3A_19 = vector.broadcast %max3A : f32 to vector<1024xf32>
    %max3A_20 = arith.maximumf %add3A_18, %max3A_19 : vector<1024xf32>
    %div3A = arith.constant 1.000000e+00 : f32
    %div3A_21 = vector.broadcast %div3A : f32 to vector<1024xf32>
    %div3A_22 = arith.divf %div3A_21, %max3A_20 : vector<1024xf32>
    %get3A_23 = arith.constant 0 : index
    %get3A_24 = arith.constant 0 : index
    %get3A_25 = vector.load %arg1[%get3A_23, %get3A_24] : memref<1024x128xbf16, #tpu.memory_space<vmem>>, vector<1024x128xbf16>
    %get3A_26 = arith.constant 0 : index
    %get3A_27 = arith.constant 0 : index
    %get3A_28 = vector.load %arg2[%get3A_26, %get3A_27] : memref<128x64xf32, #tpu.memory_space<vmem>>, vector<128x64xf32>
    %dot_general3A = arith.constant dense<0.000000e+00> : vector<1024x64xf32>
    %dot_general3A_29 = tpu.matmul %get3A_25, %get3A_28, %dot_general3A {dimension_numbers = #tpu.dot_dimension_numbers<[1], [0], [0], [1], [0, 0, 1, 1], [], []>, transpose_lhs_hint = false} : vector<1024x128xbf16>, vector<128x64xf32>, vector<1024x64xf32> -> vector<1024x64xf32>
    %broadcast_in_dim3A = vector.shape_cast %div3A_22 : vector<1024xf32> to vector<1024x1xf32>
    %mul3A = vector.broadcast %broadcast_in_dim3A : vector<1024x1xf32> to vector<1024x64xf32>
    %mul3A_30 = arith.mulf %add3A, %mul3A : vector<1024x64xf32>
    %add3A_31 = arith.addf %dot_general3A_29, %mul3A_30 : vector<1024x64xf32>
    %get3A_32 = arith.constant 0 : index
    %get3A_33 = arith.constant 0 : index
    %get3A_34 = vector.load %arg3[%get3A_32, %get3A_33] : memref<1x64xf32, #tpu.memory_space<vmem>>, vector<1x64xf32>
    %add3A_35 = vector.broadcast %get3A_34 : vector<1x64xf32> to vector<1024x64xf32>
    %add3A_36 = arith.addf %add3A_31, %add3A_35 : vector<1024x64xf32>
    %swap3A = arith.constant 0 : index
    %swap3A_37 = arith.constant 0 : index
    %swap3A_38 = vector.load %arg6[%swap3A, %swap3A_37] : memref<1024x64xf32, #tpu.memory_space<vmem>>, vector<1024x64xf32>
    tpu.vector_store %arg6[%swap3A, %swap3A_37], %add3A_36 {strides = array<i32>} : memref<1024x64xf32, #tpu.memory_space<vmem>>, vector<1024x64xf32>,
    return
  }
  func.func @transform_0(%arg0: i32) -> (i32, i32) {
    %c0_i32 = arith.constant 0 : i32
    %c0_i32_0 = arith.constant 0 : i32
    return %arg0, %c0_i32 : i32, i32
  }
  func.func @transform_1(%arg0: i32) -> (i32, i32) {
    %c0_i32 = arith.constant 0 : i32
    %c0_i32_0 = arith.constant 0 : i32
    %c0_i32_1 = arith.constant 0 : i32
    return %c0_i32, %c0_i32_0 : i32, i32
  }
  func.func @transform_2(%arg0: i32) -> (i32, i32) {
    %c0_i32 = arith.constant 0 : i32
    %c0_i32_0 = arith.constant 0 : i32
    %c0_i32_1 = arith.constant 0 : i32
    return %c0_i32, %c0_i32_0 : i32, i32
  }
  func.func @transform_3(%arg0: i32) -> (i32, i32, i32) {
    %c0_i32 = arith.constant 0 : i32
    %c0_i32_0 = arith.constant 0 : i32
    %c0_i32_1 = arith.constant 0 : i32
    return %c0_i32, %arg0, %c0_i32_0 : i32, i32, i32
  }
  func.func @transform_4(%arg0: i32) -> (i32, i32) {
    %c0_i32 = arith.constant 0 : i32
    %c0_i32_0 = arith.constant 0 : i32
    return %c0_i32, %arg0 : i32, i32
  }
  func.func @transform_5(%arg0: i32) -> (i32, i32) {
    %c0_i32 = arith.constant 0 : i32
    %c0_i32_0 = arith.constant 0 : i32
    return %arg0, %c0_i32 : i32, i32
  }
}

</mosaic_0001>

<sc_bundles>
// kernel: sage_sc_agg128.3.cloned.1.call-start
scs
__scs_entry_jumppad:
0x0: {  	(pc) =	sbr.rel $0x88, $3  }
0x1: {  	(tag) =	ssettag $0x0;
	lr =	simm.s32 $0x1  }
0x2: {  	[smem:$0x3F99] =	sst lr;
	_ =	strace $0xD0000000  }
0x3: {  	_ = 	snop  }
0x4: {  	_ = 	snop  }
0x5: {  	_ = 	snop  }
0x6: {  	_ = 	snop  }
0x7: {  	_ = 	snop  }
__scs_overlays_trampoline_lowered:
0x8: {  	[smem:$0x3FA8] =	sst s0  }
0x9: {  	[smem:$0x3FA9] =	sst s1  }
0xa: {  	[smem:$0x3FAA] =	sst s2  }
0xb: {  	[smem:$0x3FAB] =	sst s3  }
0xc: {  	[smem:$0x3FAC] =	sst s4  }
0xd: {  	[smem:$0x3FAD] =	sst s5  }
0xe: {  	[smem:$0x3FAE] =	sst s6  }
0xf: {  	[smem:$0x3FAF] =	sst s7  }
0x10: {  	[smem:$0x3FB0] =	sst s8  }
0x11: {  	[smem:$0x3FB1] =	sst s9;
	s0 =	simm.s32 @!p0 $0x0  }
0x12: {  	s1 =	sld [smem:$0x3F97];
	s0 =	simm.s32 @p0 $0x1  }
0x13: {  	[smem:$0x3FB2] =	sst s0;
	s0 =	simm.s32 @!p1 $0x0  }
0x14: {  	s2 =	sld [smem:$0x3F96];
	s0 =	simm.s32 @p1 $0x1  }
0x15: {  	[smem:$0x3FB3] =	sst s0;
	s0 =	simm.s32 @!p2 $0x0  }
0x16: {  	s3 =	sld [smem:$0x3FDB];
	s0 =	simm.s32 @p2 $0x1  }
0x17: {  	s4 =	simm.s32 $0x1BF5;
	[smem:$0x3FB5] =	sst s0  }
0x18: {  	s0 =	sld [smem:$0x3F98];
	_ =	swait.ge [sflag:s4], $0x0  }
0x19: {  	s7 =	sld [smem:$0x3F99]  }
0x1a: {  	s8 =	sadd.s32 $0xFFFFE003, lr  }
0x1b: {  	s9 =	sadd.s32 $0xFFFFFEF7, lr;
	s5 =	simm.s32 $0xFFFFFFFF;
	p2 =	slt.u32 s8, $0xFFFFF086  }
0x1c: {  	p1 =	slt.u32 s9, $0xF7A;
	s5 =	simm.s32 @!p2 $0x0  }
0x1d: {  	s5 =	simm.s32 @p1 $0x1;
	p0 =	seq.s32 s7, s2  }
0x1e: {  	s7 =	smul.u32 @!p0 $0xF7A, s2;
	p2 =	seq.s32 @!p0 s5, $0x0  }
0x1f: {  	s9 =	smul.u32 $0xF7A, s1;
	s8 =	simm.s32 @!p0 $0x1BF5;
	p2 =	por !p2, p0  }
0x20: {  	[sflag:s8] =	ssyncset.s32 @!p0 $0xFFFFF086;
	s6 =	sadd.s32 @!p0 s3, s7;
	s7 =	simm.s32 @!p0 $0x108  }
0x21: {  	s3 =	sadd.s32 s3, s9;
	s6 =	sadd.s32 @!p0 $0x88, s6;
	s7 =	simm.s32 @p2 $0x1082  }
0x22: {  	[simem:s7], [sflag:s8] =	dma.local @!p0 [hbm:s6], $0xF7A  }
0x23: {  	s9 =	sor.u32 $0xD0000000, s2;
	s6 =	simm.s32 $0x108;
	_ =	swait.ge @!p0 [sflag:s8], $0x0  }
0x24: {  	s3 =	sadd.s32 $0x88, s3;
	s6 =	simm.s32 @!p1 $0x1082;
	[sflag:s4] =	ssyncset.s32 $0xFFFFF086  }
0x25: {  	[simem:s6], [sflag:s4] =	dma.local [hbm:s3], $0xF7A  }
0x26: {  	[smem:$0x3F99] =	sst s1;
	(tag) =	ssettag s2;
	_ =	strace s9  }
0x27: {  	s1 =	sld [smem:$0x3FA9]  }
0x28: {  	s2 =	sld [smem:$0x3FAA]  }
0x29: {  	s4 =	sld [smem:$0x3FAC]  }
0x2a: {  	p0 =	seq.s32 s5, $0x0;
	s5 =	sld [smem:$0x3FAD]  }
0x2b: {  	s6 =	sld [smem:$0x3FAE]  }
0x2c: {  	s7 =	sld [smem:$0x3FAF]  }
0x2d: {  	s3 =	simm.s32 $0x108;
	s8 =	sld [smem:$0x3FB0]  }
0x2e: {  	s3 =	simm.s32 @!p0 $0x1082;
	s9 =	sld [smem:$0x3FB1]  }
0x2f: {  	lr =	sadd.s32 s0, s3;
	s0 =	sld [smem:$0x3FA8]  }
0x30: {  	s3 =	sld [smem:$0x3FAB]  }
0x31: {  	[smem:$0x3FB4] =	sst s10  }
0x32: {  	s10 =	sld [smem:$0x3FB2];
	_ =	sdelay $0x3  }
0x33: {  	p0 =	seq.s32 s10, $0x1;
	s10 =	sld [smem:$0x3FB4];
	_ =	sdelay $0x3  }
0x34: {  	[smem:$0x3FB4] =	sst s10  }
0x35: {  	s10 =	sld [smem:$0x3FB3];
	_ =	sdelay $0x3  }
0x36: {  	p1 =	seq.s32 s10, $0x1;
	s10 =	sld [smem:$0x3FB4];
	_ =	sdelay $0x3  }
0x37: {  	[smem:$0x3FB4] =	sst s10  }
0x38: {  	s10 =	sld [smem:$0x3FB5]  }
0x39: {  	_ = 	snop;
	(pc) =	sbr.ind lr, $3  }
0x3a: {  	_ = 	snop  }
0x3b: {  	_ = 	snop  }
0x3c: {  	p2 =	seq.s32 s10, $0x1;
	s10 =	sld [smem:$0x3FB4]  }
0x3d: {  	_ =	shalt  }
0x3e: {  	_ =	shalt  }
0x3f: {  	_ =	shalt  }
0x40: {  	_ =	shalt  }
0x41: {  	_ =	shalt  }
0x42: {  	_ =	shalt  }
0x43: {  	_ =	shalt  }
0x44: {  	_ =	shalt  }
0x45: {  	_ =	shalt  }
0x46: {  	_ =	shalt  }
0x47: {  	_ =	shalt  }
0x48: {  	_ =	shalt  }
0x49: {  	_ =	shalt  }
0x4a: {  	_ =	shalt  }
0x4b: {  	_ =	shalt  }
0x4c: {  	_ =	shalt  }
0x4d: {  	_ =	shalt  }
0x4e: {  	_ =	shalt  }
0x4f: {  	_ =	shalt  }
0x50: {  	_ =	shalt  }
0x51: {  	_ =	shalt  }
0x52: {  	_ =	shalt  }
0x53: {  	_ =	shalt  }
0x54: {  	_ =	shalt  }
0x55: {  	_ =	shalt  }
0x56: {  	_ =	shalt  }
0x57: {  	_ =	shalt  }
0x58: {  	_ =	shalt  }
0x59: {  	_ =	shalt  }
0x5a: {  	_ =	shalt  }
0x5b: {  	_ =	shalt  }
0x5c: {  	_ =	shalt  }
0x5d: {  	_ =	shalt  }
0x5e: {  	_ =	shalt  }
0x5f: {  	_ =	shalt  }
0x60: {  	_ =	shalt  }
0x61: {  	_ =	shalt  }
0x62: {  	_ =	shalt  }
0x63: {  	_ =	shalt  }
0x64: {  	_ =	shalt  }
0x65: {  	_ =	shalt  }
0x66: {  	_ =	shalt  }
0x67: {  	_ =	shalt  }
0x68: {  	_ =	shalt  }
0x69: {  	_ =	shalt  }
0x6a: {  	_ =	shalt  }
0x6b: {  	_ =	shalt  }
0x6c: {  	_ =	shalt  }
0x6d: {  	_ =	shalt  }
0x6e: {  	_ =	shalt  }
0x6f: {  	_ =	shalt  }
0x70: {  	_ =	shalt  }
0x71: {  	_ =	shalt  }
0x72: {  	_ =	shalt  }
0x73: {  	_ =	shalt  }
0x74: {  	_ =	shalt  }
0x75: {  	_ =	shalt  }
0x76: {  	_ =	shalt  }
0x77: {  	_ =	shalt  }
0x78: {  	_ =	shalt  }
0x79: {  	_ =	shalt  }
0x7a: {  	_ =	shalt  }
0x7b: {  	_ =	shalt  }
0x7c: {  	_ =	shalt  }
0x7d: {  	_ =	shalt  }
0x7e: {  	_ =	shalt  }
0x7f: {  	_ =	shalt  }
0x80: {  	_ =	shalt  }
0x81: {  	_ =	shalt  }
0x82: {  	_ =	shalt  }
0x83: {  	_ =	shalt  }
0x84: {  	_ =	shalt  }
0x85: {  	_ =	shalt  }
0x86: {  	_ =	shalt  }
0x87: {  	_ =	shalt  }
.Lfunc_end0:
.L_simem_size_0:
called_computation_lowered:
.L_overlay_start_0:
0x88: {  	s2 =	sld [smem:$0x3FD9]  }
0x89: {  	s3 =	sld [smem:$0x3FFE];
	_ =	sdelay $0x1  }
0x8a: {  	s1 =	srdreg.scid  }
0x8b: {  	s0 =	sand.u32 $0x1, s1  }
0x8c: {  	s17 =	sshll.u32 s0, $0xA;
	s2 =	sadd.s32 s3, s2  }
0x8d: {  	s2 =	sadd.s32 s2, s17  }
0x8e: {  	[smem:$0x3FC0] =	sst s2  }
0x8f: {  	_ = 	snop  }
0x90: {  	s2 =	sld [smem:$0x3FD0];
	(tm) =	ssettm $0x1  }
0x91: {  	s18 =	sld [smem:$0x3FFB];
	_ =	sdelay $0x3  }
0x92: {  	_ =	strace s18  }
0x93: {  	s3 =	sld [smem:$0x3FFC];
	_ =	sdelay $0x3  }
0x94: {  	_ =	strace s3  }
0x95: {  	s3 =	sld [smem:$0x3FFD];
	_ =	sdelay $0x3  }
0x96: {  	_ =	strace s3  }
0x97: {  	_ =	strace $0x8FFFFFFF  }
0x98: {  	s19 =	sld [smem:$0x3FDB];
	_ =	sdelay $0x1  }
0x99: {  	s4 =	simm.s32 $_scs_section_size  }
0x9a: {  	s5 =	simm.s32 $_size__tile_overlayer_lowered;
	s6 =	simm.s32 $_tile_overlayer_lowered  }
0x9b: {  	s22 =	simm.s32 $0x1BFF;
	s21 =	sshll.u32 s6, $0x1;
	s3 =	sadd.s32 s4, s19  }
0x9c: {  	s7 =	simm.s32 $0x0;
	s20 =	sshll.u32 s5, $0x1;
	s5 =	sadd.s32 s21, s3  }
0x9d: {  	[timem:s7], [sflag:s22] =	dma.local [hbm:s5], s20  }
0x9e: {  	_ =	swait.ge [sflag:s22], s20  }
0x9f: {  	s4 =	ssub.s32 $0x0, s20;
	[sflag:s22] =	ssyncset.done $0x0  }
0xa0: {  	[sflag:s22] =	ssyncadd.s32 s4;
	_ =	sdelay $0x1  }
0xa1: {  	s23 =	simm.s32 $0x1B8B  }
0xa2: {  	_ =	swait.ge [sflag:s23], $0x1  }
0xa3: {  	[sflag:s23] =	ssyncset.done $0x0  }
0xa4: {  	s25 =	simm.s32 $0x1B8E;
	s24 =	sld [smem:$0x3FFE];
	[sflag:s23] =	ssyncadd.s32 $0xFFFFFFFF  }
0xa5: {  	s26 =	simm.s32 $execute0_lowered;
	[smem:$0x3FD2] =	sst s25  }
0xa6: {  	s5 =	sshll.u32 s26, $0x1;
	_ =	strace $0x80000046;
	[dreg:$0x1] =	wrdreg $0xFFFFFFFF  }
0xa7: {  	s28 =	simm.s32 $_size_execute0_lowered;
	s3 =	sadd.s32 s3, s5;
	[dreg:$0x0] =	wrdreg $0x0  }
0xa8: {  	s5 =	sshll.u32 s28, $0x1;
	[dreg:$0x2] =	wrdreg s3  }
0xa9: {  	[dreg:$0x3] =	wrdreg s5  }
0xaa: {  	[dreg:$0x4] =	wrdreg $0xC0  }
0xab: {  	_ =	task [dreg:s7], $0x5FFFF  }
0xac: {  	[dreg:$0x1] =	wrdreg $0xFFFFFFFF  }
0xad: {  	[dreg:$0x0] =	wrdreg $0x60  }
0xae: {  	[dreg:$0x2] =	wrdreg s2  }
0xaf: {  	[dreg:$0x3] =	wrdreg s24  }
0xb0: {  	[dreg:$0x4] =	wrdreg $0x6A400  }
0xb1: {  	[dreg:$0x5] =	wrdreg $0x10A400  }
0xb2: {  	[dreg:$0x6] =	wrdreg $0x9  }
0xb3: {  	_ =	task.clear_ibuf [dreg:s7], $0x7FFFF;
	_ =	strace $0x90000046  }
0xb4: {  	s29 =	simm.s32 $0x9;
	_ =	strace $0x80000048  }
0xb5: {  	_ =	swait.ge [sflag:s29], $0x1  }
0xb6: {  	[sflag:s29] =	ssyncadd.s32 $0xFFFFFFFF  }
0xb7: {  	_ =	strace $0x90000048  }
0xb8: {  	_ =	sfence  }
0xb9: {  	s30 =	sld [smem:$0x0];
	_ =	sdelay $0x2  }
0xba: {  	s31 =	sshll.u32 s1, $0xD;
	s1 =	sshrl.u32 s1, $0x2  }
0xbb: {  	s3 =	sand.u32 $0x4000, s31;
	s1 =	sadd.s32 s1, s30  }
0xbc: {  	s0 =	sor.u32 s3, s0;
	s1 =	sshll.u32 s1, $0x11  }
0xbd: {  	s0 =	sor.u32 s1, s0  }
0xbe: {  	s0 =	sadd.s32 $0x8F2B, s0  }
0xbf: {  	[sflag:s0] =	ssyncadd.remote.s32 $0x1  }
0xc0: {  	_ =	sfence.sel $0xFFFF  }
0xc1: {  	[dreg:$0x0] =	wrdreg $0xFFFFFFFF;
	(pc) =	sbr.abs _section_cstart, $3  }
0xc2: {  	[dreg:$0x1] =	wrdreg $0xFFFFFFFF  }
0xc3: {  	_ =	task.clear_ibuf [dreg:s7], $0x2FFFF;
	_ =	strace $0x9FFFFFFF  }
0xc4: {  	(tm) =	ssettm $0x7FFFFFFF  }
0xc5: {  	_ =	shalt  }
tec
execute0_lowered:
.L_overlay_start_1:
0x0: {  	(tag) =	ssettag $0x1  }
0x1: {  	s0 =	rddreg [dreg:$0x0]  }
0x2: {  	s2 =	rddreg [dreg:$0x1]  }
0x3: {  	s1 =	rddreg [dreg:$0x2]  }
0x4: {  	s3 =	srdreg.scid;
	s6 =	stileid.u32  }
0x5: {  	s28 =	rddreg [dreg:$0x3];
	s4 =	simm.s32 $0x0;
	s17 =	simm.s32 $0x1E0  }
0x6: {  	s29 =	simm.s32 $0x4240;
	s31 =	simm.s32 $0x5640;
	s3 =	sand.u32 $0x1, s3  }
0x7: {  	s7 =	smul.u32 $0x14000, s6;
	[smem:$0x7FF] =	sst s4;
	s19 =	sadd.s32 $0x1C00, s2  }
0x8: {  	s9 =	sadd.s32 $0x15600, s2;
	s11 =	sshll.u32 s6, $0x1;
	s12 =	sshll.u32 s6, $0x6  }
0x9: {  	s22 =	smul.u32 $0x4E20, s6;
	s24 =	sadd.s32 $0x2710, s28;
	p0 =	sne.s32 s6, $0x0  }
0xa: {  	s6 =	simm.s32 $0x7;
	s8 =	smul.u32 $0x140000, s3;
	_ =	strace $0x80000047  }
0xb: {  	[dreg:$0x10] =	wrdreg s9;
	s18 =	smul.u32 $0x500, s3;
	s10 =	ssub.s32 $0x2, s3  }
0xc: {  	s11 =	sor.u32 s3, s11;
	s25 =	sor.u32 $0x1C0D, s12;
	[dreg:$0x13] =	wrdreg s24  }
0xd: {  	s3 =	smul.u32 $0x2710, s3;
	[dreg:$0x8] =	wrdreg s17;
	s24 =	simm.s32 $0x5A0  }
0xe: {  	s17 =	simm.s32 $0x1;
	s20 =	sshrl.u32 s10, $0x1;
	[dreg:$0xe] =	wrdreg s24  }
0xf: {  	s11 =	smul.u32 $0x2710, s11;
	s24 =	simm.s32 $0x1A40;
	[dreg:$0x11] =	wrdreg s25  }
0x10: {  	s8 =	sadd.s32 s7, s8;
	s7 =	sshrl.u32 s7, $0x1;
	s9 =	ssub.s32 s10, s20  }
0x11: {  	s3 =	sadd.s32 s3, s22;
	s20 =	simm.s32 $0x280;
	s22 =	simm.s32 $0x500  }
0x12: {  	s8 =	sshrl.u32 s8, $0x4;
	s7 =	sadd.s32 s7, s1;
	s21 =	sshrl.u32 s11, $0x3  }
0x13: {  	s11 =	smin.u32 s11, $0x4B960;
	s12 =	sadd.s32 $0x4E390, s3;
	[dreg:$0xa] =	wrdreg s20  }
0x14: {  	s20 =	simm.s32 $0xB;
	[dreg:$0xc] =	wrdreg s22;
	s22 =	simm.s32 $0x640  }
0x15: {  	s8 =	sadd.s32 s8, s2;
	s2 =	sadd.s32 s18, s2;
	s13 =	sadd.s32 s19, s21  }
0x16: {  	s23 =	sshrl.u32 s11, $0x3;
	s11 =	smax.u32 s9, $0x1;
	s30 =	sshrl.u32 s7, $0x3  }
0x17: {  	s18 =	simm.s32 $0x230;
	s21 =	simm.s32 $0x2D0;
	[dreg:$0x12] =	wrdreg s13  }
0x18: {  	s9 =	simm.s32 $0x8;
	s7 =	simm.s32 $0x2;
	[dreg:$0x19] =	wrdreg s11  }
0x19: {  	v0 =	vlaneseq.u32;
	s26 =	sadd.s32 $0x9C40, s13;
	s10 =	sadd.s32 s19, s23;
	[dreg:$0x9] =	wrdreg s18  }
0x1a: {  	v1 =	vimm.f32 $0.0e+00;
	v41 =	vimm.bf16 $0.0e+00;
	v42 =	vimm.f32 $1.000000000e+00;
	s8 =	sadd.s32 $0x17400, s8;
	s2 =	sadd.s32 $0x16A00, s2;
	[dreg:$0xb] =	wrdreg s21  }
0x1b: {  	v2 =	vor.u32 $0x10, v0;
	v3 =	vor.u32 $0x20, v0;
	v4 =	vor.u32 $0x30, v0;
	s13 =	sadd.s32 $0x190, s3;
	s21 =	simm.s32 $0x50;
	[dreg:$0x1b] =	wrdreg s30  }
0x1c: {  	v5 =	vor.u32 $0x40, v0;
	v6 =	vor.u32 $0x50, v0;
	v7 =	vor.u32 $0x60, v0;
	s23 =	simm.s32 $0x550;
	s11 =	simm.s32 $0x9;
	[dreg:$0x14] =	wrdreg s26  }
0x1d: {  	v8 =	vadd.s32 $0x6D, v0;
	v9 =	vadd.s32 $0x7D, v0;
	v10 =	vadd.s32 $0x8D, v0;
	s18 =	simm.s32 $0x3;
	s5 =	sadd.s32 $0x4E2, s10;
	[dreg:$0x17] =	wrdreg s8  }
0x1e: {  	v11 =	vadd.s32 $0x9D, v0;
	v12 =	vadd.s32 $0xAD, v0;
	v13 =	vadd.s32 $0xBD, v0;
	s10 =	sadd.s32 $0xA122, s10;
	[dreg:$0x18] =	wrdreg s2;
	s8 =	sshrl.u32 s12, $0x3  }
0x1f: {  	v14 =	vadd.s32 $0xCD, v0;
	v15 =	vadd.s32 $0xDD, v0;
	v16 =	vadd.s32 $0xEA, v0;
	s15 =	sshrl.u32 s13, $0x3;
	[dreg:$0xd] =	wrdreg s23;
	s26 =	simm.s32 $0x5F0  }
0x20: {  	v17 =	vadd.s32 $0xFA, v0;
	v18 =	vadd.s32 $0x10A, v0;
	v19 =	vadd.s32 $0x11A, v0;
	s13 =	simm.s32 $0xA;
	s23 =	simm.s32 $0x5;
	[dreg:$0x15] =	wrdreg s5  }
0x21: {  	v20 =	vadd.s32 $0x12A, v0;
	v21 =	vadd.s32 $0x13A, v0;
	v22 =	vadd.s32 $0x14A, v0;
	[dreg:$0x16] =	wrdreg s10;
	s10 =	sadd.s32 $0x4E520, s3;
	s14 =	sadd.s32 s8, s19  }
0x22: {  	v23 =	vadd.s32 $0x15A, v0;
	v24 =	vadd.s32 $0x167, v0;
	v25 =	vadd.s32 $0x177, v0;
	s3 =	sadd.s32 $0x320, s3;
	s16 =	sadd.s32 s15, s19;
	[dreg:$0xf] =	wrdreg s26  }
0x23: {  	v26 =	vadd.s32 $0x187, v0;
	v27 =	vadd.s32 $0x197, v0;
	v28 =	vadd.s32 $0x1A7, v0;
	s26 =	simm.s32 $0x2E40;
	s15 =	simm.s32 $0x190;
	[dreg:$0x1a] =	wrdreg s3  }
0x24: {  	v29 =	vadd.s32 $0x1B7, v0;
	v30 =	vadd.s32 $0x1C7, v0;
	v31 =	vadd.s32 $0x1D7, v0;
	s8 =	simm.s32 $0x4B0;
	s5 =	simm.s32 $0x0;
	[dreg:$0x6] =	wrdreg s14  }
0x25: {  	v32 =	vadd.s32 $0x1E4, v0;
	v33 =	vadd.s32 $0x1F4, v0;
	v34 =	vadd.s32 $0x204, v0;
	s2 =	sshrl.u32 s10, $0x3;
	[dreg:$0x7] =	wrdreg s16;
	s14 =	simm.s32 $0xD  }
0x26: {  	v35 =	vadd.s32 $0x214, v0;
	v36 =	vadd.s32 $0x224, v0;
	v37 =	vadd.s32 $0x234, v0;
	s16 =	simm.s32 $0x10CC0;
	s3 =	simm.s32 $0x4;
	s2 =	sadd.s32 s2, s19  }
0x27: {  	v38 =	vadd.s32 $0x244, v0;
	v39 =	vadd.s32 $0x254, v0;
	v40 =	vadd.s32 $0x261, v0;
	s10 =	simm.s32 $0xC;
	[dreg:$0x5] =	wrdreg s2;
	s2 =	simm.s32 $0x6  }
.LBB2_1:
0x28: {  	[dreg:$0x1c] =	wrdreg s5  }
0x29: {  	s12 =	rddreg [dreg:$0x10]  }
0x2a: {  	[spmem:s30], [sflag:s25] =	dma.local [hbm:s12], $0x1400  }
0x2b: {  	_ =	swait.ge [sflag:s14], $0x1400  }
0x2c: {  	[sflag:s14] =	ssyncset.done $0x0  }
0x2d: {  	s12 =	simm.s32 $0x40;
	s25 =	simm.s32 $0x0;
	[sflag:s14] =	ssyncadd.s32 $0xFFFFEC00  }
.LBB2_2:
0x2e: {  	p1 =	sne.s32 s12, $0x9C00;
	[tilespmem:s25+$0x10CC0] =	vst v1;
	s25 =	smov.u32 s12;
	s12 =	sadd.s32 $0x40, s12  }
.Ltmp0:
0x2f: {  	(pc) =	sbr.rel @p1 .LBB2_2-.Ltmp0, $2  }
0x30: {  	_ =	sdelay $0x2  }
0x31: {  	s25 =	sshra.s32 s25, $0x2  }
0x32: {  	[tilespmem:s25+$0x10CC0] =	vst v1  }
0x33: {  	[tilespmem:$0x133D0] =	vst v0  }
0x34: {  	[tilespmem:$0x133E0] =	vst v2  }
0x35: {  	[tilespmem:$0x133F0] =	vst v3  }
0x36: {  	[tilespmem:$0x13400] =	vst v4  }
0x37: {  	[tilespmem:$0x13410] =	vst v5  }
0x38: {  	[tilespmem:$0x13420] =	vst v6  }
0x39: {  	[tilespmem:$0x13430] =	vst v7  }
0x3a: {  	[tilespmem:$0x13450] =	vst v9  }
0x3b: {  	[tilespmem:$0x13460] =	vst v10  }
0x3c: {  	[tilespmem:$0x13470] =	vst v11  }
0x3d: {  	[tilespmem:$0x13480] =	vst v12  }
0x3e: {  	[tilespmem:$0x13490] =	vst v13  }
0x3f: {  	[tilespmem:$0x134A0] =	vst v14  }
0x40: {  	[tilespmem:$0x134B0] =	vst v15  }
0x41: {  	[tilespmem:$0x134D0] =	vst v17  }
0x42: {  	[tilespmem:$0x134E0] =	vst v18  }
0x43: {  	[tilespmem:$0x134F0] =	vst v19  }
0x44: {  	[tilespmem:$0x13500] =	vst v20  }
0x45: {  	[tilespmem:$0x13510] =	vst v21  }
0x46: {  	[tilespmem:$0x13520] =	vst v22  }
0x47: {  	[tilespmem:$0x13530] =	vst v23  }
0x48: {  	[tilespmem:$0x13550] =	vst v25  }
0x49: {  	[tilespmem:$0x13560] =	vst v26  }
0x4a: {  	[tilespmem:$0x13570] =	vst v27  }
0x4b: {  	[tilespmem:$0x13580] =	vst v28  }
0x4c: {  	[tilespmem:$0x13590] =	vst v29  }
0x4d: {  	[tilespmem:$0x135A0] =	vst v30  }
0x4e: {  	[tilespmem:$0x135B0] =	vst v31  }
0x4f: {  	[tilespmem:$0x135D0] =	vst v33  }
0x50: {  	[tilespmem:$0x135E0] =	vst v34  }
0x51: {  	[tilespmem:$0x135F0] =	vst v35  }
0x52: {  	[tilespmem:$0x13600] =	vst v36  }
0x53: {  	[tilespmem:$0x13610] =	vst v37  }
0x54: {  	[tilespmem:$0x13620] =	vst v38  }
0x55: {  	[tilespmem:$0x13630] =	vst v39  }
0x56: {  	[tilespmem:$0x1343D] =	vst v8  }
0x57: {  	[tilespmem:$0x134BD] =	vst v16  }
0x58: {  	[tilespmem:$0x1353D] =	vst v24  }
0x59: {  	[tilespmem:$0x135BD] =	vst v32  }
0x5a: {  	s12 =	simm.s32 @!p0 $0x10CC0;
	s25 =	simm.s32 @!p0 $0xD;
	[tilespmem:$0x1363D] =	vst v40  }
0x5b: {  	[spmem:s28] =	stream.linear.scatter @!p0 [tilespmem:s12], [sflag:$0xD], $0x2710, $0x38;
	[tilespmem:$0x13650] =	vst v63  }
0x5c: {  	_ =	swait.ge @!p0 [sflag:s25], $0x2710  }
0x5d: {  	[sflag:s25] =	ssyncset.done @!p0 $0x0  }
0x5e: {  	s28 =	rddreg [dreg:$0x13];
	[sflag:s25] =	ssyncadd.s32 @!p0 $0xFFFFD8F0  }
0x5f: {  	[spmem:s28] =	stream.linear.scatter @!p0 [tilespmem:s12], [sflag:$0xD], $0xF0, $0x38;
	[tilespmem:$0x13650] =	vst v63  }
0x60: {  	_ =	swait.ge @!p0 [sflag:s25], $0xF0  }
0x61: {  	[sflag:s25] =	ssyncset.done @!p0 $0x0  }
0x62: {  	[sflag:s25] =	ssyncadd.s32 @!p0 $0xFFFFFF10  }
0x63: {  	[bflag:$0x0] =	sbarrier.arrive $0xFFFF  }
0x64: {  	s14 =	simm.s32 $0x0;
	s28 =	rddreg [dreg:$0x12]  }
0x65: {  	[tilespmem:s14], [sflag:$0xB] =	stream.linear.gather [hbm4b:s28+s14], $0x190, $0x38;
	[tilespmem:$0x13650] =	vst v63  }
0x66: {  	s5 =	simm.s32 $0x320;
	s30 =	rddreg [dreg:$0x14]  }
0x67: {  	[tilespmem:s5], [sflag:$0xB] =	stream.linear.gather [hbm4b:s30+s14], $0x190, $0x38;
	[tilespmem:$0x13650] =	vst v63  }
0x68: {  	_ =	swait.ge [sflag:s20], $0x190  }
0x69: {  	[sflag:s20] =	ssyncset.done $0x0  }
0x6a: {  	[sflag:s20] =	ssyncadd.s32 $0xFFFFFE70  }
0x6b: {  	_ =	swait.ge [sflag:s20], $0x190  }
0x6c: {  	s12 =	simm.s32 $0x0;
	[sflag:s20] =	ssyncset.done $0x0  }
0x6d: {  	s25 =	simm.s32 $0x100;
	s14 =	simm.s32 $0x370;
	[sflag:s20] =	ssyncadd.s32 $0xFFFFFE70  }
.LBB2_4:
0x6e: {  	p1 =	sne.s32 s25, $0x4F00;
	[tilespmem:s12+$0x5670] =	vst v41  }
0x6f: {  	[tilespmem:s12+$0x640] =	vst v41  }
0x70: {  	[tilespmem:s12+$0x650] =	vst v41  }
0x71: {  	[tilespmem:s12+$0x660] =	vst v41  }
0x72: {  	[tilespmem:s12+$0x670] =	vst v41  }
0x73: {  	[tilespmem:s12+$0x1A40] =	vst v41  }
0x74: {  	[tilespmem:s12+$0x1A50] =	vst v41  }
0x75: {  	[tilespmem:s12+$0x1A60] =	vst v41  }
0x76: {  	[tilespmem:s12+$0x1A70] =	vst v41  }
0x77: {  	[tilespmem:s12+$0x2E40] =	vst v41  }
0x78: {  	[tilespmem:s12+$0x2E50] =	vst v41  }
0x79: {  	[tilespmem:s12+$0x2E60] =	vst v41  }
0x7a: {  	[tilespmem:s12+$0x2E70] =	vst v41  }
0x7b: {  	[tilespmem:s12+$0x4240] =	vst v41  }
0x7c: {  	[tilespmem:s12+$0x4250] =	vst v41  }
.Ltmp1:
0x7d: {  	[tilespmem:s12+$0x4260] =	vst v41;
	(pc) =	sbr.rel @p1 .LBB2_4-.Ltmp1, $4  }
0x7e: {  	[tilespmem:s12+$0x4270] =	vst v41  }
0x7f: {  	[tilespmem:s12+$0x5640] =	vst v41  }
0x80: {  	[tilespmem:s12+$0x5650] =	vst v41  }
0x81: {  	[tilespmem:s12+$0x5660] =	vst v41;
	s12 =	sshra.s32 s25, $0x2;
	s25 =	sadd.s32 $0x100, s25  }
0x82: {  	[tilespmem:s12+$0x5670] =	vst v41  }
0x83: {  	[tilespmem:s12+$0x640] =	vst v41  }
0x84: {  	[tilespmem:s12+$0x650] =	vst v41  }
0x85: {  	[tilespmem:s12+$0x660] =	vst v41  }
0x86: {  	[tilespmem:s12+$0x670] =	vst v41  }
0x87: {  	[tilespmem:s12+$0x1A40] =	vst v41  }
0x88: {  	[tilespmem:s12+$0x1A50] =	vst v41  }
0x89: {  	[tilespmem:s12+$0x1A60] =	vst v41  }
0x8a: {  	[tilespmem:s12+$0x1A70] =	vst v41  }
0x8b: {  	[tilespmem:s12+$0x2E40] =	vst v41  }
0x8c: {  	[tilespmem:s12+$0x2E50] =	vst v41  }
0x8d: {  	[tilespmem:s12+$0x2E60] =	vst v41  }
0x8e: {  	[tilespmem:s12+$0x2E70] =	vst v41  }
0x8f: {  	[tilespmem:s12+$0x4240] =	vst v41  }
0x90: {  	[tilespmem:s12+$0x4250] =	vst v41  }
0x91: {  	[tilespmem:s12+$0x4260] =	vst v41  }
0x92: {  	[tilespmem:s12+$0x4270] =	vst v41  }
0x93: {  	[tilespmem:s12+$0x5640] =	vst v41  }
0x94: {  	[tilespmem:s12+$0x5650] =	vst v41  }
0x95: {  	[tilespmem:s12+$0x5660] =	vst v41  }
0x96: {  	[spmem:s1] =	stream.indirect.scatter.add.bf16 [tilespmem:s22], [sflag:$0x6], $0x40, s5, s21, $0xb8;
	[tilespmem:$0x13650] =	vst v63  }
0x97: {  	_ = 	snop  }
0x98: {  	[spmem:s1] =	stream.indirect.scatter.add.bf16 [tilespmem:s24], [sflag:$0x7], $0x40, s14, s21, $0xb8;
	[tilespmem:$0x13650] =	vst v63  }
0x99: {  	s12 =	simm.s32 $0x3C0  }
0x9a: {  	[spmem:s1] =	stream.indirect.scatter.add.bf16 [tilespmem:s26], [sflag:$0x8], $0x40, s12, s21, $0xb8;
	[tilespmem:$0x13650] =	vst v63  }
0x9b: {  	s25 =	simm.s32 $0x460;
	s14 =	simm.s32 $0x410  }
0x9c: {  	[spmem:s1] =	stream.indirect.scatter.add.bf16 [tilespmem:s29], [sflag:$0x9], $0x40, s14, s21, $0xb8;
	[tilespmem:$0x13650] =	vst v63  }
0x9d: {  	s28 =	simm.s32 $0xA0;
	s30 =	simm.s32 $0xF0;
	s5 =	simm.s32 $0x320  }
0x9e: {  	[spmem:s1] =	stream.indirect.scatter.add.bf16 [tilespmem:s31], [sflag:$0xA], $0x40, s25, s21, $0xb8;
	[tilespmem:$0x13650] =	vst v63  }
0x9f: {  	s12 =	rddreg [dreg:$0x1a];
	s14 =	simm.s32 $0x140;
	s25 =	simm.s32 $0x0  }
.LBB2_6:
0xa0: {  	_ =	swait.ge [sflag:s2], $0x1400  }
0xa1: {  	[sflag:s2] =	ssyncset.done $0x0  }
0xa2: {  	[sflag:s2] =	ssyncadd.s32 $0xFFFFEC00  }
0xa3: {  	[tilespmem:s22], [sflag:$0x1] =	stream.indirect.gather [hbm4b:s0+s21], $0x40, s4, s21, $0xb8;
	[tilespmem:$0x13650] =	vst v63  }
0xa4: {  	_ =	swait.ge [sflag:s6], $0x1400  }
0xa5: {  	[sflag:s6] =	ssyncset.done $0x0  }
0xa6: {  	[sflag:s6] =	ssyncadd.s32 $0xFFFFEC00  }
0xa7: {  	[tilespmem:s24], [sflag:$0x2] =	stream.indirect.gather [hbm4b:s0+s21], $0x40, s21, s21, $0xb8;
	[tilespmem:$0x13650] =	vst v63  }
0xa8: {  	_ =	swait.ge [sflag:s9], $0x1400  }
0xa9: {  	[sflag:s9] =	ssyncset.done $0x0  }
0xaa: {  	[sflag:s9] =	ssyncadd.s32 $0xFFFFEC00  }
0xab: {  	[tilespmem:s26], [sflag:$0x3] =	stream.indirect.gather [hbm4b:s0+s21], $0x40, s28, s21, $0xb8;
	[tilespmem:$0x13650] =	vst v63  }
0xac: {  	_ =	swait.ge [sflag:s11], $0x1400  }
0xad: {  	[sflag:s11] =	ssyncset.done $0x0  }
0xae: {  	[sflag:s11] =	ssyncadd.s32 $0xFFFFEC00  }
0xaf: {  	[tilespmem:s29], [sflag:$0x4] =	stream.indirect.gather [hbm4b:s0+s21], $0x40, s30, s21, $0xb8;
	[tilespmem:$0x13650] =	vst v63  }
0xb0: {  	_ =	swait.ge [sflag:s13], $0x1400  }
0xb1: {  	[sflag:s13] =	ssyncset.done $0x0  }
0xb2: {  	s28 =	rddreg [dreg:$0x7];
	[sflag:s13] =	ssyncadd.s32 $0xFFFFEC00  }
0xb3: {  	[tilespmem:s31], [sflag:$0x5] =	stream.indirect.gather [hbm4b:s0+s21], $0x40, s14, s21, $0xb8;
	[tilespmem:$0x13650] =	vst v63  }
0xb4: {  	s30 =	rddreg [dreg:$0x6];
	s28 =	sadd.s32 s25, s28  }
0xb5: {  	[tilespmem:s15], [sflag:$0xC] =	stream.linear.gather [hbm4b:s28+s4], $0x190, $0x38;
	[tilespmem:$0x13650] =	vst v63  }
0xb6: {  	s28 =	sadd.s32 s25, s30  }
0xb7: {  	[tilespmem:s8], [sflag:$0xC] =	stream.linear.gather [hbm4b:s28+s4], $0x190, $0x38;
	[tilespmem:$0x13650] =	vst v63  }
0xb8: {  	v43 =	vld [tilespmem:$0x320];
	_ =	sdelay $0x7  }
0xb9: {  	[tilespmem:v43+s16+$0x0] =	vst.idx.add.f32.msk $0xffff, v42  }
0xba: {  	v43 =	vld [tilespmem:$0x330];
	_ =	sdelay $0x7  }
0xbb: {  	[tilespmem:v43+s16+$0x0] =	vst.idx.add.f32.msk $0xffff, v42  }
0xbc: {  	v43 =	vld [tilespmem:$0x340];
	_ =	sdelay $0x7  }
0xbd: {  	[tilespmem:v43+s16+$0x0] =	vst.idx.add.f32.msk $0xffff, v42  }
0xbe: {  	v43 =	vld [tilespmem:$0x350];
	_ =	sdelay $0x7  }
0xbf: {  	[tilespmem:v43+s16+$0x0] =	vst.idx.add.f32.msk $0xffff, v42  }
0xc0: {  	v43 =	vld [tilespmem:$0x360];
	_ =	sdelay $0x7  }
0xc1: {  	[tilespmem:v43+s16+$0x0] =	vst.idx.add.f32.msk $0xffff, v42  }
0xc2: {  	v43 =	vld [tilespmem:$0x370];
	_ =	sdelay $0x7  }
0xc3: {  	[tilespmem:v43+s16+$0x0] =	vst.idx.add.f32.msk $0xffff, v42  }
0xc4: {  	v43 =	vld [tilespmem:$0x380];
	_ =	sdelay $0x7  }
0xc5: {  	[tilespmem:v43+s16+$0x0] =	vst.idx.add.f32.msk $0xffff, v42  }
0xc6: {  	v43 =	vld [tilespmem:$0x390];
	_ =	sdelay $0x7  }
0xc7: {  	[tilespmem:v43+s16+$0x0] =	vst.idx.add.f32.msk $0xffff, v42  }
0xc8: {  	v43 =	vld [tilespmem:$0x3A0];
	_ =	sdelay $0x7  }
0xc9: {  	[tilespmem:v43+s16+$0x0] =	vst.idx.add.f32.msk $0xffff, v42  }
0xca: {  	v43 =	vld [tilespmem:$0x3B0];
	_ =	sdelay $0x7  }
0xcb: {  	[tilespmem:v43+s16+$0x0] =	vst.idx.add.f32.msk $0xffff, v42  }
0xcc: {  	v43 =	vld [tilespmem:$0x3C0];
	_ =	sdelay $0x7  }
0xcd: {  	[tilespmem:v43+s16+$0x0] =	vst.idx.add.f32.msk $0xffff, v42  }
0xce: {  	v43 =	vld [tilespmem:$0x3D0];
	_ =	sdelay $0x7  }
0xcf: {  	[tilespmem:v43+s16+$0x0] =	vst.idx.add.f32.msk $0xffff, v42  }
0xd0: {  	v43 =	vld [tilespmem:$0x3E0];
	_ =	sdelay $0x7  }
0xd1: {  	[tilespmem:v43+s16+$0x0] =	vst.idx.add.f32.msk $0xffff, v42  }
0xd2: {  	v43 =	vld [tilespmem:$0x3F0];
	_ =	sdelay $0x7  }
0xd3: {  	[tilespmem:v43+s16+$0x0] =	vst.idx.add.f32.msk $0xffff, v42  }
0xd4: {  	v43 =	vld [tilespmem:$0x400];
	_ =	sdelay $0x7  }
0xd5: {  	[tilespmem:v43+s16+$0x0] =	vst.idx.add.f32.msk $0xffff, v42  }
0xd6: {  	v43 =	vld [tilespmem:$0x410];
	_ =	sdelay $0x7  }
0xd7: {  	[tilespmem:v43+s16+$0x0] =	vst.idx.add.f32.msk $0xffff, v42  }
0xd8: {  	v43 =	vld [tilespmem:$0x420];
	_ =	sdelay $0x7  }
0xd9: {  	[tilespmem:v43+s16+$0x0] =	vst.idx.add.f32.msk $0xffff, v42  }
0xda: {  	v43 =	vld [tilespmem:$0x430];
	_ =	sdelay $0x7  }
0xdb: {  	[tilespmem:v43+s16+$0x0] =	vst.idx.add.f32.msk $0xffff, v42  }
0xdc: {  	v43 =	vld [tilespmem:$0x440];
	_ =	sdelay $0x7  }
0xdd: {  	[tilespmem:v43+s16+$0x0] =	vst.idx.add.f32.msk $0xffff, v42  }
0xde: {  	v43 =	vld [tilespmem:$0x450];
	_ =	sdelay $0x7  }
0xdf: {  	[tilespmem:v43+s16+$0x0] =	vst.idx.add.f32.msk $0xffff, v42  }
0xe0: {  	v43 =	vld [tilespmem:$0x460];
	_ =	sdelay $0x7  }
0xe1: {  	[tilespmem:v43+s16+$0x0] =	vst.idx.add.f32.msk $0xffff, v42  }
0xe2: {  	v43 =	vld [tilespmem:$0x470];
	_ =	sdelay $0x7  }
0xe3: {  	[tilespmem:v43+s16+$0x0] =	vst.idx.add.f32.msk $0xffff, v42  }
0xe4: {  	v43 =	vld [tilespmem:$0x480];
	_ =	sdelay $0x7  }
0xe5: {  	[tilespmem:v43+s16+$0x0] =	vst.idx.add.f32.msk $0xffff, v42  }
0xe6: {  	v43 =	vld [tilespmem:$0x490];
	_ =	sdelay $0x7  }
0xe7: {  	[tilespmem:v43+s16+$0x0] =	vst.idx.add.f32.msk $0xffff, v42  }
0xe8: {  	v43 =	vld [tilespmem:$0x4A0];
	_ =	sdelay $0x7  }
0xe9: {  	[tilespmem:v43+s16+$0x0] =	vst.idx.add.f32.msk $0xffff, v42  }
0xea: {  	_ =	swait.ge [sflag:s17], $0x1400  }
0xeb: {  	[sflag:s17] =	ssyncset.done $0x0  }
0xec: {  	[sflag:s17] =	ssyncadd.s32 $0xFFFFEC00  }
0xed: {  	[spmem:s1] =	stream.indirect.scatter.add.bf16 [tilespmem:s22], [sflag:$0x6], $0x40, s5, s21, $0xb8;
	[tilespmem:$0x13650] =	vst v63  }
0xee: {  	_ =	swait.ge [sflag:s7], $0x1400  }
0xef: {  	[sflag:s7] =	ssyncset.done $0x0  }
0xf0: {  	s28 =	simm.s32 $0x370;
	[sflag:s7] =	ssyncadd.s32 $0xFFFFEC00  }
0xf1: {  	[spmem:s1] =	stream.indirect.scatter.add.bf16 [tilespmem:s24], [sflag:$0x7], $0x40, s28, s21, $0xb8;
	[tilespmem:$0x13650] =	vst v63  }
0xf2: {  	_ =	swait.ge [sflag:s18], $0x1400  }
0xf3: {  	[sflag:s18] =	ssyncset.done $0x0  }
0xf4: {  	s28 =	simm.s32 $0x3C0;
	[sflag:s18] =	ssyncadd.s32 $0xFFFFEC00  }
0xf5: {  	[spmem:s1] =	stream.indirect.scatter.add.bf16 [tilespmem:s26], [sflag:$0x8], $0x40, s28, s21, $0xb8;
	[tilespmem:$0x13650] =	vst v63  }
0xf6: {  	_ =	swait.ge [sflag:s3], $0x1400  }
0xf7: {  	[sflag:s3] =	ssyncset.done $0x0  }
0xf8: {  	s28 =	simm.s32 $0x410;
	[sflag:s3] =	ssyncadd.s32 $0xFFFFEC00  }
0xf9: {  	[spmem:s1] =	stream.indirect.scatter.add.bf16 [tilespmem:s29], [sflag:$0x9], $0x40, s28, s21, $0xb8;
	[tilespmem:$0x13650] =	vst v63  }
0xfa: {  	_ =	swait.ge [sflag:s23], $0x1400  }
0xfb: {  	[sflag:s23] =	ssyncset.done $0x0  }
0xfc: {  	s28 =	simm.s32 $0x460;
	[sflag:s23] =	ssyncadd.s32 $0xFFFFEC00  }
0xfd: {  	[spmem:s1] =	stream.indirect.scatter.add.bf16 [tilespmem:s31], [sflag:$0xA], $0x40, s28, s21, $0xb8;
	[tilespmem:$0x13650] =	vst v63  }
0xfe: {  	_ =	swait.ge [sflag:s10], $0x190  }
0xff: {  	[sflag:s10] =	ssyncset.done $0x0  }
0x100: {  	[sflag:s10] =	ssyncadd.s32 $0xFFFFFE70  }
0x101: {  	_ =	swait.ge [sflag:s10], $0x190  }
0x102: {  	[sflag:s10] =	ssyncset.done $0x0  }
0x103: {  	[sflag:s10] =	ssyncadd.s32 $0xFFFFFE70  }
0x104: {  	_ =	swait.ge [sflag:s2], $0x1400  }
0x105: {  	[sflag:s2] =	ssyncset.done $0x0  }
0x106: {  	[sflag:s2] =	ssyncadd.s32 $0xFFFFEC00  }
0x107: {  	[tilespmem:s22], [sflag:$0x1] =	stream.indirect.gather [hbm4b:s0+s21], $0x40, s15, s21, $0xb8;
	[tilespmem:$0x13650] =	vst v63  }
0x108: {  	_ =	swait.ge [sflag:s6], $0x1400  }
0x109: {  	[sflag:s6] =	ssyncset.done $0x0  }
0x10a: {  	s28 =	rddreg [dreg:$0x8];
	[sflag:s6] =	ssyncadd.s32 $0xFFFFEC00  }
0x10b: {  	[tilespmem:s24], [sflag:$0x2] =	stream.indirect.gather [hbm4b:s0+s21], $0x40, s28, s21, $0xb8;
	[tilespmem:$0x13650] =	vst v63  }
0x10c: {  	_ =	swait.ge [sflag:s9], $0x1400  }
0x10d: {  	[sflag:s9] =	ssyncset.done $0x0  }
0x10e: {  	s28 =	rddreg [dreg:$0x9];
	[sflag:s9] =	ssyncadd.s32 $0xFFFFEC00  }
0x10f: {  	[tilespmem:s26], [sflag:$0x3] =	stream.indirect.gather [hbm4b:s0+s21], $0x40, s28, s21, $0xb8;
	[tilespmem:$0x13650] =	vst v63  }
0x110: {  	_ =	swait.ge [sflag:s11], $0x1400  }
0x111: {  	[sflag:s11] =	ssyncset.done $0x0  }
0x112: {  	s28 =	rddreg [dreg:$0xa];
	[sflag:s11] =	ssyncadd.s32 $0xFFFFEC00  }
0x113: {  	[tilespmem:s29], [sflag:$0x4] =	stream.indirect.gather [hbm4b:s0+s21], $0x40, s28, s21, $0xb8;
	[tilespmem:$0x13650] =	vst v63  }
0x114: {  	_ =	swait.ge [sflag:s13], $0x1400  }
0x115: {  	[sflag:s13] =	ssyncset.done $0x0  }
0x116: {  	s28 =	rddreg [dreg:$0xb];
	[sflag:s13] =	ssyncadd.s32 $0xFFFFEC00  }
0x117: {  	[tilespmem:s31], [sflag:$0x5] =	stream.indirect.gather [hbm4b:s0+s21], $0x40, s28, s21, $0xb8;
	[tilespmem:$0x13650] =	vst v63  }
0x118: {  	s28 =	sshrl.u32 s12, $0x3  }
0x119: {  	s30 =	rddreg [dreg:$0x5];
	s28 =	sadd.s32 s19, s28  }
0x11a: {  	[tilespmem:s4], [sflag:$0xB] =	stream.linear.gather [hbm4b:s28+s4], $0x190, $0x38;
	[tilespmem:$0x13650] =	vst v63  }
0x11b: {  	s28 =	sadd.s32 s25, s30  }
0x11c: {  	[tilespmem:s5], [sflag:$0xB] =	stream.linear.gather [hbm4b:s28+s4], $0x190, $0x38;
	[tilespmem:$0x13650] =	vst v63  }
0x11d: {  	v63 =	vld [tilespmem:$0x4B0];
	_ =	sdelay $0x7  }
0x11e: {  	[tilespmem:v63+s16+$0x0] =	vst.idx.add.f32.msk $0xffff, v42  }
0x11f: {  	v43 =	vld [tilespmem:$0x4C0];
	_ =	sdelay $0x7  }
0x120: {  	[tilespmem:v43+s16+$0x0] =	vst.idx.add.f32.msk $0xffff, v42  }
0x121: {  	v43 =	vld [tilespmem:$0x4D0];
	_ =	sdelay $0x7  }
0x122: {  	[tilespmem:v43+s16+$0x0] =	vst.idx.add.f32.msk $0xffff, v42  }
0x123: {  	v43 =	vld [tilespmem:$0x4E0];
	_ =	sdelay $0x7  }
0x124: {  	[tilespmem:v43+s16+$0x0] =	vst.idx.add.f32.msk $0xffff, v42  }
0x125: {  	v43 =	vld [tilespmem:$0x4F0];
	_ =	sdelay $0x7  }
0x126: {  	[tilespmem:v43+s16+$0x0] =	vst.idx.add.f32.msk $0xffff, v42  }
0x127: {  	v43 =	vld [tilespmem:$0x500];
	_ =	sdelay $0x7  }
0x128: {  	[tilespmem:v43+s16+$0x0] =	vst.idx.add.f32.msk $0xffff, v42  }
0x129: {  	v43 =	vld [tilespmem:$0x510];
	_ =	sdelay $0x7  }
0x12a: {  	[tilespmem:v43+s16+$0x0] =	vst.idx.add.f32.msk $0xffff, v42  }
0x12b: {  	v43 =	vld [tilespmem:$0x520];
	_ =	sdelay $0x7  }
0x12c: {  	[tilespmem:v43+s16+$0x0] =	vst.idx.add.f32.msk $0xffff, v42  }
0x12d: {  	v43 =	vld [tilespmem:$0x530];
	_ =	sdelay $0x7  }
0x12e: {  	[tilespmem:v43+s16+$0x0] =	vst.idx.add.f32.msk $0xffff, v42  }
0x12f: {  	v43 =	vld [tilespmem:$0x540];
	_ =	sdelay $0x7  }
0x130: {  	[tilespmem:v43+s16+$0x0] =	vst.idx.add.f32.msk $0xffff, v42  }
0x131: {  	v43 =	vld [tilespmem:$0x550];
	_ =	sdelay $0x7  }
0x132: {  	[tilespmem:v43+s16+$0x0] =	vst.idx.add.f32.msk $0xffff, v42  }
0x133: {  	v43 =	vld [tilespmem:$0x560];
	_ =	sdelay $0x7  }
0x134: {  	[tilespmem:v43+s16+$0x0] =	vst.idx.add.f32.msk $0xffff, v42  }
0x135: {  	v43 =	vld [tilespmem:$0x570];
	_ =	sdelay $0x7  }
0x136: {  	[tilespmem:v43+s16+$0x0] =	vst.idx.add.f32.msk $0xffff, v42  }
0x137: {  	v43 =	vld [tilespmem:$0x580];
	_ =	sdelay $0x7  }
0x138: {  	[tilespmem:v43+s16+$0x0] =	vst.idx.add.f32.msk $0xffff, v42  }
0x139: {  	v43 =	vld [tilespmem:$0x590];
	_ =	sdelay $0x7  }
0x13a: {  	[tilespmem:v43+s16+$0x0] =	vst.idx.add.f32.msk $0xffff, v42  }
0x13b: {  	v43 =	vld [tilespmem:$0x5A0];
	_ =	sdelay $0x7  }
0x13c: {  	[tilespmem:v43+s16+$0x0] =	vst.idx.add.f32.msk $0xffff, v42  }
0x13d: {  	v43 =	vld [tilespmem:$0x5B0];
	_ =	sdelay $0x7  }
0x13e: {  	[tilespmem:v43+s16+$0x0] =	vst.idx.add.f32.msk $0xffff, v42  }
0x13f: {  	v43 =	vld [tilespmem:$0x5C0];
	_ =	sdelay $0x7  }
0x140: {  	[tilespmem:v43+s16+$0x0] =	vst.idx.add.f32.msk $0xffff, v42  }
0x141: {  	v43 =	vld [tilespmem:$0x5D0];
	_ =	sdelay $0x7  }
0x142: {  	[tilespmem:v43+s16+$0x0] =	vst.idx.add.f32.msk $0xffff, v42  }
0x143: {  	v43 =	vld [tilespmem:$0x5E0];
	_ =	sdelay $0x7  }
0x144: {  	[tilespmem:v43+s16+$0x0] =	vst.idx.add.f32.msk $0xffff, v42  }
0x145: {  	v43 =	vld [tilespmem:$0x5F0];
	_ =	sdelay $0x7  }
0x146: {  	[tilespmem:v43+s16+$0x0] =	vst.idx.add.f32.msk $0xffff, v42  }
0x147: {  	v43 =	vld [tilespmem:$0x600];
	_ =	sdelay $0x7  }
0x148: {  	[tilespmem:v43+s16+$0x0] =	vst.idx.add.f32.msk $0xffff, v42  }
0x149: {  	v43 =	vld [tilespmem:$0x610];
	_ =	sdelay $0x7  }
0x14a: {  	[tilespmem:v43+s16+$0x0] =	vst.idx.add.f32.msk $0xffff, v42  }
0x14b: {  	v43 =	vld [tilespmem:$0x620];
	_ =	sdelay $0x7  }
0x14c: {  	[tilespmem:v43+s16+$0x0] =	vst.idx.add.f32.msk $0xffff, v42  }
0x14d: {  	v43 =	vld [tilespmem:$0x630];
	_ =	sdelay $0x7  }
0x14e: {  	[tilespmem:v43+s16+$0x0] =	vst.idx.add.f32.msk $0xffff, v42  }
0x14f: {  	_ =	swait.ge [sflag:s17], $0x1400  }
0x150: {  	[sflag:s17] =	ssyncset.done $0x0  }
0x151: {  	[sflag:s17] =	ssyncadd.s32 $0xFFFFEC00  }
0x152: {  	[spmem:s1] =	stream.indirect.scatter.add.bf16 [tilespmem:s22], [sflag:$0x6], $0x40, s8, s21, $0xb8;
	[tilespmem:$0x13650] =	vst v63  }
0x153: {  	_ =	swait.ge [sflag:s7], $0x1400  }
0x154: {  	[sflag:s7] =	ssyncset.done $0x0  }
0x155: {  	s28 =	rddreg [dreg:$0xc];
	[sflag:s7] =	ssyncadd.s32 $0xFFFFEC00  }
0x156: {  	[spmem:s1] =	stream.indirect.scatter.add.bf16 [tilespmem:s24], [sflag:$0x7], $0x40, s28, s21, $0xb8;
	[tilespmem:$0x13650] =	vst v63  }
0x157: {  	_ =	swait.ge [sflag:s18], $0x1400  }
0x158: {  	[sflag:s18] =	ssyncset.done $0x0  }
0x159: {  	s28 =	rddreg [dreg:$0xd];
	[sflag:s18] =	ssyncadd.s32 $0xFFFFEC00  }
0x15a: {  	[spmem:s1] =	stream.indirect.scatter.add.bf16 [tilespmem:s26], [sflag:$0x8], $0x40, s28, s21, $0xb8;
	[tilespmem:$0x13650] =	vst v63  }
0x15b: {  	_ =	swait.ge [sflag:s3], $0x1400  }
0x15c: {  	[sflag:s3] =	ssyncset.done $0x0  }
0x15d: {  	s28 =	rddreg [dreg:$0xe];
	[sflag:s3] =	ssyncadd.s32 $0xFFFFEC00  }
0x15e: {  	[spmem:s1] =	stream.indirect.scatter.add.bf16 [tilespmem:s29], [sflag:$0x9], $0x40, s28, s21, $0xb8;
	[tilespmem:$0x13650] =	vst v63  }
0x15f: {  	_ =	swait.ge [sflag:s23], $0x1400  }
0x160: {  	[sflag:s23] =	ssyncset.done $0x0  }
0x161: {  	s28 =	rddreg [dreg:$0xf];
	[sflag:s23] =	ssyncadd.s32 $0xFFFFEC00  }
0x162: {  	[spmem:s1] =	stream.indirect.scatter.add.bf16 [tilespmem:s31], [sflag:$0xA], $0x40, s28, s21, $0xb8;
	[tilespmem:$0x13650] =	vst v63  }
0x163: {  	p1 =	sne.s32 s25, $0x44C;
	_ =	swait.ge [sflag:s20], $0x190  }
.Ltmp2:
0x164: {  	[sflag:s20] =	ssyncset.done $0x0;
	(pc) =	sbr.rel @p1 .LBB2_6-.Ltmp2, $4  }
0x165: {  	[sflag:s20] =	ssyncadd.s32 $0xFFFFFE70  }
0x166: {  	_ =	swait.ge [sflag:s20], $0x190  }
0x167: {  	s12 =	sadd.s32 $0x320, s12;
	s30 =	simm.s32 $0xF0;
	[sflag:s20] =	ssyncset.done $0x0  }
0x168: {  	s25 =	sadd.s32 $0x64, s25;
	s28 =	simm.s32 $0xA0;
	[sflag:s20] =	ssyncadd.s32 $0xFFFFFE70  }
0x169: {  	_ =	swait.ge [sflag:s2], $0x1400  }
0x16a: {  	[sflag:s2] =	ssyncset.done $0x0  }
0x16b: {  	[sflag:s2] =	ssyncadd.s32 $0xFFFFEC00  }
0x16c: {  	[tilespmem:s22], [sflag:$0x1] =	stream.indirect.gather [hbm4b:s0+s21], $0x40, s4, s21, $0xb8;
	[tilespmem:$0x13650] =	vst v63  }
0x16d: {  	_ =	swait.ge [sflag:s6], $0x1400  }
0x16e: {  	[sflag:s6] =	ssyncset.done $0x0  }
0x16f: {  	[sflag:s6] =	ssyncadd.s32 $0xFFFFEC00  }
0x170: {  	[tilespmem:s24], [sflag:$0x2] =	stream.indirect.gather [hbm4b:s0+s21], $0x40, s21, s21, $0xb8;
	[tilespmem:$0x13650] =	vst v63  }
0x171: {  	_ =	swait.ge [sflag:s9], $0x1400  }
0x172: {  	[sflag:s9] =	ssyncset.done $0x0  }
0x173: {  	[sflag:s9] =	ssyncadd.s32 $0xFFFFEC00  }
0x174: {  	[tilespmem:s26], [sflag:$0x3] =	stream.indirect.gather [hbm4b:s0+s21], $0x40, s28, s21, $0xb8;
	[tilespmem:$0x13650] =	vst v63  }
0x175: {  	_ =	swait.ge [sflag:s11], $0x1400  }
0x176: {  	[sflag:s11] =	ssyncset.done $0x0  }
0x177: {  	[sflag:s11] =	ssyncadd.s32 $0xFFFFEC00  }
0x178: {  	[tilespmem:s29], [sflag:$0x4] =	stream.indirect.gather [hbm4b:s0+s21], $0x40, s30, s21, $0xb8;
	[tilespmem:$0x13650] =	vst v63  }
0x179: {  	_ =	swait.ge [sflag:s13], $0x1400  }
0x17a: {  	[sflag:s13] =	ssyncset.done $0x0  }
0x17b: {  	[sflag:s13] =	ssyncadd.s32 $0xFFFFEC00  }
0x17c: {  	[tilespmem:s31], [sflag:$0x5] =	stream.indirect.gather [hbm4b:s0+s21], $0x40, s14, s21, $0xb8;
	[tilespmem:$0x13650] =	vst v63  }
0x17d: {  	s12 =	rddreg [dreg:$0x15]  }
0x17e: {  	[tilespmem:s15], [sflag:$0xC] =	stream.linear.gather [hbm4b:s12+s4], $0x190, $0x38;
	[tilespmem:$0x13650] =	vst v63  }
0x17f: {  	s14 =	rddreg [dreg:$0x16]  }
0x180: {  	[tilespmem:s8], [sflag:$0xC] =	stream.linear.gather [hbm4b:s14+s4], $0x190, $0x38;
	[tilespmem:$0x13650] =	vst v63  }
0x181: {  	v43 =	vld [tilespmem:$0x320];
	_ =	sdelay $0x7  }
0x182: {  	[tilespmem:v43+s16+$0x0] =	vst.idx.add.f32.msk $0xffff, v42  }
0x183: {  	v43 =	vld [tilespmem:$0x330];
	_ =	sdelay $0x7  }
0x184: {  	[tilespmem:v43+s16+$0x0] =	vst.idx.add.f32.msk $0xffff, v42  }
0x185: {  	v43 =	vld [tilespmem:$0x340];
	_ =	sdelay $0x7  }
0x186: {  	[tilespmem:v43+s16+$0x0] =	vst.idx.add.f32.msk $0xffff, v42  }
0x187: {  	v43 =	vld [tilespmem:$0x350];
	_ =	sdelay $0x7  }
0x188: {  	[tilespmem:v43+s16+$0x0] =	vst.idx.add.f32.msk $0xffff, v42  }
0x189: {  	v43 =	vld [tilespmem:$0x360];
	_ =	sdelay $0x7  }
0x18a: {  	[tilespmem:v43+s16+$0x0] =	vst.idx.add.f32.msk $0xffff, v42  }
0x18b: {  	v43 =	vld [tilespmem:$0x370];
	_ =	sdelay $0x7  }
0x18c: {  	[tilespmem:v43+s16+$0x0] =	vst.idx.add.f32.msk $0xffff, v42  }
0x18d: {  	v43 =	vld [tilespmem:$0x380];
	_ =	sdelay $0x7  }
0x18e: {  	[tilespmem:v43+s16+$0x0] =	vst.idx.add.f32.msk $0xffff, v42  }
0x18f: {  	v43 =	vld [tilespmem:$0x390];
	_ =	sdelay $0x7  }
0x190: {  	[tilespmem:v43+s16+$0x0] =	vst.idx.add.f32.msk $0xffff, v42  }
0x191: {  	v43 =	vld [tilespmem:$0x3A0];
	_ =	sdelay $0x7  }
0x192: {  	[tilespmem:v43+s16+$0x0] =	vst.idx.add.f32.msk $0xffff, v42  }
0x193: {  	v43 =	vld [tilespmem:$0x3B0];
	_ =	sdelay $0x7  }
0x194: {  	[tilespmem:v43+s16+$0x0] =	vst.idx.add.f32.msk $0xffff, v42  }
0x195: {  	v43 =	vld [tilespmem:$0x3C0];
	_ =	sdelay $0x7  }
0x196: {  	[tilespmem:v43+s16+$0x0] =	vst.idx.add.f32.msk $0xffff, v42  }
0x197: {  	v43 =	vld [tilespmem:$0x3D0];
	_ =	sdelay $0x7  }
0x198: {  	[tilespmem:v43+s16+$0x0] =	vst.idx.add.f32.msk $0xffff, v42  }
0x199: {  	v43 =	vld [tilespmem:$0x3E0];
	_ =	sdelay $0x7  }
0x19a: {  	[tilespmem:v43+s16+$0x0] =	vst.idx.add.f32.msk $0xffff, v42  }
0x19b: {  	v43 =	vld [tilespmem:$0x3F0];
	_ =	sdelay $0x7  }
0x19c: {  	[tilespmem:v43+s16+$0x0] =	vst.idx.add.f32.msk $0xffff, v42  }
0x19d: {  	v43 =	vld [tilespmem:$0x400];
	_ =	sdelay $0x7  }
0x19e: {  	[tilespmem:v43+s16+$0x0] =	vst.idx.add.f32.msk $0xffff, v42  }
0x19f: {  	v43 =	vld [tilespmem:$0x410];
	_ =	sdelay $0x7  }
0x1a0: {  	[tilespmem:v43+s16+$0x0] =	vst.idx.add.f32.msk $0xffff, v42  }
0x1a1: {  	v43 =	vld [tilespmem:$0x420];
	_ =	sdelay $0x7  }
0x1a2: {  	[tilespmem:v43+s16+$0x0] =	vst.idx.add.f32.msk $0xffff, v42  }
0x1a3: {  	v43 =	vld [tilespmem:$0x430];
	_ =	sdelay $0x7  }
0x1a4: {  	[tilespmem:v43+s16+$0x0] =	vst.idx.add.f32.msk $0xffff, v42  }
0x1a5: {  	v43 =	vld [tilespmem:$0x440];
	_ =	sdelay $0x7  }
0x1a6: {  	[tilespmem:v43+s16+$0x0] =	vst.idx.add.f32.msk $0xffff, v42  }
0x1a7: {  	v43 =	vld [tilespmem:$0x450];
	_ =	sdelay $0x7  }
0x1a8: {  	[tilespmem:v43+s16+$0x0] =	vst.idx.add.f32.msk $0xffff, v42  }
0x1a9: {  	v43 =	vld [tilespmem:$0x460];
	_ =	sdelay $0x7  }
0x1aa: {  	[tilespmem:v43+s16+$0x0] =	vst.idx.add.f32.msk $0xffff, v42  }
0x1ab: {  	v43 =	vld [tilespmem:$0x470];
	_ =	sdelay $0x7  }
0x1ac: {  	[tilespmem:v43+s16+$0x0] =	vst.idx.add.f32.msk $0xffff, v42  }
0x1ad: {  	v43 =	vld [tilespmem:$0x480];
	_ =	sdelay $0x7  }
0x1ae: {  	[tilespmem:v43+s16+$0x0] =	vst.idx.add.f32.msk $0xffff, v42  }
0x1af: {  	v43 =	vld [tilespmem:$0x490];
	_ =	sdelay $0x7  }
0x1b0: {  	[tilespmem:v43+s16+$0x0] =	vst.idx.add.f32.msk $0xffff, v42  }
0x1b1: {  	v43 =	vld [tilespmem:$0x4A0];
	_ =	sdelay $0x7  }
0x1b2: {  	[tilespmem:v43+s16+$0x0] =	vst.idx.add.f32.msk $0xffff, v42  }
0x1b3: {  	_ =	swait.ge [sflag:s17], $0x1400  }
0x1b4: {  	[sflag:s17] =	ssyncset.done $0x0  }
0x1b5: {  	[sflag:s17] =	ssyncadd.s32 $0xFFFFEC00  }
0x1b6: {  	[spmem:s1] =	stream.indirect.scatter.add.bf16 [tilespmem:s22], [sflag:$0x6], $0x40, s5, s21, $0xb8;
	[tilespmem:$0x13650] =	vst v63  }
0x1b7: {  	_ =	swait.ge [sflag:s7], $0x1400  }
0x1b8: {  	[sflag:s7] =	ssyncset.done $0x0  }
0x1b9: {  	s25 =	simm.s32 $0x370;
	[sflag:s7] =	ssyncadd.s32 $0xFFFFEC00  }
0x1ba: {  	[spmem:s1] =	stream.indirect.scatter.add.bf16 [tilespmem:s24], [sflag:$0x7], $0x40, s25, s21, $0xb8;
	[tilespmem:$0x13650] =	vst v63  }
0x1bb: {  	_ =	swait.ge [sflag:s18], $0x1400  }
0x1bc: {  	[sflag:s18] =	ssyncset.done $0x0  }
0x1bd: {  	s12 =	simm.s32 $0x3C0;
	[sflag:s18] =	ssyncadd.s32 $0xFFFFEC00  }
0x1be: {  	[spmem:s1] =	stream.indirect.scatter.add.bf16 [tilespmem:s26], [sflag:$0x8], $0x40, s12, s21, $0xb8;
	[tilespmem:$0x13650] =	vst v63  }
0x1bf: {  	_ =	swait.ge [sflag:s3], $0x1400  }
0x1c0: {  	[sflag:s3] =	ssyncset.done $0x0  }
0x1c1: {  	s14 =	simm.s32 $0x410;
	[sflag:s3] =	ssyncadd.s32 $0xFFFFEC00  }
0x1c2: {  	[spmem:s1] =	stream.indirect.scatter.add.bf16 [tilespmem:s29], [sflag:$0x9], $0x40, s14, s21, $0xb8;
	[tilespmem:$0x13650] =	vst v63  }
0x1c3: {  	_ =	swait.ge [sflag:s23], $0x1400  }
0x1c4: {  	[sflag:s23] =	ssyncset.done $0x0  }
0x1c5: {  	s25 =	simm.s32 $0x460;
	[sflag:s23] =	ssyncadd.s32 $0xFFFFEC00  }
0x1c6: {  	[spmem:s1] =	stream.indirect.scatter.add.bf16 [tilespmem:s31], [sflag:$0xA], $0x40, s25, s21, $0xb8;
	[tilespmem:$0x13650] =	vst v63  }
0x1c7: {  	_ =	swait.ge [sflag:s10], $0x190  }
0x1c8: {  	[sflag:s10] =	ssyncset.done $0x0  }
0x1c9: {  	[sflag:s10] =	ssyncadd.s32 $0xFFFFFE70  }
0x1ca: {  	_ =	swait.ge [sflag:s10], $0x190  }
0x1cb: {  	[sflag:s10] =	ssyncset.done $0x0  }
0x1cc: {  	[sflag:s10] =	ssyncadd.s32 $0xFFFFFE70  }
0x1cd: {  	_ =	swait.ge [sflag:s2], $0x1400  }
0x1ce: {  	[sflag:s2] =	ssyncset.done $0x0  }
0x1cf: {  	[sflag:s2] =	ssyncadd.s32 $0xFFFFEC00  }
0x1d0: {  	_ =	swait.ge [sflag:s6], $0x1400  }
0x1d1: {  	[sflag:s6] =	ssyncset.done $0x0  }
0x1d2: {  	[sflag:s6] =	ssyncadd.s32 $0xFFFFEC00  }
0x1d3: {  	_ =	swait.ge [sflag:s9], $0x1400  }
0x1d4: {  	[sflag:s9] =	ssyncset.done $0x0  }
0x1d5: {  	[sflag:s9] =	ssyncadd.s32 $0xFFFFEC00  }
0x1d6: {  	_ =	swait.ge [sflag:s11], $0x1400  }
0x1d7: {  	[sflag:s11] =	ssyncset.done $0x0  }
0x1d8: {  	[sflag:s11] =	ssyncadd.s32 $0xFFFFEC00  }
0x1d9: {  	_ =	swait.ge [sflag:s13], $0x1400  }
0x1da: {  	[sflag:s13] =	ssyncset.done $0x0  }
0x1db: {  	[sflag:s13] =	ssyncadd.s32 $0xFFFFEC00  }
0x1dc: {  	[bflag:$0x0] =	sbarrier.arrive $0xFFFF  }
0x1dd: {  	s25 =	rddreg [dreg:$0x11]  }
0x1de: {  	s5 =	rddreg [dreg:$0x17]  }
0x1df: {  	s14 =	rddreg [dreg:$0x1b]  }
0x1e0: {  	[hbm:s5], [sflag:s25] =	dma.local [spmem:s14], $0x1400  }
0x1e1: {  	s5 =	simm.s32 $0xD  }
0x1e2: {  	_ =	swait.ge [sflag:s5], $0x1400  }
0x1e3: {  	[sflag:s5] =	ssyncset.done $0x0  }
0x1e4: {  	[sflag:s5] =	ssyncadd.s32 $0xFFFFEC00  }
0x1e5: {  	s12 =	simm.s32 $0x133D0;
	s5 =	simm.s32 $0x7D;
	s28 =	rddreg [dreg:$0x3]  }
0x1e6: {  	[spmem:s28] =	stream.indirect.scatter.add.f32 [tilespmem:s16], [sflag:$0xB], $0x10, s12, s5, $0xb8;
	[tilespmem:$0x13650] =	vst v63  }
0x1e7: {  	s30 =	simm.s32 $0x11490;
	s12 =	simm.s32 $0x13450  }
0x1e8: {  	[spmem:s28] =	stream.indirect.scatter.add.f32 [tilespmem:s30], [sflag:$0xB], $0x10, s12, s5, $0xb8;
	[tilespmem:$0x13650] =	vst v63  }
0x1e9: {  	s12 =	simm.s32 $0x134D0;
	s30 =	simm.s32 $0x11C60  }
0x1ea: {  	[spmem:s28] =	stream.indirect.scatter.add.f32 [tilespmem:s30], [sflag:$0xB], $0x10, s12, s5, $0xb8;
	[tilespmem:$0x13650] =	vst v63  }
0x1eb: {  	s12 =	simm.s32 $0x13550;
	s30 =	simm.s32 $0x12430  }
0x1ec: {  	[spmem:s28] =	stream.indirect.scatter.add.f32 [tilespmem:s30], [sflag:$0xB], $0x10, s12, s5, $0xb8;
	[tilespmem:$0x13650] =	vst v63  }
0x1ed: {  	s12 =	simm.s32 $0x135D0;
	s30 =	simm.s32 $0x12C00  }
0x1ee: {  	[spmem:s28] =	stream.indirect.scatter.add.f32 [tilespmem:s30], [sflag:$0xB], $0x10, s12, s5, $0xb8;
	[tilespmem:$0x13650] =	vst v63  }
0x1ef: {  	_ =	swait.ge [sflag:s20], $0x7D0  }
0x1f0: {  	[sflag:s20] =	ssyncset.done $0x0  }
0x1f1: {  	[sflag:s20] =	ssyncadd.s32 $0xFFFFF830  }
0x1f2: {  	_ =	swait.ge [sflag:s20], $0x7D0  }
0x1f3: {  	[sflag:s20] =	ssyncset.done $0x0  }
0x1f4: {  	[sflag:s20] =	ssyncadd.s32 $0xFFFFF830  }
0x1f5: {  	_ =	swait.ge [sflag:s20], $0x7D0  }
0x1f6: {  	[sflag:s20] =	ssyncset.done $0x0  }
0x1f7: {  	[sflag:s20] =	ssyncadd.s32 $0xFFFFF830  }
0x1f8: {  	_ =	swait.ge [sflag:s20], $0x7D0  }
0x1f9: {  	[sflag:s20] =	ssyncset.done $0x0  }
0x1fa: {  	[sflag:s20] =	ssyncadd.s32 $0xFFFFF830  }
0x1fb: {  	_ =	swait.ge [sflag:s20], $0x7D0  }
0x1fc: {  	[sflag:s20] =	ssyncset.done $0x0  }
0x1fd: {  	[sflag:s20] =	ssyncadd.s32 $0xFFFFF830  }
0x1fe: {  	[bflag:$0x0] =	sbarrier.arrive $0xFFFF  }
0x1ff: {  	s12 =	sshrl.u32 @!p0 s28, $0x3;
	s30 =	rddreg [dreg:$0x18]  }
0x200: {  	[hbm:s30], [sflag:s25] =	dma.local @!p0 [spmem:s12], $0x500  }
0x201: {  	s12 =	simm.s32 @!p0 $0xD  }
0x202: {  	_ =	swait.ge @!p0 [sflag:s12], $0x500  }
0x203: {  	s5 =	rddreg [dreg:$0x1c]  }
0x204: {  	s30 =	rddreg [dreg:$0x19];
	s5 =	sadd.s32 $0x1, s5  }
0x205: {  	p1 =	sne.s32 s5, s30  }
.Ltmp3:
0x206: {  	_ = 	snop;
	(pc) =	sbr.rel @p1 .LBB2_1-.Ltmp3, $3  }
0x207: {  	_ =	sdelay $0x1  }
0x208: {  	[sflag:s12] =	ssyncset.done @!p0 $0x0  }
0x209: {  	[sflag:s12] =	ssyncadd.s32 @!p0 $0xFFFFFB00;
	s30 =	smov.u32 s14;
	s14 =	simm.s32 $0xD  }
0x20a: {  	_ =	sfence.sel $0x180000  }
0x20b: {  	[bflag:$0x0] =	sbarrier.arrive $0xFFFF  }
0x20c: {  	_ =	strace $0x90000047  }
0x20d: {  	[bflag:$0x2] =	sbarrier.arrive $0xFFFF  }
0x20e: {  	s0 =	rddreg [dreg:$0x4]  }
0x20f: {  	s0 =	sadd.s32 @!p0 $0x100000, s0  }
0x210: {  	[sflag:s0] =	ssyncadd.tile.s32 @!p0 $0x1;
	_ =	shalt  }
.Lfunc_end2:
_tile_overlayer_lowered:
.L_overlay_start_2:
0x211: {  	(tag) =	ssettag $0x2  }
0x212: {  	s0 =	rddreg [dreg:$0x0];
	s2 =	stileid.u32  }
0x213: {  	s1 =	rddreg [dreg:$0x1];
	p0 =	sne.s32 s2, $0x0  }
0x214: {  	s3 =	rddreg [dreg:$0x2];
	[bflag:$0x3] =	sbarrier.arrive $0xFFFF;
	s2 =	simm.s32 @!p0 $0x1C0D  }
0x215: {  	[timem:s3], [sflag:s2] =	dma.local @!p0 [hbm:s0], s1  }
0x216: {  	s0 =	simm.s32 @!p0 $0xD  }
0x217: {  	_ =	swait.ge @!p0 [sflag:s0], s1  }
0x218: {  	s1 =	ssub.s32 @!p0 $0x0, s1;
	[sflag:s0] =	ssyncset.done @!p0 $0x0  }
0x219: {  	[sflag:s0] =	ssyncadd.s32 @!p0 s1  }
0x21a: {  	[bflag:$0x3] =	sbarrier.arrive $0xFFFF  }
0x21b: {  	_ =	shalt  }

// kernel: sage_sc_agg64.3.cloned.1.call-start
scs
__scs_entry_jumppad:
0x0: {  	(pc) =	sbr.rel $0x88, $3  }
0x1: {  	(tag) =	ssettag $0x0;
	lr =	simm.s32 $0x1  }
0x2: {  	[smem:$0x3F99] =	sst lr;
	_ =	strace $0xD0000000  }
0x3: {  	_ = 	snop  }
0x4: {  	_ = 	snop  }
0x5: {  	_ = 	snop  }
0x6: {  	_ = 	snop  }
0x7: {  	_ = 	snop  }
__scs_overlays_trampoline_lowered:
0x8: {  	[smem:$0x3FA8] =	sst s0  }
0x9: {  	[smem:$0x3FA9] =	sst s1  }
0xa: {  	[smem:$0x3FAA] =	sst s2  }
0xb: {  	[smem:$0x3FAB] =	sst s3  }
0xc: {  	[smem:$0x3FAC] =	sst s4  }
0xd: {  	[smem:$0x3FAD] =	sst s5  }
0xe: {  	[smem:$0x3FAE] =	sst s6  }
0xf: {  	[smem:$0x3FAF] =	sst s7  }
0x10: {  	[smem:$0x3FB0] =	sst s8  }
0x11: {  	[smem:$0x3FB1] =	sst s9;
	s0 =	simm.s32 @!p0 $0x0  }
0x12: {  	s1 =	sld [smem:$0x3F97];
	s0 =	simm.s32 @p0 $0x1  }
0x13: {  	[smem:$0x3FB2] =	sst s0;
	s0 =	simm.s32 @!p1 $0x0  }
0x14: {  	s2 =	sld [smem:$0x3F96];
	s0 =	simm.s32 @p1 $0x1  }
0x15: {  	[smem:$0x3FB3] =	sst s0;
	s0 =	simm.s32 @!p2 $0x0  }
0x16: {  	s3 =	sld [smem:$0x3FDB];
	s0 =	simm.s32 @p2 $0x1  }
0x17: {  	s4 =	simm.s32 $0x1BF5;
	[smem:$0x3FB5] =	sst s0  }
0x18: {  	s0 =	sld [smem:$0x3F98];
	_ =	swait.ge [sflag:s4], $0x0  }
0x19: {  	s7 =	sld [smem:$0x3F99]  }
0x1a: {  	s8 =	sadd.s32 $0xFFFFE003, lr  }
0x1b: {  	s9 =	sadd.s32 $0xFFFFFEF7, lr;
	s5 =	simm.s32 $0xFFFFFFFF;
	p2 =	slt.u32 s8, $0xFFFFF086  }
0x1c: {  	p1 =	slt.u32 s9, $0xF7A;
	s5 =	simm.s32 @!p2 $0x0  }
0x1d: {  	s5 =	simm.s32 @p1 $0x1;
	p0 =	seq.s32 s7, s2  }
0x1e: {  	s7 =	smul.u32 @!p0 $0xF7A, s2;
	p2 =	seq.s32 @!p0 s5, $0x0  }
0x1f: {  	s9 =	smul.u32 $0xF7A, s1;
	s8 =	simm.s32 @!p0 $0x1BF5;
	p2 =	por !p2, p0  }
0x20: {  	[sflag:s8] =	ssyncset.s32 @!p0 $0xFFFFF086;
	s6 =	sadd.s32 @!p0 s3, s7;
	s7 =	simm.s32 @!p0 $0x108  }
0x21: {  	s3 =	sadd.s32 s3, s9;
	s6 =	sadd.s32 @!p0 $0x88, s6;
	s7 =	simm.s32 @p2 $0x1082  }
0x22: {  	[simem:s7], [sflag:s8] =	dma.local @!p0 [hbm:s6], $0xF7A  }
0x23: {  	s9 =	sor.u32 $0xD0000000, s2;
	s6 =	simm.s32 $0x108;
	_ =	swait.ge @!p0 [sflag:s8], $0x0  }
0x24: {  	s3 =	sadd.s32 $0x88, s3;
	s6 =	simm.s32 @!p1 $0x1082;
	[sflag:s4] =	ssyncset.s32 $0xFFFFF086  }
0x25: {  	[simem:s6], [sflag:s4] =	dma.local [hbm:s3], $0xF7A  }
0x26: {  	[smem:$0x3F99] =	sst s1;
	(tag) =	ssettag s2;
	_ =	strace s9  }
0x27: {  	s1 =	sld [smem:$0x3FA9]  }
0x28: {  	s2 =	sld [smem:$0x3FAA]  }
0x29: {  	s4 =	sld [smem:$0x3FAC]  }
0x2a: {  	p0 =	seq.s32 s5, $0x0;
	s5 =	sld [smem:$0x3FAD]  }
0x2b: {  	s6 =	sld [smem:$0x3FAE]  }
0x2c: {  	s7 =	sld [smem:$0x3FAF]  }
0x2d: {  	s3 =	simm.s32 $0x108;
	s8 =	sld [smem:$0x3FB0]  }
0x2e: {  	s3 =	simm.s32 @!p0 $0x1082;
	s9 =	sld [smem:$0x3FB1]  }
0x2f: {  	lr =	sadd.s32 s0, s3;
	s0 =	sld [smem:$0x3FA8]  }
0x30: {  	s3 =	sld [smem:$0x3FAB]  }
0x31: {  	[smem:$0x3FB4] =	sst s10  }
0x32: {  	s10 =	sld [smem:$0x3FB2];
	_ =	sdelay $0x3  }
0x33: {  	p0 =	seq.s32 s10, $0x1;
	s10 =	sld [smem:$0x3FB4];
	_ =	sdelay $0x3  }
0x34: {  	[smem:$0x3FB4] =	sst s10  }
0x35: {  	s10 =	sld [smem:$0x3FB3];
	_ =	sdelay $0x3  }
0x36: {  	p1 =	seq.s32 s10, $0x1;
	s10 =	sld [smem:$0x3FB4];
	_ =	sdelay $0x3  }
0x37: {  	[smem:$0x3FB4] =	sst s10  }
0x38: {  	s10 =	sld [smem:$0x3FB5]  }
0x39: {  	_ = 	snop;
	(pc) =	sbr.ind lr, $3  }
0x3a: {  	_ = 	snop  }
0x3b: {  	_ = 	snop  }
0x3c: {  	p2 =	seq.s32 s10, $0x1;
	s10 =	sld [smem:$0x3FB4]  }
0x3d: {  	_ =	shalt  }
0x3e: {  	_ =	shalt  }
0x3f: {  	_ =	shalt  }
0x40: {  	_ =	shalt  }
0x41: {  	_ =	shalt  }
0x42: {  	_ =	shalt  }
0x43: {  	_ =	shalt  }
0x44: {  	_ =	shalt  }
0x45: {  	_ =	shalt  }
0x46: {  	_ =	shalt  }
0x47: {  	_ =	shalt  }
0x48: {  	_ =	shalt  }
0x49: {  	_ =	shalt  }
0x4a: {  	_ =	shalt  }
0x4b: {  	_ =	shalt  }
0x4c: {  	_ =	shalt  }
0x4d: {  	_ =	shalt  }
0x4e: {  	_ =	shalt  }
0x4f: {  	_ =	shalt  }
0x50: {  	_ =	shalt  }
0x51: {  	_ =	shalt  }
0x52: {  	_ =	shalt  }
0x53: {  	_ =	shalt  }
0x54: {  	_ =	shalt  }
0x55: {  	_ =	shalt  }
0x56: {  	_ =	shalt  }
0x57: {  	_ =	shalt  }
0x58: {  	_ =	shalt  }
0x59: {  	_ =	shalt  }
0x5a: {  	_ =	shalt  }
0x5b: {  	_ =	shalt  }
0x5c: {  	_ =	shalt  }
0x5d: {  	_ =	shalt  }
0x5e: {  	_ =	shalt  }
0x5f: {  	_ =	shalt  }
0x60: {  	_ =	shalt  }
0x61: {  	_ =	shalt  }
0x62: {  	_ =	shalt  }
0x63: {  	_ =	shalt  }
0x64: {  	_ =	shalt  }
0x65: {  	_ =	shalt  }
0x66: {  	_ =	shalt  }
0x67: {  	_ =	shalt  }
0x68: {  	_ =	shalt  }
0x69: {  	_ =	shalt  }
0x6a: {  	_ =	shalt  }
0x6b: {  	_ =	shalt  }
0x6c: {  	_ =	shalt  }
0x6d: {  	_ =	shalt  }
0x6e: {  	_ =	shalt  }
0x6f: {  	_ =	shalt  }
0x70: {  	_ =	shalt  }
0x71: {  	_ =	shalt  }
0x72: {  	_ =	shalt  }
0x73: {  	_ =	shalt  }
0x74: {  	_ =	shalt  }
0x75: {  	_ =	shalt  }
0x76: {  	_ =	shalt  }
0x77: {  	_ =	shalt  }
0x78: {  	_ =	shalt  }
0x79: {  	_ =	shalt  }
0x7a: {  	_ =	shalt  }
0x7b: {  	_ =	shalt  }
0x7c: {  	_ =	shalt  }
0x7d: {  	_ =	shalt  }
0x7e: {  	_ =	shalt  }
0x7f: {  	_ =	shalt  }
0x80: {  	_ =	shalt  }
0x81: {  	_ =	shalt  }
0x82: {  	_ =	shalt  }
0x83: {  	_ =	shalt  }
0x84: {  	_ =	shalt  }
0x85: {  	_ =	shalt  }
0x86: {  	_ =	shalt  }
0x87: {  	_ =	shalt  }
.Lfunc_end0:
.L_simem_size_0:
called_computation.1_lowered:
.L_overlay_start_0:
0x88: {  	s2 =	sld [smem:$0x3FD9]  }
0x89: {  	s3 =	sld [smem:$0x3FFE];
	_ =	sdelay $0x1  }
0x8a: {  	s1 =	srdreg.scid  }
0x8b: {  	s0 =	sand.u32 $0x1, s1  }
0x8c: {  	s17 =	sshll.u32 s0, $0xA;
	s2 =	sadd.s32 s3, s2  }
0x8d: {  	s2 =	sadd.s32 s2, s17  }
0x8e: {  	[smem:$0x3FC0] =	sst s2  }
0x8f: {  	_ = 	snop  }
0x90: {  	s2 =	sld [smem:$0x3FD0];
	(tm) =	ssettm $0x1  }
0x91: {  	s18 =	sld [smem:$0x3FFB];
	_ =	sdelay $0x3  }
0x92: {  	_ =	strace s18  }
0x93: {  	s3 =	sld [smem:$0x3FFC];
	_ =	sdelay $0x3  }
0x94: {  	_ =	strace s3  }
0x95: {  	s3 =	sld [smem:$0x3FFD];
	_ =	sdelay $0x3  }
0x96: {  	_ =	strace s3  }
0x97: {  	_ =	strace $0x8FFFFFFF  }
0x98: {  	s19 =	sld [smem:$0x3FDB];
	_ =	sdelay $0x1  }
0x99: {  	s4 =	simm.s32 $_scs_section_size  }
0x9a: {  	s5 =	simm.s32 $_size__tile_overlayer_lowered;
	s6 =	simm.s32 $_tile_overlayer_lowered  }
0x9b: {  	s22 =	simm.s32 $0x1BFF;
	s21 =	sshll.u32 s6, $0x1;
	s3 =	sadd.s32 s4, s19  }
0x9c: {  	s7 =	simm.s32 $0x0;
	s20 =	sshll.u32 s5, $0x1;
	s5 =	sadd.s32 s21, s3  }
0x9d: {  	[timem:s7], [sflag:s22] =	dma.local [hbm:s5], s20  }
0x9e: {  	_ =	swait.ge [sflag:s22], s20  }
0x9f: {  	s4 =	ssub.s32 $0x0, s20;
	[sflag:s22] =	ssyncset.done $0x0  }
0xa0: {  	[sflag:s22] =	ssyncadd.s32 s4;
	_ =	sdelay $0x1  }
0xa1: {  	s23 =	simm.s32 $0x1B8B  }
0xa2: {  	_ =	swait.ge [sflag:s23], $0x1  }
0xa3: {  	[sflag:s23] =	ssyncset.done $0x0  }
0xa4: {  	s25 =	simm.s32 $0x1B8E;
	s24 =	sld [smem:$0x3FFE];
	[sflag:s23] =	ssyncadd.s32 $0xFFFFFFFF  }
0xa5: {  	s26 =	simm.s32 $execute0_lowered;
	[smem:$0x3FD2] =	sst s25  }
0xa6: {  	s5 =	sshll.u32 s26, $0x1;
	_ =	strace $0x80000049;
	[dreg:$0x1] =	wrdreg $0xFFFFFFFF  }
0xa7: {  	s28 =	simm.s32 $_size_execute0_lowered;
	s3 =	sadd.s32 s3, s5;
	[dreg:$0x0] =	wrdreg $0x0  }
0xa8: {  	s5 =	sshll.u32 s28, $0x1;
	[dreg:$0x2] =	wrdreg s3  }
0xa9: {  	[dreg:$0x3] =	wrdreg s5  }
0xaa: {  	[dreg:$0x4] =	wrdreg $0xC0  }
0xab: {  	_ =	task [dreg:s7], $0x5FFFF  }
0xac: {  	[dreg:$0x1] =	wrdreg $0xFFFFFFFF  }
0xad: {  	[dreg:$0x0] =	wrdreg $0x60  }
0xae: {  	[dreg:$0x2] =	wrdreg s2  }
0xaf: {  	[dreg:$0x3] =	wrdreg s24  }
0xb0: {  	[dreg:$0x4] =	wrdreg $0x38400  }
0xb1: {  	[dreg:$0x5] =	wrdreg $0x9  }
0xb2: {  	_ =	task.clear_ibuf [dreg:s7], $0x6FFFF;
	_ =	strace $0x90000049  }
0xb3: {  	s29 =	simm.s32 $0x9;
	_ =	strace $0x8000004B  }
0xb4: {  	_ =	swait.ge [sflag:s29], $0x1  }
0xb5: {  	[sflag:s29] =	ssyncadd.s32 $0xFFFFFFFF  }
0xb6: {  	_ =	strace $0x9000004B  }
0xb7: {  	_ =	sfence  }
0xb8: {  	s30 =	sld [smem:$0x0];
	_ =	sdelay $0x2  }
0xb9: {  	s31 =	sshll.u32 s1, $0xD;
	s1 =	sshrl.u32 s1, $0x2  }
0xba: {  	s3 =	sand.u32 $0x4000, s31;
	s1 =	sadd.s32 s1, s30  }
0xbb: {  	s0 =	sor.u32 s3, s0;
	s1 =	sshll.u32 s1, $0x11  }
0xbc: {  	s0 =	sor.u32 s1, s0  }
0xbd: {  	s0 =	sadd.s32 $0x8F2B, s0  }
0xbe: {  	[sflag:s0] =	ssyncadd.remote.s32 $0x1  }
0xbf: {  	_ =	sfence.sel $0xFFFF  }
0xc0: {  	[dreg:$0x0] =	wrdreg $0xFFFFFFFF;
	(pc) =	sbr.abs _section_cstart, $3  }
0xc1: {  	[dreg:$0x1] =	wrdreg $0xFFFFFFFF  }
0xc2: {  	_ =	task.clear_ibuf [dreg:s7], $0x2FFFF;
	_ =	strace $0x9FFFFFFF  }
0xc3: {  	(tm) =	ssettm $0x7FFFFFFF  }
tec
execute0_lowered:
.L_overlay_start_1:
0x0: {  	(tag) =	ssettag $0x1  }
0x1: {  	s1 =	rddreg [dreg:$0x0]  }
0x2: {  	s0 =	rddreg [dreg:$0x1]  }
0x3: {  	s3 =	rddreg [dreg:$0x2]  }
0x4: {  	s2 =	srdreg.scid;
	s11 =	stileid.u32  }
0x5: {  	s4 =	simm.s32 $0x0;
	s18 =	simm.s32 $0x1E0;
	s19 =	simm.s32 $0x230  }
0x6: {  	s28 =	simm.s32 $0x370;
	s29 =	simm.s32 $0x2E40;
	s30 =	simm.s32 $0x6  }
0x7: {  	s31 =	simm.s32 $0x7;
	s2 =	sand.u32 $0x1, s2;
	s6 =	smul.u32 $0xA000, s11  }
0x8: {  	[smem:$0x7FF] =	sst s4;
	s5 =	sadd.s32 $0x1C00, s0;
	s8 =	sadd.s32 $0x3F400, s0  }
0x9: {  	s20 =	sshll.u32 s11, $0x1;
	s22 =	sshll.u32 s11, $0x6;
	s11 =	smul.u32 $0x4E20, s11  }
0xa: {  	s7 =	smul.u32 $0xA0000, s2;
	_ =	strace $0x8000004A;
	[dreg:$0xf] =	wrdreg s8  }
0xb: {  	s9 =	ssub.s32 $0x2, s2;
	s8 =	sor.u32 s2, s20;
	[dreg:$0x7] =	wrdreg s18  }
0xc: {  	s2 =	smul.u32 $0x2710, s2;
	[dreg:$0x8] =	wrdreg s19;
	s20 =	simm.s32 $0x280  }
0xd: {  	s18 =	simm.s32 $0xB;
	s19 =	simm.s32 $0x50;
	[dreg:$0x1a] =	wrdreg s5  }
0xe: {  	s10 =	sshrl.u32 s9, $0x1;
	s8 =	smul.u32 $0x2710, s8;
	[dreg:$0x9] =	wrdreg s20  }
0xf: {  	s20 =	simm.s32 $0x640;
	s7 =	sadd.s32 s6, s7;
	s6 =	sshrl.u32 s6, $0x1  }
0x10: {  	s21 =	ssub.s32 s9, s10;
	s9 =	sor.u32 $0x1C0D, s22;
	s2 =	sadd.s32 s2, s11  }
0x11: {  	s22 =	simm.s32 $0x500;
	s7 =	sshrl.u32 s7, $0x4;
	s6 =	sadd.s32 s6, s3  }
0x12: {  	s23 =	smin.u32 s8, $0x4B960;
	s8 =	sshrl.u32 s8, $0x3;
	s13 =	sadd.s32 $0x4E390, s2  }
0x13: {  	s14 =	sadd.s32 $0x190, s2;
	[dreg:$0xb] =	wrdreg s22;
	s22 =	simm.s32 $0x1040  }
0x14: {  	[dreg:$0x10] =	wrdreg s9;
	s0 =	sadd.s32 s7, s0;
	s10 =	sshrl.u32 s23, $0x3  }
0x15: {  	s12 =	sadd.s32 s5, s8;
	s7 =	smax.u32 s21, $0x1;
	s16 =	sshrl.u32 s14, $0x3  }
0x16: {  	s11 =	sshrl.u32 s6, $0x3;
	s23 =	simm.s32 $0xD;
	[dreg:$0x11] =	wrdreg s12  }
0x17: {  	s21 =	simm.s32 $0x2D0;
	s6 =	simm.s32 $0x9;
	[dreg:$0x16] =	wrdreg s7  }
0x18: {  	s14 =	simm.s32 $0x4;
	s24 =	sadd.s32 s5, s10;
	[dreg:$0xa] =	wrdreg s21  }
0x19: {  	s25 =	sadd.s32 $0x9C40, s12;
	s0 =	sadd.s32 $0x15600, s0;
	[dreg:$0x18] =	wrdreg s11  }
0x1a: {  	s12 =	sadd.s32 $0x4E520, s2;
	s7 =	sshrl.u32 s13, $0x3;
	[dreg:$0x12] =	wrdreg s25  }
0x1b: {  	s2 =	sadd.s32 $0x320, s2;
	s17 =	sadd.s32 s16, s5;
	[dreg:$0x15] =	wrdreg s0  }
0x1c: {  	s10 =	simm.s32 $0xA;
	s13 =	simm.s32 $0x4B0;
	[dreg:$0x17] =	wrdreg s2  }
0x1d: {  	s16 =	simm.s32 $0x5;
	s26 =	sadd.s32 $0x4E2, s24;
	[dreg:$0x6] =	wrdreg s17  }
0x1e: {  	s21 =	simm.s32 $0xC;
	s8 =	sadd.s32 $0xA122, s24;
	[dreg:$0x13] =	wrdreg s26  }
0x1f: {  	s0 =	sshrl.u32 s12, $0x3;
	s15 =	sadd.s32 s7, s5;
	[dreg:$0x14] =	wrdreg s8  }
0x20: {  	s17 =	simm.s32 $0x320;
	s24 =	simm.s32 $0x550;
	[dreg:$0x5] =	wrdreg s15  }
0x21: {  	s25 =	simm.s32 $0x5A0;
	s12 =	simm.s32 $0x190;
	[dreg:$0xc] =	wrdreg s24  }
0x22: {  	s7 =	simm.s32 $0x2;
	s0 =	sadd.s32 s0, s5;
	[dreg:$0xd] =	wrdreg s25  }
0x23: {  	s26 =	simm.s32 $0x5F0;
	s24 =	simm.s32 $0x1A40;
	s8 =	simm.s32 $0x1  }
0x24: {  	s15 =	simm.s32 $0x3;
	s25 =	simm.s32 $0x0;
	[dreg:$0x4] =	wrdreg s0  }
0x25: {  	v0 =	vimm.bf16 $0.0e+00;
	[dreg:$0xe] =	wrdreg s26;
	s26 =	simm.s32 $0x2440;
	s0 =	simm.s32 $0x8  }
.LBB2_1:
0x26: {  	[dreg:$0x19] =	wrdreg s25  }
0x27: {  	s2 =	rddreg [dreg:$0xf]  }
0x28: {  	[spmem:s11], [sflag:s9] =	dma.local [hbm:s2], $0xA00  }
0x29: {  	_ =	swait.ge [sflag:s23], $0xA00  }
0x2a: {  	[sflag:s23] =	ssyncset.done $0x0  }
0x2b: {  	[sflag:s23] =	ssyncadd.s32 $0xFFFFF600  }
0x2c: {  	[bflag:$0x0] =	sbarrier.arrive $0xFFFF  }
0x2d: {  	s23 =	rddreg [dreg:$0x11]  }
0x2e: {  	[tilespmem:s4], [sflag:$0xB] =	stream.linear.gather [hbm4b:s23+s4], $0x190, $0x38;
	[tilespmem:$0x8840] =	vst v63  }
0x2f: {  	s25 =	rddreg [dreg:$0x12]  }
0x30: {  	[tilespmem:s17], [sflag:$0xB] =	stream.linear.gather [hbm4b:s25+s4], $0x190, $0x38;
	[tilespmem:$0x8840] =	vst v63  }
0x31: {  	_ =	swait.ge [sflag:s18], $0x190  }
0x32: {  	[sflag:s18] =	ssyncset.done $0x0  }
0x33: {  	[sflag:s18] =	ssyncadd.s32 $0xFFFFFE70  }
0x34: {  	_ =	swait.ge [sflag:s18], $0x190  }
0x35: {  	[sflag:s18] =	ssyncset.done $0x0  }
0x36: {  	s23 =	simm.s32 $0x0;
	s25 =	simm.s32 $0x80;
	[sflag:s18] =	ssyncadd.s32 $0xFFFFFE70  }
.LBB2_2:
0x37: {  	p0 =	sne.s32 s25, $0x2780;
	[tilespmem:s23+$0x2E50] =	vst v0  }
0x38: {  	[tilespmem:s23+$0x640] =	vst v0  }
0x39: {  	[tilespmem:s23+$0x650] =	vst v0  }
0x3a: {  	[tilespmem:s23+$0x1040] =	vst v0  }
0x3b: {  	[tilespmem:s23+$0x1050] =	vst v0  }
.Ltmp0:
0x3c: {  	[tilespmem:s23+$0x1A40] =	vst v0;
	(pc) =	sbr.rel @p0 .LBB2_2-.Ltmp0, $4  }
0x3d: {  	[tilespmem:s23+$0x1A50] =	vst v0  }
0x3e: {  	[tilespmem:s23+$0x2440] =	vst v0  }
0x3f: {  	[tilespmem:s23+$0x2450] =	vst v0  }
0x40: {  	[tilespmem:s23+$0x2E40] =	vst v0;
	s23 =	sshra.s32 s25, $0x2;
	s25 =	sadd.s32 $0x80, s25  }
0x41: {  	[tilespmem:s23+$0x2E50] =	vst v0  }
0x42: {  	[tilespmem:s23+$0x640] =	vst v0  }
0x43: {  	[tilespmem:s23+$0x650] =	vst v0  }
0x44: {  	[tilespmem:s23+$0x1040] =	vst v0  }
0x45: {  	[tilespmem:s23+$0x1050] =	vst v0  }
0x46: {  	[tilespmem:s23+$0x1A40] =	vst v0  }
0x47: {  	[tilespmem:s23+$0x1A50] =	vst v0  }
0x48: {  	[tilespmem:s23+$0x2440] =	vst v0  }
0x49: {  	[tilespmem:s23+$0x2450] =	vst v0  }
0x4a: {  	[tilespmem:s23+$0x2E40] =	vst v0  }
0x4b: {  	[spmem:s3] =	stream.indirect.scatter.add.bf16 [tilespmem:s20], [sflag:$0x6], $0x20, s17, s19, $0xb8;
	[tilespmem:$0x8840] =	vst v63  }
0x4c: {  	_ = 	snop  }
0x4d: {  	[spmem:s3] =	stream.indirect.scatter.add.bf16 [tilespmem:s22], [sflag:$0x7], $0x20, s28, s19, $0xb8;
	[tilespmem:$0x8840] =	vst v63  }
0x4e: {  	s11 =	simm.s32 $0x3C0  }
0x4f: {  	[spmem:s3] =	stream.indirect.scatter.add.bf16 [tilespmem:s24], [sflag:$0x8], $0x20, s11, s19, $0xb8;
	[tilespmem:$0x8840] =	vst v63  }
0x50: {  	s2 =	simm.s32 $0x410  }
0x51: {  	[spmem:s3] =	stream.indirect.scatter.add.bf16 [tilespmem:s26], [sflag:$0x9], $0x20, s2, s19, $0xb8;
	[tilespmem:$0x8840] =	vst v63  }
0x52: {  	s5 =	simm.s32 $0x460  }
0x53: {  	[spmem:s3] =	stream.indirect.scatter.add.bf16 [tilespmem:s29], [sflag:$0xA], $0x20, s5, s19, $0xb8;
	[tilespmem:$0x8840] =	vst v63  }
0x54: {  	_ =	swait.ge [sflag:s30], $0xA00  }
0x55: {  	[sflag:s30] =	ssyncset.done $0x0  }
0x56: {  	[sflag:s30] =	ssyncadd.s32 $0xFFFFF600  }
0x57: {  	[tilespmem:s20], [sflag:$0x1] =	stream.indirect.gather [hbm4b:s1+s19], $0x20, s4, s19, $0xb8;
	[tilespmem:$0x8840] =	vst v63  }
0x58: {  	_ =	swait.ge [sflag:s31], $0xA00  }
0x59: {  	[sflag:s31] =	ssyncset.done $0x0  }
0x5a: {  	[sflag:s31] =	ssyncadd.s32 $0xFFFFF600  }
0x5b: {  	[tilespmem:s22], [sflag:$0x2] =	stream.indirect.gather [hbm4b:s1+s19], $0x20, s19, s19, $0xb8;
	[tilespmem:$0x8840] =	vst v63  }
0x5c: {  	_ =	swait.ge [sflag:s0], $0xA00  }
0x5d: {  	[sflag:s0] =	ssyncset.done $0x0  }
0x5e: {  	s9 =	simm.s32 $0xA0;
	[sflag:s0] =	ssyncadd.s32 $0xFFFFF600  }
0x5f: {  	[tilespmem:s24], [sflag:$0x3] =	stream.indirect.gather [hbm4b:s1+s19], $0x20, s9, s19, $0xb8;
	[tilespmem:$0x8840] =	vst v63  }
0x60: {  	_ =	swait.ge [sflag:s6], $0xA00  }
0x61: {  	[sflag:s6] =	ssyncset.done $0x0  }
0x62: {  	s17 =	simm.s32 $0xF0;
	[sflag:s6] =	ssyncadd.s32 $0xFFFFF600  }
0x63: {  	[tilespmem:s26], [sflag:$0x4] =	stream.indirect.gather [hbm4b:s1+s19], $0x20, s17, s19, $0xb8;
	[tilespmem:$0x8840] =	vst v63  }
0x64: {  	_ =	swait.ge [sflag:s10], $0xA00  }
0x65: {  	[sflag:s10] =	ssyncset.done $0x0  }
0x66: {  	s17 =	simm.s32 $0x140;
	s23 =	rddreg [dreg:$0x6];
	[sflag:s10] =	ssyncadd.s32 $0xFFFFF600  }
0x67: {  	[tilespmem:s29], [sflag:$0x5] =	stream.indirect.gather [hbm4b:s1+s19], $0x20, s17, s19, $0xb8;
	[tilespmem:$0x8840] =	vst v63  }
0x68: {  	s25 =	rddreg [dreg:$0x5];
	s23 =	sadd.s32 $0x0, s23  }
0x69: {  	[tilespmem:s12], [sflag:$0xC] =	stream.linear.gather [hbm4b:s23+s4], $0x190, $0x38;
	[tilespmem:$0x8840] =	vst v63  }
0x6a: {  	s25 =	sadd.s32 $0x0, s25  }
0x6b: {  	[tilespmem:s13], [sflag:$0xC] =	stream.linear.gather [hbm4b:s25+s4], $0x190, $0x38;
	[tilespmem:$0x8840] =	vst v63  }
0x6c: {  	_ =	swait.ge [sflag:s8], $0xA00  }
0x6d: {  	[sflag:s8] =	ssyncset.done $0x0  }
0x6e: {  	s17 =	simm.s32 $0x320;
	[sflag:s8] =	ssyncadd.s32 $0xFFFFF600  }
0x6f: {  	[spmem:s3] =	stream.indirect.scatter.add.bf16 [tilespmem:s20], [sflag:$0x6], $0x20, s17, s19, $0xb8;
	[tilespmem:$0x8840] =	vst v63  }
0x70: {  	_ =	swait.ge [sflag:s7], $0xA00  }
0x71: {  	[sflag:s7] =	ssyncset.done $0x0  }
0x72: {  	[sflag:s7] =	ssyncadd.s32 $0xFFFFF600  }
0x73: {  	[spmem:s3] =	stream.indirect.scatter.add.bf16 [tilespmem:s22], [sflag:$0x7], $0x20, s28, s19, $0xb8;
	[tilespmem:$0x8840] =	vst v63  }
0x74: {  	_ =	swait.ge [sflag:s15], $0xA00  }
0x75: {  	[sflag:s15] =	ssyncset.done $0x0  }
0x76: {  	[sflag:s15] =	ssyncadd.s32 $0xFFFFF600  }
0x77: {  	[spmem:s3] =	stream.indirect.scatter.add.bf16 [tilespmem:s24], [sflag:$0x8], $0x20, s11, s19, $0xb8;
	[tilespmem:$0x8840] =	vst v63  }
0x78: {  	_ =	swait.ge [sflag:s14], $0xA00  }
0x79: {  	[sflag:s14] =	ssyncset.done $0x0  }
0x7a: {  	[sflag:s14] =	ssyncadd.s32 $0xFFFFF600  }
0x7b: {  	[spmem:s3] =	stream.indirect.scatter.add.bf16 [tilespmem:s26], [sflag:$0x9], $0x20, s2, s19, $0xb8;
	[tilespmem:$0x8840] =	vst v63  }
0x7c: {  	_ =	swait.ge [sflag:s16], $0xA00  }
0x7d: {  	[sflag:s16] =	ssyncset.done $0x0  }
0x7e: {  	[sflag:s16] =	ssyncadd.s32 $0xFFFFF600  }
0x7f: {  	[spmem:s3] =	stream.indirect.scatter.add.bf16 [tilespmem:s29], [sflag:$0xA], $0x20, s5, s19, $0xb8;
	[tilespmem:$0x8840] =	vst v63  }
0x80: {  	_ =	swait.ge [sflag:s21], $0x190  }
0x81: {  	[sflag:s21] =	ssyncset.done $0x0  }
0x82: {  	[sflag:s21] =	ssyncadd.s32 $0xFFFFFE70  }
0x83: {  	_ =	swait.ge [sflag:s21], $0x190  }
0x84: {  	[sflag:s21] =	ssyncset.done $0x0  }
0x85: {  	[sflag:s21] =	ssyncadd.s32 $0xFFFFFE70  }
0x86: {  	_ =	swait.ge [sflag:s30], $0xA00  }
0x87: {  	[sflag:s30] =	ssyncset.done $0x0  }
0x88: {  	[sflag:s30] =	ssyncadd.s32 $0xFFFFF600  }
0x89: {  	[tilespmem:s20], [sflag:$0x1] =	stream.indirect.gather [hbm4b:s1+s19], $0x20, s12, s19, $0xb8;
	[tilespmem:$0x8840] =	vst v63  }
0x8a: {  	_ =	swait.ge [sflag:s31], $0xA00  }
0x8b: {  	[sflag:s31] =	ssyncset.done $0x0  }
0x8c: {  	s25 =	rddreg [dreg:$0x7];
	[sflag:s31] =	ssyncadd.s32 $0xFFFFF600  }
0x8d: {  	[tilespmem:s22], [sflag:$0x2] =	stream.indirect.gather [hbm4b:s1+s19], $0x20, s25, s19, $0xb8;
	[tilespmem:$0x8840] =	vst v63  }
0x8e: {  	_ =	swait.ge [sflag:s0], $0xA00  }
0x8f: {  	[sflag:s0] =	ssyncset.done $0x0  }
0x90: {  	s28 =	rddreg [dreg:$0x8];
	[sflag:s0] =	ssyncadd.s32 $0xFFFFF600  }
0x91: {  	[tilespmem:s24], [sflag:$0x3] =	stream.indirect.gather [hbm4b:s1+s19], $0x20, s28, s19, $0xb8;
	[tilespmem:$0x8840] =	vst v63  }
0x92: {  	_ =	swait.ge [sflag:s6], $0xA00  }
0x93: {  	[sflag:s6] =	ssyncset.done $0x0  }
0x94: {  	s2 =	rddreg [dreg:$0x9];
	[sflag:s6] =	ssyncadd.s32 $0xFFFFF600  }
0x95: {  	[tilespmem:s26], [sflag:$0x4] =	stream.indirect.gather [hbm4b:s1+s19], $0x20, s2, s19, $0xb8;
	[tilespmem:$0x8840] =	vst v63  }
0x96: {  	_ =	swait.ge [sflag:s10], $0xA00  }
0x97: {  	s5 =	rddreg [dreg:$0xa];
	[sflag:s10] =	ssyncset.done $0x0  }
0x98: {  	s2 =	rddreg [dreg:$0x17];
	[sflag:s10] =	ssyncadd.s32 $0xFFFFF600  }
0x99: {  	[tilespmem:s29], [sflag:$0x5] =	stream.indirect.gather [hbm4b:s1+s19], $0x20, s5, s19, $0xb8;
	[tilespmem:$0x8840] =	vst v63  }
0x9a: {  	s25 =	sshrl.u32 s2, $0x3;
	s5 =	rddreg [dreg:$0x1a]  }
0x9b: {  	s28 =	rddreg [dreg:$0x4];
	s23 =	sadd.s32 s5, s25  }
0x9c: {  	[tilespmem:s4], [sflag:$0xB] =	stream.linear.gather [hbm4b:s23+s4], $0x190, $0x38;
	[tilespmem:$0x8840] =	vst v63  }
0x9d: {  	s25 =	sadd.s32 $0x0, s28  }
0x9e: {  	[tilespmem:s17], [sflag:$0xB] =	stream.linear.gather [hbm4b:s25+s4], $0x190, $0x38;
	[tilespmem:$0x8840] =	vst v63  }
0x9f: {  	_ =	swait.ge [sflag:s8], $0xA00  }
0xa0: {  	[sflag:s8] =	ssyncset.done $0x0  }
0xa1: {  	[sflag:s8] =	ssyncadd.s32 $0xFFFFF600  }
0xa2: {  	[spmem:s3] =	stream.indirect.scatter.add.bf16 [tilespmem:s20], [sflag:$0x6], $0x20, s13, s19, $0xb8;
	[tilespmem:$0x8840] =	vst v63  }
0xa3: {  	_ =	swait.ge [sflag:s7], $0xA00  }
0xa4: {  	[sflag:s7] =	ssyncset.done $0x0  }
0xa5: {  	s28 =	rddreg [dreg:$0xb];
	[sflag:s7] =	ssyncadd.s32 $0xFFFFF600  }
0xa6: {  	[spmem:s3] =	stream.indirect.scatter.add.bf16 [tilespmem:s22], [sflag:$0x7], $0x20, s28, s19, $0xb8;
	[tilespmem:$0x8840] =	vst v63  }
0xa7: {  	_ =	swait.ge [sflag:s15], $0xA00  }
0xa8: {  	[sflag:s15] =	ssyncset.done $0x0  }
0xa9: {  	s17 =	rddreg [dreg:$0xc];
	[sflag:s15] =	ssyncadd.s32 $0xFFFFF600  }
0xaa: {  	[spmem:s3] =	stream.indirect.scatter.add.bf16 [tilespmem:s24], [sflag:$0x8], $0x20, s17, s19, $0xb8;
	[tilespmem:$0x8840] =	vst v63  }
0xab: {  	_ =	swait.ge [sflag:s14], $0xA00  }
0xac: {  	[sflag:s14] =	ssyncset.done $0x0  }
0xad: {  	s25 =	rddreg [dreg:$0xd];
	[sflag:s14] =	ssyncadd.s32 $0xFFFFF600  }
0xae: {  	[spmem:s3] =	stream.indirect.scatter.add.bf16 [tilespmem:s26], [sflag:$0x9], $0x20, s25, s19, $0xb8;
	[tilespmem:$0x8840] =	vst v63  }
0xaf: {  	_ =	swait.ge [sflag:s16], $0xA00  }
0xb0: {  	[sflag:s16] =	ssyncset.done $0x0  }
0xb1: {  	s28 =	rddreg [dreg:$0xe];
	[sflag:s16] =	ssyncadd.s32 $0xFFFFF600  }
0xb2: {  	[spmem:s3] =	stream.indirect.scatter.add.bf16 [tilespmem:s29], [sflag:$0xA], $0x20, s28, s19, $0xb8;
	[tilespmem:$0x8840] =	vst v63  }
0xb3: {  	_ =	swait.ge [sflag:s18], $0x190  }
0xb4: {  	[sflag:s18] =	ssyncset.done $0x0  }
0xb5: {  	[sflag:s18] =	ssyncadd.s32 $0xFFFFFE70  }
0xb6: {  	_ =	swait.ge [sflag:s18], $0x190  }
0xb7: {  	s23 =	simm.s32 $0x64;
	s25 =	smov.u32 s2;
	[sflag:s18] =	ssyncset.done $0x0  }
.LBB2_4:
0xb8: {  	[sflag:s18] =	ssyncadd.s32 $0xFFFFFE70  }
0xb9: {  	_ =	swait.ge [sflag:s30], $0xA00  }
0xba: {  	[sflag:s30] =	ssyncset.done $0x0  }
0xbb: {  	[sflag:s30] =	ssyncadd.s32 $0xFFFFF600  }
0xbc: {  	[tilespmem:s20], [sflag:$0x1] =	stream.indirect.gather [hbm4b:s1+s19], $0x20, s4, s19, $0xb8;
	[tilespmem:$0x8840] =	vst v63  }
0xbd: {  	_ =	swait.ge [sflag:s31], $0xA00  }
0xbe: {  	[sflag:s31] =	ssyncset.done $0x0  }
0xbf: {  	[sflag:s31] =	ssyncadd.s32 $0xFFFFF600  }
0xc0: {  	[tilespmem:s22], [sflag:$0x2] =	stream.indirect.gather [hbm4b:s1+s19], $0x20, s19, s19, $0xb8;
	[tilespmem:$0x8840] =	vst v63  }
0xc1: {  	_ =	swait.ge [sflag:s0], $0xA00  }
0xc2: {  	[sflag:s0] =	ssyncset.done $0x0  }
0xc3: {  	[sflag:s0] =	ssyncadd.s32 $0xFFFFF600  }
0xc4: {  	[tilespmem:s24], [sflag:$0x3] =	stream.indirect.gather [hbm4b:s1+s19], $0x20, s9, s19, $0xb8;
	[tilespmem:$0x8840] =	vst v63  }
0xc5: {  	_ =	swait.ge [sflag:s6], $0xA00  }
0xc6: {  	[sflag:s6] =	ssyncset.done $0x0  }
0xc7: {  	s2 =	simm.s32 $0xF0;
	[sflag:s6] =	ssyncadd.s32 $0xFFFFF600  }
0xc8: {  	[tilespmem:s26], [sflag:$0x4] =	stream.indirect.gather [hbm4b:s1+s19], $0x20, s2, s19, $0xb8;
	[tilespmem:$0x8840] =	vst v63  }
0xc9: {  	_ =	swait.ge [sflag:s10], $0xA00  }
0xca: {  	s28 =	smov.u32 s23;
	[sflag:s10] =	ssyncset.done $0x0  }
0xcb: {  	s17 =	simm.s32 $0x140;
	s2 =	rddreg [dreg:$0x6];
	[sflag:s10] =	ssyncadd.s32 $0xFFFFF600  }
0xcc: {  	[tilespmem:s29], [sflag:$0x5] =	stream.indirect.gather [hbm4b:s1+s19], $0x20, s17, s19, $0xb8;
	[tilespmem:$0x8840] =	vst v63  }
0xcd: {  	s9 =	rddreg [dreg:$0x5];
	s2 =	sadd.s32 s28, s2  }
0xce: {  	[tilespmem:s12], [sflag:$0xC] =	stream.linear.gather [hbm4b:s2+s4], $0x190, $0x38;
	[tilespmem:$0x8840] =	vst v63  }
0xcf: {  	s9 =	sadd.s32 s28, s9  }
0xd0: {  	[tilespmem:s13], [sflag:$0xC] =	stream.linear.gather [hbm4b:s9+s4], $0x190, $0x38;
	[tilespmem:$0x8840] =	vst v63  }
0xd1: {  	_ =	swait.ge [sflag:s8], $0xA00  }
0xd2: {  	[sflag:s8] =	ssyncset.done $0x0  }
0xd3: {  	s17 =	simm.s32 $0x320;
	[sflag:s8] =	ssyncadd.s32 $0xFFFFF600  }
0xd4: {  	[spmem:s3] =	stream.indirect.scatter.add.bf16 [tilespmem:s20], [sflag:$0x6], $0x20, s17, s19, $0xb8;
	[tilespmem:$0x8840] =	vst v63  }
0xd5: {  	_ =	swait.ge [sflag:s7], $0xA00  }
0xd6: {  	[sflag:s7] =	ssyncset.done $0x0  }
0xd7: {  	s9 =	simm.s32 $0x370;
	[sflag:s7] =	ssyncadd.s32 $0xFFFFF600  }
0xd8: {  	[spmem:s3] =	stream.indirect.scatter.add.bf16 [tilespmem:s22], [sflag:$0x7], $0x20, s9, s19, $0xb8;
	[tilespmem:$0x8840] =	vst v63  }
0xd9: {  	_ =	swait.ge [sflag:s15], $0xA00  }
0xda: {  	[sflag:s15] =	ssyncset.done $0x0  }
0xdb: {  	[sflag:s15] =	ssyncadd.s32 $0xFFFFF600  }
0xdc: {  	[spmem:s3] =	stream.indirect.scatter.add.bf16 [tilespmem:s24], [sflag:$0x8], $0x20, s11, s19, $0xb8;
	[tilespmem:$0x8840] =	vst v63  }
0xdd: {  	_ =	swait.ge [sflag:s14], $0xA00  }
0xde: {  	[sflag:s14] =	ssyncset.done $0x0  }
0xdf: {  	s11 =	simm.s32 $0x410;
	[sflag:s14] =	ssyncadd.s32 $0xFFFFF600  }
0xe0: {  	[spmem:s3] =	stream.indirect.scatter.add.bf16 [tilespmem:s26], [sflag:$0x9], $0x20, s11, s19, $0xb8;
	[tilespmem:$0x8840] =	vst v63  }
0xe1: {  	_ =	swait.ge [sflag:s16], $0xA00  }
0xe2: {  	[sflag:s16] =	ssyncset.done $0x0  }
0xe3: {  	s9 =	simm.s32 $0x460;
	[sflag:s16] =	ssyncadd.s32 $0xFFFFF600  }
0xe4: {  	[spmem:s3] =	stream.indirect.scatter.add.bf16 [tilespmem:s29], [sflag:$0xA], $0x20, s9, s19, $0xb8;
	[tilespmem:$0x8840] =	vst v63  }
0xe5: {  	_ =	swait.ge [sflag:s21], $0x190  }
0xe6: {  	[sflag:s21] =	ssyncset.done $0x0  }
0xe7: {  	[sflag:s21] =	ssyncadd.s32 $0xFFFFFE70  }
0xe8: {  	_ =	swait.ge [sflag:s21], $0x190  }
0xe9: {  	[sflag:s21] =	ssyncset.done $0x0  }
0xea: {  	[sflag:s21] =	ssyncadd.s32 $0xFFFFFE70  }
0xeb: {  	_ =	swait.ge [sflag:s30], $0xA00  }
0xec: {  	[sflag:s30] =	ssyncset.done $0x0  }
0xed: {  	[sflag:s30] =	ssyncadd.s32 $0xFFFFF600  }
0xee: {  	[tilespmem:s20], [sflag:$0x1] =	stream.indirect.gather [hbm4b:s1+s19], $0x20, s12, s19, $0xb8;
	[tilespmem:$0x8840] =	vst v63  }
0xef: {  	_ =	swait.ge [sflag:s31], $0xA00  }
0xf0: {  	[sflag:s31] =	ssyncset.done $0x0  }
0xf1: {  	s11 =	rddreg [dreg:$0x7];
	[sflag:s31] =	ssyncadd.s32 $0xFFFFF600  }
0xf2: {  	[tilespmem:s22], [sflag:$0x2] =	stream.indirect.gather [hbm4b:s1+s19], $0x20, s11, s19, $0xb8;
	[tilespmem:$0x8840] =	vst v63  }
0xf3: {  	_ =	swait.ge [sflag:s0], $0xA00  }
0xf4: {  	[sflag:s0] =	ssyncset.done $0x0  }
0xf5: {  	s9 =	rddreg [dreg:$0x8];
	[sflag:s0] =	ssyncadd.s32 $0xFFFFF600  }
0xf6: {  	[tilespmem:s24], [sflag:$0x3] =	stream.indirect.gather [hbm4b:s1+s19], $0x20, s9, s19, $0xb8;
	[tilespmem:$0x8840] =	vst v63  }
0xf7: {  	_ =	swait.ge [sflag:s6], $0xA00  }
0xf8: {  	[sflag:s6] =	ssyncset.done $0x0  }
0xf9: {  	s11 =	rddreg [dreg:$0x9];
	[sflag:s6] =	ssyncadd.s32 $0xFFFFF600  }
0xfa: {  	[tilespmem:s26], [sflag:$0x4] =	stream.indirect.gather [hbm4b:s1+s19], $0x20, s11, s19, $0xb8;
	[tilespmem:$0x8840] =	vst v63  }
0xfb: {  	_ =	swait.ge [sflag:s10], $0xA00  }
0xfc: {  	s25 =	sadd.s32 $0x320, s25;
	[sflag:s10] =	ssyncset.done $0x0  }
0xfd: {  	s9 =	sshrl.u32 s25, $0x3;
	s2 =	rddreg [dreg:$0xa];
	[sflag:s10] =	ssyncadd.s32 $0xFFFFF600  }
0xfe: {  	[tilespmem:s29], [sflag:$0x5] =	stream.indirect.gather [hbm4b:s1+s19], $0x20, s2, s19, $0xb8;
	[tilespmem:$0x8840] =	vst v63  }
0xff: {  	s11 =	rddreg [dreg:$0x4];
	s2 =	sadd.s32 s5, s9  }
0x100: {  	[tilespmem:s4], [sflag:$0xB] =	stream.linear.gather [hbm4b:s2+s4], $0x190, $0x38;
	[tilespmem:$0x8840] =	vst v63  }
0x101: {  	s28 =	sadd.s32 s28, s11  }
0x102: {  	[tilespmem:s17], [sflag:$0xB] =	stream.linear.gather [hbm4b:s28+s4], $0x190, $0x38;
	[tilespmem:$0x8840] =	vst v63  }
0x103: {  	_ =	swait.ge [sflag:s8], $0xA00  }
0x104: {  	[sflag:s8] =	ssyncset.done $0x0  }
0x105: {  	[sflag:s8] =	ssyncadd.s32 $0xFFFFF600  }
0x106: {  	[spmem:s3] =	stream.indirect.scatter.add.bf16 [tilespmem:s20], [sflag:$0x6], $0x20, s13, s19, $0xb8;
	[tilespmem:$0x8840] =	vst v63  }
0x107: {  	_ =	swait.ge [sflag:s7], $0xA00  }
0x108: {  	[sflag:s7] =	ssyncset.done $0x0  }
0x109: {  	s28 =	rddreg [dreg:$0xb];
	[sflag:s7] =	ssyncadd.s32 $0xFFFFF600  }
0x10a: {  	[spmem:s3] =	stream.indirect.scatter.add.bf16 [tilespmem:s22], [sflag:$0x7], $0x20, s28, s19, $0xb8;
	[tilespmem:$0x8840] =	vst v63  }
0x10b: {  	_ =	swait.ge [sflag:s15], $0xA00  }
0x10c: {  	[sflag:s15] =	ssyncset.done $0x0  }
0x10d: {  	s28 =	rddreg [dreg:$0xc];
	[sflag:s15] =	ssyncadd.s32 $0xFFFFF600  }
0x10e: {  	[spmem:s3] =	stream.indirect.scatter.add.bf16 [tilespmem:s24], [sflag:$0x8], $0x20, s28, s19, $0xb8;
	[tilespmem:$0x8840] =	vst v63  }
0x10f: {  	_ =	swait.ge [sflag:s14], $0xA00  }
0x110: {  	[sflag:s14] =	ssyncset.done $0x0  }
0x111: {  	s28 =	rddreg [dreg:$0xd];
	[sflag:s14] =	ssyncadd.s32 $0xFFFFF600  }
0x112: {  	[spmem:s3] =	stream.indirect.scatter.add.bf16 [tilespmem:s26], [sflag:$0x9], $0x20, s28, s19, $0xb8;
	[tilespmem:$0x8840] =	vst v63  }
0x113: {  	_ =	swait.ge [sflag:s16], $0xA00  }
0x114: {  	[sflag:s16] =	ssyncset.done $0x0  }
0x115: {  	p0 =	sne.s32 s23, $0x44C;
	s28 =	rddreg [dreg:$0xe];
	[sflag:s16] =	ssyncadd.s32 $0xFFFFF600  }
0x116: {  	[spmem:s3] =	stream.indirect.scatter.add.bf16 [tilespmem:s29], [sflag:$0xA], $0x20, s28, s19, $0xb8;
	[tilespmem:$0x8840] =	vst v63  }
.Ltmp1:
0x117: {  	_ =	swait.ge [sflag:s18], $0x190;
	(pc) =	sbr.rel @p0 .LBB2_4-.Ltmp1, $4  }
0x118: {  	[sflag:s18] =	ssyncset.done $0x0  }
0x119: {  	[sflag:s18] =	ssyncadd.s32 $0xFFFFFE70  }
0x11a: {  	s23 =	sadd.s32 $0x64, s23;
	_ =	swait.ge [sflag:s18], $0x190  }
0x11b: {  	s11 =	simm.s32 $0x3C0;
	s9 =	simm.s32 $0xA0;
	[sflag:s18] =	ssyncset.done $0x0  }
0x11c: {  	[sflag:s18] =	ssyncadd.s32 $0xFFFFFE70  }
0x11d: {  	_ =	swait.ge [sflag:s30], $0xA00  }
0x11e: {  	[sflag:s30] =	ssyncset.done $0x0  }
0x11f: {  	[sflag:s30] =	ssyncadd.s32 $0xFFFFF600  }
0x120: {  	[tilespmem:s20], [sflag:$0x1] =	stream.indirect.gather [hbm4b:s1+s19], $0x20, s4, s19, $0xb8;
	[tilespmem:$0x8840] =	vst v63  }
0x121: {  	_ =	swait.ge [sflag:s31], $0xA00  }
0x122: {  	[sflag:s31] =	ssyncset.done $0x0  }
0x123: {  	[sflag:s31] =	ssyncadd.s32 $0xFFFFF600  }
0x124: {  	[tilespmem:s22], [sflag:$0x2] =	stream.indirect.gather [hbm4b:s1+s19], $0x20, s19, s19, $0xb8;
	[tilespmem:$0x8840] =	vst v63  }
0x125: {  	_ =	swait.ge [sflag:s0], $0xA00  }
0x126: {  	[sflag:s0] =	ssyncset.done $0x0  }
0x127: {  	[sflag:s0] =	ssyncadd.s32 $0xFFFFF600  }
0x128: {  	[tilespmem:s24], [sflag:$0x3] =	stream.indirect.gather [hbm4b:s1+s19], $0x20, s9, s19, $0xb8;
	[tilespmem:$0x8840] =	vst v63  }
0x129: {  	_ =	swait.ge [sflag:s6], $0xA00  }
0x12a: {  	[sflag:s6] =	ssyncset.done $0x0  }
0x12b: {  	s2 =	simm.s32 $0xF0;
	[sflag:s6] =	ssyncadd.s32 $0xFFFFF600  }
0x12c: {  	[tilespmem:s26], [sflag:$0x4] =	stream.indirect.gather [hbm4b:s1+s19], $0x20, s2, s19, $0xb8;
	[tilespmem:$0x8840] =	vst v63  }
0x12d: {  	_ =	swait.ge [sflag:s10], $0xA00  }
0x12e: {  	[sflag:s10] =	ssyncset.done $0x0  }
0x12f: {  	s23 =	simm.s32 $0x140;
	[sflag:s10] =	ssyncadd.s32 $0xFFFFF600  }
0x130: {  	[tilespmem:s29], [sflag:$0x5] =	stream.indirect.gather [hbm4b:s1+s19], $0x20, s23, s19, $0xb8;
	[tilespmem:$0x8840] =	vst v63  }
0x131: {  	s25 =	rddreg [dreg:$0x13]  }
0x132: {  	[tilespmem:s12], [sflag:$0xC] =	stream.linear.gather [hbm4b:s25+s4], $0x190, $0x38;
	[tilespmem:$0x8840] =	vst v63  }
0x133: {  	s5 =	rddreg [dreg:$0x14]  }
0x134: {  	[tilespmem:s13], [sflag:$0xC] =	stream.linear.gather [hbm4b:s5+s4], $0x190, $0x38;
	[tilespmem:$0x8840] =	vst v63  }
0x135: {  	_ =	swait.ge [sflag:s8], $0xA00  }
0x136: {  	[sflag:s8] =	ssyncset.done $0x0  }
0x137: {  	[sflag:s8] =	ssyncadd.s32 $0xFFFFF600  }
0x138: {  	[spmem:s3] =	stream.indirect.scatter.add.bf16 [tilespmem:s20], [sflag:$0x6], $0x20, s17, s19, $0xb8;
	[tilespmem:$0x8840] =	vst v63  }
0x139: {  	_ =	swait.ge [sflag:s7], $0xA00  }
0x13a: {  	[sflag:s7] =	ssyncset.done $0x0  }
0x13b: {  	s9 =	simm.s32 $0x370;
	[sflag:s7] =	ssyncadd.s32 $0xFFFFF600  }
0x13c: {  	[spmem:s3] =	stream.indirect.scatter.add.bf16 [tilespmem:s22], [sflag:$0x7], $0x20, s9, s19, $0xb8;
	[tilespmem:$0x8840] =	vst v63  }
0x13d: {  	_ =	swait.ge [sflag:s15], $0xA00  }
0x13e: {  	[sflag:s15] =	ssyncset.done $0x0  }
0x13f: {  	[sflag:s15] =	ssyncadd.s32 $0xFFFFF600  }
0x140: {  	[spmem:s3] =	stream.indirect.scatter.add.bf16 [tilespmem:s24], [sflag:$0x8], $0x20, s11, s19, $0xb8;
	[tilespmem:$0x8840] =	vst v63  }
0x141: {  	_ =	swait.ge [sflag:s14], $0xA00  }
0x142: {  	[sflag:s14] =	ssyncset.done $0x0  }
0x143: {  	s11 =	simm.s32 $0x410;
	[sflag:s14] =	ssyncadd.s32 $0xFFFFF600  }
0x144: {  	[spmem:s3] =	stream.indirect.scatter.add.bf16 [tilespmem:s26], [sflag:$0x9], $0x20, s11, s19, $0xb8;
	[tilespmem:$0x8840] =	vst v63  }
0x145: {  	_ =	swait.ge [sflag:s16], $0xA00  }
0x146: {  	[sflag:s16] =	ssyncset.done $0x0  }
0x147: {  	s23 =	simm.s32 $0x460;
	[sflag:s16] =	ssyncadd.s32 $0xFFFFF600  }
0x148: {  	[spmem:s3] =	stream.indirect.scatter.add.bf16 [tilespmem:s29], [sflag:$0xA], $0x20, s23, s19, $0xb8;
	[tilespmem:$0x8840] =	vst v63  }
0x149: {  	_ =	swait.ge [sflag:s21], $0x190  }
0x14a: {  	[sflag:s21] =	ssyncset.done $0x0  }
0x14b: {  	[sflag:s21] =	ssyncadd.s32 $0xFFFFFE70  }
0x14c: {  	_ =	swait.ge [sflag:s21], $0x190  }
0x14d: {  	[sflag:s21] =	ssyncset.done $0x0  }
0x14e: {  	[sflag:s21] =	ssyncadd.s32 $0xFFFFFE70  }
0x14f: {  	_ =	swait.ge [sflag:s30], $0xA00  }
0x150: {  	[sflag:s30] =	ssyncset.done $0x0  }
0x151: {  	[sflag:s30] =	ssyncadd.s32 $0xFFFFF600  }
0x152: {  	_ =	swait.ge [sflag:s31], $0xA00  }
0x153: {  	[sflag:s31] =	ssyncset.done $0x0  }
0x154: {  	[sflag:s31] =	ssyncadd.s32 $0xFFFFF600  }
0x155: {  	_ =	swait.ge [sflag:s0], $0xA00  }
0x156: {  	[sflag:s0] =	ssyncset.done $0x0  }
0x157: {  	[sflag:s0] =	ssyncadd.s32 $0xFFFFF600  }
0x158: {  	_ =	swait.ge [sflag:s6], $0xA00  }
0x159: {  	[sflag:s6] =	ssyncset.done $0x0  }
0x15a: {  	[sflag:s6] =	ssyncadd.s32 $0xFFFFF600  }
0x15b: {  	_ =	swait.ge [sflag:s10], $0xA00  }
0x15c: {  	[sflag:s10] =	ssyncset.done $0x0  }
0x15d: {  	[sflag:s10] =	ssyncadd.s32 $0xFFFFF600  }
0x15e: {  	[bflag:$0x0] =	sbarrier.arrive $0xFFFF  }
0x15f: {  	s9 =	rddreg [dreg:$0x10]  }
0x160: {  	s25 =	rddreg [dreg:$0x15]  }
0x161: {  	s23 =	simm.s32 $0xD;
	s11 =	rddreg [dreg:$0x18]  }
0x162: {  	[hbm:s25], [sflag:s9] =	dma.local [spmem:s11], $0xA00  }
0x163: {  	_ =	swait.ge [sflag:s23], $0xA00  }
0x164: {  	s25 =	rddreg [dreg:$0x19]  }
0x165: {  	s5 =	rddreg [dreg:$0x16];
	s25 =	sadd.s32 $0x1, s25  }
0x166: {  	p0 =	sne.s32 s25, s5  }
.Ltmp2:
0x167: {  	_ = 	snop;
	(pc) =	sbr.rel @p0 .LBB2_1-.Ltmp2, $3  }
0x168: {  	_ =	sdelay $0x1  }
0x169: {  	[sflag:s23] =	ssyncset.done $0x0  }
0x16a: {  	s28 =	simm.s32 $0x370;
	[sflag:s23] =	ssyncadd.s32 $0xFFFFF600  }
0x16b: {  	_ =	sfence.sel $0x180000  }
0x16c: {  	[bflag:$0x0] =	sbarrier.arrive $0xFFFF  }
0x16d: {  	_ =	strace $0x9000004A  }
0x16e: {  	s0 =	stileid.u32;
	[bflag:$0x2] =	sbarrier.arrive $0xFFFF  }
0x16f: {  	p0 =	sne.s32 s0, $0x0;
	s0 =	rddreg [dreg:$0x3]  }
0x170: {  	s0 =	sadd.s32 @!p0 $0x100000, s0  }
0x171: {  	[sflag:s0] =	ssyncadd.tile.s32 @!p0 $0x1;
	_ =	shalt  }
.Lfunc_end2:
_tile_overlayer_lowered:
.L_overlay_start_2:
0x172: {  	(tag) =	ssettag $0x2  }
0x173: {  	s0 =	rddreg [dreg:$0x0];
	s2 =	stileid.u32  }
0x174: {  	s1 =	rddreg [dreg:$0x1];
	p0 =	sne.s32 s2, $0x0  }
0x175: {  	s3 =	rddreg [dreg:$0x2];
	[bflag:$0x3] =	sbarrier.arrive $0xFFFF;
	s2 =	simm.s32 @!p0 $0x1C0D  }
0x176: {  	[timem:s3], [sflag:s2] =	dma.local @!p0 [hbm:s0], s1  }
0x177: {  	s0 =	simm.s32 @!p0 $0xD  }
0x178: {  	_ =	swait.ge @!p0 [sflag:s0], s1  }
0x179: {  	s1 =	ssub.s32 @!p0 $0x0, s1;
	[sflag:s0] =	ssyncset.done @!p0 $0x0  }
0x17a: {  	[sflag:s0] =	ssyncadd.s32 @!p0 s1  }
0x17b: {  	[bflag:$0x3] =	sbarrier.arrive $0xFFFF  }
0x17c: {  	_ =	shalt  }

</sc_bundles>
